<compile_context>
chip_gen: v7x
topology: tpu7x:2x2x1
jax: 0.10.2.dev20260603
libtpu: 0.0.44.dev20260713+nightly
codegen_flags: <defaults>
</compile_context>

<pallas_src>
import functools

import jax
import jax.numpy as jnp
from jax import lax
from jax.experimental import pallas as pl
from jax.experimental.pallas import tpu as pltpu
from jax.experimental.pallas import tpu_sc as plsc

N = 10000
E = 320000
D = 128
NC, NS = 2, 16
NW = NC * NS
CH = 80
NPAD = 10240
RPT = NPAD // NS
ZR = 64
BM = 2000
BN = 2000
SPLITS = (192000, 128000)

_MESH = plsc.VectorSubcoreMesh(core_axis_name="c", subcore_axis_name="s")


def _make_sc_edge(call_base, ecall):
    epw = ecall // NW
    nchunk = epw // CH

    @functools.partial(
        pl.kernel,
        mesh=_MESH,
        out_type=jax.ShapeDtypeStruct((ecall, D), jnp.float32),
        scratch_types=(
            [pltpu.VMEM((epw,), jnp.int32)] * 2
            + [pltpu.VMEM((CH, D), jnp.float32)] * 9
            + [pltpu.SemaphoreType.DMA] * 9
        ),
    )
    def sc_edge(p_hbm, q_hbm, recv_hbm, send_hbm, h1_hbm,
                ridx, sidx, prow0, prow1, prow2, qrow0, qrow1, qrow2,
                h1v0, h1v1, h1v2,
                gp0, gp1, gp2, gq0, gq1, gq2, wr0, wr1, wr2):
        wid = lax.axis_index("s") * NC + lax.axis_index("c")
        gbase = call_base + wid * epw
        obase = wid * epw
        prow = (prow0, prow1, prow2)
        qrow = (qrow0, qrow1, qrow2)
        h1v = (h1v0, h1v1, h1v2)
        gp = (gp0, gp1, gp2)
        gq = (gq0, gq1, gq2)
        wr = (wr0, wr1, wr2)

        pltpu.sync_copy(recv_hbm.at[pl.ds(gbase, epw)], ridx)
        pltpu.sync_copy(send_hbm.at[pl.ds(gbase, epw)], sidx)

        def issue_gather(cc, b):
            off = cc * CH
            pltpu.async_copy(p_hbm.at[ridx.at[pl.ds(off, CH)]], prow[b], gp[b])
            pltpu.async_copy(q_hbm.at[sidx.at[pl.ds(off, CH)]], qrow[b], gq[b])

        def wait_gather(b):
            pltpu.make_async_copy(p_hbm.at[pl.ds(0, CH)], prow[b], gp[b]).wait()
            pltpu.make_async_copy(q_hbm.at[pl.ds(0, CH)], qrow[b], gq[b]).wait()

        def issue_wb(cc, b):
            pltpu.async_copy(h1v[b], h1_hbm.at[pl.ds(obase + cc * CH, CH)], wr[b])

        def wait_wb(b):
            pltpu.make_async_copy(h1v[b], h1_hbm.at[pl.ds(obase, CH)], wr[b]).wait()

        issue_gather(0, 0)
        issue_gather(1, 1)

        @pl.loop(0, nchunk + 2, step=3)
        def _(k):
            for j in range(3):
                b = j
                cc = k + j

                @pl.when(cc < nchunk)
                def _():
                    @pl.when(cc + 2 < nchunk)
                    def _():
                        issue_gather(cc + 2, (b + 2) % 3)

                    wait_gather(b)

                    @pl.when(cc >= 3)
                    def _():
                        wait_wb(b)

                    @pl.loop(0, CH, step=2)
                    def _(r):
                        for rr in range(2):
                            for c in range(0, D, 16):
                                a = prow[b].at[pl.ds(r + rr, 1), pl.ds(c, 16)][...]
                                q = qrow[b].at[pl.ds(r + rr, 1), pl.ds(c, 16)][...]
                                h1v[b].at[pl.ds(r + rr, 1), pl.ds(c, 16)][...] = (
                                    jnp.maximum(a + q, 0.0))

                    issue_wb(cc, b)

        wait_wb((nchunk - 3) % 3)
        wait_wb((nchunk - 2) % 3)
        wait_wb((nchunk - 1) % 3)

    return sc_edge


def _make_sc_scatter(call_base, ecall):
    epw = ecall // NW
    nchunk = epw // CH

    @functools.partial(
        pl.kernel,
        mesh=_MESH,
        out_type=jax.ShapeDtypeStruct((NC, NPAD, D), jnp.float32),
        scratch_types=(
            [pltpu.VMEM_SHARED((NPAD, D), jnp.float32),
             pltpu.VMEM((epw,), jnp.int32)]
            + [pltpu.VMEM((CH, D), jnp.float32)] * 3
            + [pltpu.VMEM((ZR, D), jnp.float32)]
            + [pltpu.SemaphoreType.DMA] * 6
        ),
    )
    def sc_scatter(h2_hbm, recv_hbm, out_hbm, acc_sh, cidx, upd0, upd1, upd2,
                   stage, ld0, ld1, ld2, sc0, sc1, sc2):
        cid = lax.axis_index("c")
        sid = lax.axis_index("s")
        upd = (upd0, upd1, upd2)
        ld = (ld0, ld1, ld2)
        sc = (sc0, sc1, sc2)

        wid = sid * NC + cid
        gbase = call_base + wid * epw
        hbase = wid * epw

        @pl.loop(0, ZR)
        def _(r):
            for c in range(0, D, 16):
                stage.at[pl.ds(r, 1), pl.ds(c, 16)][...] = (
                    jnp.zeros((1, 16), jnp.float32))

        rbase = sid * RPT

        @pl.loop(0, RPT, step=ZR)
        def _(r):
            pltpu.sync_copy(stage, acc_sh.at[pl.ds(rbase + r, ZR)])

        pltpu.sync_copy(recv_hbm.at[pl.ds(gbase, epw)], cidx)
        plsc.subcore_barrier()

        def issue_load(cc, b):
            pltpu.async_copy(h2_hbm.at[pl.ds(hbase + cc * CH, CH)], upd[b], ld[b])

        def wait_load(b):
            pltpu.make_async_copy(h2_hbm.at[pl.ds(hbase, CH)], upd[b], ld[b]).wait()

        def issue_scatter(cc, b):
            off = cc * CH
            pltpu.async_copy(upd[b], acc_sh.at[cidx.at[pl.ds(off, CH)]], sc[b],
                             add=True)

        def wait_scatter(b):
            pltpu.make_async_copy(h2_hbm.at[pl.ds(hbase, CH)], upd[b], sc[b]).wait()

        issue_load(0, 0)

        @pl.loop(0, nchunk + 2, step=3)
        def _(k):
            for j in range(3):
                b = j
                cc = k + j

                @pl.when(cc < nchunk)
                def _():
                    wait_load(b)
                    issue_scatter(cc, b)

                    @pl.when(cc + 1 < nchunk)
                    def _():
                        @pl.when(cc >= 2)
                        def _():
                            wait_scatter((b + 1) % 3)

                        issue_load(cc + 1, (b + 1) % 3)

        wait_scatter((nchunk - 3) % 3)
        wait_scatter((nchunk - 2) % 3)
        wait_scatter((nchunk - 1) % 3)
        plsc.subcore_barrier()

        @pl.loop(0, RPT, step=ZR)
        def _(r):
            pltpu.sync_copy(acc_sh.at[pl.ds(rbase + r, ZR)], stage)
            pltpu.sync_copy(stage, out_hbm.at[cid, pl.ds(rbase + r, ZR)])

    return sc_scatter


_EDGE_CALLS = []
_SCATTER_CALLS = []
_base = 0
for _ec in SPLITS:
    _EDGE_CALLS.append(_make_sc_edge(_base, _ec))
    _SCATTER_CALLS.append(_make_sc_scatter(_base, _ec))
    _base += _ec


def _pre_body(x_ref, w1r_ref, w1s_ref, b1_ref, p_ref, q_ref):
    x = x_ref[...]
    p_ref[...] = jnp.dot(x, w1r_ref[...], preferred_element_type=jnp.float32) + b1_ref[...]
    q_ref[...] = jnp.dot(x, w1s_ref[...], preferred_element_type=jnp.float32)


_pre = pl.pallas_call(
    _pre_body,
    grid=(N // BN,),
    in_specs=[
        pl.BlockSpec((BN, D), lambda i: (i, 0)),
        pl.BlockSpec((D, D), lambda i: (0, 0)),
        pl.BlockSpec((D, D), lambda i: (0, 0)),
        pl.BlockSpec((1, D), lambda i: (0, 0)),
    ],
    out_specs=[
        pl.BlockSpec((BN, D), lambda i: (i, 0)),
        pl.BlockSpec((BN, D), lambda i: (i, 0)),
    ],
    out_shape=[
        jax.ShapeDtypeStruct((N, D), jnp.float32),
        jax.ShapeDtypeStruct((N, D), jnp.float32),
    ],
)


def _mid_body(h1_ref, w2_ref, b2_ref, v_ref, out_ref):
    h2 = jnp.maximum(jnp.dot(h1_ref[...], w2_ref[...],
                             preferred_element_type=jnp.float32)
                     + b2_ref[...], 0.0)
    out_ref[...] = h2 + v_ref[...]


def _make_mid(ecall):
    return pl.pallas_call(
        _mid_body,
        grid=(ecall // BM,),
        in_specs=[
            pl.BlockSpec((BM, D), lambda i: (i, 0)),
            pl.BlockSpec((D, D), lambda i: (0, 0)),
            pl.BlockSpec((1, D), lambda i: (0, 0)),
            pl.BlockSpec((1, D), lambda i: (0, 0)),
        ],
        out_specs=pl.BlockSpec((BM, D), lambda i: (i, 0)),
        out_shape=jax.ShapeDtypeStruct((ecall, D), jnp.float32),
    )


_MID_CALLS = [_make_mid(_ec) for _ec in SPLITS]


def _pinbox_body(a_ref, w3_ref, o_ref):
    acc = a_ref[0] + a_ref[1]
    o_ref[...] = jnp.dot(acc, w3_ref[...], preferred_element_type=jnp.float32)


_pinbox = pl.pallas_call(
    _pinbox_body,
    grid=(N // BN,),
    in_specs=[
        pl.BlockSpec((2, BN, D), lambda i: (0, i, 0)),
        pl.BlockSpec((D, D), lambda i: (0, 0)),
    ],
    out_specs=pl.BlockSpec((BN, D), lambda i: (i, 0)),
    out_shape=jax.ShapeDtypeStruct((N, D), jnp.float32),
)


def _post_body(i0_ref, i1_ref, x_ref,
               nw1r_ref, nw1s_ref, nb1_ref, nw2_ref, nb2_ref,
               nw3_ref, nb3_ref, o_ref):
    inbox = i0_ref[...] + i1_ref[...]
    x = x_ref[...]
    u1 = jnp.maximum(jnp.dot(x, nw1r_ref[...], preferred_element_type=jnp.float32)
                     + jnp.dot(inbox, nw1s_ref[...], preferred_element_type=jnp.float32)
                     + nb1_ref[...], 0.0)
    u2 = jnp.maximum(jnp.dot(u1, nw2_ref[...], preferred_element_type=jnp.float32)
                     + nb2_ref[...], 0.0)
    o_ref[...] = x + jnp.dot(u2, nw3_ref[...], preferred_element_type=jnp.float32) + nb3_ref[...]


_W = pl.BlockSpec((D, D), lambda i: (0, 0))
_B = pl.BlockSpec((1, D), lambda i: (0, 0))
_A = pl.BlockSpec((BN, D), lambda i: (i, 0))
_post = pl.pallas_call(
    _post_body,
    grid=(N // BN,),
    in_specs=[_A, _A, _A, _W, _W, _B, _W, _B, _W, _B],
    out_specs=pl.BlockSpec((BN, D), lambda i: (i, 0)),
    out_shape=jax.ShapeDtypeStruct((N, D), jnp.float32),
)


def kernel(nodes, senders, receivers, mW1, mb1, mW2, mb2, mW3, mb3,
           nW1, nb1, nW2, nb2, nW3, nb3):
    x = nodes[0]
    v = jnp.linalg.solve(mW3.T, mb3).reshape(1, D)
    p, q = _pre(x, mW1[:D], mW1[D:], mb1.reshape(1, D))
    mb2r = mb2.reshape(1, D)
    inboxes = []
    for edge_call, mid_call, scatter_call in zip(
            _EDGE_CALLS, _MID_CALLS, _SCATTER_CALLS):
        h1 = edge_call(p, q, receivers, senders)
        h2 = mid_call(h1, mW2, mb2r, v)
        a2 = scatter_call(h2, receivers)
        inboxes.append(_pinbox(a2, mW3))
    out = _post(*inboxes, x,
                nW1[:D], nW1[D:], nb1.reshape(1, D),
                nW2, nb2.reshape(1, D), nW3, nb3.reshape(1, D))
    return out[None]

# --- scband reference (transcript-rebuilt; emitter-appended) ---
"""Pipeline reference for scband-graph-net-block-40544491274926 (READ-ONLY COPY).

The authoritative reference and input builder live on the scoring server;
editing this copy changes nothing except your own understanding.
"""

import jax, jax.numpy as jnp
import numpy as np


def _mlp(x, params):
    n = len(params)
    for i, (W, b) in enumerate(params):
        x = x @ W + b
        if i < n - 1:
            x = jax.nn.relu(x)
    return x


def setup_inputs(seed: int = 0):
    key = jax.random.key(seed)
    ks = jax.random.split(key, 16)
    B, N, E, d, h = 1, 10000, 320000, 128, 128
    nodes = jax.random.normal(ks[0], (B, N, d), dtype=jnp.float32)
    senders = jax.random.randint(ks[1], (E,), 0, N, dtype=jnp.int32)
    receivers = jax.random.randint(ks[2], (E,), 0, N, dtype=jnp.int32)
    s = 0.05
    # message MLP: Linear(2d->h), ReLU, Linear(h->h), ReLU, Linear(h->d)  (l=2 hidden layers)
    mW1 = jax.random.normal(ks[3], (2 * d, h), dtype=jnp.float32) * s
    mb1 = jnp.zeros((h,), dtype=jnp.float32)
    mW2 = jax.random.normal(ks[4], (h, h), dtype=jnp.float32) * s
    mb2 = jnp.zeros((h,), dtype=jnp.float32)
    mW3 = jax.random.normal(ks[5], (h, d), dtype=jnp.float32) * s
    mb3 = jnp.zeros((d,), dtype=jnp.float32)
    # node MLP: Linear(2d->h), ReLU, Linear(h->h), ReLU, Linear(h->d)
    nW1 = jax.random.normal(ks[6], (2 * d, h), dtype=jnp.float32) * s
    nb1 = jnp.zeros((h,), dtype=jnp.float32)
    nW2 = jax.random.normal(ks[7], (h, h), dtype=jnp.float32) * s
    nb2 = jnp.zeros((h,), dtype=jnp.float32)
    nW3 = jax.random.normal(ks[8], (h, d), dtype=jnp.float32) * s
    nb3 = jnp.zeros((d,), dtype=jnp.float32)
    return {"nodes": nodes, "senders": senders, "receivers": receivers,
            "mW1": mW1, "mb1": mb1, "mW2": mW2, "mb2": mb2, "mW3": mW3, "mb3": mb3,
            "nW1": nW1, "nb1": nb1, "nW2": nW2, "nb2": nb2, "nW3": nW3, "nb3": nb3}


def reference(nodes, senders, receivers, mW1, mb1, mW2, mb2, mW3, mb3,
              nW1, nb1, nW2, nb2, nW3, nb3):
    # gather endpoint features along node axis (dim=1)
    feat = jnp.concatenate((nodes[:, receivers], nodes[:, senders]), axis=-1)
    messages = _mlp(feat, [(mW1, mb1), (mW2, mb2), (mW3, mb3)])
    # scatter-add messages into receiver inboxes (torch index_add over dim=1)
    inbox = jnp.zeros(nodes.shape, dtype=nodes.dtype).at[:, receivers].add(messages)
    upd = _mlp(jnp.concatenate((nodes, inbox), axis=-1), [(nW1, nb1), (nW2, nb2), (nW3, nb3)])
    return nodes + upd

if __name__ == "__main__":
    import jax
    _d = setup_inputs()
    print(jax.jit(kernel)(*tuple(_d.values())))

</pallas_src>

<mosaic_0001>
#map = affine_map<(d0, d1) -> (0, 0)>
#map1 = affine_map<(d0, d1) -> (0)>
#map2 = affine_map<(d0, d1) -> (0, 0, 0)>
module attributes {stable_mosaic.version = 14 : i64} {
  func.func @sc_scatter(%arg0: i32, %arg1: i32, %arg2: memref<192000x128xf32, #tpu.memory_space<hbm>>, %arg3: memref<320000xi32, #tpu.memory_space<hbm>>, %arg4: memref<2x10240x128xf32, #tpu.memory_space<hbm>>, %arg5: memref<10240x128xf32, #tpu.memory_space<vmem_shared>>, %arg6: memref<6000xi32, #tpu.memory_space<vmem>>, %arg7: memref<80x128xf32, #tpu.memory_space<vmem>>, %arg8: memref<80x128xf32, #tpu.memory_space<vmem>>, %arg9: memref<80x128xf32, #tpu.memory_space<vmem>>, %arg10: memref<64x128xf32, #tpu.memory_space<vmem>>, %arg11: memref<!tpu.dma_semaphore, #tpu.memory_space<semaphore_mem>>, %arg12: memref<!tpu.dma_semaphore, #tpu.memory_space<semaphore_mem>>, %arg13: memref<!tpu.dma_semaphore, #tpu.memory_space<semaphore_mem>>, %arg14: memref<!tpu.dma_semaphore, #tpu.memory_space<semaphore_mem>>, %arg15: memref<!tpu.dma_semaphore, #tpu.memory_space<semaphore_mem>>, %arg16: memref<!tpu.dma_semaphore, #tpu.memory_space<semaphore_mem>>) attributes {dimension_semantics = [#tpu.dimension_semantics<core_parallel>, #tpu.dimension_semantics<subcore_parallel>], iteration_bounds = array<i64: 2, 16>, scalar_prefetch = 0 : i64, scratch_operands = 12 : i64, tpu.core_type = #tpu.core_type<sc_vector_subcore>, window_params = [{transform_indices = #map}, {transform_indices = #map1}, {transform_indices = #map2}]} {
    %mul3A = arith.constant 2 : i32
    %mul3A_0 = arith.muli %arg1, %mul3A : i32
    %add3A = arith.addi %mul3A_0, %arg0 : i32
    %mul3A_1 = arith.constant 6000 : i32
    %mul3A_2 = arith.muli %add3A, %mul3A_1 : i32
    %add3A_3 = arith.constant 0 : i32
    %add3A_4 = arith.addi %add3A_3, %mul3A_2 : i32
    %mul3A_5 = arith.constant 6000 : i32
    %mul3A_6 = arith.muli %add3A, %mul3A_5 : i32
    %scan3A = arith.constant 0 : i32
    %scan3A_7 = arith.constant 64 : i32
    %scan3A_8 = arith.addi %scan3A, %scan3A_7 : i32
    %scan3A_9 = arith.constant 1 : i32
    scf.for %scan3A_45 = %scan3A to %scan3A_8 step %scan3A_9  : i32 {
      %mul3A_46 = arith.constant 1 : i32
      %mul3A_47 = arith.muli %scan3A_45, %mul3A_46 : i32
      %add3A_48 = arith.constant 0 : i32
      %add3A_49 = arith.addi %add3A_48, %mul3A_47 : i32
      %broadcast_in_dim3A = arith.constant 0.000000e+00 : f32
      %broadcast_in_dim3A_50 = vector.broadcast %broadcast_in_dim3A : f32 to vector<1x16xf32>
      %swap3A = arith.index_cast %add3A_49 : i32 to index
      %swap3A_51 = arith.constant 0 : index
      %swap3A_52 = tpu.vector_load %arg10[%swap3A, %swap3A_51] {strides = array<i32>} : memref<64x128xf32, #tpu.memory_space<vmem>>, vector<1x16xf32>,
      %swap3A_53 = vector.shape_cast %swap3A_52 : vector<1x16xf32> to vector<1x16xf32>
      %swap3A_54 = vector.shape_cast %broadcast_in_dim3A_50 : vector<1x16xf32> to vector<1x16xf32>
      tpu.vector_store %arg10[%swap3A, %swap3A_51], %swap3A_54 {strides = array<i32>} : memref<64x128xf32, #tpu.memory_space<vmem>>, vector<1x16xf32>,
      %broadcast_in_dim3A_55 = arith.constant 0.000000e+00 : f32
      %broadcast_in_dim3A_56 = vector.broadcast %broadcast_in_dim3A_55 : f32 to vector<1x16xf32>
      %swap3A_57 = arith.index_cast %add3A_49 : i32 to index
      %swap3A_58 = arith.constant 16 : index
      %swap3A_59 = tpu.vector_load %arg10[%swap3A_57, %swap3A_58] {strides = array<i32>} : memref<64x128xf32, #tpu.memory_space<vmem>>, vector<1x16xf32>,
      %swap3A_60 = vector.shape_cast %swap3A_59 : vector<1x16xf32> to vector<1x16xf32>
      %swap3A_61 = vector.shape_cast %broadcast_in_dim3A_56 : vector<1x16xf32> to vector<1x16xf32>
      tpu.vector_store %arg10[%swap3A_57, %swap3A_58], %swap3A_61 {strides = array<i32>} : memref<64x128xf32, #tpu.memory_space<vmem>>, vector<1x16xf32>,
      %broadcast_in_dim3A_62 = arith.constant 0.000000e+00 : f32
      %broadcast_in_dim3A_63 = vector.broadcast %broadcast_in_dim3A_62 : f32 to vector<1x16xf32>
      %swap3A_64 = arith.index_cast %add3A_49 : i32 to index
      %swap3A_65 = arith.constant 32 : index
      %swap3A_66 = tpu.vector_load %arg10[%swap3A_64, %swap3A_65] {strides = array<i32>} : memref<64x128xf32, #tpu.memory_space<vmem>>, vector<1x16xf32>,
      %swap3A_67 = vector.shape_cast %swap3A_66 : vector<1x16xf32> to vector<1x16xf32>
      %swap3A_68 = vector.shape_cast %broadcast_in_dim3A_63 : vector<1x16xf32> to vector<1x16xf32>
      tpu.vector_store %arg10[%swap3A_64, %swap3A_65], %swap3A_68 {strides = array<i32>} : memref<64x128xf32, #tpu.memory_space<vmem>>, vector<1x16xf32>,
      %broadcast_in_dim3A_69 = arith.constant 0.000000e+00 : f32
      %broadcast_in_dim3A_70 = vector.broadcast %broadcast_in_dim3A_69 : f32 to vector<1x16xf32>
      %swap3A_71 = arith.index_cast %add3A_49 : i32 to index
      %swap3A_72 = arith.constant 48 : index
      %swap3A_73 = tpu.vector_load %arg10[%swap3A_71, %swap3A_72] {strides = array<i32>} : memref<64x128xf32, #tpu.memory_space<vmem>>, vector<1x16xf32>,
      %swap3A_74 = vector.shape_cast %swap3A_73 : vector<1x16xf32> to vector<1x16xf32>
      %swap3A_75 = vector.shape_cast %broadcast_in_dim3A_70 : vector<1x16xf32> to vector<1x16xf32>
      tpu.vector_store %arg10[%swap3A_71, %swap3A_72], %swap3A_75 {strides = array<i32>} : memref<64x128xf32, #tpu.memory_space<vmem>>, vector<1x16xf32>,
      %broadcast_in_dim3A_76 = arith.constant 0.000000e+00 : f32
      %broadcast_in_dim3A_77 = vector.broadcast %broadcast_in_dim3A_76 : f32 to vector<1x16xf32>
      %swap3A_78 = arith.index_cast %add3A_49 : i32 to index
      %swap3A_79 = arith.constant 64 : index
      %swap3A_80 = tpu.vector_load %arg10[%swap3A_78, %swap3A_79] {strides = array<i32>} : memref<64x128xf32, #tpu.memory_space<vmem>>, vector<1x16xf32>,
      %swap3A_81 = vector.shape_cast %swap3A_80 : vector<1x16xf32> to vector<1x16xf32>
      %swap3A_82 = vector.shape_cast %broadcast_in_dim3A_77 : vector<1x16xf32> to vector<1x16xf32>
      tpu.vector_store %arg10[%swap3A_78, %swap3A_79], %swap3A_82 {strides = array<i32>} : memref<64x128xf32, #tpu.memory_space<vmem>>, vector<1x16xf32>,
      %broadcast_in_dim3A_83 = arith.constant 0.000000e+00 : f32
      %broadcast_in_dim3A_84 = vector.broadcast %broadcast_in_dim3A_83 : f32 to vector<1x16xf32>
      %swap3A_85 = arith.index_cast %add3A_49 : i32 to index
      %swap3A_86 = arith.constant 80 : index
      %swap3A_87 = tpu.vector_load %arg10[%swap3A_85, %swap3A_86] {strides = array<i32>} : memref<64x128xf32, #tpu.memory_space<vmem>>, vector<1x16xf32>,
      %swap3A_88 = vector.shape_cast %swap3A_87 : vector<1x16xf32> to vector<1x16xf32>
      %swap3A_89 = vector.shape_cast %broadcast_in_dim3A_84 : vector<1x16xf32> to vector<1x16xf32>
      tpu.vector_store %arg10[%swap3A_85, %swap3A_86], %swap3A_89 {strides = array<i32>} : memref<64x128xf32, #tpu.memory_space<vmem>>, vector<1x16xf32>,
      %broadcast_in_dim3A_90 = arith.constant 0.000000e+00 : f32
      %broadcast_in_dim3A_91 = vector.broadcast %broadcast_in_dim3A_90 : f32 to vector<1x16xf32>
      %swap3A_92 = arith.index_cast %add3A_49 : i32 to index
      %swap3A_93 = arith.constant 96 : index
      %swap3A_94 = tpu.vector_load %arg10[%swap3A_92, %swap3A_93] {strides = array<i32>} : memref<64x128xf32, #tpu.memory_space<vmem>>, vector<1x16xf32>,
      %swap3A_95 = vector.shape_cast %swap3A_94 : vector<1x16xf32> to vector<1x16xf32>
      %swap3A_96 = vector.shape_cast %broadcast_in_dim3A_91 : vector<1x16xf32> to vector<1x16xf32>
      tpu.vector_store %arg10[%swap3A_92, %swap3A_93], %swap3A_96 {strides = array<i32>} : memref<64x128xf32, #tpu.memory_space<vmem>>, vector<1x16xf32>,
      %broadcast_in_dim3A_97 = arith.constant 0.000000e+00 : f32
      %broadcast_in_dim3A_98 = vector.broadcast %broadcast_in_dim3A_97 : f32 to vector<1x16xf32>
      %swap3A_99 = arith.index_cast %add3A_49 : i32 to index
      %swap3A_100 = arith.constant 112 : index
      %swap3A_101 = tpu.vector_load %arg10[%swap3A_99, %swap3A_100] {strides = array<i32>} : memref<64x128xf32, #tpu.memory_space<vmem>>, vector<1x16xf32>,
      %swap3A_102 = vector.shape_cast %swap3A_101 : vector<1x16xf32> to vector<1x16xf32>
      %swap3A_103 = vector.shape_cast %broadcast_in_dim3A_98 : vector<1x16xf32> to vector<1x16xf32>
      tpu.vector_store %arg10[%swap3A_99, %swap3A_100], %swap3A_103 {strides = array<i32>} : memref<64x128xf32, #tpu.memory_space<vmem>>, vector<1x16xf32>,
    }
    %scan3A_10 = arith.constant 64 : i32
    %mul3A_11 = arith.constant 640 : i32
    %mul3A_12 = arith.muli %arg1, %mul3A_11 : i32
    %scan3A_13 = arith.constant 0 : i32
    %scan3A_14 = arith.constant 10 : i32
    %scan3A_15 = arith.addi %scan3A_13, %scan3A_14 : i32
    %scan3A_16 = arith.constant 1 : i32
    scf.for %scan3A_45 = %scan3A_13 to %scan3A_15 step %scan3A_16  : i32 {
      %mul3A_46 = arith.constant 64 : i32
      %mul3A_47 = arith.muli %scan3A_45, %mul3A_46 : i32
      %add3A_48 = arith.constant 0 : i32
      %add3A_49 = arith.addi %add3A_48, %mul3A_47 : i32
      %add3A_50 = arith.addi %mul3A_12, %add3A_49 : i32
      "tpu.region"() ({
        %run_scoped3A = tpu.sem_alloc : memref<!tpu.dma_semaphore, #tpu.memory_space<semaphore_mem>>
        %dma_start3A_51 = arith.constant 0 : i32
        %dma_start3A_52 = tpu.memref_slice %arg5[%add3A_50, %dma_start3A_51] : memref<10240x128xf32, #tpu.memory_space<vmem_shared>> -> memref<64x128xf32, #tpu.memory_space<vmem_shared>>
        %dma_start3A_53 = arith.constant 0 : i32
        %dma_start3A_54 = tpu.memref_slice %arg5[%add3A_50, %dma_start3A_53] : memref<10240x128xf32, #tpu.memory_space<vmem_shared>> -> memref<64x128xf32, #tpu.memory_space<vmem_shared>>
        tpu.enqueue_dma source(%arg10 : memref<64x128xf32, #tpu.memory_space<vmem>>) target(%dma_start3A_54 : memref<64x128xf32, #tpu.memory_space<vmem_shared>>) target_semaphore(%run_scoped3A : memref<!tpu.dma_semaphore, #tpu.memory_space<semaphore_mem>>)
        %dma_wait3A_55 = arith.constant 0 : i32
        %dma_wait3A_56 = tpu.memref_slice %arg5[%add3A_50, %dma_wait3A_55] : memref<10240x128xf32, #tpu.memory_space<vmem_shared>> -> memref<64x128xf32, #tpu.memory_space<vmem_shared>>
        %dma_wait3A_57 = arith.constant 0 : i32
        %dma_wait3A_58 = tpu.memref_slice %arg5[%add3A_50, %dma_wait3A_57] : memref<10240x128xf32, #tpu.memory_space<vmem_shared>> -> memref<64x128xf32, #tpu.memory_space<vmem_shared>>
        tpu.wait_dma2 semaphore(%run_scoped3A : memref<!tpu.dma_semaphore, #tpu.memory_space<semaphore_mem>>) src(%arg10 : memref<64x128xf32, #tpu.memory_space<vmem>>) dst(%dma_wait3A_58 : memref<64x128xf32, #tpu.memory_space<vmem_shared>>)
        tpu.yield
      }) : () -> ()
    }
    %scan3A_17 = arith.constant 10 : i32
    "tpu.region"() ({
      %run_scoped3A = tpu.sem_alloc : memref<!tpu.dma_semaphore, #tpu.memory_space<semaphore_mem>>
      %dma_start3A_45 = tpu.memref_slice %arg3[%add3A_4] : memref<320000xi32, #tpu.memory_space<hbm>> -> memref<6000xi32, #tpu.memory_space<hbm>>
      %dma_start3A_46 = tpu.memref_slice %arg3[%add3A_4] : memref<320000xi32, #tpu.memory_space<hbm>> -> memref<6000xi32, #tpu.memory_space<hbm>>
      tpu.enqueue_dma source(%dma_start3A_46 : memref<6000xi32, #tpu.memory_space<hbm>>) target(%arg6 : memref<6000xi32, #tpu.memory_space<vmem>>) target_semaphore(%run_scoped3A : memref<!tpu.dma_semaphore, #tpu.memory_space<semaphore_mem>>)
      %dma_wait3A_47 = tpu.memref_slice %arg3[%add3A_4] : memref<320000xi32, #tpu.memory_space<hbm>> -> memref<6000xi32, #tpu.memory_space<hbm>>
      %dma_wait3A_48 = tpu.memref_slice %arg3[%add3A_4] : memref<320000xi32, #tpu.memory_space<hbm>> -> memref<6000xi32, #tpu.memory_space<hbm>>
      tpu.wait_dma2 semaphore(%run_scoped3A : memref<!tpu.dma_semaphore, #tpu.memory_space<semaphore_mem>>) src(%dma_wait3A_48 : memref<6000xi32, #tpu.memory_space<hbm>>) dst(%arg6 : memref<6000xi32, #tpu.memory_space<vmem>>)
      tpu.yield
    }) : () -> ()
    %barrier3A = arith.constant 0 : index
    tpu.barrier barrier_id(%barrier3A)
    %add3A_18 = arith.constant 0 : i32
    %add3A_19 = arith.addi %mul3A_6, %add3A_18 : i32
    %dma_start3A = arith.constant 0 : i32
    %dma_start3A_20 = tpu.memref_slice %arg2[%add3A_19, %dma_start3A] : memref<192000x128xf32, #tpu.memory_space<hbm>> -> memref<80x128xf32, #tpu.memory_space<hbm>>
    %dma_start3A_21 = arith.constant 0 : i32
    %dma_start3A_22 = tpu.memref_slice %arg2[%add3A_19, %dma_start3A_21] : memref<192000x128xf32, #tpu.memory_space<hbm>> -> memref<80x128xf32, #tpu.memory_space<hbm>>
    tpu.enqueue_dma source(%dma_start3A_22 : memref<80x128xf32, #tpu.memory_space<hbm>>) target(%arg7 : memref<80x128xf32, #tpu.memory_space<vmem>>) target_semaphore(%arg11 : memref<!tpu.dma_semaphore, #tpu.memory_space<semaphore_mem>>)
    %scan3A_23 = arith.constant 0 : i32
    %scan3A_24 = arith.constant 26 : i32
    %scan3A_25 = arith.addi %scan3A_23, %scan3A_24 : i32
    %scan3A_26 = arith.constant 1 : i32
    scf.for %scan3A_45 = %scan3A_23 to %scan3A_25 step %scan3A_26  : i32 {
      %mul3A_46 = arith.constant 3 : i32
      %mul3A_47 = arith.muli %scan3A_45, %mul3A_46 : i32
      %add3A_48 = arith.constant 0 : i32
      %add3A_49 = arith.addi %add3A_48, %mul3A_47 : i32
      %add3A_50 = arith.constant 0 : i32
      %add3A_51 = arith.addi %add3A_49, %add3A_50 : i32
      %lt3A = arith.constant 75 : i32
      %lt3A_52 = arith.cmpi slt, %add3A_51, %lt3A : i32
      %convert_element_type3A = arith.extui %lt3A_52 : i1 to i32
      %cond3A = arith.constant 0 : i32
      %cond3A_53 = arith.cmpi ne, %convert_element_type3A, %cond3A : i32
      scf.if %cond3A_53 {
        %dma_wait3A_68 = arith.constant 0 : i32
        %dma_wait3A_69 = tpu.memref_slice %arg2[%mul3A_6, %dma_wait3A_68] : memref<192000x128xf32, #tpu.memory_space<hbm>> -> memref<80x128xf32, #tpu.memory_space<hbm>>
        %dma_wait3A_70 = arith.constant 0 : i32
        %dma_wait3A_71 = tpu.memref_slice %arg2[%mul3A_6, %dma_wait3A_70] : memref<192000x128xf32, #tpu.memory_space<hbm>> -> memref<80x128xf32, #tpu.memory_space<hbm>>
        tpu.wait_dma2 semaphore(%arg11 : memref<!tpu.dma_semaphore, #tpu.memory_space<semaphore_mem>>) src(%dma_wait3A_71 : memref<80x128xf32, #tpu.memory_space<hbm>>) dst(%arg7 : memref<80x128xf32, #tpu.memory_space<vmem>>)
        %mul3A_72 = arith.constant 80 : i32
        %mul3A_73 = arith.muli %add3A_51, %mul3A_72 : i32
        %dma_start3A_74 = tpu.memref_slice %arg6[%mul3A_73] : memref<6000xi32, #tpu.memory_space<vmem>> -> memref<80xi32, #tpu.memory_space<vmem>>
        %dma_start3A_75 = arith.constant 0 : i32
        %dma_start3A_76 = arith.constant 0 : i32
        %dma_start3A_77 = tpu.memref_slice %arg5[%dma_start3A_75, %dma_start3A_76] : memref<10240x128xf32, #tpu.memory_space<vmem_shared>> -> memref<10240x128xf32, #tpu.memory_space<vmem_shared>>
        tpu.enqueue_indirect_dma source(%arg7 : memref<80x128xf32, #tpu.memory_space<vmem>>) target(%dma_start3A_77 : memref<10240x128xf32, #tpu.memory_space<vmem_shared>>) offsets(%dma_start3A_74 : memref<80xi32, #tpu.memory_space<vmem>>) semaphore(%arg14 : memref<!tpu.dma_semaphore, #tpu.memory_space<semaphore_mem>>) {add = true}
        %add3A_78 = arith.constant 1 : i32
        %add3A_79 = arith.addi %add3A_51, %add3A_78 : i32
        %lt3A_80 = arith.constant 75 : i32
        %lt3A_81 = arith.cmpi slt, %add3A_79, %lt3A_80 : i32
        %convert_element_type3A_82 = arith.extui %lt3A_81 : i1 to i32
        %cond3A_83 = arith.constant 0 : i32
        %cond3A_84 = arith.cmpi ne, %convert_element_type3A_82, %cond3A_83 : i32
        scf.if %cond3A_84 {
          %ge3A = arith.constant 2 : i32
          %ge3A_85 = arith.cmpi sge, %add3A_51, %ge3A : i32
          %convert_element_type3A_86 = arith.extui %ge3A_85 : i1 to i32
          %cond3A_87 = arith.constant 0 : i32
          %cond3A_88 = arith.cmpi ne, %convert_element_type3A_86, %cond3A_87 : i32
          scf.if %cond3A_88 {
            %dma_wait3A_98 = arith.constant 0 : i32
            %dma_wait3A_99 = tpu.memref_slice %arg2[%mul3A_6, %dma_wait3A_98] : memref<192000x128xf32, #tpu.memory_space<hbm>> -> memref<80x128xf32, #tpu.memory_space<hbm>>
            %dma_wait3A_100 = arith.constant 0 : i32
            %dma_wait3A_101 = tpu.memref_slice %arg2[%mul3A_6, %dma_wait3A_100] : memref<192000x128xf32, #tpu.memory_space<hbm>> -> memref<80x128xf32, #tpu.memory_space<hbm>>
            tpu.wait_dma2 semaphore(%arg15 : memref<!tpu.dma_semaphore, #tpu.memory_space<semaphore_mem>>) src(%dma_wait3A_101 : memref<80x128xf32, #tpu.memory_space<hbm>>) dst(%arg8 : memref<80x128xf32, #tpu.memory_space<vmem>>)
          } else {
          }
          %add3A_89 = arith.constant 1 : i32
          %add3A_90 = arith.addi %add3A_51, %add3A_89 : i32
          %mul3A_91 = arith.constant 80 : i32
          %mul3A_92 = arith.muli %add3A_90, %mul3A_91 : i32
          %add3A_93 = arith.addi %mul3A_6, %mul3A_92 : i32
          %dma_start3A_94 = arith.constant 0 : i32
          %dma_start3A_95 = tpu.memref_slice %arg2[%add3A_93, %dma_start3A_94] : memref<192000x128xf32, #tpu.memory_space<hbm>> -> memref<80x128xf32, #tpu.memory_space<hbm>>
          %dma_start3A_96 = arith.constant 0 : i32
          %dma_start3A_97 = tpu.memref_slice %arg2[%add3A_93, %dma_start3A_96] : memref<192000x128xf32, #tpu.memory_space<hbm>> -> memref<80x128xf32, #tpu.memory_space<hbm>>
          tpu.enqueue_dma source(%dma_start3A_97 : memref<80x128xf32, #tpu.memory_space<hbm>>) target(%arg8 : memref<80x128xf32, #tpu.memory_space<vmem>>) target_semaphore(%arg12 : memref<!tpu.dma_semaphore, #tpu.memory_space<semaphore_mem>>)
        } else {
        }
      } else {
      }
      %add3A_54 = arith.constant 1 : i32
      %add3A_55 = arith.addi %add3A_49, %add3A_54 : i32
      %lt3A_56 = arith.constant 75 : i32
      %lt3A_57 = arith.cmpi slt, %add3A_55, %lt3A_56 : i32
      %convert_element_type3A_58 = arith.extui %lt3A_57 : i1 to i32
      %cond3A_59 = arith.constant 0 : i32
      %cond3A_60 = arith.cmpi ne, %convert_element_type3A_58, %cond3A_59 : i32
      scf.if %cond3A_60 {
        %dma_wait3A_68 = arith.constant 0 : i32
        %dma_wait3A_69 = tpu.memref_slice %arg2[%mul3A_6, %dma_wait3A_68] : memref<192000x128xf32, #tpu.memory_space<hbm>> -> memref<80x128xf32, #tpu.memory_space<hbm>>
        %dma_wait3A_70 = arith.constant 0 : i32
        %dma_wait3A_71 = tpu.memref_slice %arg2[%mul3A_6, %dma_wait3A_70] : memref<192000x128xf32, #tpu.memory_space<hbm>> -> memref<80x128xf32, #tpu.memory_space<hbm>>
        tpu.wait_dma2 semaphore(%arg12 : memref<!tpu.dma_semaphore, #tpu.memory_space<semaphore_mem>>) src(%dma_wait3A_71 : memref<80x128xf32, #tpu.memory_space<hbm>>) dst(%arg8 : memref<80x128xf32, #tpu.memory_space<vmem>>)
        %mul3A_72 = arith.constant 80 : i32
        %mul3A_73 = arith.muli %add3A_55, %mul3A_72 : i32
        %dma_start3A_74 = tpu.memref_slice %arg6[%mul3A_73] : memref<6000xi32, #tpu.memory_space<vmem>> -> memref<80xi32, #tpu.memory_space<vmem>>
        %dma_start3A_75 = arith.constant 0 : i32
        %dma_start3A_76 = arith.constant 0 : i32
        %dma_start3A_77 = tpu.memref_slice %arg5[%dma_start3A_75, %dma_start3A_76] : memref<10240x128xf32, #tpu.memory_space<vmem_shared>> -> memref<10240x128xf32, #tpu.memory_space<vmem_shared>>
        tpu.enqueue_indirect_dma source(%arg8 : memref<80x128xf32, #tpu.memory_space<vmem>>) target(%dma_start3A_77 : memref<10240x128xf32, #tpu.memory_space<vmem_shared>>) offsets(%dma_start3A_74 : memref<80xi32, #tpu.memory_space<vmem>>) semaphore(%arg15 : memref<!tpu.dma_semaphore, #tpu.memory_space<semaphore_mem>>) {add = true}
        %add3A_78 = arith.constant 1 : i32
        %add3A_79 = arith.addi %add3A_55, %add3A_78 : i32
        %lt3A_80 = arith.constant 75 : i32
        %lt3A_81 = arith.cmpi slt, %add3A_79, %lt3A_80 : i32
        %convert_element_type3A_82 = arith.extui %lt3A_81 : i1 to i32
        %cond3A_83 = arith.constant 0 : i32
        %cond3A_84 = arith.cmpi ne, %convert_element_type3A_82, %cond3A_83 : i32
        scf.if %cond3A_84 {
          %ge3A = arith.constant 2 : i32
          %ge3A_85 = arith.cmpi sge, %add3A_55, %ge3A : i32
          %convert_element_type3A_86 = arith.extui %ge3A_85 : i1 to i32
          %cond3A_87 = arith.constant 0 : i32
          %cond3A_88 = arith.cmpi ne, %convert_element_type3A_86, %cond3A_87 : i32
          scf.if %cond3A_88 {
            %dma_wait3A_98 = arith.constant 0 : i32
            %dma_wait3A_99 = tpu.memref_slice %arg2[%mul3A_6, %dma_wait3A_98] : memref<192000x128xf32, #tpu.memory_space<hbm>> -> memref<80x128xf32, #tpu.memory_space<hbm>>
            %dma_wait3A_100 = arith.constant 0 : i32
            %dma_wait3A_101 = tpu.memref_slice %arg2[%mul3A_6, %dma_wait3A_100] : memref<192000x128xf32, #tpu.memory_space<hbm>> -> memref<80x128xf32, #tpu.memory_space<hbm>>
            tpu.wait_dma2 semaphore(%arg16 : memref<!tpu.dma_semaphore, #tpu.memory_space<semaphore_mem>>) src(%dma_wait3A_101 : memref<80x128xf32, #tpu.memory_space<hbm>>) dst(%arg9 : memref<80x128xf32, #tpu.memory_space<vmem>>)
          } else {
          }
          %add3A_89 = arith.constant 1 : i32
          %add3A_90 = arith.addi %add3A_55, %add3A_89 : i32
          %mul3A_91 = arith.constant 80 : i32
          %mul3A_92 = arith.muli %add3A_90, %mul3A_91 : i32
          %add3A_93 = arith.addi %mul3A_6, %mul3A_92 : i32
          %dma_start3A_94 = arith.constant 0 : i32
          %dma_start3A_95 = tpu.memref_slice %arg2[%add3A_93, %dma_start3A_94] : memref<192000x128xf32, #tpu.memory_space<hbm>> -> memref<80x128xf32, #tpu.memory_space<hbm>>
          %dma_start3A_96 = arith.constant 0 : i32
          %dma_start3A_97 = tpu.memref_slice %arg2[%add3A_93, %dma_start3A_96] : memref<192000x128xf32, #tpu.memory_space<hbm>> -> memref<80x128xf32, #tpu.memory_space<hbm>>
          tpu.enqueue_dma source(%dma_start3A_97 : memref<80x128xf32, #tpu.memory_space<hbm>>) target(%arg9 : memref<80x128xf32, #tpu.memory_space<vmem>>) target_semaphore(%arg13 : memref<!tpu.dma_semaphore, #tpu.memory_space<semaphore_mem>>)
        } else {
        }
      } else {
      }
      %add3A_61 = arith.constant 2 : i32
      %add3A_62 = arith.addi %add3A_49, %add3A_61 : i32
      %lt3A_63 = arith.constant 75 : i32
      %lt3A_64 = arith.cmpi slt, %add3A_62, %lt3A_63 : i32
      %convert_element_type3A_65 = arith.extui %lt3A_64 : i1 to i32
      %cond3A_66 = arith.constant 0 : i32
      %cond3A_67 = arith.cmpi ne, %convert_element_type3A_65, %cond3A_66 : i32
      scf.if %cond3A_67 {
        %dma_wait3A_68 = arith.constant 0 : i32
        %dma_wait3A_69 = tpu.memref_slice %arg2[%mul3A_6, %dma_wait3A_68] : memref<192000x128xf32, #tpu.memory_space<hbm>> -> memref<80x128xf32, #tpu.memory_space<hbm>>
        %dma_wait3A_70 = arith.constant 0 : i32
        %dma_wait3A_71 = tpu.memref_slice %arg2[%mul3A_6, %dma_wait3A_70] : memref<192000x128xf32, #tpu.memory_space<hbm>> -> memref<80x128xf32, #tpu.memory_space<hbm>>
        tpu.wait_dma2 semaphore(%arg13 : memref<!tpu.dma_semaphore, #tpu.memory_space<semaphore_mem>>) src(%dma_wait3A_71 : memref<80x128xf32, #tpu.memory_space<hbm>>) dst(%arg9 : memref<80x128xf32, #tpu.memory_space<vmem>>)
        %mul3A_72 = arith.constant 80 : i32
        %mul3A_73 = arith.muli %add3A_62, %mul3A_72 : i32
        %dma_start3A_74 = tpu.memref_slice %arg6[%mul3A_73] : memref<6000xi32, #tpu.memory_space<vmem>> -> memref<80xi32, #tpu.memory_space<vmem>>
        %dma_start3A_75 = arith.constant 0 : i32
        %dma_start3A_76 = arith.constant 0 : i32
        %dma_start3A_77 = tpu.memref_slice %arg5[%dma_start3A_75, %dma_start3A_76] : memref<10240x128xf32, #tpu.memory_space<vmem_shared>> -> memref<10240x128xf32, #tpu.memory_space<vmem_shared>>
        tpu.enqueue_indirect_dma source(%arg9 : memref<80x128xf32, #tpu.memory_space<vmem>>) target(%dma_start3A_77 : memref<10240x128xf32, #tpu.memory_space<vmem_shared>>) offsets(%dma_start3A_74 : memref<80xi32, #tpu.memory_space<vmem>>) semaphore(%arg16 : memref<!tpu.dma_semaphore, #tpu.memory_space<semaphore_mem>>) {add = true}
        %add3A_78 = arith.constant 1 : i32
        %add3A_79 = arith.addi %add3A_62, %add3A_78 : i32
        %lt3A_80 = arith.constant 75 : i32
        %lt3A_81 = arith.cmpi slt, %add3A_79, %lt3A_80 : i32
        %convert_element_type3A_82 = arith.extui %lt3A_81 : i1 to i32
        %cond3A_83 = arith.constant 0 : i32
        %cond3A_84 = arith.cmpi ne, %convert_element_type3A_82, %cond3A_83 : i32
        scf.if %cond3A_84 {
          %ge3A = arith.constant 2 : i32
          %ge3A_85 = arith.cmpi sge, %add3A_62, %ge3A : i32
          %convert_element_type3A_86 = arith.extui %ge3A_85 : i1 to i32
          %cond3A_87 = arith.constant 0 : i32
          %cond3A_88 = arith.cmpi ne, %convert_element_type3A_86, %cond3A_87 : i32
          scf.if %cond3A_88 {
            %dma_wait3A_98 = arith.constant 0 : i32
            %dma_wait3A_99 = tpu.memref_slice %arg2[%mul3A_6, %dma_wait3A_98] : memref<192000x128xf32, #tpu.memory_space<hbm>> -> memref<80x128xf32, #tpu.memory_space<hbm>>
            %dma_wait3A_100 = arith.constant 0 : i32
            %dma_wait3A_101 = tpu.memref_slice %arg2[%mul3A_6, %dma_wait3A_100] : memref<192000x128xf32, #tpu.memory_space<hbm>> -> memref<80x128xf32, #tpu.memory_space<hbm>>
            tpu.wait_dma2 semaphore(%arg14 : memref<!tpu.dma_semaphore, #tpu.memory_space<semaphore_mem>>) src(%dma_wait3A_101 : memref<80x128xf32, #tpu.memory_space<hbm>>) dst(%arg7 : memref<80x128xf32, #tpu.memory_space<vmem>>)
          } else {
          }
          %add3A_89 = arith.constant 1 : i32
          %add3A_90 = arith.addi %add3A_62, %add3A_89 : i32
          %mul3A_91 = arith.constant 80 : i32
          %mul3A_92 = arith.muli %add3A_90, %mul3A_91 : i32
          %add3A_93 = arith.addi %mul3A_6, %mul3A_92 : i32
          %dma_start3A_94 = arith.constant 0 : i32
          %dma_start3A_95 = tpu.memref_slice %arg2[%add3A_93, %dma_start3A_94] : memref<192000x128xf32, #tpu.memory_space<hbm>> -> memref<80x128xf32, #tpu.memory_space<hbm>>
          %dma_start3A_96 = arith.constant 0 : i32
          %dma_start3A_97 = tpu.memref_slice %arg2[%add3A_93, %dma_start3A_96] : memref<192000x128xf32, #tpu.memory_space<hbm>> -> memref<80x128xf32, #tpu.memory_space<hbm>>
          tpu.enqueue_dma source(%dma_start3A_97 : memref<80x128xf32, #tpu.memory_space<hbm>>) target(%arg7 : memref<80x128xf32, #tpu.memory_space<vmem>>) target_semaphore(%arg11 : memref<!tpu.dma_semaphore, #tpu.memory_space<semaphore_mem>>)
        } else {
        }
      } else {
      }
    }
    %scan3A_27 = arith.constant 26 : i32
    %dma_wait3A = arith.constant 0 : i32
    %dma_wait3A_28 = tpu.memref_slice %arg2[%mul3A_6, %dma_wait3A] : memref<192000x128xf32, #tpu.memory_space<hbm>> -> memref<80x128xf32, #tpu.memory_space<hbm>>
    %dma_wait3A_29 = arith.constant 0 : i32
    %dma_wait3A_30 = tpu.memref_slice %arg2[%mul3A_6, %dma_wait3A_29] : memref<192000x128xf32, #tpu.memory_space<hbm>> -> memref<80x128xf32, #tpu.memory_space<hbm>>
    tpu.wait_dma2 semaphore(%arg14 : memref<!tpu.dma_semaphore, #tpu.memory_space<semaphore_mem>>) src(%dma_wait3A_30 : memref<80x128xf32, #tpu.memory_space<hbm>>) dst(%arg7 : memref<80x128xf32, #tpu.memory_space<vmem>>)
    %dma_wait3A_31 = arith.constant 0 : i32
    %dma_wait3A_32 = tpu.memref_slice %arg2[%mul3A_6, %dma_wait3A_31] : memref<192000x128xf32, #tpu.memory_space<hbm>> -> memref<80x128xf32, #tpu.memory_space<hbm>>
    %dma_wait3A_33 = arith.constant 0 : i32
    %dma_wait3A_34 = tpu.memref_slice %arg2[%mul3A_6, %dma_wait3A_33] : memref<192000x128xf32, #tpu.memory_space<hbm>> -> memref<80x128xf32, #tpu.memory_space<hbm>>
    tpu.wait_dma2 semaphore(%arg15 : memref<!tpu.dma_semaphore, #tpu.memory_space<semaphore_mem>>) src(%dma_wait3A_34 : memref<80x128xf32, #tpu.memory_space<hbm>>) dst(%arg8 : memref<80x128xf32, #tpu.memory_space<vmem>>)
    %dma_wait3A_35 = arith.constant 0 : i32
    %dma_wait3A_36 = tpu.memref_slice %arg2[%mul3A_6, %dma_wait3A_35] : memref<192000x128xf32, #tpu.memory_space<hbm>> -> memref<80x128xf32, #tpu.memory_space<hbm>>
    %dma_wait3A_37 = arith.constant 0 : i32
    %dma_wait3A_38 = tpu.memref_slice %arg2[%mul3A_6, %dma_wait3A_37] : memref<192000x128xf32, #tpu.memory_space<hbm>> -> memref<80x128xf32, #tpu.memory_space<hbm>>
    tpu.wait_dma2 semaphore(%arg16 : memref<!tpu.dma_semaphore, #tpu.memory_space<semaphore_mem>>) src(%dma_wait3A_38 : memref<80x128xf32, #tpu.memory_space<hbm>>) dst(%arg9 : memref<80x128xf32, #tpu.memory_space<vmem>>)
    %barrier3A_39 = arith.constant 0 : index
    tpu.barrier barrier_id(%barrier3A_39)
    %scan3A_40 = arith.constant 0 : i32
    %scan3A_41 = arith.constant 10 : i32
    %scan3A_42 = arith.addi %scan3A_40, %scan3A_41 : i32
    %scan3A_43 = arith.constant 1 : i32
    scf.for %scan3A_45 = %scan3A_40 to %scan3A_42 step %scan3A_43  : i32 {
      %mul3A_46 = arith.constant 64 : i32
      %mul3A_47 = arith.muli %scan3A_45, %mul3A_46 : i32
      %add3A_48 = arith.constant 0 : i32
      %add3A_49 = arith.addi %add3A_48, %mul3A_47 : i32
      %add3A_50 = arith.addi %mul3A_12, %add3A_49 : i32
      "tpu.region"() ({
        %run_scoped3A = tpu.sem_alloc : memref<!tpu.dma_semaphore, #tpu.memory_space<semaphore_mem>>
        %dma_start3A_52 = arith.constant 0 : i32
        %dma_start3A_53 = tpu.memref_slice %arg5[%add3A_50, %dma_start3A_52] : memref<10240x128xf32, #tpu.memory_space<vmem_shared>> -> memref<64x128xf32, #tpu.memory_space<vmem_shared>>
        %dma_start3A_54 = arith.constant 0 : i32
        %dma_start3A_55 = tpu.memref_slice %arg5[%add3A_50, %dma_start3A_54] : memref<10240x128xf32, #tpu.memory_space<vmem_shared>> -> memref<64x128xf32, #tpu.memory_space<vmem_shared>>
        tpu.enqueue_dma source(%dma_start3A_55 : memref<64x128xf32, #tpu.memory_space<vmem_shared>>) target(%arg10 : memref<64x128xf32, #tpu.memory_space<vmem>>) target_semaphore(%run_scoped3A : memref<!tpu.dma_semaphore, #tpu.memory_space<semaphore_mem>>)
        %dma_wait3A_56 = arith.constant 0 : i32
        %dma_wait3A_57 = tpu.memref_slice %arg5[%add3A_50, %dma_wait3A_56] : memref<10240x128xf32, #tpu.memory_space<vmem_shared>> -> memref<64x128xf32, #tpu.memory_space<vmem_shared>>
        %dma_wait3A_58 = arith.constant 0 : i32
        %dma_wait3A_59 = tpu.memref_slice %arg5[%add3A_50, %dma_wait3A_58] : memref<10240x128xf32, #tpu.memory_space<vmem_shared>> -> memref<64x128xf32, #tpu.memory_space<vmem_shared>>
        tpu.wait_dma2 semaphore(%run_scoped3A : memref<!tpu.dma_semaphore, #tpu.memory_space<semaphore_mem>>) src(%dma_wait3A_59 : memref<64x128xf32, #tpu.memory_space<vmem_shared>>) dst(%arg10 : memref<64x128xf32, #tpu.memory_space<vmem>>)
        tpu.yield
      }) : () -> ()
      %add3A_51 = arith.addi %mul3A_12, %add3A_49 : i32
      "tpu.region"() ({
        %run_scoped3A = tpu.sem_alloc : memref<!tpu.dma_semaphore, #tpu.memory_space<semaphore_mem>>
        %dma_start3A_52 = arith.constant 0 : i32
        %dma_start3A_53 = tpu.memref_slice %arg4[%arg0, %add3A_51, %dma_start3A_52] : memref<2x10240x128xf32, #tpu.memory_space<hbm>> -> memref<1x64x128xf32, #tpu.memory_space<hbm>>
        %dma_start3A_54 = tpu.memref_squeeze %dma_start3A_53 : memref<1x64x128xf32, #tpu.memory_space<hbm>> -> memref<64x128xf32, #tpu.memory_space<hbm>>
        %dma_start3A_55 = arith.constant 0 : i32
        %dma_start3A_56 = tpu.memref_slice %arg4[%arg0, %add3A_51, %dma_start3A_55] : memref<2x10240x128xf32, #tpu.memory_space<hbm>> -> memref<1x64x128xf32, #tpu.memory_space<hbm>>
        %dma_start3A_57 = tpu.memref_squeeze %dma_start3A_56 : memref<1x64x128xf32, #tpu.memory_space<hbm>> -> memref<64x128xf32, #tpu.memory_space<hbm>>
        tpu.enqueue_dma source(%arg10 : memref<64x128xf32, #tpu.memory_space<vmem>>) target(%dma_start3A_57 : memref<64x128xf32, #tpu.memory_space<hbm>>) target_semaphore(%run_scoped3A : memref<!tpu.dma_semaphore, #tpu.memory_space<semaphore_mem>>)
        %dma_wait3A_58 = arith.constant 0 : i32
        %dma_wait3A_59 = tpu.memref_slice %arg4[%arg0, %add3A_51, %dma_wait3A_58] : memref<2x10240x128xf32, #tpu.memory_space<hbm>> -> memref<1x64x128xf32, #tpu.memory_space<hbm>>
        %dma_wait3A_60 = tpu.memref_squeeze %dma_wait3A_59 : memref<1x64x128xf32, #tpu.memory_space<hbm>> -> memref<64x128xf32, #tpu.memory_space<hbm>>
        %dma_wait3A_61 = arith.constant 0 : i32
        %dma_wait3A_62 = tpu.memref_slice %arg4[%arg0, %add3A_51, %dma_wait3A_61] : memref<2x10240x128xf32, #tpu.memory_space<hbm>> -> memref<1x64x128xf32, #tpu.memory_space<hbm>>
        %dma_wait3A_63 = tpu.memref_squeeze %dma_wait3A_62 : memref<1x64x128xf32, #tpu.memory_space<hbm>> -> memref<64x128xf32, #tpu.memory_space<hbm>>
        tpu.wait_dma2 semaphore(%run_scoped3A : memref<!tpu.dma_semaphore, #tpu.memory_space<semaphore_mem>>) src(%arg10 : memref<64x128xf32, #tpu.memory_space<vmem>>) dst(%dma_wait3A_63 : memref<64x128xf32, #tpu.memory_space<hbm>>)
        tpu.yield
      }) : () -> ()
    }
    %scan3A_44 = arith.constant 10 : i32
    return
  }
}

#map = affine_map<(d0, d1) -> (0, 0)>
#map1 = affine_map<(d0, d1) -> (0)>
#map2 = affine_map<(d0, d1) -> (0, 0, 0)>
module attributes {stable_mosaic.version = 14 : i64} {
  func.func @sc_scatter(%arg0: i32, %arg1: i32, %arg2: memref<128000x128xf32, #tpu.memory_space<hbm>>, %arg3: memref<320000xi32, #tpu.memory_space<hbm>>, %arg4: memref<2x10240x128xf32, #tpu.memory_space<hbm>>, %arg5: memref<10240x128xf32, #tpu.memory_space<vmem_shared>>, %arg6: memref<4000xi32, #tpu.memory_space<vmem>>, %arg7: memref<80x128xf32, #tpu.memory_space<vmem>>, %arg8: memref<80x128xf32, #tpu.memory_space<vmem>>, %arg9: memref<80x128xf32, #tpu.memory_space<vmem>>, %arg10: memref<64x128xf32, #tpu.memory_space<vmem>>, %arg11: memref<!tpu.dma_semaphore, #tpu.memory_space<semaphore_mem>>, %arg12: memref<!tpu.dma_semaphore, #tpu.memory_space<semaphore_mem>>, %arg13: memref<!tpu.dma_semaphore, #tpu.memory_space<semaphore_mem>>, %arg14: memref<!tpu.dma_semaphore, #tpu.memory_space<semaphore_mem>>, %arg15: memref<!tpu.dma_semaphore, #tpu.memory_space<semaphore_mem>>, %arg16: memref<!tpu.dma_semaphore, #tpu.memory_space<semaphore_mem>>) attributes {dimension_semantics = [#tpu.dimension_semantics<core_parallel>, #tpu.dimension_semantics<subcore_parallel>], iteration_bounds = array<i64: 2, 16>, scalar_prefetch = 0 : i64, scratch_operands = 12 : i64, tpu.core_type = #tpu.core_type<sc_vector_subcore>, window_params = [{transform_indices = #map}, {transform_indices = #map1}, {transform_indices = #map2}]} {
    %mul3A = arith.constant 2 : i32
    %mul3A_0 = arith.muli %arg1, %mul3A : i32
    %add3A = arith.addi %mul3A_0, %arg0 : i32
    %mul3A_1 = arith.constant 4000 : i32
    %mul3A_2 = arith.muli %add3A, %mul3A_1 : i32
    %add3A_3 = arith.constant 192000 : i32
    %add3A_4 = arith.addi %add3A_3, %mul3A_2 : i32
    %mul3A_5 = arith.constant 4000 : i32
    %mul3A_6 = arith.muli %add3A, %mul3A_5 : i32
    %scan3A = arith.constant 0 : i32
    %scan3A_7 = arith.constant 64 : i32
    %scan3A_8 = arith.addi %scan3A, %scan3A_7 : i32
    %scan3A_9 = arith.constant 1 : i32
    scf.for %scan3A_45 = %scan3A to %scan3A_8 step %scan3A_9  : i32 {
      %mul3A_46 = arith.constant 1 : i32
      %mul3A_47 = arith.muli %scan3A_45, %mul3A_46 : i32
      %add3A_48 = arith.constant 0 : i32
      %add3A_49 = arith.addi %add3A_48, %mul3A_47 : i32
      %broadcast_in_dim3A = arith.constant 0.000000e+00 : f32
      %broadcast_in_dim3A_50 = vector.broadcast %broadcast_in_dim3A : f32 to vector<1x16xf32>
      %swap3A = arith.index_cast %add3A_49 : i32 to index
      %swap3A_51 = arith.constant 0 : index
      %swap3A_52 = tpu.vector_load %arg10[%swap3A, %swap3A_51] {strides = array<i32>} : memref<64x128xf32, #tpu.memory_space<vmem>>, vector<1x16xf32>,
      %swap3A_53 = vector.shape_cast %swap3A_52 : vector<1x16xf32> to vector<1x16xf32>
      %swap3A_54 = vector.shape_cast %broadcast_in_dim3A_50 : vector<1x16xf32> to vector<1x16xf32>
      tpu.vector_store %arg10[%swap3A, %swap3A_51], %swap3A_54 {strides = array<i32>} : memref<64x128xf32, #tpu.memory_space<vmem>>, vector<1x16xf32>,
      %broadcast_in_dim3A_55 = arith.constant 0.000000e+00 : f32
      %broadcast_in_dim3A_56 = vector.broadcast %broadcast_in_dim3A_55 : f32 to vector<1x16xf32>
      %swap3A_57 = arith.index_cast %add3A_49 : i32 to index
      %swap3A_58 = arith.constant 16 : index
      %swap3A_59 = tpu.vector_load %arg10[%swap3A_57, %swap3A_58] {strides = array<i32>} : memref<64x128xf32, #tpu.memory_space<vmem>>, vector<1x16xf32>,
      %swap3A_60 = vector.shape_cast %swap3A_59 : vector<1x16xf32> to vector<1x16xf32>
      %swap3A_61 = vector.shape_cast %broadcast_in_dim3A_56 : vector<1x16xf32> to vector<1x16xf32>
      tpu.vector_store %arg10[%swap3A_57, %swap3A_58], %swap3A_61 {strides = array<i32>} : memref<64x128xf32, #tpu.memory_space<vmem>>, vector<1x16xf32>,
      %broadcast_in_dim3A_62 = arith.constant 0.000000e+00 : f32
      %broadcast_in_dim3A_63 = vector.broadcast %broadcast_in_dim3A_62 : f32 to vector<1x16xf32>
      %swap3A_64 = arith.index_cast %add3A_49 : i32 to index
      %swap3A_65 = arith.constant 32 : index
      %swap3A_66 = tpu.vector_load %arg10[%swap3A_64, %swap3A_65] {strides = array<i32>} : memref<64x128xf32, #tpu.memory_space<vmem>>, vector<1x16xf32>,
      %swap3A_67 = vector.shape_cast %swap3A_66 : vector<1x16xf32> to vector<1x16xf32>
      %swap3A_68 = vector.shape_cast %broadcast_in_dim3A_63 : vector<1x16xf32> to vector<1x16xf32>
      tpu.vector_store %arg10[%swap3A_64, %swap3A_65], %swap3A_68 {strides = array<i32>} : memref<64x128xf32, #tpu.memory_space<vmem>>, vector<1x16xf32>,
      %broadcast_in_dim3A_69 = arith.constant 0.000000e+00 : f32
      %broadcast_in_dim3A_70 = vector.broadcast %broadcast_in_dim3A_69 : f32 to vector<1x16xf32>
      %swap3A_71 = arith.index_cast %add3A_49 : i32 to index
      %swap3A_72 = arith.constant 48 : index
      %swap3A_73 = tpu.vector_load %arg10[%swap3A_71, %swap3A_72] {strides = array<i32>} : memref<64x128xf32, #tpu.memory_space<vmem>>, vector<1x16xf32>,
      %swap3A_74 = vector.shape_cast %swap3A_73 : vector<1x16xf32> to vector<1x16xf32>
      %swap3A_75 = vector.shape_cast %broadcast_in_dim3A_70 : vector<1x16xf32> to vector<1x16xf32>
      tpu.vector_store %arg10[%swap3A_71, %swap3A_72], %swap3A_75 {strides = array<i32>} : memref<64x128xf32, #tpu.memory_space<vmem>>, vector<1x16xf32>,
      %broadcast_in_dim3A_76 = arith.constant 0.000000e+00 : f32
      %broadcast_in_dim3A_77 = vector.broadcast %broadcast_in_dim3A_76 : f32 to vector<1x16xf32>
      %swap3A_78 = arith.index_cast %add3A_49 : i32 to index
      %swap3A_79 = arith.constant 64 : index
      %swap3A_80 = tpu.vector_load %arg10[%swap3A_78, %swap3A_79] {strides = array<i32>} : memref<64x128xf32, #tpu.memory_space<vmem>>, vector<1x16xf32>,
      %swap3A_81 = vector.shape_cast %swap3A_80 : vector<1x16xf32> to vector<1x16xf32>
      %swap3A_82 = vector.shape_cast %broadcast_in_dim3A_77 : vector<1x16xf32> to vector<1x16xf32>
      tpu.vector_store %arg10[%swap3A_78, %swap3A_79], %swap3A_82 {strides = array<i32>} : memref<64x128xf32, #tpu.memory_space<vmem>>, vector<1x16xf32>,
      %broadcast_in_dim3A_83 = arith.constant 0.000000e+00 : f32
      %broadcast_in_dim3A_84 = vector.broadcast %broadcast_in_dim3A_83 : f32 to vector<1x16xf32>
      %swap3A_85 = arith.index_cast %add3A_49 : i32 to index
      %swap3A_86 = arith.constant 80 : index
      %swap3A_87 = tpu.vector_load %arg10[%swap3A_85, %swap3A_86] {strides = array<i32>} : memref<64x128xf32, #tpu.memory_space<vmem>>, vector<1x16xf32>,
      %swap3A_88 = vector.shape_cast %swap3A_87 : vector<1x16xf32> to vector<1x16xf32>
      %swap3A_89 = vector.shape_cast %broadcast_in_dim3A_84 : vector<1x16xf32> to vector<1x16xf32>
      tpu.vector_store %arg10[%swap3A_85, %swap3A_86], %swap3A_89 {strides = array<i32>} : memref<64x128xf32, #tpu.memory_space<vmem>>, vector<1x16xf32>,
      %broadcast_in_dim3A_90 = arith.constant 0.000000e+00 : f32
      %broadcast_in_dim3A_91 = vector.broadcast %broadcast_in_dim3A_90 : f32 to vector<1x16xf32>
      %swap3A_92 = arith.index_cast %add3A_49 : i32 to index
      %swap3A_93 = arith.constant 96 : index
      %swap3A_94 = tpu.vector_load %arg10[%swap3A_92, %swap3A_93] {strides = array<i32>} : memref<64x128xf32, #tpu.memory_space<vmem>>, vector<1x16xf32>,
      %swap3A_95 = vector.shape_cast %swap3A_94 : vector<1x16xf32> to vector<1x16xf32>
      %swap3A_96 = vector.shape_cast %broadcast_in_dim3A_91 : vector<1x16xf32> to vector<1x16xf32>
      tpu.vector_store %arg10[%swap3A_92, %swap3A_93], %swap3A_96 {strides = array<i32>} : memref<64x128xf32, #tpu.memory_space<vmem>>, vector<1x16xf32>,
      %broadcast_in_dim3A_97 = arith.constant 0.000000e+00 : f32
      %broadcast_in_dim3A_98 = vector.broadcast %broadcast_in_dim3A_97 : f32 to vector<1x16xf32>
      %swap3A_99 = arith.index_cast %add3A_49 : i32 to index
      %swap3A_100 = arith.constant 112 : index
      %swap3A_101 = tpu.vector_load %arg10[%swap3A_99, %swap3A_100] {strides = array<i32>} : memref<64x128xf32, #tpu.memory_space<vmem>>, vector<1x16xf32>,
      %swap3A_102 = vector.shape_cast %swap3A_101 : vector<1x16xf32> to vector<1x16xf32>
      %swap3A_103 = vector.shape_cast %broadcast_in_dim3A_98 : vector<1x16xf32> to vector<1x16xf32>
      tpu.vector_store %arg10[%swap3A_99, %swap3A_100], %swap3A_103 {strides = array<i32>} : memref<64x128xf32, #tpu.memory_space<vmem>>, vector<1x16xf32>,
    }
    %scan3A_10 = arith.constant 64 : i32
    %mul3A_11 = arith.constant 640 : i32
    %mul3A_12 = arith.muli %arg1, %mul3A_11 : i32
    %scan3A_13 = arith.constant 0 : i32
    %scan3A_14 = arith.constant 10 : i32
    %scan3A_15 = arith.addi %scan3A_13, %scan3A_14 : i32
    %scan3A_16 = arith.constant 1 : i32
    scf.for %scan3A_45 = %scan3A_13 to %scan3A_15 step %scan3A_16  : i32 {
      %mul3A_46 = arith.constant 64 : i32
      %mul3A_47 = arith.muli %scan3A_45, %mul3A_46 : i32
      %add3A_48 = arith.constant 0 : i32
      %add3A_49 = arith.addi %add3A_48, %mul3A_47 : i32
      %add3A_50 = arith.addi %mul3A_12, %add3A_49 : i32
      "tpu.region"() ({
        %run_scoped3A = tpu.sem_alloc : memref<!tpu.dma_semaphore, #tpu.memory_space<semaphore_mem>>
        %dma_start3A_51 = arith.constant 0 : i32
        %dma_start3A_52 = tpu.memref_slice %arg5[%add3A_50, %dma_start3A_51] : memref<10240x128xf32, #tpu.memory_space<vmem_shared>> -> memref<64x128xf32, #tpu.memory_space<vmem_shared>>
        %dma_start3A_53 = arith.constant 0 : i32
        %dma_start3A_54 = tpu.memref_slice %arg5[%add3A_50, %dma_start3A_53] : memref<10240x128xf32, #tpu.memory_space<vmem_shared>> -> memref<64x128xf32, #tpu.memory_space<vmem_shared>>
        tpu.enqueue_dma source(%arg10 : memref<64x128xf32, #tpu.memory_space<vmem>>) target(%dma_start3A_54 : memref<64x128xf32, #tpu.memory_space<vmem_shared>>) target_semaphore(%run_scoped3A : memref<!tpu.dma_semaphore, #tpu.memory_space<semaphore_mem>>)
        %dma_wait3A_55 = arith.constant 0 : i32
        %dma_wait3A_56 = tpu.memref_slice %arg5[%add3A_50, %dma_wait3A_55] : memref<10240x128xf32, #tpu.memory_space<vmem_shared>> -> memref<64x128xf32, #tpu.memory_space<vmem_shared>>
        %dma_wait3A_57 = arith.constant 0 : i32
        %dma_wait3A_58 = tpu.memref_slice %arg5[%add3A_50, %dma_wait3A_57] : memref<10240x128xf32, #tpu.memory_space<vmem_shared>> -> memref<64x128xf32, #tpu.memory_space<vmem_shared>>
        tpu.wait_dma2 semaphore(%run_scoped3A : memref<!tpu.dma_semaphore, #tpu.memory_space<semaphore_mem>>) src(%arg10 : memref<64x128xf32, #tpu.memory_space<vmem>>) dst(%dma_wait3A_58 : memref<64x128xf32, #tpu.memory_space<vmem_shared>>)
        tpu.yield
      }) : () -> ()
    }
    %scan3A_17 = arith.constant 10 : i32
    "tpu.region"() ({
      %run_scoped3A = tpu.sem_alloc : memref<!tpu.dma_semaphore, #tpu.memory_space<semaphore_mem>>
      %dma_start3A_45 = tpu.memref_slice %arg3[%add3A_4] : memref<320000xi32, #tpu.memory_space<hbm>> -> memref<4000xi32, #tpu.memory_space<hbm>>
      %dma_start3A_46 = tpu.memref_slice %arg3[%add3A_4] : memref<320000xi32, #tpu.memory_space<hbm>> -> memref<4000xi32, #tpu.memory_space<hbm>>
      tpu.enqueue_dma source(%dma_start3A_46 : memref<4000xi32, #tpu.memory_space<hbm>>) target(%arg6 : memref<4000xi32, #tpu.memory_space<vmem>>) target_semaphore(%run_scoped3A : memref<!tpu.dma_semaphore, #tpu.memory_space<semaphore_mem>>)
      %dma_wait3A_47 = tpu.memref_slice %arg3[%add3A_4] : memref<320000xi32, #tpu.memory_space<hbm>> -> memref<4000xi32, #tpu.memory_space<hbm>>
      %dma_wait3A_48 = tpu.memref_slice %arg3[%add3A_4] : memref<320000xi32, #tpu.memory_space<hbm>> -> memref<4000xi32, #tpu.memory_space<hbm>>
      tpu.wait_dma2 semaphore(%run_scoped3A : memref<!tpu.dma_semaphore, #tpu.memory_space<semaphore_mem>>) src(%dma_wait3A_48 : memref<4000xi32, #tpu.memory_space<hbm>>) dst(%arg6 : memref<4000xi32, #tpu.memory_space<vmem>>)
      tpu.yield
    }) : () -> ()
    %barrier3A = arith.constant 0 : index
    tpu.barrier barrier_id(%barrier3A)
    %add3A_18 = arith.constant 0 : i32
    %add3A_19 = arith.addi %mul3A_6, %add3A_18 : i32
    %dma_start3A = arith.constant 0 : i32
    %dma_start3A_20 = tpu.memref_slice %arg2[%add3A_19, %dma_start3A] : memref<128000x128xf32, #tpu.memory_space<hbm>> -> memref<80x128xf32, #tpu.memory_space<hbm>>
    %dma_start3A_21 = arith.constant 0 : i32
    %dma_start3A_22 = tpu.memref_slice %arg2[%add3A_19, %dma_start3A_21] : memref<128000x128xf32, #tpu.memory_space<hbm>> -> memref<80x128xf32, #tpu.memory_space<hbm>>
    tpu.enqueue_dma source(%dma_start3A_22 : memref<80x128xf32, #tpu.memory_space<hbm>>) target(%arg7 : memref<80x128xf32, #tpu.memory_space<vmem>>) target_semaphore(%arg11 : memref<!tpu.dma_semaphore, #tpu.memory_space<semaphore_mem>>)
    %scan3A_23 = arith.constant 0 : i32
    %scan3A_24 = arith.constant 18 : i32
    %scan3A_25 = arith.addi %scan3A_23, %scan3A_24 : i32
    %scan3A_26 = arith.constant 1 : i32
    scf.for %scan3A_45 = %scan3A_23 to %scan3A_25 step %scan3A_26  : i32 {
      %mul3A_46 = arith.constant 3 : i32
      %mul3A_47 = arith.muli %scan3A_45, %mul3A_46 : i32
      %add3A_48 = arith.constant 0 : i32
      %add3A_49 = arith.addi %add3A_48, %mul3A_47 : i32
      %add3A_50 = arith.constant 0 : i32
      %add3A_51 = arith.addi %add3A_49, %add3A_50 : i32
      %lt3A = arith.constant 50 : i32
      %lt3A_52 = arith.cmpi slt, %add3A_51, %lt3A : i32
      %convert_element_type3A = arith.extui %lt3A_52 : i1 to i32
      %cond3A = arith.constant 0 : i32
      %cond3A_53 = arith.cmpi ne, %convert_element_type3A, %cond3A : i32
      scf.if %cond3A_53 {
        %dma_wait3A_68 = arith.constant 0 : i32
        %dma_wait3A_69 = tpu.memref_slice %arg2[%mul3A_6, %dma_wait3A_68] : memref<128000x128xf32, #tpu.memory_space<hbm>> -> memref<80x128xf32, #tpu.memory_space<hbm>>
        %dma_wait3A_70 = arith.constant 0 : i32
        %dma_wait3A_71 = tpu.memref_slice %arg2[%mul3A_6, %dma_wait3A_70] : memref<128000x128xf32, #tpu.memory_space<hbm>> -> memref<80x128xf32, #tpu.memory_space<hbm>>
        tpu.wait_dma2 semaphore(%arg11 : memref<!tpu.dma_semaphore, #tpu.memory_space<semaphore_mem>>) src(%dma_wait3A_71 : memref<80x128xf32, #tpu.memory_space<hbm>>) dst(%arg7 : memref<80x128xf32, #tpu.memory_space<vmem>>)
        %mul3A_72 = arith.constant 80 : i32
        %mul3A_73 = arith.muli %add3A_51, %mul3A_72 : i32
        %dma_start3A_74 = tpu.memref_slice %arg6[%mul3A_73] : memref<4000xi32, #tpu.memory_space<vmem>> -> memref<80xi32, #tpu.memory_space<vmem>>
        %dma_start3A_75 = arith.constant 0 : i32
        %dma_start3A_76 = arith.constant 0 : i32
        %dma_start3A_77 = tpu.memref_slice %arg5[%dma_start3A_75, %dma_start3A_76] : memref<10240x128xf32, #tpu.memory_space<vmem_shared>> -> memref<10240x128xf32, #tpu.memory_space<vmem_shared>>
        tpu.enqueue_indirect_dma source(%arg7 : memref<80x128xf32, #tpu.memory_space<vmem>>) target(%dma_start3A_77 : memref<10240x128xf32, #tpu.memory_space<vmem_shared>>) offsets(%dma_start3A_74 : memref<80xi32, #tpu.memory_space<vmem>>) semaphore(%arg14 : memref<!tpu.dma_semaphore, #tpu.memory_space<semaphore_mem>>) {add = true}
        %add3A_78 = arith.constant 1 : i32
        %add3A_79 = arith.addi %add3A_51, %add3A_78 : i32
        %lt3A_80 = arith.constant 50 : i32
        %lt3A_81 = arith.cmpi slt, %add3A_79, %lt3A_80 : i32
        %convert_element_type3A_82 = arith.extui %lt3A_81 : i1 to i32
        %cond3A_83 = arith.constant 0 : i32
        %cond3A_84 = arith.cmpi ne, %convert_element_type3A_82, %cond3A_83 : i32
        scf.if %cond3A_84 {
          %ge3A = arith.constant 2 : i32
          %ge3A_85 = arith.cmpi sge, %add3A_51, %ge3A : i32
          %convert_element_type3A_86 = arith.extui %ge3A_85 : i1 to i32
          %cond3A_87 = arith.constant 0 : i32
          %cond3A_88 = arith.cmpi ne, %convert_element_type3A_86, %cond3A_87 : i32
          scf.if %cond3A_88 {
            %dma_wait3A_98 = arith.constant 0 : i32
            %dma_wait3A_99 = tpu.memref_slice %arg2[%mul3A_6, %dma_wait3A_98] : memref<128000x128xf32, #tpu.memory_space<hbm>> -> memref<80x128xf32, #tpu.memory_space<hbm>>
            %dma_wait3A_100 = arith.constant 0 : i32
            %dma_wait3A_101 = tpu.memref_slice %arg2[%mul3A_6, %dma_wait3A_100] : memref<128000x128xf32, #tpu.memory_space<hbm>> -> memref<80x128xf32, #tpu.memory_space<hbm>>
            tpu.wait_dma2 semaphore(%arg15 : memref<!tpu.dma_semaphore, #tpu.memory_space<semaphore_mem>>) src(%dma_wait3A_101 : memref<80x128xf32, #tpu.memory_space<hbm>>) dst(%arg8 : memref<80x128xf32, #tpu.memory_space<vmem>>)
          } else {
          }
          %add3A_89 = arith.constant 1 : i32
          %add3A_90 = arith.addi %add3A_51, %add3A_89 : i32
          %mul3A_91 = arith.constant 80 : i32
          %mul3A_92 = arith.muli %add3A_90, %mul3A_91 : i32
          %add3A_93 = arith.addi %mul3A_6, %mul3A_92 : i32
          %dma_start3A_94 = arith.constant 0 : i32
          %dma_start3A_95 = tpu.memref_slice %arg2[%add3A_93, %dma_start3A_94] : memref<128000x128xf32, #tpu.memory_space<hbm>> -> memref<80x128xf32, #tpu.memory_space<hbm>>
          %dma_start3A_96 = arith.constant 0 : i32
          %dma_start3A_97 = tpu.memref_slice %arg2[%add3A_93, %dma_start3A_96] : memref<128000x128xf32, #tpu.memory_space<hbm>> -> memref<80x128xf32, #tpu.memory_space<hbm>>
          tpu.enqueue_dma source(%dma_start3A_97 : memref<80x128xf32, #tpu.memory_space<hbm>>) target(%arg8 : memref<80x128xf32, #tpu.memory_space<vmem>>) target_semaphore(%arg12 : memref<!tpu.dma_semaphore, #tpu.memory_space<semaphore_mem>>)
        } else {
        }
      } else {
      }
      %add3A_54 = arith.constant 1 : i32
      %add3A_55 = arith.addi %add3A_49, %add3A_54 : i32
      %lt3A_56 = arith.constant 50 : i32
      %lt3A_57 = arith.cmpi slt, %add3A_55, %lt3A_56 : i32
      %convert_element_type3A_58 = arith.extui %lt3A_57 : i1 to i32
      %cond3A_59 = arith.constant 0 : i32
      %cond3A_60 = arith.cmpi ne, %convert_element_type3A_58, %cond3A_59 : i32
      scf.if %cond3A_60 {
        %dma_wait3A_68 = arith.constant 0 : i32
        %dma_wait3A_69 = tpu.memref_slice %arg2[%mul3A_6, %dma_wait3A_68] : memref<128000x128xf32, #tpu.memory_space<hbm>> -> memref<80x128xf32, #tpu.memory_space<hbm>>
        %dma_wait3A_70 = arith.constant 0 : i32
        %dma_wait3A_71 = tpu.memref_slice %arg2[%mul3A_6, %dma_wait3A_70] : memref<128000x128xf32, #tpu.memory_space<hbm>> -> memref<80x128xf32, #tpu.memory_space<hbm>>
        tpu.wait_dma2 semaphore(%arg12 : memref<!tpu.dma_semaphore, #tpu.memory_space<semaphore_mem>>) src(%dma_wait3A_71 : memref<80x128xf32, #tpu.memory_space<hbm>>) dst(%arg8 : memref<80x128xf32, #tpu.memory_space<vmem>>)
        %mul3A_72 = arith.constant 80 : i32
        %mul3A_73 = arith.muli %add3A_55, %mul3A_72 : i32
        %dma_start3A_74 = tpu.memref_slice %arg6[%mul3A_73] : memref<4000xi32, #tpu.memory_space<vmem>> -> memref<80xi32, #tpu.memory_space<vmem>>
        %dma_start3A_75 = arith.constant 0 : i32
        %dma_start3A_76 = arith.constant 0 : i32
        %dma_start3A_77 = tpu.memref_slice %arg5[%dma_start3A_75, %dma_start3A_76] : memref<10240x128xf32, #tpu.memory_space<vmem_shared>> -> memref<10240x128xf32, #tpu.memory_space<vmem_shared>>
        tpu.enqueue_indirect_dma source(%arg8 : memref<80x128xf32, #tpu.memory_space<vmem>>) target(%dma_start3A_77 : memref<10240x128xf32, #tpu.memory_space<vmem_shared>>) offsets(%dma_start3A_74 : memref<80xi32, #tpu.memory_space<vmem>>) semaphore(%arg15 : memref<!tpu.dma_semaphore, #tpu.memory_space<semaphore_mem>>) {add = true}
        %add3A_78 = arith.constant 1 : i32
        %add3A_79 = arith.addi %add3A_55, %add3A_78 : i32
        %lt3A_80 = arith.constant 50 : i32
        %lt3A_81 = arith.cmpi slt, %add3A_79, %lt3A_80 : i32
        %convert_element_type3A_82 = arith.extui %lt3A_81 : i1 to i32
        %cond3A_83 = arith.constant 0 : i32
        %cond3A_84 = arith.cmpi ne, %convert_element_type3A_82, %cond3A_83 : i32
        scf.if %cond3A_84 {
          %ge3A = arith.constant 2 : i32
          %ge3A_85 = arith.cmpi sge, %add3A_55, %ge3A : i32
          %convert_element_type3A_86 = arith.extui %ge3A_85 : i1 to i32
          %cond3A_87 = arith.constant 0 : i32
          %cond3A_88 = arith.cmpi ne, %convert_element_type3A_86, %cond3A_87 : i32
          scf.if %cond3A_88 {
            %dma_wait3A_98 = arith.constant 0 : i32
            %dma_wait3A_99 = tpu.memref_slice %arg2[%mul3A_6, %dma_wait3A_98] : memref<128000x128xf32, #tpu.memory_space<hbm>> -> memref<80x128xf32, #tpu.memory_space<hbm>>
            %dma_wait3A_100 = arith.constant 0 : i32
            %dma_wait3A_101 = tpu.memref_slice %arg2[%mul3A_6, %dma_wait3A_100] : memref<128000x128xf32, #tpu.memory_space<hbm>> -> memref<80x128xf32, #tpu.memory_space<hbm>>
            tpu.wait_dma2 semaphore(%arg16 : memref<!tpu.dma_semaphore, #tpu.memory_space<semaphore_mem>>) src(%dma_wait3A_101 : memref<80x128xf32, #tpu.memory_space<hbm>>) dst(%arg9 : memref<80x128xf32, #tpu.memory_space<vmem>>)
          } else {
          }
          %add3A_89 = arith.constant 1 : i32
          %add3A_90 = arith.addi %add3A_55, %add3A_89 : i32
          %mul3A_91 = arith.constant 80 : i32
          %mul3A_92 = arith.muli %add3A_90, %mul3A_91 : i32
          %add3A_93 = arith.addi %mul3A_6, %mul3A_92 : i32
          %dma_start3A_94 = arith.constant 0 : i32
          %dma_start3A_95 = tpu.memref_slice %arg2[%add3A_93, %dma_start3A_94] : memref<128000x128xf32, #tpu.memory_space<hbm>> -> memref<80x128xf32, #tpu.memory_space<hbm>>
          %dma_start3A_96 = arith.constant 0 : i32
          %dma_start3A_97 = tpu.memref_slice %arg2[%add3A_93, %dma_start3A_96] : memref<128000x128xf32, #tpu.memory_space<hbm>> -> memref<80x128xf32, #tpu.memory_space<hbm>>
          tpu.enqueue_dma source(%dma_start3A_97 : memref<80x128xf32, #tpu.memory_space<hbm>>) target(%arg9 : memref<80x128xf32, #tpu.memory_space<vmem>>) target_semaphore(%arg13 : memref<!tpu.dma_semaphore, #tpu.memory_space<semaphore_mem>>)
        } else {
        }
      } else {
      }
      %add3A_61 = arith.constant 2 : i32
      %add3A_62 = arith.addi %add3A_49, %add3A_61 : i32
      %lt3A_63 = arith.constant 50 : i32
      %lt3A_64 = arith.cmpi slt, %add3A_62, %lt3A_63 : i32
      %convert_element_type3A_65 = arith.extui %lt3A_64 : i1 to i32
      %cond3A_66 = arith.constant 0 : i32
      %cond3A_67 = arith.cmpi ne, %convert_element_type3A_65, %cond3A_66 : i32
      scf.if %cond3A_67 {
        %dma_wait3A_68 = arith.constant 0 : i32
        %dma_wait3A_69 = tpu.memref_slice %arg2[%mul3A_6, %dma_wait3A_68] : memref<128000x128xf32, #tpu.memory_space<hbm>> -> memref<80x128xf32, #tpu.memory_space<hbm>>
        %dma_wait3A_70 = arith.constant 0 : i32
        %dma_wait3A_71 = tpu.memref_slice %arg2[%mul3A_6, %dma_wait3A_70] : memref<128000x128xf32, #tpu.memory_space<hbm>> -> memref<80x128xf32, #tpu.memory_space<hbm>>
        tpu.wait_dma2 semaphore(%arg13 : memref<!tpu.dma_semaphore, #tpu.memory_space<semaphore_mem>>) src(%dma_wait3A_71 : memref<80x128xf32, #tpu.memory_space<hbm>>) dst(%arg9 : memref<80x128xf32, #tpu.memory_space<vmem>>)
        %mul3A_72 = arith.constant 80 : i32
        %mul3A_73 = arith.muli %add3A_62, %mul3A_72 : i32
        %dma_start3A_74 = tpu.memref_slice %arg6[%mul3A_73] : memref<4000xi32, #tpu.memory_space<vmem>> -> memref<80xi32, #tpu.memory_space<vmem>>
        %dma_start3A_75 = arith.constant 0 : i32
        %dma_start3A_76 = arith.constant 0 : i32
        %dma_start3A_77 = tpu.memref_slice %arg5[%dma_start3A_75, %dma_start3A_76] : memref<10240x128xf32, #tpu.memory_space<vmem_shared>> -> memref<10240x128xf32, #tpu.memory_space<vmem_shared>>
        tpu.enqueue_indirect_dma source(%arg9 : memref<80x128xf32, #tpu.memory_space<vmem>>) target(%dma_start3A_77 : memref<10240x128xf32, #tpu.memory_space<vmem_shared>>) offsets(%dma_start3A_74 : memref<80xi32, #tpu.memory_space<vmem>>) semaphore(%arg16 : memref<!tpu.dma_semaphore, #tpu.memory_space<semaphore_mem>>) {add = true}
        %add3A_78 = arith.constant 1 : i32
        %add3A_79 = arith.addi %add3A_62, %add3A_78 : i32
        %lt3A_80 = arith.constant 50 : i32
        %lt3A_81 = arith.cmpi slt, %add3A_79, %lt3A_80 : i32
        %convert_element_type3A_82 = arith.extui %lt3A_81 : i1 to i32
        %cond3A_83 = arith.constant 0 : i32
        %cond3A_84 = arith.cmpi ne, %convert_element_type3A_82, %cond3A_83 : i32
        scf.if %cond3A_84 {
          %ge3A = arith.constant 2 : i32
          %ge3A_85 = arith.cmpi sge, %add3A_62, %ge3A : i32
          %convert_element_type3A_86 = arith.extui %ge3A_85 : i1 to i32
          %cond3A_87 = arith.constant 0 : i32
          %cond3A_88 = arith.cmpi ne, %convert_element_type3A_86, %cond3A_87 : i32
          scf.if %cond3A_88 {
            %dma_wait3A_98 = arith.constant 0 : i32
            %dma_wait3A_99 = tpu.memref_slice %arg2[%mul3A_6, %dma_wait3A_98] : memref<128000x128xf32, #tpu.memory_space<hbm>> -> memref<80x128xf32, #tpu.memory_space<hbm>>
            %dma_wait3A_100 = arith.constant 0 : i32
            %dma_wait3A_101 = tpu.memref_slice %arg2[%mul3A_6, %dma_wait3A_100] : memref<128000x128xf32, #tpu.memory_space<hbm>> -> memref<80x128xf32, #tpu.memory_space<hbm>>
            tpu.wait_dma2 semaphore(%arg14 : memref<!tpu.dma_semaphore, #tpu.memory_space<semaphore_mem>>) src(%dma_wait3A_101 : memref<80x128xf32, #tpu.memory_space<hbm>>) dst(%arg7 : memref<80x128xf32, #tpu.memory_space<vmem>>)
          } else {
          }
          %add3A_89 = arith.constant 1 : i32
          %add3A_90 = arith.addi %add3A_62, %add3A_89 : i32
          %mul3A_91 = arith.constant 80 : i32
          %mul3A_92 = arith.muli %add3A_90, %mul3A_91 : i32
          %add3A_93 = arith.addi %mul3A_6, %mul3A_92 : i32
          %dma_start3A_94 = arith.constant 0 : i32
          %dma_start3A_95 = tpu.memref_slice %arg2[%add3A_93, %dma_start3A_94] : memref<128000x128xf32, #tpu.memory_space<hbm>> -> memref<80x128xf32, #tpu.memory_space<hbm>>
          %dma_start3A_96 = arith.constant 0 : i32
          %dma_start3A_97 = tpu.memref_slice %arg2[%add3A_93, %dma_start3A_96] : memref<128000x128xf32, #tpu.memory_space<hbm>> -> memref<80x128xf32, #tpu.memory_space<hbm>>
          tpu.enqueue_dma source(%dma_start3A_97 : memref<80x128xf32, #tpu.memory_space<hbm>>) target(%arg7 : memref<80x128xf32, #tpu.memory_space<vmem>>) target_semaphore(%arg11 : memref<!tpu.dma_semaphore, #tpu.memory_space<semaphore_mem>>)
        } else {
        }
      } else {
      }
    }
    %scan3A_27 = arith.constant 18 : i32
    %dma_wait3A = arith.constant 0 : i32
    %dma_wait3A_28 = tpu.memref_slice %arg2[%mul3A_6, %dma_wait3A] : memref<128000x128xf32, #tpu.memory_space<hbm>> -> memref<80x128xf32, #tpu.memory_space<hbm>>
    %dma_wait3A_29 = arith.constant 0 : i32
    %dma_wait3A_30 = tpu.memref_slice %arg2[%mul3A_6, %dma_wait3A_29] : memref<128000x128xf32, #tpu.memory_space<hbm>> -> memref<80x128xf32, #tpu.memory_space<hbm>>
    tpu.wait_dma2 semaphore(%arg16 : memref<!tpu.dma_semaphore, #tpu.memory_space<semaphore_mem>>) src(%dma_wait3A_30 : memref<80x128xf32, #tpu.memory_space<hbm>>) dst(%arg9 : memref<80x128xf32, #tpu.memory_space<vmem>>)
    %dma_wait3A_31 = arith.constant 0 : i32
    %dma_wait3A_32 = tpu.memref_slice %arg2[%mul3A_6, %dma_wait3A_31] : memref<128000x128xf32, #tpu.memory_space<hbm>> -> memref<80x128xf32, #tpu.memory_space<hbm>>
    %dma_wait3A_33 = arith.constant 0 : i32
    %dma_wait3A_34 = tpu.memref_slice %arg2[%mul3A_6, %dma_wait3A_33] : memref<128000x128xf32, #tpu.memory_space<hbm>> -> memref<80x128xf32, #tpu.memory_space<hbm>>
    tpu.wait_dma2 semaphore(%arg14 : memref<!tpu.dma_semaphore, #tpu.memory_space<semaphore_mem>>) src(%dma_wait3A_34 : memref<80x128xf32, #tpu.memory_space<hbm>>) dst(%arg7 : memref<80x128xf32, #tpu.memory_space<vmem>>)
    %dma_wait3A_35 = arith.constant 0 : i32
    %dma_wait3A_36 = tpu.memref_slice %arg2[%mul3A_6, %dma_wait3A_35] : memref<128000x128xf32, #tpu.memory_space<hbm>> -> memref<80x128xf32, #tpu.memory_space<hbm>>
    %dma_wait3A_37 = arith.constant 0 : i32
    %dma_wait3A_38 = tpu.memref_slice %arg2[%mul3A_6, %dma_wait3A_37] : memref<128000x128xf32, #tpu.memory_space<hbm>> -> memref<80x128xf32, #tpu.memory_space<hbm>>
    tpu.wait_dma2 semaphore(%arg15 : memref<!tpu.dma_semaphore, #tpu.memory_space<semaphore_mem>>) src(%dma_wait3A_38 : memref<80x128xf32, #tpu.memory_space<hbm>>) dst(%arg8 : memref<80x128xf32, #tpu.memory_space<vmem>>)
    %barrier3A_39 = arith.constant 0 : index
    tpu.barrier barrier_id(%barrier3A_39)
    %scan3A_40 = arith.constant 0 : i32
    %scan3A_41 = arith.constant 10 : i32
    %scan3A_42 = arith.addi %scan3A_40, %scan3A_41 : i32
    %scan3A_43 = arith.constant 1 : i32
    scf.for %scan3A_45 = %scan3A_40 to %scan3A_42 step %scan3A_43  : i32 {
      %mul3A_46 = arith.constant 64 : i32
      %mul3A_47 = arith.muli %scan3A_45, %mul3A_46 : i32
      %add3A_48 = arith.constant 0 : i32
      %add3A_49 = arith.addi %add3A_48, %mul3A_47 : i32
      %add3A_50 = arith.addi %mul3A_12, %add3A_49 : i32
      "tpu.region"() ({
        %run_scoped3A = tpu.sem_alloc : memref<!tpu.dma_semaphore, #tpu.memory_space<semaphore_mem>>
        %dma_start3A_52 = arith.constant 0 : i32
        %dma_start3A_53 = tpu.memref_slice %arg5[%add3A_50, %dma_start3A_52] : memref<10240x128xf32, #tpu.memory_space<vmem_shared>> -> memref<64x128xf32, #tpu.memory_space<vmem_shared>>
        %dma_start3A_54 = arith.constant 0 : i32
        %dma_start3A_55 = tpu.memref_slice %arg5[%add3A_50, %dma_start3A_54] : memref<10240x128xf32, #tpu.memory_space<vmem_shared>> -> memref<64x128xf32, #tpu.memory_space<vmem_shared>>
        tpu.enqueue_dma source(%dma_start3A_55 : memref<64x128xf32, #tpu.memory_space<vmem_shared>>) target(%arg10 : memref<64x128xf32, #tpu.memory_space<vmem>>) target_semaphore(%run_scoped3A : memref<!tpu.dma_semaphore, #tpu.memory_space<semaphore_mem>>)
        %dma_wait3A_56 = arith.constant 0 : i32
        %dma_wait3A_57 = tpu.memref_slice %arg5[%add3A_50, %dma_wait3A_56] : memref<10240x128xf32, #tpu.memory_space<vmem_shared>> -> memref<64x128xf32, #tpu.memory_space<vmem_shared>>
        %dma_wait3A_58 = arith.constant 0 : i32
        %dma_wait3A_59 = tpu.memref_slice %arg5[%add3A_50, %dma_wait3A_58] : memref<10240x128xf32, #tpu.memory_space<vmem_shared>> -> memref<64x128xf32, #tpu.memory_space<vmem_shared>>
        tpu.wait_dma2 semaphore(%run_scoped3A : memref<!tpu.dma_semaphore, #tpu.memory_space<semaphore_mem>>) src(%dma_wait3A_59 : memref<64x128xf32, #tpu.memory_space<vmem_shared>>) dst(%arg10 : memref<64x128xf32, #tpu.memory_space<vmem>>)
        tpu.yield
      }) : () -> ()
      %add3A_51 = arith.addi %mul3A_12, %add3A_49 : i32
      "tpu.region"() ({
        %run_scoped3A = tpu.sem_alloc : memref<!tpu.dma_semaphore, #tpu.memory_space<semaphore_mem>>
        %dma_start3A_52 = arith.constant 0 : i32
        %dma_start3A_53 = tpu.memref_slice %arg4[%arg0, %add3A_51, %dma_start3A_52] : memref<2x10240x128xf32, #tpu.memory_space<hbm>> -> memref<1x64x128xf32, #tpu.memory_space<hbm>>
        %dma_start3A_54 = tpu.memref_squeeze %dma_start3A_53 : memref<1x64x128xf32, #tpu.memory_space<hbm>> -> memref<64x128xf32, #tpu.memory_space<hbm>>
        %dma_start3A_55 = arith.constant 0 : i32
        %dma_start3A_56 = tpu.memref_slice %arg4[%arg0, %add3A_51, %dma_start3A_55] : memref<2x10240x128xf32, #tpu.memory_space<hbm>> -> memref<1x64x128xf32, #tpu.memory_space<hbm>>
        %dma_start3A_57 = tpu.memref_squeeze %dma_start3A_56 : memref<1x64x128xf32, #tpu.memory_space<hbm>> -> memref<64x128xf32, #tpu.memory_space<hbm>>
        tpu.enqueue_dma source(%arg10 : memref<64x128xf32, #tpu.memory_space<vmem>>) target(%dma_start3A_57 : memref<64x128xf32, #tpu.memory_space<hbm>>) target_semaphore(%run_scoped3A : memref<!tpu.dma_semaphore, #tpu.memory_space<semaphore_mem>>)
        %dma_wait3A_58 = arith.constant 0 : i32
        %dma_wait3A_59 = tpu.memref_slice %arg4[%arg0, %add3A_51, %dma_wait3A_58] : memref<2x10240x128xf32, #tpu.memory_space<hbm>> -> memref<1x64x128xf32, #tpu.memory_space<hbm>>
        %dma_wait3A_60 = tpu.memref_squeeze %dma_wait3A_59 : memref<1x64x128xf32, #tpu.memory_space<hbm>> -> memref<64x128xf32, #tpu.memory_space<hbm>>
        %dma_wait3A_61 = arith.constant 0 : i32
        %dma_wait3A_62 = tpu.memref_slice %arg4[%arg0, %add3A_51, %dma_wait3A_61] : memref<2x10240x128xf32, #tpu.memory_space<hbm>> -> memref<1x64x128xf32, #tpu.memory_space<hbm>>
        %dma_wait3A_63 = tpu.memref_squeeze %dma_wait3A_62 : memref<1x64x128xf32, #tpu.memory_space<hbm>> -> memref<64x128xf32, #tpu.memory_space<hbm>>
        tpu.wait_dma2 semaphore(%run_scoped3A : memref<!tpu.dma_semaphore, #tpu.memory_space<semaphore_mem>>) src(%arg10 : memref<64x128xf32, #tpu.memory_space<vmem>>) dst(%dma_wait3A_63 : memref<64x128xf32, #tpu.memory_space<hbm>>)
        tpu.yield
      }) : () -> ()
    }
    %scan3A_44 = arith.constant 10 : i32
    return
  }
}

#map = affine_map<(d0, d1) -> (0, 0)>
#map1 = affine_map<(d0, d1) -> (0)>
module attributes {stable_mosaic.version = 14 : i64} {
  func.func @sc_edge(%arg0: i32, %arg1: i32, %arg2: memref<10000x128xf32, #tpu.memory_space<hbm>>, %arg3: memref<10000x128xf32, #tpu.memory_space<hbm>>, %arg4: memref<320000xi32, #tpu.memory_space<hbm>>, %arg5: memref<320000xi32, #tpu.memory_space<hbm>>, %arg6: memref<128000x128xf32, #tpu.memory_space<hbm>>, %arg7: memref<4000xi32, #tpu.memory_space<vmem>>, %arg8: memref<4000xi32, #tpu.memory_space<vmem>>, %arg9: memref<80x128xf32, #tpu.memory_space<vmem>>, %arg10: memref<80x128xf32, #tpu.memory_space<vmem>>, %arg11: memref<80x128xf32, #tpu.memory_space<vmem>>, %arg12: memref<80x128xf32, #tpu.memory_space<vmem>>, %arg13: memref<80x128xf32, #tpu.memory_space<vmem>>, %arg14: memref<80x128xf32, #tpu.memory_space<vmem>>, %arg15: memref<80x128xf32, #tpu.memory_space<vmem>>, %arg16: memref<80x128xf32, #tpu.memory_space<vmem>>, %arg17: memref<80x128xf32, #tpu.memory_space<vmem>>, %arg18: memref<!tpu.dma_semaphore, #tpu.memory_space<semaphore_mem>>, %arg19: memref<!tpu.dma_semaphore, #tpu.memory_space<semaphore_mem>>, %arg20: memref<!tpu.dma_semaphore, #tpu.memory_space<semaphore_mem>>, %arg21: memref<!tpu.dma_semaphore, #tpu.memory_space<semaphore_mem>>, %arg22: memref<!tpu.dma_semaphore, #tpu.memory_space<semaphore_mem>>, %arg23: memref<!tpu.dma_semaphore, #tpu.memory_space<semaphore_mem>>, %arg24: memref<!tpu.dma_semaphore, #tpu.memory_space<semaphore_mem>>, %arg25: memref<!tpu.dma_semaphore, #tpu.memory_space<semaphore_mem>>, %arg26: memref<!tpu.dma_semaphore, #tpu.memory_space<semaphore_mem>>) attributes {dimension_semantics = [#tpu.dimension_semantics<core_parallel>, #tpu.dimension_semantics<subcore_parallel>], iteration_bounds = array<i64: 2, 16>, scalar_prefetch = 0 : i64, scratch_operands = 20 : i64, tpu.core_type = #tpu.core_type<sc_vector_subcore>, window_params = [{transform_indices = #map}, {transform_indices = #map}, {transform_indices = #map1}, {transform_indices = #map1}, {transform_indices = #map}]} {
    %mul3A = arith.constant 2 : i32
    %mul3A_0 = arith.muli %arg1, %mul3A : i32
    %add3A = arith.addi %mul3A_0, %arg0 : i32
    %mul3A_1 = arith.constant 4000 : i32
    %mul3A_2 = arith.muli %add3A, %mul3A_1 : i32
    %add3A_3 = arith.constant 192000 : i32
    %add3A_4 = arith.addi %add3A_3, %mul3A_2 : i32
    %mul3A_5 = arith.constant 4000 : i32
    %mul3A_6 = arith.muli %add3A, %mul3A_5 : i32
    "tpu.region"() ({
      %run_scoped3A = tpu.sem_alloc : memref<!tpu.dma_semaphore, #tpu.memory_space<semaphore_mem>>
      %dma_start3A_41 = tpu.memref_slice %arg4[%add3A_4] : memref<320000xi32, #tpu.memory_space<hbm>> -> memref<4000xi32, #tpu.memory_space<hbm>>
      %dma_start3A_42 = tpu.memref_slice %arg4[%add3A_4] : memref<320000xi32, #tpu.memory_space<hbm>> -> memref<4000xi32, #tpu.memory_space<hbm>>
      tpu.enqueue_dma source(%dma_start3A_42 : memref<4000xi32, #tpu.memory_space<hbm>>) target(%arg7 : memref<4000xi32, #tpu.memory_space<vmem>>) target_semaphore(%run_scoped3A : memref<!tpu.dma_semaphore, #tpu.memory_space<semaphore_mem>>)
      %dma_wait3A_43 = tpu.memref_slice %arg4[%add3A_4] : memref<320000xi32, #tpu.memory_space<hbm>> -> memref<4000xi32, #tpu.memory_space<hbm>>
      %dma_wait3A_44 = tpu.memref_slice %arg4[%add3A_4] : memref<320000xi32, #tpu.memory_space<hbm>> -> memref<4000xi32, #tpu.memory_space<hbm>>
      tpu.wait_dma2 semaphore(%run_scoped3A : memref<!tpu.dma_semaphore, #tpu.memory_space<semaphore_mem>>) src(%dma_wait3A_44 : memref<4000xi32, #tpu.memory_space<hbm>>) dst(%arg7 : memref<4000xi32, #tpu.memory_space<vmem>>)
      tpu.yield
    }) : () -> ()
    "tpu.region"() ({
      %run_scoped3A = tpu.sem_alloc : memref<!tpu.dma_semaphore, #tpu.memory_space<semaphore_mem>>
      %dma_start3A_41 = tpu.memref_slice %arg5[%add3A_4] : memref<320000xi32, #tpu.memory_space<hbm>> -> memref<4000xi32, #tpu.memory_space<hbm>>
      %dma_start3A_42 = tpu.memref_slice %arg5[%add3A_4] : memref<320000xi32, #tpu.memory_space<hbm>> -> memref<4000xi32, #tpu.memory_space<hbm>>
      tpu.enqueue_dma source(%dma_start3A_42 : memref<4000xi32, #tpu.memory_space<hbm>>) target(%arg8 : memref<4000xi32, #tpu.memory_space<vmem>>) target_semaphore(%run_scoped3A : memref<!tpu.dma_semaphore, #tpu.memory_space<semaphore_mem>>)
      %dma_wait3A_43 = tpu.memref_slice %arg5[%add3A_4] : memref<320000xi32, #tpu.memory_space<hbm>> -> memref<4000xi32, #tpu.memory_space<hbm>>
      %dma_wait3A_44 = tpu.memref_slice %arg5[%add3A_4] : memref<320000xi32, #tpu.memory_space<hbm>> -> memref<4000xi32, #tpu.memory_space<hbm>>
      tpu.wait_dma2 semaphore(%run_scoped3A : memref<!tpu.dma_semaphore, #tpu.memory_space<semaphore_mem>>) src(%dma_wait3A_44 : memref<4000xi32, #tpu.memory_space<hbm>>) dst(%arg8 : memref<4000xi32, #tpu.memory_space<vmem>>)
      tpu.yield
    }) : () -> ()
    %dma_start3A = arith.constant 0 : i32
    %dma_start3A_7 = tpu.memref_slice %arg7[%dma_start3A] : memref<4000xi32, #tpu.memory_space<vmem>> -> memref<80xi32, #tpu.memory_space<vmem>>
    %dma_start3A_8 = arith.constant 0 : i32
    %dma_start3A_9 = arith.constant 0 : i32
    %dma_start3A_10 = tpu.memref_slice %arg2[%dma_start3A_8, %dma_start3A_9] : memref<10000x128xf32, #tpu.memory_space<hbm>> -> memref<10000x128xf32, #tpu.memory_space<hbm>>
    tpu.enqueue_indirect_dma source(%dma_start3A_10 : memref<10000x128xf32, #tpu.memory_space<hbm>>) target(%arg9 : memref<80x128xf32, #tpu.memory_space<vmem>>) offsets(%dma_start3A_7 : memref<80xi32, #tpu.memory_space<vmem>>) semaphore(%arg18 : memref<!tpu.dma_semaphore, #tpu.memory_space<semaphore_mem>>)
    %dma_start3A_11 = arith.constant 0 : i32
    %dma_start3A_12 = tpu.memref_slice %arg8[%dma_start3A_11] : memref<4000xi32, #tpu.memory_space<vmem>> -> memref<80xi32, #tpu.memory_space<vmem>>
    %dma_start3A_13 = arith.constant 0 : i32
    %dma_start3A_14 = arith.constant 0 : i32
    %dma_start3A_15 = tpu.memref_slice %arg3[%dma_start3A_13, %dma_start3A_14] : memref<10000x128xf32, #tpu.memory_space<hbm>> -> memref<10000x128xf32, #tpu.memory_space<hbm>>
    tpu.enqueue_indirect_dma source(%dma_start3A_15 : memref<10000x128xf32, #tpu.memory_space<hbm>>) target(%arg12 : memref<80x128xf32, #tpu.memory_space<vmem>>) offsets(%dma_start3A_12 : memref<80xi32, #tpu.memory_space<vmem>>) semaphore(%arg21 : memref<!tpu.dma_semaphore, #tpu.memory_space<semaphore_mem>>)
    %dma_start3A_16 = arith.constant 80 : i32
    %dma_start3A_17 = tpu.memref_slice %arg7[%dma_start3A_16] : memref<4000xi32, #tpu.memory_space<vmem>> -> memref<80xi32, #tpu.memory_space<vmem>>
    %dma_start3A_18 = arith.constant 0 : i32
    %dma_start3A_19 = arith.constant 0 : i32
    %dma_start3A_20 = tpu.memref_slice %arg2[%dma_start3A_18, %dma_start3A_19] : memref<10000x128xf32, #tpu.memory_space<hbm>> -> memref<10000x128xf32, #tpu.memory_space<hbm>>
    tpu.enqueue_indirect_dma source(%dma_start3A_20 : memref<10000x128xf32, #tpu.memory_space<hbm>>) target(%arg10 : memref<80x128xf32, #tpu.memory_space<vmem>>) offsets(%dma_start3A_17 : memref<80xi32, #tpu.memory_space<vmem>>) semaphore(%arg19 : memref<!tpu.dma_semaphore, #tpu.memory_space<semaphore_mem>>)
    %dma_start3A_21 = arith.constant 80 : i32
    %dma_start3A_22 = tpu.memref_slice %arg8[%dma_start3A_21] : memref<4000xi32, #tpu.memory_space<vmem>> -> memref<80xi32, #tpu.memory_space<vmem>>
    %dma_start3A_23 = arith.constant 0 : i32
    %dma_start3A_24 = arith.constant 0 : i32
    %dma_start3A_25 = tpu.memref_slice %arg3[%dma_start3A_23, %dma_start3A_24] : memref<10000x128xf32, #tpu.memory_space<hbm>> -> memref<10000x128xf32, #tpu.memory_space<hbm>>
    tpu.enqueue_indirect_dma source(%dma_start3A_25 : memref<10000x128xf32, #tpu.memory_space<hbm>>) target(%arg13 : memref<80x128xf32, #tpu.memory_space<vmem>>) offsets(%dma_start3A_22 : memref<80xi32, #tpu.memory_space<vmem>>) semaphore(%arg22 : memref<!tpu.dma_semaphore, #tpu.memory_space<semaphore_mem>>)
    %scan3A = arith.constant 0 : i32
    %scan3A_26 = arith.constant 18 : i32
    %scan3A_27 = arith.addi %scan3A, %scan3A_26 : i32
    %scan3A_28 = arith.constant 1 : i32
    scf.for %scan3A_41 = %scan3A to %scan3A_27 step %scan3A_28  : i32 {
      %mul3A_42 = arith.constant 3 : i32
      %mul3A_43 = arith.muli %scan3A_41, %mul3A_42 : i32
      %add3A_44 = arith.constant 0 : i32
      %add3A_45 = arith.addi %add3A_44, %mul3A_43 : i32
      %add3A_46 = arith.constant 0 : i32
      %add3A_47 = arith.addi %add3A_45, %add3A_46 : i32
      %lt3A = arith.constant 50 : i32
      %lt3A_48 = arith.cmpi slt, %add3A_47, %lt3A : i32
      %convert_element_type3A = arith.extui %lt3A_48 : i1 to i32
      %cond3A = arith.constant 0 : i32
      %cond3A_49 = arith.cmpi ne, %convert_element_type3A, %cond3A : i32
      scf.if %cond3A_49 {
        %add3A_64 = arith.constant 2 : i32
        %add3A_65 = arith.addi %add3A_47, %add3A_64 : i32
        %lt3A_66 = arith.constant 50 : i32
        %lt3A_67 = arith.cmpi slt, %add3A_65, %lt3A_66 : i32
        %convert_element_type3A_68 = arith.extui %lt3A_67 : i1 to i32
        %cond3A_69 = arith.constant 0 : i32
        %cond3A_70 = arith.cmpi ne, %convert_element_type3A_68, %cond3A_69 : i32
        scf.if %cond3A_70 {
          %add3A_99 = arith.constant 2 : i32
          %add3A_100 = arith.addi %add3A_47, %add3A_99 : i32
          %mul3A_101 = arith.constant 80 : i32
          %mul3A_102 = arith.muli %add3A_100, %mul3A_101 : i32
          %dma_start3A_103 = tpu.memref_slice %arg7[%mul3A_102] : memref<4000xi32, #tpu.memory_space<vmem>> -> memref<80xi32, #tpu.memory_space<vmem>>
          %dma_start3A_104 = arith.constant 0 : i32
          %dma_start3A_105 = arith.constant 0 : i32
          %dma_start3A_106 = tpu.memref_slice %arg2[%dma_start3A_104, %dma_start3A_105] : memref<10000x128xf32, #tpu.memory_space<hbm>> -> memref<10000x128xf32, #tpu.memory_space<hbm>>
          tpu.enqueue_indirect_dma source(%dma_start3A_106 : memref<10000x128xf32, #tpu.memory_space<hbm>>) target(%arg11 : memref<80x128xf32, #tpu.memory_space<vmem>>) offsets(%dma_start3A_103 : memref<80xi32, #tpu.memory_space<vmem>>) semaphore(%arg20 : memref<!tpu.dma_semaphore, #tpu.memory_space<semaphore_mem>>)
          %dma_start3A_107 = tpu.memref_slice %arg8[%mul3A_102] : memref<4000xi32, #tpu.memory_space<vmem>> -> memref<80xi32, #tpu.memory_space<vmem>>
          %dma_start3A_108 = arith.constant 0 : i32
          %dma_start3A_109 = arith.constant 0 : i32
          %dma_start3A_110 = tpu.memref_slice %arg3[%dma_start3A_108, %dma_start3A_109] : memref<10000x128xf32, #tpu.memory_space<hbm>> -> memref<10000x128xf32, #tpu.memory_space<hbm>>
          tpu.enqueue_indirect_dma source(%dma_start3A_110 : memref<10000x128xf32, #tpu.memory_space<hbm>>) target(%arg14 : memref<80x128xf32, #tpu.memory_space<vmem>>) offsets(%dma_start3A_107 : memref<80xi32, #tpu.memory_space<vmem>>) semaphore(%arg23 : memref<!tpu.dma_semaphore, #tpu.memory_space<semaphore_mem>>)
        } else {
        }
        %dma_wait3A_71 = arith.constant 0 : i32
        %dma_wait3A_72 = arith.constant 0 : i32
        %dma_wait3A_73 = tpu.memref_slice %arg2[%dma_wait3A_71, %dma_wait3A_72] : memref<10000x128xf32, #tpu.memory_space<hbm>> -> memref<80x128xf32, #tpu.memory_space<hbm>>
        %dma_wait3A_74 = arith.constant 0 : i32
        %dma_wait3A_75 = arith.constant 0 : i32
        %dma_wait3A_76 = tpu.memref_slice %arg2[%dma_wait3A_74, %dma_wait3A_75] : memref<10000x128xf32, #tpu.memory_space<hbm>> -> memref<80x128xf32, #tpu.memory_space<hbm>>
        tpu.wait_dma2 semaphore(%arg18 : memref<!tpu.dma_semaphore, #tpu.memory_space<semaphore_mem>>) src(%dma_wait3A_76 : memref<80x128xf32, #tpu.memory_space<hbm>>) dst(%arg9 : memref<80x128xf32, #tpu.memory_space<vmem>>)
        %dma_wait3A_77 = arith.constant 0 : i32
        %dma_wait3A_78 = arith.constant 0 : i32
        %dma_wait3A_79 = tpu.memref_slice %arg3[%dma_wait3A_77, %dma_wait3A_78] : memref<10000x128xf32, #tpu.memory_space<hbm>> -> memref<80x128xf32, #tpu.memory_space<hbm>>
        %dma_wait3A_80 = arith.constant 0 : i32
        %dma_wait3A_81 = arith.constant 0 : i32
        %dma_wait3A_82 = tpu.memref_slice %arg3[%dma_wait3A_80, %dma_wait3A_81] : memref<10000x128xf32, #tpu.memory_space<hbm>> -> memref<80x128xf32, #tpu.memory_space<hbm>>
        tpu.wait_dma2 semaphore(%arg21 : memref<!tpu.dma_semaphore, #tpu.memory_space<semaphore_mem>>) src(%dma_wait3A_82 : memref<80x128xf32, #tpu.memory_space<hbm>>) dst(%arg12 : memref<80x128xf32, #tpu.memory_space<vmem>>)
        %ge3A = arith.constant 3 : i32
        %ge3A_83 = arith.cmpi sge, %add3A_47, %ge3A : i32
        %convert_element_type3A_84 = arith.extui %ge3A_83 : i1 to i32
        %cond3A_85 = arith.constant 0 : i32
        %cond3A_86 = arith.cmpi ne, %convert_element_type3A_84, %cond3A_85 : i32
        scf.if %cond3A_86 {
          %dma_wait3A_99 = arith.constant 0 : i32
          %dma_wait3A_100 = tpu.memref_slice %arg6[%mul3A_6, %dma_wait3A_99] : memref<128000x128xf32, #tpu.memory_space<hbm>> -> memref<80x128xf32, #tpu.memory_space<hbm>>
          %dma_wait3A_101 = arith.constant 0 : i32
          %dma_wait3A_102 = tpu.memref_slice %arg6[%mul3A_6, %dma_wait3A_101] : memref<128000x128xf32, #tpu.memory_space<hbm>> -> memref<80x128xf32, #tpu.memory_space<hbm>>
          tpu.wait_dma2 semaphore(%arg24 : memref<!tpu.dma_semaphore, #tpu.memory_space<semaphore_mem>>) src(%arg15 : memref<80x128xf32, #tpu.memory_space<vmem>>) dst(%dma_wait3A_102 : memref<80x128xf32, #tpu.memory_space<hbm>>)
        } else {
        }
        %scan3A_87 = arith.constant 0 : i32
        %scan3A_88 = arith.constant 40 : i32
        %scan3A_89 = arith.addi %scan3A_87, %scan3A_88 : i32
        %scan3A_90 = arith.constant 1 : i32
        scf.for %scan3A_99 = %scan3A_87 to %scan3A_89 step %scan3A_90  : i32 {
          %mul3A_100 = arith.constant 2 : i32
          %mul3A_101 = arith.muli %scan3A_99, %mul3A_100 : i32
          %add3A_102 = arith.constant 0 : i32
          %add3A_103 = arith.addi %add3A_102, %mul3A_101 : i32
          %add3A_104 = arith.constant 0 : i32
          %add3A_105 = arith.addi %add3A_103, %add3A_104 : i32
          %get3A = arith.index_cast %add3A_105 : i32 to index
          %get3A_106 = arith.constant 0 : index
          %get3A_107 = tpu.vector_load %arg9[%get3A, %get3A_106] {strides = array<i32>} : memref<80x128xf32, #tpu.memory_space<vmem>>, vector<1x16xf32>,
          %get3A_108 = vector.shape_cast %get3A_107 : vector<1x16xf32> to vector<1x16xf32>
          %add3A_109 = arith.constant 0 : i32
          %add3A_110 = arith.addi %add3A_103, %add3A_109 : i32
          %get3A_111 = arith.index_cast %add3A_110 : i32 to index
          %get3A_112 = arith.constant 0 : index
          %get3A_113 = tpu.vector_load %arg12[%get3A_111, %get3A_112] {strides = array<i32>} : memref<80x128xf32, #tpu.memory_space<vmem>>, vector<1x16xf32>,
          %get3A_114 = vector.shape_cast %get3A_113 : vector<1x16xf32> to vector<1x16xf32>
          %add3A_115 = arith.addf %get3A_108, %get3A_114 : vector<1x16xf32>
          %max3A = arith.constant 0.000000e+00 : f32
          %max3A_116 = vector.broadcast %max3A : f32 to vector<1x16xf32>
          %max3A_117 = arith.maximumf %add3A_115, %max3A_116 : vector<1x16xf32>
          %add3A_118 = arith.constant 0 : i32
          %add3A_119 = arith.addi %add3A_103, %add3A_118 : i32
          %swap3A = arith.index_cast %add3A_119 : i32 to index
          %swap3A_120 = arith.constant 0 : index
          %swap3A_121 = tpu.vector_load %arg15[%swap3A, %swap3A_120] {strides = array<i32>} : memref<80x128xf32, #tpu.memory_space<vmem>>, vector<1x16xf32>,
          %swap3A_122 = vector.shape_cast %swap3A_121 : vector<1x16xf32> to vector<1x16xf32>
          %swap3A_123 = vector.shape_cast %max3A_117 : vector<1x16xf32> to vector<1x16xf32>
          tpu.vector_store %arg15[%swap3A, %swap3A_120], %swap3A_123 {strides = array<i32>} : memref<80x128xf32, #tpu.memory_space<vmem>>, vector<1x16xf32>,
          %add3A_124 = arith.constant 0 : i32
          %add3A_125 = arith.addi %add3A_103, %add3A_124 : i32
          %get3A_126 = arith.index_cast %add3A_125 : i32 to index
          %get3A_127 = arith.constant 16 : index
          %get3A_128 = tpu.vector_load %arg9[%get3A_126, %get3A_127] {strides = array<i32>} : memref<80x128xf32, #tpu.memory_space<vmem>>, vector<1x16xf32>,
          %get3A_129 = vector.shape_cast %get3A_128 : vector<1x16xf32> to vector<1x16xf32>
          %add3A_130 = arith.constant 0 : i32
          %add3A_131 = arith.addi %add3A_103, %add3A_130 : i32
          %get3A_132 = arith.index_cast %add3A_131 : i32 to index
          %get3A_133 = arith.constant 16 : index
          %get3A_134 = tpu.vector_load %arg12[%get3A_132, %get3A_133] {strides = array<i32>} : memref<80x128xf32, #tpu.memory_space<vmem>>, vector<1x16xf32>,
          %get3A_135 = vector.shape_cast %get3A_134 : vector<1x16xf32> to vector<1x16xf32>
          %add3A_136 = arith.addf %get3A_129, %get3A_135 : vector<1x16xf32>
          %max3A_137 = arith.constant 0.000000e+00 : f32
          %max3A_138 = vector.broadcast %max3A_137 : f32 to vector<1x16xf32>
          %max3A_139 = arith.maximumf %add3A_136, %max3A_138 : vector<1x16xf32>
          %add3A_140 = arith.constant 0 : i32
          %add3A_141 = arith.addi %add3A_103, %add3A_140 : i32
          %swap3A_142 = arith.index_cast %add3A_141 : i32 to index
          %swap3A_143 = arith.constant 16 : index
          %swap3A_144 = tpu.vector_load %arg15[%swap3A_142, %swap3A_143] {strides = array<i32>} : memref<80x128xf32, #tpu.memory_space<vmem>>, vector<1x16xf32>,
          %swap3A_145 = vector.shape_cast %swap3A_144 : vector<1x16xf32> to vector<1x16xf32>
          %swap3A_146 = vector.shape_cast %max3A_139 : vector<1x16xf32> to vector<1x16xf32>
          tpu.vector_store %arg15[%swap3A_142, %swap3A_143], %swap3A_146 {strides = array<i32>} : memref<80x128xf32, #tpu.memory_space<vmem>>, vector<1x16xf32>,
          %add3A_147 = arith.constant 0 : i32
          %add3A_148 = arith.addi %add3A_103, %add3A_147 : i32
          %get3A_149 = arith.index_cast %add3A_148 : i32 to index
          %get3A_150 = arith.constant 32 : index
          %get3A_151 = tpu.vector_load %arg9[%get3A_149, %get3A_150] {strides = array<i32>} : memref<80x128xf32, #tpu.memory_space<vmem>>, vector<1x16xf32>,
          %get3A_152 = vector.shape_cast %get3A_151 : vector<1x16xf32> to vector<1x16xf32>
          %add3A_153 = arith.constant 0 : i32
          %add3A_154 = arith.addi %add3A_103, %add3A_153 : i32
          %get3A_155 = arith.index_cast %add3A_154 : i32 to index
          %get3A_156 = arith.constant 32 : index
          %get3A_157 = tpu.vector_load %arg12[%get3A_155, %get3A_156] {strides = array<i32>} : memref<80x128xf32, #tpu.memory_space<vmem>>, vector<1x16xf32>,
          %get3A_158 = vector.shape_cast %get3A_157 : vector<1x16xf32> to vector<1x16xf32>
          %add3A_159 = arith.addf %get3A_152, %get3A_158 : vector<1x16xf32>
          %max3A_160 = arith.constant 0.000000e+00 : f32
          %max3A_161 = vector.broadcast %max3A_160 : f32 to vector<1x16xf32>
          %max3A_162 = arith.maximumf %add3A_159, %max3A_161 : vector<1x16xf32>
          %add3A_163 = arith.constant 0 : i32
          %add3A_164 = arith.addi %add3A_103, %add3A_163 : i32
          %swap3A_165 = arith.index_cast %add3A_164 : i32 to index
          %swap3A_166 = arith.constant 32 : index
          %swap3A_167 = tpu.vector_load %arg15[%swap3A_165, %swap3A_166] {strides = array<i32>} : memref<80x128xf32, #tpu.memory_space<vmem>>, vector<1x16xf32>,
          %swap3A_168 = vector.shape_cast %swap3A_167 : vector<1x16xf32> to vector<1x16xf32>
          %swap3A_169 = vector.shape_cast %max3A_162 : vector<1x16xf32> to vector<1x16xf32>
          tpu.vector_store %arg15[%swap3A_165, %swap3A_166], %swap3A_169 {strides = array<i32>} : memref<80x128xf32, #tpu.memory_space<vmem>>, vector<1x16xf32>,
          %add3A_170 = arith.constant 0 : i32
          %add3A_171 = arith.addi %add3A_103, %add3A_170 : i32
          %get3A_172 = arith.index_cast %add3A_171 : i32 to index
          %get3A_173 = arith.constant 48 : index
          %get3A_174 = tpu.vector_load %arg9[%get3A_172, %get3A_173] {strides = array<i32>} : memref<80x128xf32, #tpu.memory_space<vmem>>, vector<1x16xf32>,
          %get3A_175 = vector.shape_cast %get3A_174 : vector<1x16xf32> to vector<1x16xf32>
          %add3A_176 = arith.constant 0 : i32
          %add3A_177 = arith.addi %add3A_103, %add3A_176 : i32
          %get3A_178 = arith.index_cast %add3A_177 : i32 to index
          %get3A_179 = arith.constant 48 : index
          %get3A_180 = tpu.vector_load %arg12[%get3A_178, %get3A_179] {strides = array<i32>} : memref<80x128xf32, #tpu.memory_space<vmem>>, vector<1x16xf32>,
          %get3A_181 = vector.shape_cast %get3A_180 : vector<1x16xf32> to vector<1x16xf32>
          %add3A_182 = arith.addf %get3A_175, %get3A_181 : vector<1x16xf32>
          %max3A_183 = arith.constant 0.000000e+00 : f32
          %max3A_184 = vector.broadcast %max3A_183 : f32 to vector<1x16xf32>
          %max3A_185 = arith.maximumf %add3A_182, %max3A_184 : vector<1x16xf32>
          %add3A_186 = arith.constant 0 : i32
          %add3A_187 = arith.addi %add3A_103, %add3A_186 : i32
          %swap3A_188 = arith.index_cast %add3A_187 : i32 to index
          %swap3A_189 = arith.constant 48 : index
          %swap3A_190 = tpu.vector_load %arg15[%swap3A_188, %swap3A_189] {strides = array<i32>} : memref<80x128xf32, #tpu.memory_space<vmem>>, vector<1x16xf32>,
          %swap3A_191 = vector.shape_cast %swap3A_190 : vector<1x16xf32> to vector<1x16xf32>
          %swap3A_192 = vector.shape_cast %max3A_185 : vector<1x16xf32> to vector<1x16xf32>
          tpu.vector_store %arg15[%swap3A_188, %swap3A_189], %swap3A_192 {strides = array<i32>} : memref<80x128xf32, #tpu.memory_space<vmem>>, vector<1x16xf32>,
          %add3A_193 = arith.constant 0 : i32
          %add3A_194 = arith.addi %add3A_103, %add3A_193 : i32
          %get3A_195 = arith.index_cast %add3A_194 : i32 to index
          %get3A_196 = arith.constant 64 : index
          %get3A_197 = tpu.vector_load %arg9[%get3A_195, %get3A_196] {strides = array<i32>} : memref<80x128xf32, #tpu.memory_space<vmem>>, vector<1x16xf32>,
          %get3A_198 = vector.shape_cast %get3A_197 : vector<1x16xf32> to vector<1x16xf32>
          %add3A_199 = arith.constant 0 : i32
          %add3A_200 = arith.addi %add3A_103, %add3A_199 : i32
          %get3A_201 = arith.index_cast %add3A_200 : i32 to index
          %get3A_202 = arith.constant 64 : index
          %get3A_203 = tpu.vector_load %arg12[%get3A_201, %get3A_202] {strides = array<i32>} : memref<80x128xf32, #tpu.memory_space<vmem>>, vector<1x16xf32>,
          %get3A_204 = vector.shape_cast %get3A_203 : vector<1x16xf32> to vector<1x16xf32>
          %add3A_205 = arith.addf %get3A_198, %get3A_204 : vector<1x16xf32>
          %max3A_206 = arith.constant 0.000000e+00 : f32
          %max3A_207 = vector.broadcast %max3A_206 : f32 to vector<1x16xf32>
          %max3A_208 = arith.maximumf %add3A_205, %max3A_207 : vector<1x16xf32>
          %add3A_209 = arith.constant 0 : i32
          %add3A_210 = arith.addi %add3A_103, %add3A_209 : i32
          %swap3A_211 = arith.index_cast %add3A_210 : i32 to index
          %swap3A_212 = arith.constant 64 : index
          %swap3A_213 = tpu.vector_load %arg15[%swap3A_211, %swap3A_212] {strides = array<i32>} : memref<80x128xf32, #tpu.memory_space<vmem>>, vector<1x16xf32>,
          %swap3A_214 = vector.shape_cast %swap3A_213 : vector<1x16xf32> to vector<1x16xf32>
          %swap3A_215 = vector.shape_cast %max3A_208 : vector<1x16xf32> to vector<1x16xf32>
          tpu.vector_store %arg15[%swap3A_211, %swap3A_212], %swap3A_215 {strides = array<i32>} : memref<80x128xf32, #tpu.memory_space<vmem>>, vector<1x16xf32>,
          %add3A_216 = arith.constant 0 : i32
          %add3A_217 = arith.addi %add3A_103, %add3A_216 : i32
          %get3A_218 = arith.index_cast %add3A_217 : i32 to index
          %get3A_219 = arith.constant 80 : index
          %get3A_220 = tpu.vector_load %arg9[%get3A_218, %get3A_219] {strides = array<i32>} : memref<80x128xf32, #tpu.memory_space<vmem>>, vector<1x16xf32>,
          %get3A_221 = vector.shape_cast %get3A_220 : vector<1x16xf32> to vector<1x16xf32>
          %add3A_222 = arith.constant 0 : i32
          %add3A_223 = arith.addi %add3A_103, %add3A_222 : i32
          %get3A_224 = arith.index_cast %add3A_223 : i32 to index
          %get3A_225 = arith.constant 80 : index
          %get3A_226 = tpu.vector_load %arg12[%get3A_224, %get3A_225] {strides = array<i32>} : memref<80x128xf32, #tpu.memory_space<vmem>>, vector<1x16xf32>,
          %get3A_227 = vector.shape_cast %get3A_226 : vector<1x16xf32> to vector<1x16xf32>
          %add3A_228 = arith.addf %get3A_221, %get3A_227 : vector<1x16xf32>
          %max3A_229 = arith.constant 0.000000e+00 : f32
          %max3A_230 = vector.broadcast %max3A_229 : f32 to vector<1x16xf32>
          %max3A_231 = arith.maximumf %add3A_228, %max3A_230 : vector<1x16xf32>
          %add3A_232 = arith.constant 0 : i32
          %add3A_233 = arith.addi %add3A_103, %add3A_232 : i32
          %swap3A_234 = arith.index_cast %add3A_233 : i32 to index
          %swap3A_235 = arith.constant 80 : index
          %swap3A_236 = tpu.vector_load %arg15[%swap3A_234, %swap3A_235] {strides = array<i32>} : memref<80x128xf32, #tpu.memory_space<vmem>>, vector<1x16xf32>,
          %swap3A_237 = vector.shape_cast %swap3A_236 : vector<1x16xf32> to vector<1x16xf32>
          %swap3A_238 = vector.shape_cast %max3A_231 : vector<1x16xf32> to vector<1x16xf32>
          tpu.vector_store %arg15[%swap3A_234, %swap3A_235], %swap3A_238 {strides = array<i32>} : memref<80x128xf32, #tpu.memory_space<vmem>>, vector<1x16xf32>,
          %add3A_239 = arith.constant 0 : i32
          %add3A_240 = arith.addi %add3A_103, %add3A_239 : i32
          %get3A_241 = arith.index_cast %add3A_240 : i32 to index
          %get3A_242 = arith.constant 96 : index
          %get3A_243 = tpu.vector_load %arg9[%get3A_241, %get3A_242] {strides = array<i32>} : memref<80x128xf32, #tpu.memory_space<vmem>>, vector<1x16xf32>,
          %get3A_244 = vector.shape_cast %get3A_243 : vector<1x16xf32> to vector<1x16xf32>
          %add3A_245 = arith.constant 0 : i32
          %add3A_246 = arith.addi %add3A_103, %add3A_245 : i32
          %get3A_247 = arith.index_cast %add3A_246 : i32 to index
          %get3A_248 = arith.constant 96 : index
          %get3A_249 = tpu.vector_load %arg12[%get3A_247, %get3A_248] {strides = array<i32>} : memref<80x128xf32, #tpu.memory_space<vmem>>, vector<1x16xf32>,
          %get3A_250 = vector.shape_cast %get3A_249 : vector<1x16xf32> to vector<1x16xf32>
          %add3A_251 = arith.addf %get3A_244, %get3A_250 : vector<1x16xf32>
          %max3A_252 = arith.constant 0.000000e+00 : f32
          %max3A_253 = vector.broadcast %max3A_252 : f32 to vector<1x16xf32>
          %max3A_254 = arith.maximumf %add3A_251, %max3A_253 : vector<1x16xf32>
          %add3A_255 = arith.constant 0 : i32
          %add3A_256 = arith.addi %add3A_103, %add3A_255 : i32
          %swap3A_257 = arith.index_cast %add3A_256 : i32 to index
          %swap3A_258 = arith.constant 96 : index
          %swap3A_259 = tpu.vector_load %arg15[%swap3A_257, %swap3A_258] {strides = array<i32>} : memref<80x128xf32, #tpu.memory_space<vmem>>, vector<1x16xf32>,
          %swap3A_260 = vector.shape_cast %swap3A_259 : vector<1x16xf32> to vector<1x16xf32>
          %swap3A_261 = vector.shape_cast %max3A_254 : vector<1x16xf32> to vector<1x16xf32>
          tpu.vector_store %arg15[%swap3A_257, %swap3A_258], %swap3A_261 {strides = array<i32>} : memref<80x128xf32, #tpu.memory_space<vmem>>, vector<1x16xf32>,
          %add3A_262 = arith.constant 0 : i32
          %add3A_263 = arith.addi %add3A_103, %add3A_262 : i32
          %get3A_264 = arith.index_cast %add3A_263 : i32 to index
          %get3A_265 = arith.constant 112 : index
          %get3A_266 = tpu.vector_load %arg9[%get3A_264, %get3A_265] {strides = array<i32>} : memref<80x128xf32, #tpu.memory_space<vmem>>, vector<1x16xf32>,
          %get3A_267 = vector.shape_cast %get3A_266 : vector<1x16xf32> to vector<1x16xf32>
          %add3A_268 = arith.constant 0 : i32
          %add3A_269 = arith.addi %add3A_103, %add3A_268 : i32
          %get3A_270 = arith.index_cast %add3A_269 : i32 to index
          %get3A_271 = arith.constant 112 : index
          %get3A_272 = tpu.vector_load %arg12[%get3A_270, %get3A_271] {strides = array<i32>} : memref<80x128xf32, #tpu.memory_space<vmem>>, vector<1x16xf32>,
          %get3A_273 = vector.shape_cast %get3A_272 : vector<1x16xf32> to vector<1x16xf32>
          %add3A_274 = arith.addf %get3A_267, %get3A_273 : vector<1x16xf32>
          %max3A_275 = arith.constant 0.000000e+00 : f32
          %max3A_276 = vector.broadcast %max3A_275 : f32 to vector<1x16xf32>
          %max3A_277 = arith.maximumf %add3A_274, %max3A_276 : vector<1x16xf32>
          %add3A_278 = arith.constant 0 : i32
          %add3A_279 = arith.addi %add3A_103, %add3A_278 : i32
          %swap3A_280 = arith.index_cast %add3A_279 : i32 to index
          %swap3A_281 = arith.constant 112 : index
          %swap3A_282 = tpu.vector_load %arg15[%swap3A_280, %swap3A_281] {strides = array<i32>} : memref<80x128xf32, #tpu.memory_space<vmem>>, vector<1x16xf32>,
          %swap3A_283 = vector.shape_cast %swap3A_282 : vector<1x16xf32> to vector<1x16xf32>
          %swap3A_284 = vector.shape_cast %max3A_277 : vector<1x16xf32> to vector<1x16xf32>
          tpu.vector_store %arg15[%swap3A_280, %swap3A_281], %swap3A_284 {strides = array<i32>} : memref<80x128xf32, #tpu.memory_space<vmem>>, vector<1x16xf32>,
          %add3A_285 = arith.constant 1 : i32
          %add3A_286 = arith.addi %add3A_103, %add3A_285 : i32
          %get3A_287 = arith.index_cast %add3A_286 : i32 to index
          %get3A_288 = arith.constant 0 : index
          %get3A_289 = tpu.vector_load %arg9[%get3A_287, %get3A_288] {strides = array<i32>} : memref<80x128xf32, #tpu.memory_space<vmem>>, vector<1x16xf32>,
          %get3A_290 = vector.shape_cast %get3A_289 : vector<1x16xf32> to vector<1x16xf32>
          %add3A_291 = arith.constant 1 : i32
          %add3A_292 = arith.addi %add3A_103, %add3A_291 : i32
          %get3A_293 = arith.index_cast %add3A_292 : i32 to index
          %get3A_294 = arith.constant 0 : index
          %get3A_295 = tpu.vector_load %arg12[%get3A_293, %get3A_294] {strides = array<i32>} : memref<80x128xf32, #tpu.memory_space<vmem>>, vector<1x16xf32>,
          %get3A_296 = vector.shape_cast %get3A_295 : vector<1x16xf32> to vector<1x16xf32>
          %add3A_297 = arith.addf %get3A_290, %get3A_296 : vector<1x16xf32>
          %max3A_298 = arith.constant 0.000000e+00 : f32
          %max3A_299 = vector.broadcast %max3A_298 : f32 to vector<1x16xf32>
          %max3A_300 = arith.maximumf %add3A_297, %max3A_299 : vector<1x16xf32>
          %add3A_301 = arith.constant 1 : i32
          %add3A_302 = arith.addi %add3A_103, %add3A_301 : i32
          %swap3A_303 = arith.index_cast %add3A_302 : i32 to index
          %swap3A_304 = arith.constant 0 : index
          %swap3A_305 = tpu.vector_load %arg15[%swap3A_303, %swap3A_304] {strides = array<i32>} : memref<80x128xf32, #tpu.memory_space<vmem>>, vector<1x16xf32>,
          %swap3A_306 = vector.shape_cast %swap3A_305 : vector<1x16xf32> to vector<1x16xf32>
          %swap3A_307 = vector.shape_cast %max3A_300 : vector<1x16xf32> to vector<1x16xf32>
          tpu.vector_store %arg15[%swap3A_303, %swap3A_304], %swap3A_307 {strides = array<i32>} : memref<80x128xf32, #tpu.memory_space<vmem>>, vector<1x16xf32>,
          %add3A_308 = arith.constant 1 : i32
          %add3A_309 = arith.addi %add3A_103, %add3A_308 : i32
          %get3A_310 = arith.index_cast %add3A_309 : i32 to index
          %get3A_311 = arith.constant 16 : index
          %get3A_312 = tpu.vector_load %arg9[%get3A_310, %get3A_311] {strides = array<i32>} : memref<80x128xf32, #tpu.memory_space<vmem>>, vector<1x16xf32>,
          %get3A_313 = vector.shape_cast %get3A_312 : vector<1x16xf32> to vector<1x16xf32>
          %add3A_314 = arith.constant 1 : i32
          %add3A_315 = arith.addi %add3A_103, %add3A_314 : i32
          %get3A_316 = arith.index_cast %add3A_315 : i32 to index
          %get3A_317 = arith.constant 16 : index
          %get3A_318 = tpu.vector_load %arg12[%get3A_316, %get3A_317] {strides = array<i32>} : memref<80x128xf32, #tpu.memory_space<vmem>>, vector<1x16xf32>,
          %get3A_319 = vector.shape_cast %get3A_318 : vector<1x16xf32> to vector<1x16xf32>
          %add3A_320 = arith.addf %get3A_313, %get3A_319 : vector<1x16xf32>
          %max3A_321 = arith.constant 0.000000e+00 : f32
          %max3A_322 = vector.broadcast %max3A_321 : f32 to vector<1x16xf32>
          %max3A_323 = arith.maximumf %add3A_320, %max3A_322 : vector<1x16xf32>
          %add3A_324 = arith.constant 1 : i32
          %add3A_325 = arith.addi %add3A_103, %add3A_324 : i32
          %swap3A_326 = arith.index_cast %add3A_325 : i32 to index
          %swap3A_327 = arith.constant 16 : index
          %swap3A_328 = tpu.vector_load %arg15[%swap3A_326, %swap3A_327] {strides = array<i32>} : memref<80x128xf32, #tpu.memory_space<vmem>>, vector<1x16xf32>,
          %swap3A_329 = vector.shape_cast %swap3A_328 : vector<1x16xf32> to vector<1x16xf32>
          %swap3A_330 = vector.shape_cast %max3A_323 : vector<1x16xf32> to vector<1x16xf32>
          tpu.vector_store %arg15[%swap3A_326, %swap3A_327], %swap3A_330 {strides = array<i32>} : memref<80x128xf32, #tpu.memory_space<vmem>>, vector<1x16xf32>,
          %add3A_331 = arith.constant 1 : i32
          %add3A_332 = arith.addi %add3A_103, %add3A_331 : i32
          %get3A_333 = arith.index_cast %add3A_332 : i32 to index
          %get3A_334 = arith.constant 32 : index
          %get3A_335 = tpu.vector_load %arg9[%get3A_333, %get3A_334] {strides = array<i32>} : memref<80x128xf32, #tpu.memory_space<vmem>>, vector<1x16xf32>,
          %get3A_336 = vector.shape_cast %get3A_335 : vector<1x16xf32> to vector<1x16xf32>
          %add3A_337 = arith.constant 1 : i32
          %add3A_338 = arith.addi %add3A_103, %add3A_337 : i32
          %get3A_339 = arith.index_cast %add3A_338 : i32 to index
          %get3A_340 = arith.constant 32 : index
          %get3A_341 = tpu.vector_load %arg12[%get3A_339, %get3A_340] {strides = array<i32>} : memref<80x128xf32, #tpu.memory_space<vmem>>, vector<1x16xf32>,
          %get3A_342 = vector.shape_cast %get3A_341 : vector<1x16xf32> to vector<1x16xf32>
          %add3A_343 = arith.addf %get3A_336, %get3A_342 : vector<1x16xf32>
          %max3A_344 = arith.constant 0.000000e+00 : f32
          %max3A_345 = vector.broadcast %max3A_344 : f32 to vector<1x16xf32>
          %max3A_346 = arith.maximumf %add3A_343, %max3A_345 : vector<1x16xf32>
          %add3A_347 = arith.constant 1 : i32
          %add3A_348 = arith.addi %add3A_103, %add3A_347 : i32
          %swap3A_349 = arith.index_cast %add3A_348 : i32 to index
          %swap3A_350 = arith.constant 32 : index
          %swap3A_351 = tpu.vector_load %arg15[%swap3A_349, %swap3A_350] {strides = array<i32>} : memref<80x128xf32, #tpu.memory_space<vmem>>, vector<1x16xf32>,
          %swap3A_352 = vector.shape_cast %swap3A_351 : vector<1x16xf32> to vector<1x16xf32>
          %swap3A_353 = vector.shape_cast %max3A_346 : vector<1x16xf32> to vector<1x16xf32>
          tpu.vector_store %arg15[%swap3A_349, %swap3A_350], %swap3A_353 {strides = array<i32>} : memref<80x128xf32, #tpu.memory_space<vmem>>, vector<1x16xf32>,
          %add3A_354 = arith.constant 1 : i32
          %add3A_355 = arith.addi %add3A_103, %add3A_354 : i32
          %get3A_356 = arith.index_cast %add3A_355 : i32 to index
          %get3A_357 = arith.constant 48 : index
          %get3A_358 = tpu.vector_load %arg9[%get3A_356, %get3A_357] {strides = array<i32>} : memref<80x128xf32, #tpu.memory_space<vmem>>, vector<1x16xf32>,
          %get3A_359 = vector.shape_cast %get3A_358 : vector<1x16xf32> to vector<1x16xf32>
          %add3A_360 = arith.constant 1 : i32
          %add3A_361 = arith.addi %add3A_103, %add3A_360 : i32
          %get3A_362 = arith.index_cast %add3A_361 : i32 to index
          %get3A_363 = arith.constant 48 : index
          %get3A_364 = tpu.vector_load %arg12[%get3A_362, %get3A_363] {strides = array<i32>} : memref<80x128xf32, #tpu.memory_space<vmem>>, vector<1x16xf32>,
          %get3A_365 = vector.shape_cast %get3A_364 : vector<1x16xf32> to vector<1x16xf32>
          %add3A_366 = arith.addf %get3A_359, %get3A_365 : vector<1x16xf32>
          %max3A_367 = arith.constant 0.000000e+00 : f32
          %max3A_368 = vector.broadcast %max3A_367 : f32 to vector<1x16xf32>
          %max3A_369 = arith.maximumf %add3A_366, %max3A_368 : vector<1x16xf32>
          %add3A_370 = arith.constant 1 : i32
          %add3A_371 = arith.addi %add3A_103, %add3A_370 : i32
          %swap3A_372 = arith.index_cast %add3A_371 : i32 to index
          %swap3A_373 = arith.constant 48 : index
          %swap3A_374 = tpu.vector_load %arg15[%swap3A_372, %swap3A_373] {strides = array<i32>} : memref<80x128xf32, #tpu.memory_space<vmem>>, vector<1x16xf32>,
          %swap3A_375 = vector.shape_cast %swap3A_374 : vector<1x16xf32> to vector<1x16xf32>
          %swap3A_376 = vector.shape_cast %max3A_369 : vector<1x16xf32> to vector<1x16xf32>
          tpu.vector_store %arg15[%swap3A_372, %swap3A_373], %swap3A_376 {strides = array<i32>} : memref<80x128xf32, #tpu.memory_space<vmem>>, vector<1x16xf32>,
          %add3A_377 = arith.constant 1 : i32
          %add3A_378 = arith.addi %add3A_103, %add3A_377 : i32
          %get3A_379 = arith.index_cast %add3A_378 : i32 to index
          %get3A_380 = arith.constant 64 : index
          %get3A_381 = tpu.vector_load %arg9[%get3A_379, %get3A_380] {strides = array<i32>} : memref<80x128xf32, #tpu.memory_space<vmem>>, vector<1x16xf32>,
          %get3A_382 = vector.shape_cast %get3A_381 : vector<1x16xf32> to vector<1x16xf32>
          %add3A_383 = arith.constant 1 : i32
          %add3A_384 = arith.addi %add3A_103, %add3A_383 : i32
          %get3A_385 = arith.index_cast %add3A_384 : i32 to index
          %get3A_386 = arith.constant 64 : index
          %get3A_387 = tpu.vector_load %arg12[%get3A_385, %get3A_386] {strides = array<i32>} : memref<80x128xf32, #tpu.memory_space<vmem>>, vector<1x16xf32>,
          %get3A_388 = vector.shape_cast %get3A_387 : vector<1x16xf32> to vector<1x16xf32>
          %add3A_389 = arith.addf %get3A_382, %get3A_388 : vector<1x16xf32>
          %max3A_390 = arith.constant 0.000000e+00 : f32
          %max3A_391 = vector.broadcast %max3A_390 : f32 to vector<1x16xf32>
          %max3A_392 = arith.maximumf %add3A_389, %max3A_391 : vector<1x16xf32>
          %add3A_393 = arith.constant 1 : i32
          %add3A_394 = arith.addi %add3A_103, %add3A_393 : i32
          %swap3A_395 = arith.index_cast %add3A_394 : i32 to index
          %swap3A_396 = arith.constant 64 : index
          %swap3A_397 = tpu.vector_load %arg15[%swap3A_395, %swap3A_396] {strides = array<i32>} : memref<80x128xf32, #tpu.memory_space<vmem>>, vector<1x16xf32>,
          %swap3A_398 = vector.shape_cast %swap3A_397 : vector<1x16xf32> to vector<1x16xf32>
          %swap3A_399 = vector.shape_cast %max3A_392 : vector<1x16xf32> to vector<1x16xf32>
          tpu.vector_store %arg15[%swap3A_395, %swap3A_396], %swap3A_399 {strides = array<i32>} : memref<80x128xf32, #tpu.memory_space<vmem>>, vector<1x16xf32>,
          %add3A_400 = arith.constant 1 : i32
          %add3A_401 = arith.addi %add3A_103, %add3A_400 : i32
          %get3A_402 = arith.index_cast %add3A_401 : i32 to index
          %get3A_403 = arith.constant 80 : index
          %get3A_404 = tpu.vector_load %arg9[%get3A_402, %get3A_403] {strides = array<i32>} : memref<80x128xf32, #tpu.memory_space<vmem>>, vector<1x16xf32>,
          %get3A_405 = vector.shape_cast %get3A_404 : vector<1x16xf32> to vector<1x16xf32>
          %add3A_406 = arith.constant 1 : i32
          %add3A_407 = arith.addi %add3A_103, %add3A_406 : i32
          %get3A_408 = arith.index_cast %add3A_407 : i32 to index
          %get3A_409 = arith.constant 80 : index
          %get3A_410 = tpu.vector_load %arg12[%get3A_408, %get3A_409] {strides = array<i32>} : memref<80x128xf32, #tpu.memory_space<vmem>>, vector<1x16xf32>,
          %get3A_411 = vector.shape_cast %get3A_410 : vector<1x16xf32> to vector<1x16xf32>
          %add3A_412 = arith.addf %get3A_405, %get3A_411 : vector<1x16xf32>
          %max3A_413 = arith.constant 0.000000e+00 : f32
          %max3A_414 = vector.broadcast %max3A_413 : f32 to vector<1x16xf32>
          %max3A_415 = arith.maximumf %add3A_412, %max3A_414 : vector<1x16xf32>
          %add3A_416 = arith.constant 1 : i32
          %add3A_417 = arith.addi %add3A_103, %add3A_416 : i32
          %swap3A_418 = arith.index_cast %add3A_417 : i32 to index
          %swap3A_419 = arith.constant 80 : index
          %swap3A_420 = tpu.vector_load %arg15[%swap3A_418, %swap3A_419] {strides = array<i32>} : memref<80x128xf32, #tpu.memory_space<vmem>>, vector<1x16xf32>,
          %swap3A_421 = vector.shape_cast %swap3A_420 : vector<1x16xf32> to vector<1x16xf32>
          %swap3A_422 = vector.shape_cast %max3A_415 : vector<1x16xf32> to vector<1x16xf32>
          tpu.vector_store %arg15[%swap3A_418, %swap3A_419], %swap3A_422 {strides = array<i32>} : memref<80x128xf32, #tpu.memory_space<vmem>>, vector<1x16xf32>,
          %add3A_423 = arith.constant 1 : i32
          %add3A_424 = arith.addi %add3A_103, %add3A_423 : i32
          %get3A_425 = arith.index_cast %add3A_424 : i32 to index
          %get3A_426 = arith.constant 96 : index
          %get3A_427 = tpu.vector_load %arg9[%get3A_425, %get3A_426] {strides = array<i32>} : memref<80x128xf32, #tpu.memory_space<vmem>>, vector<1x16xf32>,
          %get3A_428 = vector.shape_cast %get3A_427 : vector<1x16xf32> to vector<1x16xf32>
          %add3A_429 = arith.constant 1 : i32
          %add3A_430 = arith.addi %add3A_103, %add3A_429 : i32
          %get3A_431 = arith.index_cast %add3A_430 : i32 to index
          %get3A_432 = arith.constant 96 : index
          %get3A_433 = tpu.vector_load %arg12[%get3A_431, %get3A_432] {strides = array<i32>} : memref<80x128xf32, #tpu.memory_space<vmem>>, vector<1x16xf32>,
          %get3A_434 = vector.shape_cast %get3A_433 : vector<1x16xf32> to vector<1x16xf32>
          %add3A_435 = arith.addf %get3A_428, %get3A_434 : vector<1x16xf32>
          %max3A_436 = arith.constant 0.000000e+00 : f32
          %max3A_437 = vector.broadcast %max3A_436 : f32 to vector<1x16xf32>
          %max3A_438 = arith.maximumf %add3A_435, %max3A_437 : vector<1x16xf32>
          %add3A_439 = arith.constant 1 : i32
          %add3A_440 = arith.addi %add3A_103, %add3A_439 : i32
          %swap3A_441 = arith.index_cast %add3A_440 : i32 to index
          %swap3A_442 = arith.constant 96 : index
          %swap3A_443 = tpu.vector_load %arg15[%swap3A_441, %swap3A_442] {strides = array<i32>} : memref<80x128xf32, #tpu.memory_space<vmem>>, vector<1x16xf32>,
          %swap3A_444 = vector.shape_cast %swap3A_443 : vector<1x16xf32> to vector<1x16xf32>
          %swap3A_445 = vector.shape_cast %max3A_438 : vector<1x16xf32> to vector<1x16xf32>
          tpu.vector_store %arg15[%swap3A_441, %swap3A_442], %swap3A_445 {strides = array<i32>} : memref<80x128xf32, #tpu.memory_space<vmem>>, vector<1x16xf32>,
          %add3A_446 = arith.constant 1 : i32
          %add3A_447 = arith.addi %add3A_103, %add3A_446 : i32
          %get3A_448 = arith.index_cast %add3A_447 : i32 to index
          %get3A_449 = arith.constant 112 : index
          %get3A_450 = tpu.vector_load %arg9[%get3A_448, %get3A_449] {strides = array<i32>} : memref<80x128xf32, #tpu.memory_space<vmem>>, vector<1x16xf32>,
          %get3A_451 = vector.shape_cast %get3A_450 : vector<1x16xf32> to vector<1x16xf32>
          %add3A_452 = arith.constant 1 : i32
          %add3A_453 = arith.addi %add3A_103, %add3A_452 : i32
          %get3A_454 = arith.index_cast %add3A_453 : i32 to index
          %get3A_455 = arith.constant 112 : index
          %get3A_456 = tpu.vector_load %arg12[%get3A_454, %get3A_455] {strides = array<i32>} : memref<80x128xf32, #tpu.memory_space<vmem>>, vector<1x16xf32>,
          %get3A_457 = vector.shape_cast %get3A_456 : vector<1x16xf32> to vector<1x16xf32>
          %add3A_458 = arith.addf %get3A_451, %get3A_457 : vector<1x16xf32>
          %max3A_459 = arith.constant 0.000000e+00 : f32
          %max3A_460 = vector.broadcast %max3A_459 : f32 to vector<1x16xf32>
          %max3A_461 = arith.maximumf %add3A_458, %max3A_460 : vector<1x16xf32>
          %add3A_462 = arith.constant 1 : i32
          %add3A_463 = arith.addi %add3A_103, %add3A_462 : i32
          %swap3A_464 = arith.index_cast %add3A_463 : i32 to index
          %swap3A_465 = arith.constant 112 : index
          %swap3A_466 = tpu.vector_load %arg15[%swap3A_464, %swap3A_465] {strides = array<i32>} : memref<80x128xf32, #tpu.memory_space<vmem>>, vector<1x16xf32>,
          %swap3A_467 = vector.shape_cast %swap3A_466 : vector<1x16xf32> to vector<1x16xf32>
          %swap3A_468 = vector.shape_cast %max3A_461 : vector<1x16xf32> to vector<1x16xf32>
          tpu.vector_store %arg15[%swap3A_464, %swap3A_465], %swap3A_468 {strides = array<i32>} : memref<80x128xf32, #tpu.memory_space<vmem>>, vector<1x16xf32>,
        }
        %scan3A_91 = arith.constant 40 : i32
        %mul3A_92 = arith.constant 80 : i32
        %mul3A_93 = arith.muli %add3A_47, %mul3A_92 : i32
        %add3A_94 = arith.addi %mul3A_6, %mul3A_93 : i32
        %dma_start3A_95 = arith.constant 0 : i32
        %dma_start3A_96 = tpu.memref_slice %arg6[%add3A_94, %dma_start3A_95] : memref<128000x128xf32, #tpu.memory_space<hbm>> -> memref<80x128xf32, #tpu.memory_space<hbm>>
        %dma_start3A_97 = arith.constant 0 : i32
        %dma_start3A_98 = tpu.memref_slice %arg6[%add3A_94, %dma_start3A_97] : memref<128000x128xf32, #tpu.memory_space<hbm>> -> memref<80x128xf32, #tpu.memory_space<hbm>>
        tpu.enqueue_dma source(%arg15 : memref<80x128xf32, #tpu.memory_space<vmem>>) target(%dma_start3A_98 : memref<80x128xf32, #tpu.memory_space<hbm>>) target_semaphore(%arg24 : memref<!tpu.dma_semaphore, #tpu.memory_space<semaphore_mem>>)
      } else {
      }
      %add3A_50 = arith.constant 1 : i32
      %add3A_51 = arith.addi %add3A_45, %add3A_50 : i32
      %lt3A_52 = arith.constant 50 : i32
      %lt3A_53 = arith.cmpi slt, %add3A_51, %lt3A_52 : i32
      %convert_element_type3A_54 = arith.extui %lt3A_53 : i1 to i32
      %cond3A_55 = arith.constant 0 : i32
      %cond3A_56 = arith.cmpi ne, %convert_element_type3A_54, %cond3A_55 : i32
      scf.if %cond3A_56 {
        %add3A_64 = arith.constant 2 : i32
        %add3A_65 = arith.addi %add3A_51, %add3A_64 : i32
        %lt3A_66 = arith.constant 50 : i32
        %lt3A_67 = arith.cmpi slt, %add3A_65, %lt3A_66 : i32
        %convert_element_type3A_68 = arith.extui %lt3A_67 : i1 to i32
        %cond3A_69 = arith.constant 0 : i32
        %cond3A_70 = arith.cmpi ne, %convert_element_type3A_68, %cond3A_69 : i32
        scf.if %cond3A_70 {
          %add3A_99 = arith.constant 2 : i32
          %add3A_100 = arith.addi %add3A_51, %add3A_99 : i32
          %mul3A_101 = arith.constant 80 : i32
          %mul3A_102 = arith.muli %add3A_100, %mul3A_101 : i32
          %dma_start3A_103 = tpu.memref_slice %arg7[%mul3A_102] : memref<4000xi32, #tpu.memory_space<vmem>> -> memref<80xi32, #tpu.memory_space<vmem>>
          %dma_start3A_104 = arith.constant 0 : i32
          %dma_start3A_105 = arith.constant 0 : i32
          %dma_start3A_106 = tpu.memref_slice %arg2[%dma_start3A_104, %dma_start3A_105] : memref<10000x128xf32, #tpu.memory_space<hbm>> -> memref<10000x128xf32, #tpu.memory_space<hbm>>
          tpu.enqueue_indirect_dma source(%dma_start3A_106 : memref<10000x128xf32, #tpu.memory_space<hbm>>) target(%arg9 : memref<80x128xf32, #tpu.memory_space<vmem>>) offsets(%dma_start3A_103 : memref<80xi32, #tpu.memory_space<vmem>>) semaphore(%arg18 : memref<!tpu.dma_semaphore, #tpu.memory_space<semaphore_mem>>)
          %dma_start3A_107 = tpu.memref_slice %arg8[%mul3A_102] : memref<4000xi32, #tpu.memory_space<vmem>> -> memref<80xi32, #tpu.memory_space<vmem>>
          %dma_start3A_108 = arith.constant 0 : i32
          %dma_start3A_109 = arith.constant 0 : i32
          %dma_start3A_110 = tpu.memref_slice %arg3[%dma_start3A_108, %dma_start3A_109] : memref<10000x128xf32, #tpu.memory_space<hbm>> -> memref<10000x128xf32, #tpu.memory_space<hbm>>
          tpu.enqueue_indirect_dma source(%dma_start3A_110 : memref<10000x128xf32, #tpu.memory_space<hbm>>) target(%arg12 : memref<80x128xf32, #tpu.memory_space<vmem>>) offsets(%dma_start3A_107 : memref<80xi32, #tpu.memory_space<vmem>>) semaphore(%arg21 : memref<!tpu.dma_semaphore, #tpu.memory_space<semaphore_mem>>)
        } else {
        }
        %dma_wait3A_71 = arith.constant 0 : i32
        %dma_wait3A_72 = arith.constant 0 : i32
        %dma_wait3A_73 = tpu.memref_slice %arg2[%dma_wait3A_71, %dma_wait3A_72] : memref<10000x128xf32, #tpu.memory_space<hbm>> -> memref<80x128xf32, #tpu.memory_space<hbm>>
        %dma_wait3A_74 = arith.constant 0 : i32
        %dma_wait3A_75 = arith.constant 0 : i32
        %dma_wait3A_76 = tpu.memref_slice %arg2[%dma_wait3A_74, %dma_wait3A_75] : memref<10000x128xf32, #tpu.memory_space<hbm>> -> memref<80x128xf32, #tpu.memory_space<hbm>>
        tpu.wait_dma2 semaphore(%arg19 : memref<!tpu.dma_semaphore, #tpu.memory_space<semaphore_mem>>) src(%dma_wait3A_76 : memref<80x128xf32, #tpu.memory_space<hbm>>) dst(%arg10 : memref<80x128xf32, #tpu.memory_space<vmem>>)
        %dma_wait3A_77 = arith.constant 0 : i32
        %dma_wait3A_78 = arith.constant 0 : i32
        %dma_wait3A_79 = tpu.memref_slice %arg3[%dma_wait3A_77, %dma_wait3A_78] : memref<10000x128xf32, #tpu.memory_space<hbm>> -> memref<80x128xf32, #tpu.memory_space<hbm>>
        %dma_wait3A_80 = arith.constant 0 : i32
        %dma_wait3A_81 = arith.constant 0 : i32
        %dma_wait3A_82 = tpu.memref_slice %arg3[%dma_wait3A_80, %dma_wait3A_81] : memref<10000x128xf32, #tpu.memory_space<hbm>> -> memref<80x128xf32, #tpu.memory_space<hbm>>
        tpu.wait_dma2 semaphore(%arg22 : memref<!tpu.dma_semaphore, #tpu.memory_space<semaphore_mem>>) src(%dma_wait3A_82 : memref<80x128xf32, #tpu.memory_space<hbm>>) dst(%arg13 : memref<80x128xf32, #tpu.memory_space<vmem>>)
        %ge3A = arith.constant 3 : i32
        %ge3A_83 = arith.cmpi sge, %add3A_51, %ge3A : i32
        %convert_element_type3A_84 = arith.extui %ge3A_83 : i1 to i32
        %cond3A_85 = arith.constant 0 : i32
        %cond3A_86 = arith.cmpi ne, %convert_element_type3A_84, %cond3A_85 : i32
        scf.if %cond3A_86 {
          %dma_wait3A_99 = arith.constant 0 : i32
          %dma_wait3A_100 = tpu.memref_slice %arg6[%mul3A_6, %dma_wait3A_99] : memref<128000x128xf32, #tpu.memory_space<hbm>> -> memref<80x128xf32, #tpu.memory_space<hbm>>
          %dma_wait3A_101 = arith.constant 0 : i32
          %dma_wait3A_102 = tpu.memref_slice %arg6[%mul3A_6, %dma_wait3A_101] : memref<128000x128xf32, #tpu.memory_space<hbm>> -> memref<80x128xf32, #tpu.memory_space<hbm>>
          tpu.wait_dma2 semaphore(%arg25 : memref<!tpu.dma_semaphore, #tpu.memory_space<semaphore_mem>>) src(%arg16 : memref<80x128xf32, #tpu.memory_space<vmem>>) dst(%dma_wait3A_102 : memref<80x128xf32, #tpu.memory_space<hbm>>)
        } else {
        }
        %scan3A_87 = arith.constant 0 : i32
        %scan3A_88 = arith.constant 40 : i32
        %scan3A_89 = arith.addi %scan3A_87, %scan3A_88 : i32
        %scan3A_90 = arith.constant 1 : i32
        scf.for %scan3A_99 = %scan3A_87 to %scan3A_89 step %scan3A_90  : i32 {
          %mul3A_100 = arith.constant 2 : i32
          %mul3A_101 = arith.muli %scan3A_99, %mul3A_100 : i32
          %add3A_102 = arith.constant 0 : i32
          %add3A_103 = arith.addi %add3A_102, %mul3A_101 : i32
          %add3A_104 = arith.constant 0 : i32
          %add3A_105 = arith.addi %add3A_103, %add3A_104 : i32
          %get3A = arith.index_cast %add3A_105 : i32 to index
          %get3A_106 = arith.constant 0 : index
          %get3A_107 = tpu.vector_load %arg10[%get3A, %get3A_106] {strides = array<i32>} : memref<80x128xf32, #tpu.memory_space<vmem>>, vector<1x16xf32>,
          %get3A_108 = vector.shape_cast %get3A_107 : vector<1x16xf32> to vector<1x16xf32>
          %add3A_109 = arith.constant 0 : i32
          %add3A_110 = arith.addi %add3A_103, %add3A_109 : i32
          %get3A_111 = arith.index_cast %add3A_110 : i32 to index
          %get3A_112 = arith.constant 0 : index
          %get3A_113 = tpu.vector_load %arg13[%get3A_111, %get3A_112] {strides = array<i32>} : memref<80x128xf32, #tpu.memory_space<vmem>>, vector<1x16xf32>,
          %get3A_114 = vector.shape_cast %get3A_113 : vector<1x16xf32> to vector<1x16xf32>
          %add3A_115 = arith.addf %get3A_108, %get3A_114 : vector<1x16xf32>
          %max3A = arith.constant 0.000000e+00 : f32
          %max3A_116 = vector.broadcast %max3A : f32 to vector<1x16xf32>
          %max3A_117 = arith.maximumf %add3A_115, %max3A_116 : vector<1x16xf32>
          %add3A_118 = arith.constant 0 : i32
          %add3A_119 = arith.addi %add3A_103, %add3A_118 : i32
          %swap3A = arith.index_cast %add3A_119 : i32 to index
          %swap3A_120 = arith.constant 0 : index
          %swap3A_121 = tpu.vector_load %arg16[%swap3A, %swap3A_120] {strides = array<i32>} : memref<80x128xf32, #tpu.memory_space<vmem>>, vector<1x16xf32>,
          %swap3A_122 = vector.shape_cast %swap3A_121 : vector<1x16xf32> to vector<1x16xf32>
          %swap3A_123 = vector.shape_cast %max3A_117 : vector<1x16xf32> to vector<1x16xf32>
          tpu.vector_store %arg16[%swap3A, %swap3A_120], %swap3A_123 {strides = array<i32>} : memref<80x128xf32, #tpu.memory_space<vmem>>, vector<1x16xf32>,
          %add3A_124 = arith.constant 0 : i32
          %add3A_125 = arith.addi %add3A_103, %add3A_124 : i32
          %get3A_126 = arith.index_cast %add3A_125 : i32 to index
          %get3A_127 = arith.constant 16 : index
          %get3A_128 = tpu.vector_load %arg10[%get3A_126, %get3A_127] {strides = array<i32>} : memref<80x128xf32, #tpu.memory_space<vmem>>, vector<1x16xf32>,
          %get3A_129 = vector.shape_cast %get3A_128 : vector<1x16xf32> to vector<1x16xf32>
          %add3A_130 = arith.constant 0 : i32
          %add3A_131 = arith.addi %add3A_103, %add3A_130 : i32
          %get3A_132 = arith.index_cast %add3A_131 : i32 to index
          %get3A_133 = arith.constant 16 : index
          %get3A_134 = tpu.vector_load %arg13[%get3A_132, %get3A_133] {strides = array<i32>} : memref<80x128xf32, #tpu.memory_space<vmem>>, vector<1x16xf32>,
          %get3A_135 = vector.shape_cast %get3A_134 : vector<1x16xf32> to vector<1x16xf32>
          %add3A_136 = arith.addf %get3A_129, %get3A_135 : vector<1x16xf32>
          %max3A_137 = arith.constant 0.000000e+00 : f32
          %max3A_138 = vector.broadcast %max3A_137 : f32 to vector<1x16xf32>
          %max3A_139 = arith.maximumf %add3A_136, %max3A_138 : vector<1x16xf32>
          %add3A_140 = arith.constant 0 : i32
          %add3A_141 = arith.addi %add3A_103, %add3A_140 : i32
          %swap3A_142 = arith.index_cast %add3A_141 : i32 to index
          %swap3A_143 = arith.constant 16 : index
          %swap3A_144 = tpu.vector_load %arg16[%swap3A_142, %swap3A_143] {strides = array<i32>} : memref<80x128xf32, #tpu.memory_space<vmem>>, vector<1x16xf32>,
          %swap3A_145 = vector.shape_cast %swap3A_144 : vector<1x16xf32> to vector<1x16xf32>
          %swap3A_146 = vector.shape_cast %max3A_139 : vector<1x16xf32> to vector<1x16xf32>
          tpu.vector_store %arg16[%swap3A_142, %swap3A_143], %swap3A_146 {strides = array<i32>} : memref<80x128xf32, #tpu.memory_space<vmem>>, vector<1x16xf32>,
          %add3A_147 = arith.constant 0 : i32
          %add3A_148 = arith.addi %add3A_103, %add3A_147 : i32
          %get3A_149 = arith.index_cast %add3A_148 : i32 to index
          %get3A_150 = arith.constant 32 : index
          %get3A_151 = tpu.vector_load %arg10[%get3A_149, %get3A_150] {strides = array<i32>} : memref<80x128xf32, #tpu.memory_space<vmem>>, vector<1x16xf32>,
          %get3A_152 = vector.shape_cast %get3A_151 : vector<1x16xf32> to vector<1x16xf32>
          %add3A_153 = arith.constant 0 : i32
          %add3A_154 = arith.addi %add3A_103, %add3A_153 : i32
          %get3A_155 = arith.index_cast %add3A_154 : i32 to index
          %get3A_156 = arith.constant 32 : index
          %get3A_157 = tpu.vector_load %arg13[%get3A_155, %get3A_156] {strides = array<i32>} : memref<80x128xf32, #tpu.memory_space<vmem>>, vector<1x16xf32>,
          %get3A_158 = vector.shape_cast %get3A_157 : vector<1x16xf32> to vector<1x16xf32>
          %add3A_159 = arith.addf %get3A_152, %get3A_158 : vector<1x16xf32>
          %max3A_160 = arith.constant 0.000000e+00 : f32
          %max3A_161 = vector.broadcast %max3A_160 : f32 to vector<1x16xf32>
          %max3A_162 = arith.maximumf %add3A_159, %max3A_161 : vector<1x16xf32>
          %add3A_163 = arith.constant 0 : i32
          %add3A_164 = arith.addi %add3A_103, %add3A_163 : i32
          %swap3A_165 = arith.index_cast %add3A_164 : i32 to index
          %swap3A_166 = arith.constant 32 : index
          %swap3A_167 = tpu.vector_load %arg16[%swap3A_165, %swap3A_166] {strides = array<i32>} : memref<80x128xf32, #tpu.memory_space<vmem>>, vector<1x16xf32>,
          %swap3A_168 = vector.shape_cast %swap3A_167 : vector<1x16xf32> to vector<1x16xf32>
          %swap3A_169 = vector.shape_cast %max3A_162 : vector<1x16xf32> to vector<1x16xf32>
          tpu.vector_store %arg16[%swap3A_165, %swap3A_166], %swap3A_169 {strides = array<i32>} : memref<80x128xf32, #tpu.memory_space<vmem>>, vector<1x16xf32>,
          %add3A_170 = arith.constant 0 : i32
          %add3A_171 = arith.addi %add3A_103, %add3A_170 : i32
          %get3A_172 = arith.index_cast %add3A_171 : i32 to index
          %get3A_173 = arith.constant 48 : index
          %get3A_174 = tpu.vector_load %arg10[%get3A_172, %get3A_173] {strides = array<i32>} : memref<80x128xf32, #tpu.memory_space<vmem>>, vector<1x16xf32>,
          %get3A_175 = vector.shape_cast %get3A_174 : vector<1x16xf32> to vector<1x16xf32>
          %add3A_176 = arith.constant 0 : i32
          %add3A_177 = arith.addi %add3A_103, %add3A_176 : i32
          %get3A_178 = arith.index_cast %add3A_177 : i32 to index
          %get3A_179 = arith.constant 48 : index
          %get3A_180 = tpu.vector_load %arg13[%get3A_178, %get3A_179] {strides = array<i32>} : memref<80x128xf32, #tpu.memory_space<vmem>>, vector<1x16xf32>,
          %get3A_181 = vector.shape_cast %get3A_180 : vector<1x16xf32> to vector<1x16xf32>
          %add3A_182 = arith.addf %get3A_175, %get3A_181 : vector<1x16xf32>
          %max3A_183 = arith.constant 0.000000e+00 : f32
          %max3A_184 = vector.broadcast %max3A_183 : f32 to vector<1x16xf32>
          %max3A_185 = arith.maximumf %add3A_182, %max3A_184 : vector<1x16xf32>
          %add3A_186 = arith.constant 0 : i32
          %add3A_187 = arith.addi %add3A_103, %add3A_186 : i32
          %swap3A_188 = arith.index_cast %add3A_187 : i32 to index
          %swap3A_189 = arith.constant 48 : index
          %swap3A_190 = tpu.vector_load %arg16[%swap3A_188, %swap3A_189] {strides = array<i32>} : memref<80x128xf32, #tpu.memory_space<vmem>>, vector<1x16xf32>,
          %swap3A_191 = vector.shape_cast %swap3A_190 : vector<1x16xf32> to vector<1x16xf32>
          %swap3A_192 = vector.shape_cast %max3A_185 : vector<1x16xf32> to vector<1x16xf32>
          tpu.vector_store %arg16[%swap3A_188, %swap3A_189], %swap3A_192 {strides = array<i32>} : memref<80x128xf32, #tpu.memory_space<vmem>>, vector<1x16xf32>,
          %add3A_193 = arith.constant 0 : i32
          %add3A_194 = arith.addi %add3A_103, %add3A_193 : i32
          %get3A_195 = arith.index_cast %add3A_194 : i32 to index
          %get3A_196 = arith.constant 64 : index
          %get3A_197 = tpu.vector_load %arg10[%get3A_195, %get3A_196] {strides = array<i32>} : memref<80x128xf32, #tpu.memory_space<vmem>>, vector<1x16xf32>,
          %get3A_198 = vector.shape_cast %get3A_197 : vector<1x16xf32> to vector<1x16xf32>
          %add3A_199 = arith.constant 0 : i32
          %add3A_200 = arith.addi %add3A_103, %add3A_199 : i32
          %get3A_201 = arith.index_cast %add3A_200 : i32 to index
          %get3A_202 = arith.constant 64 : index
          %get3A_203 = tpu.vector_load %arg13[%get3A_201, %get3A_202] {strides = array<i32>} : memref<80x128xf32, #tpu.memory_space<vmem>>, vector<1x16xf32>,
          %get3A_204 = vector.shape_cast %get3A_203 : vector<1x16xf32> to vector<1x16xf32>
          %add3A_205 = arith.addf %get3A_198, %get3A_204 : vector<1x16xf32>
          %max3A_206 = arith.constant 0.000000e+00 : f32
          %max3A_207 = vector.broadcast %max3A_206 : f32 to vector<1x16xf32>
          %max3A_208 = arith.maximumf %add3A_205, %max3A_207 : vector<1x16xf32>
          %add3A_209 = arith.constant 0 : i32
          %add3A_210 = arith.addi %add3A_103, %add3A_209 : i32
          %swap3A_211 = arith.index_cast %add3A_210 : i32 to index
          %swap3A_212 = arith.constant 64 : index
          %swap3A_213 = tpu.vector_load %arg16[%swap3A_211, %swap3A_212] {strides = array<i32>} : memref<80x128xf32, #tpu.memory_space<vmem>>, vector<1x16xf32>,
          %swap3A_214 = vector.shape_cast %swap3A_213 : vector<1x16xf32> to vector<1x16xf32>
          %swap3A_215 = vector.shape_cast %max3A_208 : vector<1x16xf32> to vector<1x16xf32>
          tpu.vector_store %arg16[%swap3A_211, %swap3A_212], %swap3A_215 {strides = array<i32>} : memref<80x128xf32, #tpu.memory_space<vmem>>, vector<1x16xf32>,
          %add3A_216 = arith.constant 0 : i32
          %add3A_217 = arith.addi %add3A_103, %add3A_216 : i32
          %get3A_218 = arith.index_cast %add3A_217 : i32 to index
          %get3A_219 = arith.constant 80 : index
          %get3A_220 = tpu.vector_load %arg10[%get3A_218, %get3A_219] {strides = array<i32>} : memref<80x128xf32, #tpu.memory_space<vmem>>, vector<1x16xf32>,
          %get3A_221 = vector.shape_cast %get3A_220 : vector<1x16xf32> to vector<1x16xf32>
          %add3A_222 = arith.constant 0 : i32
          %add3A_223 = arith.addi %add3A_103, %add3A_222 : i32
          %get3A_224 = arith.index_cast %add3A_223 : i32 to index
          %get3A_225 = arith.constant 80 : index
          %get3A_226 = tpu.vector_load %arg13[%get3A_224, %get3A_225] {strides = array<i32>} : memref<80x128xf32, #tpu.memory_space<vmem>>, vector<1x16xf32>,
          %get3A_227 = vector.shape_cast %get3A_226 : vector<1x16xf32> to vector<1x16xf32>
          %add3A_228 = arith.addf %get3A_221, %get3A_227 : vector<1x16xf32>
          %max3A_229 = arith.constant 0.000000e+00 : f32
          %max3A_230 = vector.broadcast %max3A_229 : f32 to vector<1x16xf32>
          %max3A_231 = arith.maximumf %add3A_228, %max3A_230 : vector<1x16xf32>
          %add3A_232 = arith.constant 0 : i32
          %add3A_233 = arith.addi %add3A_103, %add3A_232 : i32
          %swap3A_234 = arith.index_cast %add3A_233 : i32 to index
          %swap3A_235 = arith.constant 80 : index
          %swap3A_236 = tpu.vector_load %arg16[%swap3A_234, %swap3A_235] {strides = array<i32>} : memref<80x128xf32, #tpu.memory_space<vmem>>, vector<1x16xf32>,
          %swap3A_237 = vector.shape_cast %swap3A_236 : vector<1x16xf32> to vector<1x16xf32>
          %swap3A_238 = vector.shape_cast %max3A_231 : vector<1x16xf32> to vector<1x16xf32>
          tpu.vector_store %arg16[%swap3A_234, %swap3A_235], %swap3A_238 {strides = array<i32>} : memref<80x128xf32, #tpu.memory_space<vmem>>, vector<1x16xf32>,
          %add3A_239 = arith.constant 0 : i32
          %add3A_240 = arith.addi %add3A_103, %add3A_239 : i32
          %get3A_241 = arith.index_cast %add3A_240 : i32 to index
          %get3A_242 = arith.constant 96 : index
          %get3A_243 = tpu.vector_load %arg10[%get3A_241, %get3A_242] {strides = array<i32>} : memref<80x128xf32, #tpu.memory_space<vmem>>, vector<1x16xf32>,
          %get3A_244 = vector.shape_cast %get3A_243 : vector<1x16xf32> to vector<1x16xf32>
          %add3A_245 = arith.constant 0 : i32
          %add3A_246 = arith.addi %add3A_103, %add3A_245 : i32
          %get3A_247 = arith.index_cast %add3A_246 : i32 to index
          %get3A_248 = arith.constant 96 : index
          %get3A_249 = tpu.vector_load %arg13[%get3A_247, %get3A_248] {strides = array<i32>} : memref<80x128xf32, #tpu.memory_space<vmem>>, vector<1x16xf32>,
          %get3A_250 = vector.shape_cast %get3A_249 : vector<1x16xf32> to vector<1x16xf32>
          %add3A_251 = arith.addf %get3A_244, %get3A_250 : vector<1x16xf32>
          %max3A_252 = arith.constant 0.000000e+00 : f32
          %max3A_253 = vector.broadcast %max3A_252 : f32 to vector<1x16xf32>
          %max3A_254 = arith.maximumf %add3A_251, %max3A_253 : vector<1x16xf32>
          %add3A_255 = arith.constant 0 : i32
          %add3A_256 = arith.addi %add3A_103, %add3A_255 : i32
          %swap3A_257 = arith.index_cast %add3A_256 : i32 to index
          %swap3A_258 = arith.constant 96 : index
          %swap3A_259 = tpu.vector_load %arg16[%swap3A_257, %swap3A_258] {strides = array<i32>} : memref<80x128xf32, #tpu.memory_space<vmem>>, vector<1x16xf32>,
          %swap3A_260 = vector.shape_cast %swap3A_259 : vector<1x16xf32> to vector<1x16xf32>
          %swap3A_261 = vector.shape_cast %max3A_254 : vector<1x16xf32> to vector<1x16xf32>
          tpu.vector_store %arg16[%swap3A_257, %swap3A_258], %swap3A_261 {strides = array<i32>} : memref<80x128xf32, #tpu.memory_space<vmem>>, vector<1x16xf32>,
          %add3A_262 = arith.constant 0 : i32
          %add3A_263 = arith.addi %add3A_103, %add3A_262 : i32
          %get3A_264 = arith.index_cast %add3A_263 : i32 to index
          %get3A_265 = arith.constant 112 : index
          %get3A_266 = tpu.vector_load %arg10[%get3A_264, %get3A_265] {strides = array<i32>} : memref<80x128xf32, #tpu.memory_space<vmem>>, vector<1x16xf32>,
          %get3A_267 = vector.shape_cast %get3A_266 : vector<1x16xf32> to vector<1x16xf32>
          %add3A_268 = arith.constant 0 : i32
          %add3A_269 = arith.addi %add3A_103, %add3A_268 : i32
          %get3A_270 = arith.index_cast %add3A_269 : i32 to index
          %get3A_271 = arith.constant 112 : index
          %get3A_272 = tpu.vector_load %arg13[%get3A_270, %get3A_271] {strides = array<i32>} : memref<80x128xf32, #tpu.memory_space<vmem>>, vector<1x16xf32>,
          %get3A_273 = vector.shape_cast %get3A_272 : vector<1x16xf32> to vector<1x16xf32>
          %add3A_274 = arith.addf %get3A_267, %get3A_273 : vector<1x16xf32>
          %max3A_275 = arith.constant 0.000000e+00 : f32
          %max3A_276 = vector.broadcast %max3A_275 : f32 to vector<1x16xf32>
          %max3A_277 = arith.maximumf %add3A_274, %max3A_276 : vector<1x16xf32>
          %add3A_278 = arith.constant 0 : i32
          %add3A_279 = arith.addi %add3A_103, %add3A_278 : i32
          %swap3A_280 = arith.index_cast %add3A_279 : i32 to index
          %swap3A_281 = arith.constant 112 : index
          %swap3A_282 = tpu.vector_load %arg16[%swap3A_280, %swap3A_281] {strides = array<i32>} : memref<80x128xf32, #tpu.memory_space<vmem>>, vector<1x16xf32>,
          %swap3A_283 = vector.shape_cast %swap3A_282 : vector<1x16xf32> to vector<1x16xf32>
          %swap3A_284 = vector.shape_cast %max3A_277 : vector<1x16xf32> to vector<1x16xf32>
          tpu.vector_store %arg16[%swap3A_280, %swap3A_281], %swap3A_284 {strides = array<i32>} : memref<80x128xf32, #tpu.memory_space<vmem>>, vector<1x16xf32>,
          %add3A_285 = arith.constant 1 : i32
          %add3A_286 = arith.addi %add3A_103, %add3A_285 : i32
          %get3A_287 = arith.index_cast %add3A_286 : i32 to index
          %get3A_288 = arith.constant 0 : index
          %get3A_289 = tpu.vector_load %arg10[%get3A_287, %get3A_288] {strides = array<i32>} : memref<80x128xf32, #tpu.memory_space<vmem>>, vector<1x16xf32>,
          %get3A_290 = vector.shape_cast %get3A_289 : vector<1x16xf32> to vector<1x16xf32>
          %add3A_291 = arith.constant 1 : i32
          %add3A_292 = arith.addi %add3A_103, %add3A_291 : i32
          %get3A_293 = arith.index_cast %add3A_292 : i32 to index
          %get3A_294 = arith.constant 0 : index
          %get3A_295 = tpu.vector_load %arg13[%get3A_293, %get3A_294] {strides = array<i32>} : memref<80x128xf32, #tpu.memory_space<vmem>>, vector<1x16xf32>,
          %get3A_296 = vector.shape_cast %get3A_295 : vector<1x16xf32> to vector<1x16xf32>
          %add3A_297 = arith.addf %get3A_290, %get3A_296 : vector<1x16xf32>
          %max3A_298 = arith.constant 0.000000e+00 : f32
          %max3A_299 = vector.broadcast %max3A_298 : f32 to vector<1x16xf32>
          %max3A_300 = arith.maximumf %add3A_297, %max3A_299 : vector<1x16xf32>
          %add3A_301 = arith.constant 1 : i32
          %add3A_302 = arith.addi %add3A_103, %add3A_301 : i32
          %swap3A_303 = arith.index_cast %add3A_302 : i32 to index
          %swap3A_304 = arith.constant 0 : index
          %swap3A_305 = tpu.vector_load %arg16[%swap3A_303, %swap3A_304] {strides = array<i32>} : memref<80x128xf32, #tpu.memory_space<vmem>>, vector<1x16xf32>,
          %swap3A_306 = vector.shape_cast %swap3A_305 : vector<1x16xf32> to vector<1x16xf32>
          %swap3A_307 = vector.shape_cast %max3A_300 : vector<1x16xf32> to vector<1x16xf32>
          tpu.vector_store %arg16[%swap3A_303, %swap3A_304], %swap3A_307 {strides = array<i32>} : memref<80x128xf32, #tpu.memory_space<vmem>>, vector<1x16xf32>,
          %add3A_308 = arith.constant 1 : i32
          %add3A_309 = arith.addi %add3A_103, %add3A_308 : i32
          %get3A_310 = arith.index_cast %add3A_309 : i32 to index
          %get3A_311 = arith.constant 16 : index
          %get3A_312 = tpu.vector_load %arg10[%get3A_310, %get3A_311] {strides = array<i32>} : memref<80x128xf32, #tpu.memory_space<vmem>>, vector<1x16xf32>,
          %get3A_313 = vector.shape_cast %get3A_312 : vector<1x16xf32> to vector<1x16xf32>
          %add3A_314 = arith.constant 1 : i32
          %add3A_315 = arith.addi %add3A_103, %add3A_314 : i32
          %get3A_316 = arith.index_cast %add3A_315 : i32 to index
          %get3A_317 = arith.constant 16 : index
          %get3A_318 = tpu.vector_load %arg13[%get3A_316, %get3A_317] {strides = array<i32>} : memref<80x128xf32, #tpu.memory_space<vmem>>, vector<1x16xf32>,
          %get3A_319 = vector.shape_cast %get3A_318 : vector<1x16xf32> to vector<1x16xf32>
          %add3A_320 = arith.addf %get3A_313, %get3A_319 : vector<1x16xf32>
          %max3A_321 = arith.constant 0.000000e+00 : f32
          %max3A_322 = vector.broadcast %max3A_321 : f32 to vector<1x16xf32>
          %max3A_323 = arith.maximumf %add3A_320, %max3A_322 : vector<1x16xf32>
          %add3A_324 = arith.constant 1 : i32
          %add3A_325 = arith.addi %add3A_103, %add3A_324 : i32
          %swap3A_326 = arith.index_cast %add3A_325 : i32 to index
          %swap3A_327 = arith.constant 16 : index
          %swap3A_328 = tpu.vector_load %arg16[%swap3A_326, %swap3A_327] {strides = array<i32>} : memref<80x128xf32, #tpu.memory_space<vmem>>, vector<1x16xf32>,
          %swap3A_329 = vector.shape_cast %swap3A_328 : vector<1x16xf32> to vector<1x16xf32>
          %swap3A_330 = vector.shape_cast %max3A_323 : vector<1x16xf32> to vector<1x16xf32>
          tpu.vector_store %arg16[%swap3A_326, %swap3A_327], %swap3A_330 {strides = array<i32>} : memref<80x128xf32, #tpu.memory_space<vmem>>, vector<1x16xf32>,
          %add3A_331 = arith.constant 1 : i32
          %add3A_332 = arith.addi %add3A_103, %add3A_331 : i32
          %get3A_333 = arith.index_cast %add3A_332 : i32 to index
          %get3A_334 = arith.constant 32 : index
          %get3A_335 = tpu.vector_load %arg10[%get3A_333, %get3A_334] {strides = array<i32>} : memref<80x128xf32, #tpu.memory_space<vmem>>, vector<1x16xf32>,
          %get3A_336 = vector.shape_cast %get3A_335 : vector<1x16xf32> to vector<1x16xf32>
          %add3A_337 = arith.constant 1 : i32
          %add3A_338 = arith.addi %add3A_103, %add3A_337 : i32
          %get3A_339 = arith.index_cast %add3A_338 : i32 to index
          %get3A_340 = arith.constant 32 : index
          %get3A_341 = tpu.vector_load %arg13[%get3A_339, %get3A_340] {strides = array<i32>} : memref<80x128xf32, #tpu.memory_space<vmem>>, vector<1x16xf32>,
          %get3A_342 = vector.shape_cast %get3A_341 : vector<1x16xf32> to vector<1x16xf32>
          %add3A_343 = arith.addf %get3A_336, %get3A_342 : vector<1x16xf32>
          %max3A_344 = arith.constant 0.000000e+00 : f32
          %max3A_345 = vector.broadcast %max3A_344 : f32 to vector<1x16xf32>
          %max3A_346 = arith.maximumf %add3A_343, %max3A_345 : vector<1x16xf32>
          %add3A_347 = arith.constant 1 : i32
          %add3A_348 = arith.addi %add3A_103, %add3A_347 : i32
          %swap3A_349 = arith.index_cast %add3A_348 : i32 to index
          %swap3A_350 = arith.constant 32 : index
          %swap3A_351 = tpu.vector_load %arg16[%swap3A_349, %swap3A_350] {strides = array<i32>} : memref<80x128xf32, #tpu.memory_space<vmem>>, vector<1x16xf32>,
          %swap3A_352 = vector.shape_cast %swap3A_351 : vector<1x16xf32> to vector<1x16xf32>
          %swap3A_353 = vector.shape_cast %max3A_346 : vector<1x16xf32> to vector<1x16xf32>
          tpu.vector_store %arg16[%swap3A_349, %swap3A_350], %swap3A_353 {strides = array<i32>} : memref<80x128xf32, #tpu.memory_space<vmem>>, vector<1x16xf32>,
          %add3A_354 = arith.constant 1 : i32
          %add3A_355 = arith.addi %add3A_103, %add3A_354 : i32
          %get3A_356 = arith.index_cast %add3A_355 : i32 to index
          %get3A_357 = arith.constant 48 : index
          %get3A_358 = tpu.vector_load %arg10[%get3A_356, %get3A_357] {strides = array<i32>} : memref<80x128xf32, #tpu.memory_space<vmem>>, vector<1x16xf32>,
          %get3A_359 = vector.shape_cast %get3A_358 : vector<1x16xf32> to vector<1x16xf32>
          %add3A_360 = arith.constant 1 : i32
          %add3A_361 = arith.addi %add3A_103, %add3A_360 : i32
          %get3A_362 = arith.index_cast %add3A_361 : i32 to index
          %get3A_363 = arith.constant 48 : index
          %get3A_364 = tpu.vector_load %arg13[%get3A_362, %get3A_363] {strides = array<i32>} : memref<80x128xf32, #tpu.memory_space<vmem>>, vector<1x16xf32>,
          %get3A_365 = vector.shape_cast %get3A_364 : vector<1x16xf32> to vector<1x16xf32>
          %add3A_366 = arith.addf %get3A_359, %get3A_365 : vector<1x16xf32>
          %max3A_367 = arith.constant 0.000000e+00 : f32
          %max3A_368 = vector.broadcast %max3A_367 : f32 to vector<1x16xf32>
          %max3A_369 = arith.maximumf %add3A_366, %max3A_368 : vector<1x16xf32>
          %add3A_370 = arith.constant 1 : i32
          %add3A_371 = arith.addi %add3A_103, %add3A_370 : i32
          %swap3A_372 = arith.index_cast %add3A_371 : i32 to index
          %swap3A_373 = arith.constant 48 : index
          %swap3A_374 = tpu.vector_load %arg16[%swap3A_372, %swap3A_373] {strides = array<i32>} : memref<80x128xf32, #tpu.memory_space<vmem>>, vector<1x16xf32>,
          %swap3A_375 = vector.shape_cast %swap3A_374 : vector<1x16xf32> to vector<1x16xf32>
          %swap3A_376 = vector.shape_cast %max3A_369 : vector<1x16xf32> to vector<1x16xf32>
          tpu.vector_store %arg16[%swap3A_372, %swap3A_373], %swap3A_376 {strides = array<i32>} : memref<80x128xf32, #tpu.memory_space<vmem>>, vector<1x16xf32>,
          %add3A_377 = arith.constant 1 : i32
          %add3A_378 = arith.addi %add3A_103, %add3A_377 : i32
          %get3A_379 = arith.index_cast %add3A_378 : i32 to index
          %get3A_380 = arith.constant 64 : index
          %get3A_381 = tpu.vector_load %arg10[%get3A_379, %get3A_380] {strides = array<i32>} : memref<80x128xf32, #tpu.memory_space<vmem>>, vector<1x16xf32>,
          %get3A_382 = vector.shape_cast %get3A_381 : vector<1x16xf32> to vector<1x16xf32>
          %add3A_383 = arith.constant 1 : i32
          %add3A_384 = arith.addi %add3A_103, %add3A_383 : i32
          %get3A_385 = arith.index_cast %add3A_384 : i32 to index
          %get3A_386 = arith.constant 64 : index
          %get3A_387 = tpu.vector_load %arg13[%get3A_385, %get3A_386] {strides = array<i32>} : memref<80x128xf32, #tpu.memory_space<vmem>>, vector<1x16xf32>,
          %get3A_388 = vector.shape_cast %get3A_387 : vector<1x16xf32> to vector<1x16xf32>
          %add3A_389 = arith.addf %get3A_382, %get3A_388 : vector<1x16xf32>
          %max3A_390 = arith.constant 0.000000e+00 : f32
          %max3A_391 = vector.broadcast %max3A_390 : f32 to vector<1x16xf32>
          %max3A_392 = arith.maximumf %add3A_389, %max3A_391 : vector<1x16xf32>
          %add3A_393 = arith.constant 1 : i32
          %add3A_394 = arith.addi %add3A_103, %add3A_393 : i32
          %swap3A_395 = arith.index_cast %add3A_394 : i32 to index
          %swap3A_396 = arith.constant 64 : index
          %swap3A_397 = tpu.vector_load %arg16[%swap3A_395, %swap3A_396] {strides = array<i32>} : memref<80x128xf32, #tpu.memory_space<vmem>>, vector<1x16xf32>,
          %swap3A_398 = vector.shape_cast %swap3A_397 : vector<1x16xf32> to vector<1x16xf32>
          %swap3A_399 = vector.shape_cast %max3A_392 : vector<1x16xf32> to vector<1x16xf32>
          tpu.vector_store %arg16[%swap3A_395, %swap3A_396], %swap3A_399 {strides = array<i32>} : memref<80x128xf32, #tpu.memory_space<vmem>>, vector<1x16xf32>,
          %add3A_400 = arith.constant 1 : i32
          %add3A_401 = arith.addi %add3A_103, %add3A_400 : i32
          %get3A_402 = arith.index_cast %add3A_401 : i32 to index
          %get3A_403 = arith.constant 80 : index
          %get3A_404 = tpu.vector_load %arg10[%get3A_402, %get3A_403] {strides = array<i32>} : memref<80x128xf32, #tpu.memory_space<vmem>>, vector<1x16xf32>,
          %get3A_405 = vector.shape_cast %get3A_404 : vector<1x16xf32> to vector<1x16xf32>
          %add3A_406 = arith.constant 1 : i32
          %add3A_407 = arith.addi %add3A_103, %add3A_406 : i32
          %get3A_408 = arith.index_cast %add3A_407 : i32 to index
          %get3A_409 = arith.constant 80 : index
          %get3A_410 = tpu.vector_load %arg13[%get3A_408, %get3A_409] {strides = array<i32>} : memref<80x128xf32, #tpu.memory_space<vmem>>, vector<1x16xf32>,
          %get3A_411 = vector.shape_cast %get3A_410 : vector<1x16xf32> to vector<1x16xf32>
          %add3A_412 = arith.addf %get3A_405, %get3A_411 : vector<1x16xf32>
          %max3A_413 = arith.constant 0.000000e+00 : f32
          %max3A_414 = vector.broadcast %max3A_413 : f32 to vector<1x16xf32>
          %max3A_415 = arith.maximumf %add3A_412, %max3A_414 : vector<1x16xf32>
          %add3A_416 = arith.constant 1 : i32
          %add3A_417 = arith.addi %add3A_103, %add3A_416 : i32
          %swap3A_418 = arith.index_cast %add3A_417 : i32 to index
          %swap3A_419 = arith.constant 80 : index
          %swap3A_420 = tpu.vector_load %arg16[%swap3A_418, %swap3A_419] {strides = array<i32>} : memref<80x128xf32, #tpu.memory_space<vmem>>, vector<1x16xf32>,
          %swap3A_421 = vector.shape_cast %swap3A_420 : vector<1x16xf32> to vector<1x16xf32>
          %swap3A_422 = vector.shape_cast %max3A_415 : vector<1x16xf32> to vector<1x16xf32>
          tpu.vector_store %arg16[%swap3A_418, %swap3A_419], %swap3A_422 {strides = array<i32>} : memref<80x128xf32, #tpu.memory_space<vmem>>, vector<1x16xf32>,
          %add3A_423 = arith.constant 1 : i32
          %add3A_424 = arith.addi %add3A_103, %add3A_423 : i32
          %get3A_425 = arith.index_cast %add3A_424 : i32 to index
          %get3A_426 = arith.constant 96 : index
          %get3A_427 = tpu.vector_load %arg10[%get3A_425, %get3A_426] {strides = array<i32>} : memref<80x128xf32, #tpu.memory_space<vmem>>, vector<1x16xf32>,
          %get3A_428 = vector.shape_cast %get3A_427 : vector<1x16xf32> to vector<1x16xf32>
          %add3A_429 = arith.constant 1 : i32
          %add3A_430 = arith.addi %add3A_103, %add3A_429 : i32
          %get3A_431 = arith.index_cast %add3A_430 : i32 to index
          %get3A_432 = arith.constant 96 : index
          %get3A_433 = tpu.vector_load %arg13[%get3A_431, %get3A_432] {strides = array<i32>} : memref<80x128xf32, #tpu.memory_space<vmem>>, vector<1x16xf32>,
          %get3A_434 = vector.shape_cast %get3A_433 : vector<1x16xf32> to vector<1x16xf32>
          %add3A_435 = arith.addf %get3A_428, %get3A_434 : vector<1x16xf32>
          %max3A_436 = arith.constant 0.000000e+00 : f32
          %max3A_437 = vector.broadcast %max3A_436 : f32 to vector<1x16xf32>
          %max3A_438 = arith.maximumf %add3A_435, %max3A_437 : vector<1x16xf32>
          %add3A_439 = arith.constant 1 : i32
          %add3A_440 = arith.addi %add3A_103, %add3A_439 : i32
          %swap3A_441 = arith.index_cast %add3A_440 : i32 to index
          %swap3A_442 = arith.constant 96 : index
          %swap3A_443 = tpu.vector_load %arg16[%swap3A_441, %swap3A_442] {strides = array<i32>} : memref<80x128xf32, #tpu.memory_space<vmem>>, vector<1x16xf32>,
          %swap3A_444 = vector.shape_cast %swap3A_443 : vector<1x16xf32> to vector<1x16xf32>
          %swap3A_445 = vector.shape_cast %max3A_438 : vector<1x16xf32> to vector<1x16xf32>
          tpu.vector_store %arg16[%swap3A_441, %swap3A_442], %swap3A_445 {strides = array<i32>} : memref<80x128xf32, #tpu.memory_space<vmem>>, vector<1x16xf32>,
          %add3A_446 = arith.constant 1 : i32
          %add3A_447 = arith.addi %add3A_103, %add3A_446 : i32
          %get3A_448 = arith.index_cast %add3A_447 : i32 to index
          %get3A_449 = arith.constant 112 : index
          %get3A_450 = tpu.vector_load %arg10[%get3A_448, %get3A_449] {strides = array<i32>} : memref<80x128xf32, #tpu.memory_space<vmem>>, vector<1x16xf32>,
          %get3A_451 = vector.shape_cast %get3A_450 : vector<1x16xf32> to vector<1x16xf32>
          %add3A_452 = arith.constant 1 : i32
          %add3A_453 = arith.addi %add3A_103, %add3A_452 : i32
          %get3A_454 = arith.index_cast %add3A_453 : i32 to index
          %get3A_455 = arith.constant 112 : index
          %get3A_456 = tpu.vector_load %arg13[%get3A_454, %get3A_455] {strides = array<i32>} : memref<80x128xf32, #tpu.memory_space<vmem>>, vector<1x16xf32>,
          %get3A_457 = vector.shape_cast %get3A_456 : vector<1x16xf32> to vector<1x16xf32>
          %add3A_458 = arith.addf %get3A_451, %get3A_457 : vector<1x16xf32>
          %max3A_459 = arith.constant 0.000000e+00 : f32
          %max3A_460 = vector.broadcast %max3A_459 : f32 to vector<1x16xf32>
          %max3A_461 = arith.maximumf %add3A_458, %max3A_460 : vector<1x16xf32>
          %add3A_462 = arith.constant 1 : i32
          %add3A_463 = arith.addi %add3A_103, %add3A_462 : i32
          %swap3A_464 = arith.index_cast %add3A_463 : i32 to index
          %swap3A_465 = arith.constant 112 : index
          %swap3A_466 = tpu.vector_load %arg16[%swap3A_464, %swap3A_465] {strides = array<i32>} : memref<80x128xf32, #tpu.memory_space<vmem>>, vector<1x16xf32>,
          %swap3A_467 = vector.shape_cast %swap3A_466 : vector<1x16xf32> to vector<1x16xf32>
          %swap3A_468 = vector.shape_cast %max3A_461 : vector<1x16xf32> to vector<1x16xf32>
          tpu.vector_store %arg16[%swap3A_464, %swap3A_465], %swap3A_468 {strides = array<i32>} : memref<80x128xf32, #tpu.memory_space<vmem>>, vector<1x16xf32>,
        }
        %scan3A_91 = arith.constant 40 : i32
        %mul3A_92 = arith.constant 80 : i32
        %mul3A_93 = arith.muli %add3A_51, %mul3A_92 : i32
        %add3A_94 = arith.addi %mul3A_6, %mul3A_93 : i32
        %dma_start3A_95 = arith.constant 0 : i32
        %dma_start3A_96 = tpu.memref_slice %arg6[%add3A_94, %dma_start3A_95] : memref<128000x128xf32, #tpu.memory_space<hbm>> -> memref<80x128xf32, #tpu.memory_space<hbm>>
        %dma_start3A_97 = arith.constant 0 : i32
        %dma_start3A_98 = tpu.memref_slice %arg6[%add3A_94, %dma_start3A_97] : memref<128000x128xf32, #tpu.memory_space<hbm>> -> memref<80x128xf32, #tpu.memory_space<hbm>>
        tpu.enqueue_dma source(%arg16 : memref<80x128xf32, #tpu.memory_space<vmem>>) target(%dma_start3A_98 : memref<80x128xf32, #tpu.memory_space<hbm>>) target_semaphore(%arg25 : memref<!tpu.dma_semaphore, #tpu.memory_space<semaphore_mem>>)
      } else {
      }
      %add3A_57 = arith.constant 2 : i32
      %add3A_58 = arith.addi %add3A_45, %add3A_57 : i32
      %lt3A_59 = arith.constant 50 : i32
      %lt3A_60 = arith.cmpi slt, %add3A_58, %lt3A_59 : i32
      %convert_element_type3A_61 = arith.extui %lt3A_60 : i1 to i32
      %cond3A_62 = arith.constant 0 : i32
      %cond3A_63 = arith.cmpi ne, %convert_element_type3A_61, %cond3A_62 : i32
      scf.if %cond3A_63 {
        %add3A_64 = arith.constant 2 : i32
        %add3A_65 = arith.addi %add3A_58, %add3A_64 : i32
        %lt3A_66 = arith.constant 50 : i32
        %lt3A_67 = arith.cmpi slt, %add3A_65, %lt3A_66 : i32
        %convert_element_type3A_68 = arith.extui %lt3A_67 : i1 to i32
        %cond3A_69 = arith.constant 0 : i32
        %cond3A_70 = arith.cmpi ne, %convert_element_type3A_68, %cond3A_69 : i32
        scf.if %cond3A_70 {
          %add3A_99 = arith.constant 2 : i32
          %add3A_100 = arith.addi %add3A_58, %add3A_99 : i32
          %mul3A_101 = arith.constant 80 : i32
          %mul3A_102 = arith.muli %add3A_100, %mul3A_101 : i32
          %dma_start3A_103 = tpu.memref_slice %arg7[%mul3A_102] : memref<4000xi32, #tpu.memory_space<vmem>> -> memref<80xi32, #tpu.memory_space<vmem>>
          %dma_start3A_104 = arith.constant 0 : i32
          %dma_start3A_105 = arith.constant 0 : i32
          %dma_start3A_106 = tpu.memref_slice %arg2[%dma_start3A_104, %dma_start3A_105] : memref<10000x128xf32, #tpu.memory_space<hbm>> -> memref<10000x128xf32, #tpu.memory_space<hbm>>
          tpu.enqueue_indirect_dma source(%dma_start3A_106 : memref<10000x128xf32, #tpu.memory_space<hbm>>) target(%arg10 : memref<80x128xf32, #tpu.memory_space<vmem>>) offsets(%dma_start3A_103 : memref<80xi32, #tpu.memory_space<vmem>>) semaphore(%arg19 : memref<!tpu.dma_semaphore, #tpu.memory_space<semaphore_mem>>)
          %dma_start3A_107 = tpu.memref_slice %arg8[%mul3A_102] : memref<4000xi32, #tpu.memory_space<vmem>> -> memref<80xi32, #tpu.memory_space<vmem>>
          %dma_start3A_108 = arith.constant 0 : i32
          %dma_start3A_109 = arith.constant 0 : i32
          %dma_start3A_110 = tpu.memref_slice %arg3[%dma_start3A_108, %dma_start3A_109] : memref<10000x128xf32, #tpu.memory_space<hbm>> -> memref<10000x128xf32, #tpu.memory_space<hbm>>
          tpu.enqueue_indirect_dma source(%dma_start3A_110 : memref<10000x128xf32, #tpu.memory_space<hbm>>) target(%arg13 : memref<80x128xf32, #tpu.memory_space<vmem>>) offsets(%dma_start3A_107 : memref<80xi32, #tpu.memory_space<vmem>>) semaphore(%arg22 : memref<!tpu.dma_semaphore, #tpu.memory_space<semaphore_mem>>)
        } else {
        }
        %dma_wait3A_71 = arith.constant 0 : i32
        %dma_wait3A_72 = arith.constant 0 : i32
        %dma_wait3A_73 = tpu.memref_slice %arg2[%dma_wait3A_71, %dma_wait3A_72] : memref<10000x128xf32, #tpu.memory_space<hbm>> -> memref<80x128xf32, #tpu.memory_space<hbm>>
        %dma_wait3A_74 = arith.constant 0 : i32
        %dma_wait3A_75 = arith.constant 0 : i32
        %dma_wait3A_76 = tpu.memref_slice %arg2[%dma_wait3A_74, %dma_wait3A_75] : memref<10000x128xf32, #tpu.memory_space<hbm>> -> memref<80x128xf32, #tpu.memory_space<hbm>>
        tpu.wait_dma2 semaphore(%arg20 : memref<!tpu.dma_semaphore, #tpu.memory_space<semaphore_mem>>) src(%dma_wait3A_76 : memref<80x128xf32, #tpu.memory_space<hbm>>) dst(%arg11 : memref<80x128xf32, #tpu.memory_space<vmem>>)
        %dma_wait3A_77 = arith.constant 0 : i32
        %dma_wait3A_78 = arith.constant 0 : i32
        %dma_wait3A_79 = tpu.memref_slice %arg3[%dma_wait3A_77, %dma_wait3A_78] : memref<10000x128xf32, #tpu.memory_space<hbm>> -> memref<80x128xf32, #tpu.memory_space<hbm>>
        %dma_wait3A_80 = arith.constant 0 : i32
        %dma_wait3A_81 = arith.constant 0 : i32
        %dma_wait3A_82 = tpu.memref_slice %arg3[%dma_wait3A_80, %dma_wait3A_81] : memref<10000x128xf32, #tpu.memory_space<hbm>> -> memref<80x128xf32, #tpu.memory_space<hbm>>
        tpu.wait_dma2 semaphore(%arg23 : memref<!tpu.dma_semaphore, #tpu.memory_space<semaphore_mem>>) src(%dma_wait3A_82 : memref<80x128xf32, #tpu.memory_space<hbm>>) dst(%arg14 : memref<80x128xf32, #tpu.memory_space<vmem>>)
        %ge3A = arith.constant 3 : i32
        %ge3A_83 = arith.cmpi sge, %add3A_58, %ge3A : i32
        %convert_element_type3A_84 = arith.extui %ge3A_83 : i1 to i32
        %cond3A_85 = arith.constant 0 : i32
        %cond3A_86 = arith.cmpi ne, %convert_element_type3A_84, %cond3A_85 : i32
        scf.if %cond3A_86 {
          %dma_wait3A_99 = arith.constant 0 : i32
          %dma_wait3A_100 = tpu.memref_slice %arg6[%mul3A_6, %dma_wait3A_99] : memref<128000x128xf32, #tpu.memory_space<hbm>> -> memref<80x128xf32, #tpu.memory_space<hbm>>
          %dma_wait3A_101 = arith.constant 0 : i32
          %dma_wait3A_102 = tpu.memref_slice %arg6[%mul3A_6, %dma_wait3A_101] : memref<128000x128xf32, #tpu.memory_space<hbm>> -> memref<80x128xf32, #tpu.memory_space<hbm>>
          tpu.wait_dma2 semaphore(%arg26 : memref<!tpu.dma_semaphore, #tpu.memory_space<semaphore_mem>>) src(%arg17 : memref<80x128xf32, #tpu.memory_space<vmem>>) dst(%dma_wait3A_102 : memref<80x128xf32, #tpu.memory_space<hbm>>)
        } else {
        }
        %scan3A_87 = arith.constant 0 : i32
        %scan3A_88 = arith.constant 40 : i32
        %scan3A_89 = arith.addi %scan3A_87, %scan3A_88 : i32
        %scan3A_90 = arith.constant 1 : i32
        scf.for %scan3A_99 = %scan3A_87 to %scan3A_89 step %scan3A_90  : i32 {
          %mul3A_100 = arith.constant 2 : i32
          %mul3A_101 = arith.muli %scan3A_99, %mul3A_100 : i32
          %add3A_102 = arith.constant 0 : i32
          %add3A_103 = arith.addi %add3A_102, %mul3A_101 : i32
          %add3A_104 = arith.constant 0 : i32
          %add3A_105 = arith.addi %add3A_103, %add3A_104 : i32
          %get3A = arith.index_cast %add3A_105 : i32 to index
          %get3A_106 = arith.constant 0 : index
          %get3A_107 = tpu.vector_load %arg11[%get3A, %get3A_106] {strides = array<i32>} : memref<80x128xf32, #tpu.memory_space<vmem>>, vector<1x16xf32>,
          %get3A_108 = vector.shape_cast %get3A_107 : vector<1x16xf32> to vector<1x16xf32>
          %add3A_109 = arith.constant 0 : i32
          %add3A_110 = arith.addi %add3A_103, %add3A_109 : i32
          %get3A_111 = arith.index_cast %add3A_110 : i32 to index
          %get3A_112 = arith.constant 0 : index
          %get3A_113 = tpu.vector_load %arg14[%get3A_111, %get3A_112] {strides = array<i32>} : memref<80x128xf32, #tpu.memory_space<vmem>>, vector<1x16xf32>,
          %get3A_114 = vector.shape_cast %get3A_113 : vector<1x16xf32> to vector<1x16xf32>
          %add3A_115 = arith.addf %get3A_108, %get3A_114 : vector<1x16xf32>
          %max3A = arith.constant 0.000000e+00 : f32
          %max3A_116 = vector.broadcast %max3A : f32 to vector<1x16xf32>
          %max3A_117 = arith.maximumf %add3A_115, %max3A_116 : vector<1x16xf32>
          %add3A_118 = arith.constant 0 : i32
          %add3A_119 = arith.addi %add3A_103, %add3A_118 : i32
          %swap3A = arith.index_cast %add3A_119 : i32 to index
          %swap3A_120 = arith.constant 0 : index
          %swap3A_121 = tpu.vector_load %arg17[%swap3A, %swap3A_120] {strides = array<i32>} : memref<80x128xf32, #tpu.memory_space<vmem>>, vector<1x16xf32>,
          %swap3A_122 = vector.shape_cast %swap3A_121 : vector<1x16xf32> to vector<1x16xf32>
          %swap3A_123 = vector.shape_cast %max3A_117 : vector<1x16xf32> to vector<1x16xf32>
          tpu.vector_store %arg17[%swap3A, %swap3A_120], %swap3A_123 {strides = array<i32>} : memref<80x128xf32, #tpu.memory_space<vmem>>, vector<1x16xf32>,
          %add3A_124 = arith.constant 0 : i32
          %add3A_125 = arith.addi %add3A_103, %add3A_124 : i32
          %get3A_126 = arith.index_cast %add3A_125 : i32 to index
          %get3A_127 = arith.constant 16 : index
          %get3A_128 = tpu.vector_load %arg11[%get3A_126, %get3A_127] {strides = array<i32>} : memref<80x128xf32, #tpu.memory_space<vmem>>, vector<1x16xf32>,
          %get3A_129 = vector.shape_cast %get3A_128 : vector<1x16xf32> to vector<1x16xf32>
          %add3A_130 = arith.constant 0 : i32
          %add3A_131 = arith.addi %add3A_103, %add3A_130 : i32
          %get3A_132 = arith.index_cast %add3A_131 : i32 to index
          %get3A_133 = arith.constant 16 : index
          %get3A_134 = tpu.vector_load %arg14[%get3A_132, %get3A_133] {strides = array<i32>} : memref<80x128xf32, #tpu.memory_space<vmem>>, vector<1x16xf32>,
          %get3A_135 = vector.shape_cast %get3A_134 : vector<1x16xf32> to vector<1x16xf32>
          %add3A_136 = arith.addf %get3A_129, %get3A_135 : vector<1x16xf32>
          %max3A_137 = arith.constant 0.000000e+00 : f32
          %max3A_138 = vector.broadcast %max3A_137 : f32 to vector<1x16xf32>
          %max3A_139 = arith.maximumf %add3A_136, %max3A_138 : vector<1x16xf32>
          %add3A_140 = arith.constant 0 : i32
          %add3A_141 = arith.addi %add3A_103, %add3A_140 : i32
          %swap3A_142 = arith.index_cast %add3A_141 : i32 to index
          %swap3A_143 = arith.constant 16 : index
          %swap3A_144 = tpu.vector_load %arg17[%swap3A_142, %swap3A_143] {strides = array<i32>} : memref<80x128xf32, #tpu.memory_space<vmem>>, vector<1x16xf32>,
          %swap3A_145 = vector.shape_cast %swap3A_144 : vector<1x16xf32> to vector<1x16xf32>
          %swap3A_146 = vector.shape_cast %max3A_139 : vector<1x16xf32> to vector<1x16xf32>
          tpu.vector_store %arg17[%swap3A_142, %swap3A_143], %swap3A_146 {strides = array<i32>} : memref<80x128xf32, #tpu.memory_space<vmem>>, vector<1x16xf32>,
          %add3A_147 = arith.constant 0 : i32
          %add3A_148 = arith.addi %add3A_103, %add3A_147 : i32
          %get3A_149 = arith.index_cast %add3A_148 : i32 to index
          %get3A_150 = arith.constant 32 : index
          %get3A_151 = tpu.vector_load %arg11[%get3A_149, %get3A_150] {strides = array<i32>} : memref<80x128xf32, #tpu.memory_space<vmem>>, vector<1x16xf32>,
          %get3A_152 = vector.shape_cast %get3A_151 : vector<1x16xf32> to vector<1x16xf32>
          %add3A_153 = arith.constant 0 : i32
          %add3A_154 = arith.addi %add3A_103, %add3A_153 : i32
          %get3A_155 = arith.index_cast %add3A_154 : i32 to index
          %get3A_156 = arith.constant 32 : index
          %get3A_157 = tpu.vector_load %arg14[%get3A_155, %get3A_156] {strides = array<i32>} : memref<80x128xf32, #tpu.memory_space<vmem>>, vector<1x16xf32>,
          %get3A_158 = vector.shape_cast %get3A_157 : vector<1x16xf32> to vector<1x16xf32>
          %add3A_159 = arith.addf %get3A_152, %get3A_158 : vector<1x16xf32>
          %max3A_160 = arith.constant 0.000000e+00 : f32
          %max3A_161 = vector.broadcast %max3A_160 : f32 to vector<1x16xf32>
          %max3A_162 = arith.maximumf %add3A_159, %max3A_161 : vector<1x16xf32>
          %add3A_163 = arith.constant 0 : i32
          %add3A_164 = arith.addi %add3A_103, %add3A_163 : i32
          %swap3A_165 = arith.index_cast %add3A_164 : i32 to index
          %swap3A_166 = arith.constant 32 : index
          %swap3A_167 = tpu.vector_load %arg17[%swap3A_165, %swap3A_166] {strides = array<i32>} : memref<80x128xf32, #tpu.memory_space<vmem>>, vector<1x16xf32>,
          %swap3A_168 = vector.shape_cast %swap3A_167 : vector<1x16xf32> to vector<1x16xf32>
          %swap3A_169 = vector.shape_cast %max3A_162 : vector<1x16xf32> to vector<1x16xf32>
          tpu.vector_store %arg17[%swap3A_165, %swap3A_166], %swap3A_169 {strides = array<i32>} : memref<80x128xf32, #tpu.memory_space<vmem>>, vector<1x16xf32>,
          %add3A_170 = arith.constant 0 : i32
          %add3A_171 = arith.addi %add3A_103, %add3A_170 : i32
          %get3A_172 = arith.index_cast %add3A_171 : i32 to index
          %get3A_173 = arith.constant 48 : index
          %get3A_174 = tpu.vector_load %arg11[%get3A_172, %get3A_173] {strides = array<i32>} : memref<80x128xf32, #tpu.memory_space<vmem>>, vector<1x16xf32>,
          %get3A_175 = vector.shape_cast %get3A_174 : vector<1x16xf32> to vector<1x16xf32>
          %add3A_176 = arith.constant 0 : i32
          %add3A_177 = arith.addi %add3A_103, %add3A_176 : i32
          %get3A_178 = arith.index_cast %add3A_177 : i32 to index
          %get3A_179 = arith.constant 48 : index
          %get3A_180 = tpu.vector_load %arg14[%get3A_178, %get3A_179] {strides = array<i32>} : memref<80x128xf32, #tpu.memory_space<vmem>>, vector<1x16xf32>,
          %get3A_181 = vector.shape_cast %get3A_180 : vector<1x16xf32> to vector<1x16xf32>
          %add3A_182 = arith.addf %get3A_175, %get3A_181 : vector<1x16xf32>
          %max3A_183 = arith.constant 0.000000e+00 : f32
          %max3A_184 = vector.broadcast %max3A_183 : f32 to vector<1x16xf32>
          %max3A_185 = arith.maximumf %add3A_182, %max3A_184 : vector<1x16xf32>
          %add3A_186 = arith.constant 0 : i32
          %add3A_187 = arith.addi %add3A_103, %add3A_186 : i32
          %swap3A_188 = arith.index_cast %add3A_187 : i32 to index
          %swap3A_189 = arith.constant 48 : index
          %swap3A_190 = tpu.vector_load %arg17[%swap3A_188, %swap3A_189] {strides = array<i32>} : memref<80x128xf32, #tpu.memory_space<vmem>>, vector<1x16xf32>,
          %swap3A_191 = vector.shape_cast %swap3A_190 : vector<1x16xf32> to vector<1x16xf32>
          %swap3A_192 = vector.shape_cast %max3A_185 : vector<1x16xf32> to vector<1x16xf32>
          tpu.vector_store %arg17[%swap3A_188, %swap3A_189], %swap3A_192 {strides = array<i32>} : memref<80x128xf32, #tpu.memory_space<vmem>>, vector<1x16xf32>,
          %add3A_193 = arith.constant 0 : i32
          %add3A_194 = arith.addi %add3A_103, %add3A_193 : i32
          %get3A_195 = arith.index_cast %add3A_194 : i32 to index
          %get3A_196 = arith.constant 64 : index
          %get3A_197 = tpu.vector_load %arg11[%get3A_195, %get3A_196] {strides = array<i32>} : memref<80x128xf32, #tpu.memory_space<vmem>>, vector<1x16xf32>,
          %get3A_198 = vector.shape_cast %get3A_197 : vector<1x16xf32> to vector<1x16xf32>
          %add3A_199 = arith.constant 0 : i32
          %add3A_200 = arith.addi %add3A_103, %add3A_199 : i32
          %get3A_201 = arith.index_cast %add3A_200 : i32 to index
          %get3A_202 = arith.constant 64 : index
          %get3A_203 = tpu.vector_load %arg14[%get3A_201, %get3A_202] {strides = array<i32>} : memref<80x128xf32, #tpu.memory_space<vmem>>, vector<1x16xf32>,
          %get3A_204 = vector.shape_cast %get3A_203 : vector<1x16xf32> to vector<1x16xf32>
          %add3A_205 = arith.addf %get3A_198, %get3A_204 : vector<1x16xf32>
          %max3A_206 = arith.constant 0.000000e+00 : f32
          %max3A_207 = vector.broadcast %max3A_206 : f32 to vector<1x16xf32>
          %max3A_208 = arith.maximumf %add3A_205, %max3A_207 : vector<1x16xf32>
          %add3A_209 = arith.constant 0 : i32
          %add3A_210 = arith.addi %add3A_103, %add3A_209 : i32
          %swap3A_211 = arith.index_cast %add3A_210 : i32 to index
          %swap3A_212 = arith.constant 64 : index
          %swap3A_213 = tpu.vector_load %arg17[%swap3A_211, %swap3A_212] {strides = array<i32>} : memref<80x128xf32, #tpu.memory_space<vmem>>, vector<1x16xf32>,
          %swap3A_214 = vector.shape_cast %swap3A_213 : vector<1x16xf32> to vector<1x16xf32>
          %swap3A_215 = vector.shape_cast %max3A_208 : vector<1x16xf32> to vector<1x16xf32>
          tpu.vector_store %arg17[%swap3A_211, %swap3A_212], %swap3A_215 {strides = array<i32>} : memref<80x128xf32, #tpu.memory_space<vmem>>, vector<1x16xf32>,
          %add3A_216 = arith.constant 0 : i32
          %add3A_217 = arith.addi %add3A_103, %add3A_216 : i32
          %get3A_218 = arith.index_cast %add3A_217 : i32 to index
          %get3A_219 = arith.constant 80 : index
          %get3A_220 = tpu.vector_load %arg11[%get3A_218, %get3A_219] {strides = array<i32>} : memref<80x128xf32, #tpu.memory_space<vmem>>, vector<1x16xf32>,
          %get3A_221 = vector.shape_cast %get3A_220 : vector<1x16xf32> to vector<1x16xf32>
          %add3A_222 = arith.constant 0 : i32
          %add3A_223 = arith.addi %add3A_103, %add3A_222 : i32
          %get3A_224 = arith.index_cast %add3A_223 : i32 to index
          %get3A_225 = arith.constant 80 : index
          %get3A_226 = tpu.vector_load %arg14[%get3A_224, %get3A_225] {strides = array<i32>} : memref<80x128xf32, #tpu.memory_space<vmem>>, vector<1x16xf32>,
          %get3A_227 = vector.shape_cast %get3A_226 : vector<1x16xf32> to vector<1x16xf32>
          %add3A_228 = arith.addf %get3A_221, %get3A_227 : vector<1x16xf32>
          %max3A_229 = arith.constant 0.000000e+00 : f32
          %max3A_230 = vector.broadcast %max3A_229 : f32 to vector<1x16xf32>
          %max3A_231 = arith.maximumf %add3A_228, %max3A_230 : vector<1x16xf32>
          %add3A_232 = arith.constant 0 : i32
          %add3A_233 = arith.addi %add3A_103, %add3A_232 : i32
          %swap3A_234 = arith.index_cast %add3A_233 : i32 to index
          %swap3A_235 = arith.constant 80 : index
          %swap3A_236 = tpu.vector_load %arg17[%swap3A_234, %swap3A_235] {strides = array<i32>} : memref<80x128xf32, #tpu.memory_space<vmem>>, vector<1x16xf32>,
          %swap3A_237 = vector.shape_cast %swap3A_236 : vector<1x16xf32> to vector<1x16xf32>
          %swap3A_238 = vector.shape_cast %max3A_231 : vector<1x16xf32> to vector<1x16xf32>
          tpu.vector_store %arg17[%swap3A_234, %swap3A_235], %swap3A_238 {strides = array<i32>} : memref<80x128xf32, #tpu.memory_space<vmem>>, vector<1x16xf32>,
          %add3A_239 = arith.constant 0 : i32
          %add3A_240 = arith.addi %add3A_103, %add3A_239 : i32
          %get3A_241 = arith.index_cast %add3A_240 : i32 to index
          %get3A_242 = arith.constant 96 : index
          %get3A_243 = tpu.vector_load %arg11[%get3A_241, %get3A_242] {strides = array<i32>} : memref<80x128xf32, #tpu.memory_space<vmem>>, vector<1x16xf32>,
          %get3A_244 = vector.shape_cast %get3A_243 : vector<1x16xf32> to vector<1x16xf32>
          %add3A_245 = arith.constant 0 : i32
          %add3A_246 = arith.addi %add3A_103, %add3A_245 : i32
          %get3A_247 = arith.index_cast %add3A_246 : i32 to index
          %get3A_248 = arith.constant 96 : index
          %get3A_249 = tpu.vector_load %arg14[%get3A_247, %get3A_248] {strides = array<i32>} : memref<80x128xf32, #tpu.memory_space<vmem>>, vector<1x16xf32>,
          %get3A_250 = vector.shape_cast %get3A_249 : vector<1x16xf32> to vector<1x16xf32>
          %add3A_251 = arith.addf %get3A_244, %get3A_250 : vector<1x16xf32>
          %max3A_252 = arith.constant 0.000000e+00 : f32
          %max3A_253 = vector.broadcast %max3A_252 : f32 to vector<1x16xf32>
          %max3A_254 = arith.maximumf %add3A_251, %max3A_253 : vector<1x16xf32>
          %add3A_255 = arith.constant 0 : i32
          %add3A_256 = arith.addi %add3A_103, %add3A_255 : i32
          %swap3A_257 = arith.index_cast %add3A_256 : i32 to index
          %swap3A_258 = arith.constant 96 : index
          %swap3A_259 = tpu.vector_load %arg17[%swap3A_257, %swap3A_258] {strides = array<i32>} : memref<80x128xf32, #tpu.memory_space<vmem>>, vector<1x16xf32>,
          %swap3A_260 = vector.shape_cast %swap3A_259 : vector<1x16xf32> to vector<1x16xf32>
          %swap3A_261 = vector.shape_cast %max3A_254 : vector<1x16xf32> to vector<1x16xf32>
          tpu.vector_store %arg17[%swap3A_257, %swap3A_258], %swap3A_261 {strides = array<i32>} : memref<80x128xf32, #tpu.memory_space<vmem>>, vector<1x16xf32>,
          %add3A_262 = arith.constant 0 : i32
          %add3A_263 = arith.addi %add3A_103, %add3A_262 : i32
          %get3A_264 = arith.index_cast %add3A_263 : i32 to index
          %get3A_265 = arith.constant 112 : index
          %get3A_266 = tpu.vector_load %arg11[%get3A_264, %get3A_265] {strides = array<i32>} : memref<80x128xf32, #tpu.memory_space<vmem>>, vector<1x16xf32>,
          %get3A_267 = vector.shape_cast %get3A_266 : vector<1x16xf32> to vector<1x16xf32>
          %add3A_268 = arith.constant 0 : i32
          %add3A_269 = arith.addi %add3A_103, %add3A_268 : i32
          %get3A_270 = arith.index_cast %add3A_269 : i32 to index
          %get3A_271 = arith.constant 112 : index
          %get3A_272 = tpu.vector_load %arg14[%get3A_270, %get3A_271] {strides = array<i32>} : memref<80x128xf32, #tpu.memory_space<vmem>>, vector<1x16xf32>,
          %get3A_273 = vector.shape_cast %get3A_272 : vector<1x16xf32> to vector<1x16xf32>
          %add3A_274 = arith.addf %get3A_267, %get3A_273 : vector<1x16xf32>
          %max3A_275 = arith.constant 0.000000e+00 : f32
          %max3A_276 = vector.broadcast %max3A_275 : f32 to vector<1x16xf32>
          %max3A_277 = arith.maximumf %add3A_274, %max3A_276 : vector<1x16xf32>
          %add3A_278 = arith.constant 0 : i32
          %add3A_279 = arith.addi %add3A_103, %add3A_278 : i32
          %swap3A_280 = arith.index_cast %add3A_279 : i32 to index
          %swap3A_281 = arith.constant 112 : index
          %swap3A_282 = tpu.vector_load %arg17[%swap3A_280, %swap3A_281] {strides = array<i32>} : memref<80x128xf32, #tpu.memory_space<vmem>>, vector<1x16xf32>,
          %swap3A_283 = vector.shape_cast %swap3A_282 : vector<1x16xf32> to vector<1x16xf32>
          %swap3A_284 = vector.shape_cast %max3A_277 : vector<1x16xf32> to vector<1x16xf32>
          tpu.vector_store %arg17[%swap3A_280, %swap3A_281], %swap3A_284 {strides = array<i32>} : memref<80x128xf32, #tpu.memory_space<vmem>>, vector<1x16xf32>,
          %add3A_285 = arith.constant 1 : i32
          %add3A_286 = arith.addi %add3A_103, %add3A_285 : i32
          %get3A_287 = arith.index_cast %add3A_286 : i32 to index
          %get3A_288 = arith.constant 0 : index
          %get3A_289 = tpu.vector_load %arg11[%get3A_287, %get3A_288] {strides = array<i32>} : memref<80x128xf32, #tpu.memory_space<vmem>>, vector<1x16xf32>,
          %get3A_290 = vector.shape_cast %get3A_289 : vector<1x16xf32> to vector<1x16xf32>
          %add3A_291 = arith.constant 1 : i32
          %add3A_292 = arith.addi %add3A_103, %add3A_291 : i32
          %get3A_293 = arith.index_cast %add3A_292 : i32 to index
          %get3A_294 = arith.constant 0 : index
          %get3A_295 = tpu.vector_load %arg14[%get3A_293, %get3A_294] {strides = array<i32>} : memref<80x128xf32, #tpu.memory_space<vmem>>, vector<1x16xf32>,
          %get3A_296 = vector.shape_cast %get3A_295 : vector<1x16xf32> to vector<1x16xf32>
          %add3A_297 = arith.addf %get3A_290, %get3A_296 : vector<1x16xf32>
          %max3A_298 = arith.constant 0.000000e+00 : f32
          %max3A_299 = vector.broadcast %max3A_298 : f32 to vector<1x16xf32>
          %max3A_300 = arith.maximumf %add3A_297, %max3A_299 : vector<1x16xf32>
          %add3A_301 = arith.constant 1 : i32
          %add3A_302 = arith.addi %add3A_103, %add3A_301 : i32
          %swap3A_303 = arith.index_cast %add3A_302 : i32 to index
          %swap3A_304 = arith.constant 0 : index
          %swap3A_305 = tpu.vector_load %arg17[%swap3A_303, %swap3A_304] {strides = array<i32>} : memref<80x128xf32, #tpu.memory_space<vmem>>, vector<1x16xf32>,
          %swap3A_306 = vector.shape_cast %swap3A_305 : vector<1x16xf32> to vector<1x16xf32>
          %swap3A_307 = vector.shape_cast %max3A_300 : vector<1x16xf32> to vector<1x16xf32>
          tpu.vector_store %arg17[%swap3A_303, %swap3A_304], %swap3A_307 {strides = array<i32>} : memref<80x128xf32, #tpu.memory_space<vmem>>, vector<1x16xf32>,
          %add3A_308 = arith.constant 1 : i32
          %add3A_309 = arith.addi %add3A_103, %add3A_308 : i32
          %get3A_310 = arith.index_cast %add3A_309 : i32 to index
          %get3A_311 = arith.constant 16 : index
          %get3A_312 = tpu.vector_load %arg11[%get3A_310, %get3A_311] {strides = array<i32>} : memref<80x128xf32, #tpu.memory_space<vmem>>, vector<1x16xf32>,
          %get3A_313 = vector.shape_cast %get3A_312 : vector<1x16xf32> to vector<1x16xf32>
          %add3A_314 = arith.constant 1 : i32
          %add3A_315 = arith.addi %add3A_103, %add3A_314 : i32
          %get3A_316 = arith.index_cast %add3A_315 : i32 to index
          %get3A_317 = arith.constant 16 : index
          %get3A_318 = tpu.vector_load %arg14[%get3A_316, %get3A_317] {strides = array<i32>} : memref<80x128xf32, #tpu.memory_space<vmem>>, vector<1x16xf32>,
          %get3A_319 = vector.shape_cast %get3A_318 : vector<1x16xf32> to vector<1x16xf32>
          %add3A_320 = arith.addf %get3A_313, %get3A_319 : vector<1x16xf32>
          %max3A_321 = arith.constant 0.000000e+00 : f32
          %max3A_322 = vector.broadcast %max3A_321 : f32 to vector<1x16xf32>
          %max3A_323 = arith.maximumf %add3A_320, %max3A_322 : vector<1x16xf32>
          %add3A_324 = arith.constant 1 : i32
          %add3A_325 = arith.addi %add3A_103, %add3A_324 : i32
          %swap3A_326 = arith.index_cast %add3A_325 : i32 to index
          %swap3A_327 = arith.constant 16 : index
          %swap3A_328 = tpu.vector_load %arg17[%swap3A_326, %swap3A_327] {strides = array<i32>} : memref<80x128xf32, #tpu.memory_space<vmem>>, vector<1x16xf32>,
          %swap3A_329 = vector.shape_cast %swap3A_328 : vector<1x16xf32> to vector<1x16xf32>
          %swap3A_330 = vector.shape_cast %max3A_323 : vector<1x16xf32> to vector<1x16xf32>
          tpu.vector_store %arg17[%swap3A_326, %swap3A_327], %swap3A_330 {strides = array<i32>} : memref<80x128xf32, #tpu.memory_space<vmem>>, vector<1x16xf32>,
          %add3A_331 = arith.constant 1 : i32
          %add3A_332 = arith.addi %add3A_103, %add3A_331 : i32
          %get3A_333 = arith.index_cast %add3A_332 : i32 to index
          %get3A_334 = arith.constant 32 : index
          %get3A_335 = tpu.vector_load %arg11[%get3A_333, %get3A_334] {strides = array<i32>} : memref<80x128xf32, #tpu.memory_space<vmem>>, vector<1x16xf32>,
          %get3A_336 = vector.shape_cast %get3A_335 : vector<1x16xf32> to vector<1x16xf32>
          %add3A_337 = arith.constant 1 : i32
          %add3A_338 = arith.addi %add3A_103, %add3A_337 : i32
          %get3A_339 = arith.index_cast %add3A_338 : i32 to index
          %get3A_340 = arith.constant 32 : index
          %get3A_341 = tpu.vector_load %arg14[%get3A_339, %get3A_340] {strides = array<i32>} : memref<80x128xf32, #tpu.memory_space<vmem>>, vector<1x16xf32>,
          %get3A_342 = vector.shape_cast %get3A_341 : vector<1x16xf32> to vector<1x16xf32>
          %add3A_343 = arith.addf %get3A_336, %get3A_342 : vector<1x16xf32>
          %max3A_344 = arith.constant 0.000000e+00 : f32
          %max3A_345 = vector.broadcast %max3A_344 : f32 to vector<1x16xf32>
          %max3A_346 = arith.maximumf %add3A_343, %max3A_345 : vector<1x16xf32>
          %add3A_347 = arith.constant 1 : i32
          %add3A_348 = arith.addi %add3A_103, %add3A_347 : i32
          %swap3A_349 = arith.index_cast %add3A_348 : i32 to index
          %swap3A_350 = arith.constant 32 : index
          %swap3A_351 = tpu.vector_load %arg17[%swap3A_349, %swap3A_350] {strides = array<i32>} : memref<80x128xf32, #tpu.memory_space<vmem>>, vector<1x16xf32>,
          %swap3A_352 = vector.shape_cast %swap3A_351 : vector<1x16xf32> to vector<1x16xf32>
          %swap3A_353 = vector.shape_cast %max3A_346 : vector<1x16xf32> to vector<1x16xf32>
          tpu.vector_store %arg17[%swap3A_349, %swap3A_350], %swap3A_353 {strides = array<i32>} : memref<80x128xf32, #tpu.memory_space<vmem>>, vector<1x16xf32>,
          %add3A_354 = arith.constant 1 : i32
          %add3A_355 = arith.addi %add3A_103, %add3A_354 : i32
          %get3A_356 = arith.index_cast %add3A_355 : i32 to index
          %get3A_357 = arith.constant 48 : index
          %get3A_358 = tpu.vector_load %arg11[%get3A_356, %get3A_357] {strides = array<i32>} : memref<80x128xf32, #tpu.memory_space<vmem>>, vector<1x16xf32>,
          %get3A_359 = vector.shape_cast %get3A_358 : vector<1x16xf32> to vector<1x16xf32>
          %add3A_360 = arith.constant 1 : i32
          %add3A_361 = arith.addi %add3A_103, %add3A_360 : i32
          %get3A_362 = arith.index_cast %add3A_361 : i32 to index
          %get3A_363 = arith.constant 48 : index
          %get3A_364 = tpu.vector_load %arg14[%get3A_362, %get3A_363] {strides = array<i32>} : memref<80x128xf32, #tpu.memory_space<vmem>>, vector<1x16xf32>,
          %get3A_365 = vector.shape_cast %get3A_364 : vector<1x16xf32> to vector<1x16xf32>
          %add3A_366 = arith.addf %get3A_359, %get3A_365 : vector<1x16xf32>
          %max3A_367 = arith.constant 0.000000e+00 : f32
          %max3A_368 = vector.broadcast %max3A_367 : f32 to vector<1x16xf32>
          %max3A_369 = arith.maximumf %add3A_366, %max3A_368 : vector<1x16xf32>
          %add3A_370 = arith.constant 1 : i32
          %add3A_371 = arith.addi %add3A_103, %add3A_370 : i32
          %swap3A_372 = arith.index_cast %add3A_371 : i32 to index
          %swap3A_373 = arith.constant 48 : index
          %swap3A_374 = tpu.vector_load %arg17[%swap3A_372, %swap3A_373] {strides = array<i32>} : memref<80x128xf32, #tpu.memory_space<vmem>>, vector<1x16xf32>,
          %swap3A_375 = vector.shape_cast %swap3A_374 : vector<1x16xf32> to vector<1x16xf32>
          %swap3A_376 = vector.shape_cast %max3A_369 : vector<1x16xf32> to vector<1x16xf32>
          tpu.vector_store %arg17[%swap3A_372, %swap3A_373], %swap3A_376 {strides = array<i32>} : memref<80x128xf32, #tpu.memory_space<vmem>>, vector<1x16xf32>,
          %add3A_377 = arith.constant 1 : i32
          %add3A_378 = arith.addi %add3A_103, %add3A_377 : i32
          %get3A_379 = arith.index_cast %add3A_378 : i32 to index
          %get3A_380 = arith.constant 64 : index
          %get3A_381 = tpu.vector_load %arg11[%get3A_379, %get3A_380] {strides = array<i32>} : memref<80x128xf32, #tpu.memory_space<vmem>>, vector<1x16xf32>,
          %get3A_382 = vector.shape_cast %get3A_381 : vector<1x16xf32> to vector<1x16xf32>
          %add3A_383 = arith.constant 1 : i32
          %add3A_384 = arith.addi %add3A_103, %add3A_383 : i32
          %get3A_385 = arith.index_cast %add3A_384 : i32 to index
          %get3A_386 = arith.constant 64 : index
          %get3A_387 = tpu.vector_load %arg14[%get3A_385, %get3A_386] {strides = array<i32>} : memref<80x128xf32, #tpu.memory_space<vmem>>, vector<1x16xf32>,
          %get3A_388 = vector.shape_cast %get3A_387 : vector<1x16xf32> to vector<1x16xf32>
          %add3A_389 = arith.addf %get3A_382, %get3A_388 : vector<1x16xf32>
          %max3A_390 = arith.constant 0.000000e+00 : f32
          %max3A_391 = vector.broadcast %max3A_390 : f32 to vector<1x16xf32>
          %max3A_392 = arith.maximumf %add3A_389, %max3A_391 : vector<1x16xf32>
          %add3A_393 = arith.constant 1 : i32
          %add3A_394 = arith.addi %add3A_103, %add3A_393 : i32
          %swap3A_395 = arith.index_cast %add3A_394 : i32 to index
          %swap3A_396 = arith.constant 64 : index
          %swap3A_397 = tpu.vector_load %arg17[%swap3A_395, %swap3A_396] {strides = array<i32>} : memref<80x128xf32, #tpu.memory_space<vmem>>, vector<1x16xf32>,
          %swap3A_398 = vector.shape_cast %swap3A_397 : vector<1x16xf32> to vector<1x16xf32>
          %swap3A_399 = vector.shape_cast %max3A_392 : vector<1x16xf32> to vector<1x16xf32>
          tpu.vector_store %arg17[%swap3A_395, %swap3A_396], %swap3A_399 {strides = array<i32>} : memref<80x128xf32, #tpu.memory_space<vmem>>, vector<1x16xf32>,
          %add3A_400 = arith.constant 1 : i32
          %add3A_401 = arith.addi %add3A_103, %add3A_400 : i32
          %get3A_402 = arith.index_cast %add3A_401 : i32 to index
          %get3A_403 = arith.constant 80 : index
          %get3A_404 = tpu.vector_load %arg11[%get3A_402, %get3A_403] {strides = array<i32>} : memref<80x128xf32, #tpu.memory_space<vmem>>, vector<1x16xf32>,
          %get3A_405 = vector.shape_cast %get3A_404 : vector<1x16xf32> to vector<1x16xf32>
          %add3A_406 = arith.constant 1 : i32
          %add3A_407 = arith.addi %add3A_103, %add3A_406 : i32
          %get3A_408 = arith.index_cast %add3A_407 : i32 to index
          %get3A_409 = arith.constant 80 : index
          %get3A_410 = tpu.vector_load %arg14[%get3A_408, %get3A_409] {strides = array<i32>} : memref<80x128xf32, #tpu.memory_space<vmem>>, vector<1x16xf32>,
          %get3A_411 = vector.shape_cast %get3A_410 : vector<1x16xf32> to vector<1x16xf32>
          %add3A_412 = arith.addf %get3A_405, %get3A_411 : vector<1x16xf32>
          %max3A_413 = arith.constant 0.000000e+00 : f32
          %max3A_414 = vector.broadcast %max3A_413 : f32 to vector<1x16xf32>
          %max3A_415 = arith.maximumf %add3A_412, %max3A_414 : vector<1x16xf32>
          %add3A_416 = arith.constant 1 : i32
          %add3A_417 = arith.addi %add3A_103, %add3A_416 : i32
          %swap3A_418 = arith.index_cast %add3A_417 : i32 to index
          %swap3A_419 = arith.constant 80 : index
          %swap3A_420 = tpu.vector_load %arg17[%swap3A_418, %swap3A_419] {strides = array<i32>} : memref<80x128xf32, #tpu.memory_space<vmem>>, vector<1x16xf32>,
          %swap3A_421 = vector.shape_cast %swap3A_420 : vector<1x16xf32> to vector<1x16xf32>
          %swap3A_422 = vector.shape_cast %max3A_415 : vector<1x16xf32> to vector<1x16xf32>
          tpu.vector_store %arg17[%swap3A_418, %swap3A_419], %swap3A_422 {strides = array<i32>} : memref<80x128xf32, #tpu.memory_space<vmem>>, vector<1x16xf32>,
          %add3A_423 = arith.constant 1 : i32
          %add3A_424 = arith.addi %add3A_103, %add3A_423 : i32
          %get3A_425 = arith.index_cast %add3A_424 : i32 to index
          %get3A_426 = arith.constant 96 : index
          %get3A_427 = tpu.vector_load %arg11[%get3A_425, %get3A_426] {strides = array<i32>} : memref<80x128xf32, #tpu.memory_space<vmem>>, vector<1x16xf32>,
          %get3A_428 = vector.shape_cast %get3A_427 : vector<1x16xf32> to vector<1x16xf32>
          %add3A_429 = arith.constant 1 : i32
          %add3A_430 = arith.addi %add3A_103, %add3A_429 : i32
          %get3A_431 = arith.index_cast %add3A_430 : i32 to index
          %get3A_432 = arith.constant 96 : index
          %get3A_433 = tpu.vector_load %arg14[%get3A_431, %get3A_432] {strides = array<i32>} : memref<80x128xf32, #tpu.memory_space<vmem>>, vector<1x16xf32>,
          %get3A_434 = vector.shape_cast %get3A_433 : vector<1x16xf32> to vector<1x16xf32>
          %add3A_435 = arith.addf %get3A_428, %get3A_434 : vector<1x16xf32>
          %max3A_436 = arith.constant 0.000000e+00 : f32
          %max3A_437 = vector.broadcast %max3A_436 : f32 to vector<1x16xf32>
          %max3A_438 = arith.maximumf %add3A_435, %max3A_437 : vector<1x16xf32>
          %add3A_439 = arith.constant 1 : i32
          %add3A_440 = arith.addi %add3A_103, %add3A_439 : i32
          %swap3A_441 = arith.index_cast %add3A_440 : i32 to index
          %swap3A_442 = arith.constant 96 : index
          %swap3A_443 = tpu.vector_load %arg17[%swap3A_441, %swap3A_442] {strides = array<i32>} : memref<80x128xf32, #tpu.memory_space<vmem>>, vector<1x16xf32>,
          %swap3A_444 = vector.shape_cast %swap3A_443 : vector<1x16xf32> to vector<1x16xf32>
          %swap3A_445 = vector.shape_cast %max3A_438 : vector<1x16xf32> to vector<1x16xf32>
          tpu.vector_store %arg17[%swap3A_441, %swap3A_442], %swap3A_445 {strides = array<i32>} : memref<80x128xf32, #tpu.memory_space<vmem>>, vector<1x16xf32>,
          %add3A_446 = arith.constant 1 : i32
          %add3A_447 = arith.addi %add3A_103, %add3A_446 : i32
          %get3A_448 = arith.index_cast %add3A_447 : i32 to index
          %get3A_449 = arith.constant 112 : index
          %get3A_450 = tpu.vector_load %arg11[%get3A_448, %get3A_449] {strides = array<i32>} : memref<80x128xf32, #tpu.memory_space<vmem>>, vector<1x16xf32>,
          %get3A_451 = vector.shape_cast %get3A_450 : vector<1x16xf32> to vector<1x16xf32>
          %add3A_452 = arith.constant 1 : i32
          %add3A_453 = arith.addi %add3A_103, %add3A_452 : i32
          %get3A_454 = arith.index_cast %add3A_453 : i32 to index
          %get3A_455 = arith.constant 112 : index
          %get3A_456 = tpu.vector_load %arg14[%get3A_454, %get3A_455] {strides = array<i32>} : memref<80x128xf32, #tpu.memory_space<vmem>>, vector<1x16xf32>,
          %get3A_457 = vector.shape_cast %get3A_456 : vector<1x16xf32> to vector<1x16xf32>
          %add3A_458 = arith.addf %get3A_451, %get3A_457 : vector<1x16xf32>
          %max3A_459 = arith.constant 0.000000e+00 : f32
          %max3A_460 = vector.broadcast %max3A_459 : f32 to vector<1x16xf32>
          %max3A_461 = arith.maximumf %add3A_458, %max3A_460 : vector<1x16xf32>
          %add3A_462 = arith.constant 1 : i32
          %add3A_463 = arith.addi %add3A_103, %add3A_462 : i32
          %swap3A_464 = arith.index_cast %add3A_463 : i32 to index
          %swap3A_465 = arith.constant 112 : index
          %swap3A_466 = tpu.vector_load %arg17[%swap3A_464, %swap3A_465] {strides = array<i32>} : memref<80x128xf32, #tpu.memory_space<vmem>>, vector<1x16xf32>,
          %swap3A_467 = vector.shape_cast %swap3A_466 : vector<1x16xf32> to vector<1x16xf32>
          %swap3A_468 = vector.shape_cast %max3A_461 : vector<1x16xf32> to vector<1x16xf32>
          tpu.vector_store %arg17[%swap3A_464, %swap3A_465], %swap3A_468 {strides = array<i32>} : memref<80x128xf32, #tpu.memory_space<vmem>>, vector<1x16xf32>,
        }
        %scan3A_91 = arith.constant 40 : i32
        %mul3A_92 = arith.constant 80 : i32
        %mul3A_93 = arith.muli %add3A_58, %mul3A_92 : i32
        %add3A_94 = arith.addi %mul3A_6, %mul3A_93 : i32
        %dma_start3A_95 = arith.constant 0 : i32
        %dma_start3A_96 = tpu.memref_slice %arg6[%add3A_94, %dma_start3A_95] : memref<128000x128xf32, #tpu.memory_space<hbm>> -> memref<80x128xf32, #tpu.memory_space<hbm>>
        %dma_start3A_97 = arith.constant 0 : i32
        %dma_start3A_98 = tpu.memref_slice %arg6[%add3A_94, %dma_start3A_97] : memref<128000x128xf32, #tpu.memory_space<hbm>> -> memref<80x128xf32, #tpu.memory_space<hbm>>
        tpu.enqueue_dma source(%arg17 : memref<80x128xf32, #tpu.memory_space<vmem>>) target(%dma_start3A_98 : memref<80x128xf32, #tpu.memory_space<hbm>>) target_semaphore(%arg26 : memref<!tpu.dma_semaphore, #tpu.memory_space<semaphore_mem>>)
      } else {
      }
    }
    %scan3A_29 = arith.constant 18 : i32
    %dma_wait3A = arith.constant 0 : i32
    %dma_wait3A_30 = tpu.memref_slice %arg6[%mul3A_6, %dma_wait3A] : memref<128000x128xf32, #tpu.memory_space<hbm>> -> memref<80x128xf32, #tpu.memory_space<hbm>>
    %dma_wait3A_31 = arith.constant 0 : i32
    %dma_wait3A_32 = tpu.memref_slice %arg6[%mul3A_6, %dma_wait3A_31] : memref<128000x128xf32, #tpu.memory_space<hbm>> -> memref<80x128xf32, #tpu.memory_space<hbm>>
    tpu.wait_dma2 semaphore(%arg26 : memref<!tpu.dma_semaphore, #tpu.memory_space<semaphore_mem>>) src(%arg17 : memref<80x128xf32, #tpu.memory_space<vmem>>) dst(%dma_wait3A_32 : memref<80x128xf32, #tpu.memory_space<hbm>>)
    %dma_wait3A_33 = arith.constant 0 : i32
    %dma_wait3A_34 = tpu.memref_slice %arg6[%mul3A_6, %dma_wait3A_33] : memref<128000x128xf32, #tpu.memory_space<hbm>> -> memref<80x128xf32, #tpu.memory_space<hbm>>
    %dma_wait3A_35 = arith.constant 0 : i32
    %dma_wait3A_36 = tpu.memref_slice %arg6[%mul3A_6, %dma_wait3A_35] : memref<128000x128xf32, #tpu.memory_space<hbm>> -> memref<80x128xf32, #tpu.memory_space<hbm>>
    tpu.wait_dma2 semaphore(%arg24 : memref<!tpu.dma_semaphore, #tpu.memory_space<semaphore_mem>>) src(%arg15 : memref<80x128xf32, #tpu.memory_space<vmem>>) dst(%dma_wait3A_36 : memref<80x128xf32, #tpu.memory_space<hbm>>)
    %dma_wait3A_37 = arith.constant 0 : i32
    %dma_wait3A_38 = tpu.memref_slice %arg6[%mul3A_6, %dma_wait3A_37] : memref<128000x128xf32, #tpu.memory_space<hbm>> -> memref<80x128xf32, #tpu.memory_space<hbm>>
    %dma_wait3A_39 = arith.constant 0 : i32
    %dma_wait3A_40 = tpu.memref_slice %arg6[%mul3A_6, %dma_wait3A_39] : memref<128000x128xf32, #tpu.memory_space<hbm>> -> memref<80x128xf32, #tpu.memory_space<hbm>>
    tpu.wait_dma2 semaphore(%arg25 : memref<!tpu.dma_semaphore, #tpu.memory_space<semaphore_mem>>) src(%arg16 : memref<80x128xf32, #tpu.memory_space<vmem>>) dst(%dma_wait3A_40 : memref<80x128xf32, #tpu.memory_space<hbm>>)
    return
  }
}

#map = affine_map<(d0, d1) -> (0, 0)>
#map1 = affine_map<(d0, d1) -> (0)>
module attributes {stable_mosaic.version = 14 : i64} {
  func.func @sc_edge(%arg0: i32, %arg1: i32, %arg2: memref<10000x128xf32, #tpu.memory_space<hbm>>, %arg3: memref<10000x128xf32, #tpu.memory_space<hbm>>, %arg4: memref<320000xi32, #tpu.memory_space<hbm>>, %arg5: memref<320000xi32, #tpu.memory_space<hbm>>, %arg6: memref<192000x128xf32, #tpu.memory_space<hbm>>, %arg7: memref<6000xi32, #tpu.memory_space<vmem>>, %arg8: memref<6000xi32, #tpu.memory_space<vmem>>, %arg9: memref<80x128xf32, #tpu.memory_space<vmem>>, %arg10: memref<80x128xf32, #tpu.memory_space<vmem>>, %arg11: memref<80x128xf32, #tpu.memory_space<vmem>>, %arg12: memref<80x128xf32, #tpu.memory_space<vmem>>, %arg13: memref<80x128xf32, #tpu.memory_space<vmem>>, %arg14: memref<80x128xf32, #tpu.memory_space<vmem>>, %arg15: memref<80x128xf32, #tpu.memory_space<vmem>>, %arg16: memref<80x128xf32, #tpu.memory_space<vmem>>, %arg17: memref<80x128xf32, #tpu.memory_space<vmem>>, %arg18: memref<!tpu.dma_semaphore, #tpu.memory_space<semaphore_mem>>, %arg19: memref<!tpu.dma_semaphore, #tpu.memory_space<semaphore_mem>>, %arg20: memref<!tpu.dma_semaphore, #tpu.memory_space<semaphore_mem>>, %arg21: memref<!tpu.dma_semaphore, #tpu.memory_space<semaphore_mem>>, %arg22: memref<!tpu.dma_semaphore, #tpu.memory_space<semaphore_mem>>, %arg23: memref<!tpu.dma_semaphore, #tpu.memory_space<semaphore_mem>>, %arg24: memref<!tpu.dma_semaphore, #tpu.memory_space<semaphore_mem>>, %arg25: memref<!tpu.dma_semaphore, #tpu.memory_space<semaphore_mem>>, %arg26: memref<!tpu.dma_semaphore, #tpu.memory_space<semaphore_mem>>) attributes {dimension_semantics = [#tpu.dimension_semantics<core_parallel>, #tpu.dimension_semantics<subcore_parallel>], iteration_bounds = array<i64: 2, 16>, scalar_prefetch = 0 : i64, scratch_operands = 20 : i64, tpu.core_type = #tpu.core_type<sc_vector_subcore>, window_params = [{transform_indices = #map}, {transform_indices = #map}, {transform_indices = #map1}, {transform_indices = #map1}, {transform_indices = #map}]} {
    %mul3A = arith.constant 2 : i32
    %mul3A_0 = arith.muli %arg1, %mul3A : i32
    %add3A = arith.addi %mul3A_0, %arg0 : i32
    %mul3A_1 = arith.constant 6000 : i32
    %mul3A_2 = arith.muli %add3A, %mul3A_1 : i32
    %add3A_3 = arith.constant 0 : i32
    %add3A_4 = arith.addi %add3A_3, %mul3A_2 : i32
    %mul3A_5 = arith.constant 6000 : i32
    %mul3A_6 = arith.muli %add3A, %mul3A_5 : i32
    "tpu.region"() ({
      %run_scoped3A = tpu.sem_alloc : memref<!tpu.dma_semaphore, #tpu.memory_space<semaphore_mem>>
      %dma_start3A_41 = tpu.memref_slice %arg4[%add3A_4] : memref<320000xi32, #tpu.memory_space<hbm>> -> memref<6000xi32, #tpu.memory_space<hbm>>
      %dma_start3A_42 = tpu.memref_slice %arg4[%add3A_4] : memref<320000xi32, #tpu.memory_space<hbm>> -> memref<6000xi32, #tpu.memory_space<hbm>>
      tpu.enqueue_dma source(%dma_start3A_42 : memref<6000xi32, #tpu.memory_space<hbm>>) target(%arg7 : memref<6000xi32, #tpu.memory_space<vmem>>) target_semaphore(%run_scoped3A : memref<!tpu.dma_semaphore, #tpu.memory_space<semaphore_mem>>)
      %dma_wait3A_43 = tpu.memref_slice %arg4[%add3A_4] : memref<320000xi32, #tpu.memory_space<hbm>> -> memref<6000xi32, #tpu.memory_space<hbm>>
      %dma_wait3A_44 = tpu.memref_slice %arg4[%add3A_4] : memref<320000xi32, #tpu.memory_space<hbm>> -> memref<6000xi32, #tpu.memory_space<hbm>>
      tpu.wait_dma2 semaphore(%run_scoped3A : memref<!tpu.dma_semaphore, #tpu.memory_space<semaphore_mem>>) src(%dma_wait3A_44 : memref<6000xi32, #tpu.memory_space<hbm>>) dst(%arg7 : memref<6000xi32, #tpu.memory_space<vmem>>)
      tpu.yield
    }) : () -> ()
    "tpu.region"() ({
      %run_scoped3A = tpu.sem_alloc : memref<!tpu.dma_semaphore, #tpu.memory_space<semaphore_mem>>
      %dma_start3A_41 = tpu.memref_slice %arg5[%add3A_4] : memref<320000xi32, #tpu.memory_space<hbm>> -> memref<6000xi32, #tpu.memory_space<hbm>>
      %dma_start3A_42 = tpu.memref_slice %arg5[%add3A_4] : memref<320000xi32, #tpu.memory_space<hbm>> -> memref<6000xi32, #tpu.memory_space<hbm>>
      tpu.enqueue_dma source(%dma_start3A_42 : memref<6000xi32, #tpu.memory_space<hbm>>) target(%arg8 : memref<6000xi32, #tpu.memory_space<vmem>>) target_semaphore(%run_scoped3A : memref<!tpu.dma_semaphore, #tpu.memory_space<semaphore_mem>>)
      %dma_wait3A_43 = tpu.memref_slice %arg5[%add3A_4] : memref<320000xi32, #tpu.memory_space<hbm>> -> memref<6000xi32, #tpu.memory_space<hbm>>
      %dma_wait3A_44 = tpu.memref_slice %arg5[%add3A_4] : memref<320000xi32, #tpu.memory_space<hbm>> -> memref<6000xi32, #tpu.memory_space<hbm>>
      tpu.wait_dma2 semaphore(%run_scoped3A : memref<!tpu.dma_semaphore, #tpu.memory_space<semaphore_mem>>) src(%dma_wait3A_44 : memref<6000xi32, #tpu.memory_space<hbm>>) dst(%arg8 : memref<6000xi32, #tpu.memory_space<vmem>>)
      tpu.yield
    }) : () -> ()
    %dma_start3A = arith.constant 0 : i32
    %dma_start3A_7 = tpu.memref_slice %arg7[%dma_start3A] : memref<6000xi32, #tpu.memory_space<vmem>> -> memref<80xi32, #tpu.memory_space<vmem>>
    %dma_start3A_8 = arith.constant 0 : i32
    %dma_start3A_9 = arith.constant 0 : i32
    %dma_start3A_10 = tpu.memref_slice %arg2[%dma_start3A_8, %dma_start3A_9] : memref<10000x128xf32, #tpu.memory_space<hbm>> -> memref<10000x128xf32, #tpu.memory_space<hbm>>
    tpu.enqueue_indirect_dma source(%dma_start3A_10 : memref<10000x128xf32, #tpu.memory_space<hbm>>) target(%arg9 : memref<80x128xf32, #tpu.memory_space<vmem>>) offsets(%dma_start3A_7 : memref<80xi32, #tpu.memory_space<vmem>>) semaphore(%arg18 : memref<!tpu.dma_semaphore, #tpu.memory_space<semaphore_mem>>)
    %dma_start3A_11 = arith.constant 0 : i32
    %dma_start3A_12 = tpu.memref_slice %arg8[%dma_start3A_11] : memref<6000xi32, #tpu.memory_space<vmem>> -> memref<80xi32, #tpu.memory_space<vmem>>
    %dma_start3A_13 = arith.constant 0 : i32
    %dma_start3A_14 = arith.constant 0 : i32
    %dma_start3A_15 = tpu.memref_slice %arg3[%dma_start3A_13, %dma_start3A_14] : memref<10000x128xf32, #tpu.memory_space<hbm>> -> memref<10000x128xf32, #tpu.memory_space<hbm>>
    tpu.enqueue_indirect_dma source(%dma_start3A_15 : memref<10000x128xf32, #tpu.memory_space<hbm>>) target(%arg12 : memref<80x128xf32, #tpu.memory_space<vmem>>) offsets(%dma_start3A_12 : memref<80xi32, #tpu.memory_space<vmem>>) semaphore(%arg21 : memref<!tpu.dma_semaphore, #tpu.memory_space<semaphore_mem>>)
    %dma_start3A_16 = arith.constant 80 : i32
    %dma_start3A_17 = tpu.memref_slice %arg7[%dma_start3A_16] : memref<6000xi32, #tpu.memory_space<vmem>> -> memref<80xi32, #tpu.memory_space<vmem>>
    %dma_start3A_18 = arith.constant 0 : i32
    %dma_start3A_19 = arith.constant 0 : i32
    %dma_start3A_20 = tpu.memref_slice %arg2[%dma_start3A_18, %dma_start3A_19] : memref<10000x128xf32, #tpu.memory_space<hbm>> -> memref<10000x128xf32, #tpu.memory_space<hbm>>
    tpu.enqueue_indirect_dma source(%dma_start3A_20 : memref<10000x128xf32, #tpu.memory_space<hbm>>) target(%arg10 : memref<80x128xf32, #tpu.memory_space<vmem>>) offsets(%dma_start3A_17 : memref<80xi32, #tpu.memory_space<vmem>>) semaphore(%arg19 : memref<!tpu.dma_semaphore, #tpu.memory_space<semaphore_mem>>)
    %dma_start3A_21 = arith.constant 80 : i32
    %dma_start3A_22 = tpu.memref_slice %arg8[%dma_start3A_21] : memref<6000xi32, #tpu.memory_space<vmem>> -> memref<80xi32, #tpu.memory_space<vmem>>
    %dma_start3A_23 = arith.constant 0 : i32
    %dma_start3A_24 = arith.constant 0 : i32
    %dma_start3A_25 = tpu.memref_slice %arg3[%dma_start3A_23, %dma_start3A_24] : memref<10000x128xf32, #tpu.memory_space<hbm>> -> memref<10000x128xf32, #tpu.memory_space<hbm>>
    tpu.enqueue_indirect_dma source(%dma_start3A_25 : memref<10000x128xf32, #tpu.memory_space<hbm>>) target(%arg13 : memref<80x128xf32, #tpu.memory_space<vmem>>) offsets(%dma_start3A_22 : memref<80xi32, #tpu.memory_space<vmem>>) semaphore(%arg22 : memref<!tpu.dma_semaphore, #tpu.memory_space<semaphore_mem>>)
    %scan3A = arith.constant 0 : i32
    %scan3A_26 = arith.constant 26 : i32
    %scan3A_27 = arith.addi %scan3A, %scan3A_26 : i32
    %scan3A_28 = arith.constant 1 : i32
    scf.for %scan3A_41 = %scan3A to %scan3A_27 step %scan3A_28  : i32 {
      %mul3A_42 = arith.constant 3 : i32
      %mul3A_43 = arith.muli %scan3A_41, %mul3A_42 : i32
      %add3A_44 = arith.constant 0 : i32
      %add3A_45 = arith.addi %add3A_44, %mul3A_43 : i32
      %add3A_46 = arith.constant 0 : i32
      %add3A_47 = arith.addi %add3A_45, %add3A_46 : i32
      %lt3A = arith.constant 75 : i32
      %lt3A_48 = arith.cmpi slt, %add3A_47, %lt3A : i32
      %convert_element_type3A = arith.extui %lt3A_48 : i1 to i32
      %cond3A = arith.constant 0 : i32
      %cond3A_49 = arith.cmpi ne, %convert_element_type3A, %cond3A : i32
      scf.if %cond3A_49 {
        %add3A_64 = arith.constant 2 : i32
        %add3A_65 = arith.addi %add3A_47, %add3A_64 : i32
        %lt3A_66 = arith.constant 75 : i32
        %lt3A_67 = arith.cmpi slt, %add3A_65, %lt3A_66 : i32
        %convert_element_type3A_68 = arith.extui %lt3A_67 : i1 to i32
        %cond3A_69 = arith.constant 0 : i32
        %cond3A_70 = arith.cmpi ne, %convert_element_type3A_68, %cond3A_69 : i32
        scf.if %cond3A_70 {
          %add3A_99 = arith.constant 2 : i32
          %add3A_100 = arith.addi %add3A_47, %add3A_99 : i32
          %mul3A_101 = arith.constant 80 : i32
          %mul3A_102 = arith.muli %add3A_100, %mul3A_101 : i32
          %dma_start3A_103 = tpu.memref_slice %arg7[%mul3A_102] : memref<6000xi32, #tpu.memory_space<vmem>> -> memref<80xi32, #tpu.memory_space<vmem>>
          %dma_start3A_104 = arith.constant 0 : i32
          %dma_start3A_105 = arith.constant 0 : i32
          %dma_start3A_106 = tpu.memref_slice %arg2[%dma_start3A_104, %dma_start3A_105] : memref<10000x128xf32, #tpu.memory_space<hbm>> -> memref<10000x128xf32, #tpu.memory_space<hbm>>
          tpu.enqueue_indirect_dma source(%dma_start3A_106 : memref<10000x128xf32, #tpu.memory_space<hbm>>) target(%arg11 : memref<80x128xf32, #tpu.memory_space<vmem>>) offsets(%dma_start3A_103 : memref<80xi32, #tpu.memory_space<vmem>>) semaphore(%arg20 : memref<!tpu.dma_semaphore, #tpu.memory_space<semaphore_mem>>)
          %dma_start3A_107 = tpu.memref_slice %arg8[%mul3A_102] : memref<6000xi32, #tpu.memory_space<vmem>> -> memref<80xi32, #tpu.memory_space<vmem>>
          %dma_start3A_108 = arith.constant 0 : i32
          %dma_start3A_109 = arith.constant 0 : i32
          %dma_start3A_110 = tpu.memref_slice %arg3[%dma_start3A_108, %dma_start3A_109] : memref<10000x128xf32, #tpu.memory_space<hbm>> -> memref<10000x128xf32, #tpu.memory_space<hbm>>
          tpu.enqueue_indirect_dma source(%dma_start3A_110 : memref<10000x128xf32, #tpu.memory_space<hbm>>) target(%arg14 : memref<80x128xf32, #tpu.memory_space<vmem>>) offsets(%dma_start3A_107 : memref<80xi32, #tpu.memory_space<vmem>>) semaphore(%arg23 : memref<!tpu.dma_semaphore, #tpu.memory_space<semaphore_mem>>)
        } else {
        }
        %dma_wait3A_71 = arith.constant 0 : i32
        %dma_wait3A_72 = arith.constant 0 : i32
        %dma_wait3A_73 = tpu.memref_slice %arg2[%dma_wait3A_71, %dma_wait3A_72] : memref<10000x128xf32, #tpu.memory_space<hbm>> -> memref<80x128xf32, #tpu.memory_space<hbm>>
        %dma_wait3A_74 = arith.constant 0 : i32
        %dma_wait3A_75 = arith.constant 0 : i32
        %dma_wait3A_76 = tpu.memref_slice %arg2[%dma_wait3A_74, %dma_wait3A_75] : memref<10000x128xf32, #tpu.memory_space<hbm>> -> memref<80x128xf32, #tpu.memory_space<hbm>>
        tpu.wait_dma2 semaphore(%arg18 : memref<!tpu.dma_semaphore, #tpu.memory_space<semaphore_mem>>) src(%dma_wait3A_76 : memref<80x128xf32, #tpu.memory_space<hbm>>) dst(%arg9 : memref<80x128xf32, #tpu.memory_space<vmem>>)
        %dma_wait3A_77 = arith.constant 0 : i32
        %dma_wait3A_78 = arith.constant 0 : i32
        %dma_wait3A_79 = tpu.memref_slice %arg3[%dma_wait3A_77, %dma_wait3A_78] : memref<10000x128xf32, #tpu.memory_space<hbm>> -> memref<80x128xf32, #tpu.memory_space<hbm>>
        %dma_wait3A_80 = arith.constant 0 : i32
        %dma_wait3A_81 = arith.constant 0 : i32
        %dma_wait3A_82 = tpu.memref_slice %arg3[%dma_wait3A_80, %dma_wait3A_81] : memref<10000x128xf32, #tpu.memory_space<hbm>> -> memref<80x128xf32, #tpu.memory_space<hbm>>
        tpu.wait_dma2 semaphore(%arg21 : memref<!tpu.dma_semaphore, #tpu.memory_space<semaphore_mem>>) src(%dma_wait3A_82 : memref<80x128xf32, #tpu.memory_space<hbm>>) dst(%arg12 : memref<80x128xf32, #tpu.memory_space<vmem>>)
        %ge3A = arith.constant 3 : i32
        %ge3A_83 = arith.cmpi sge, %add3A_47, %ge3A : i32
        %convert_element_type3A_84 = arith.extui %ge3A_83 : i1 to i32
        %cond3A_85 = arith.constant 0 : i32
        %cond3A_86 = arith.cmpi ne, %convert_element_type3A_84, %cond3A_85 : i32
        scf.if %cond3A_86 {
          %dma_wait3A_99 = arith.constant 0 : i32
          %dma_wait3A_100 = tpu.memref_slice %arg6[%mul3A_6, %dma_wait3A_99] : memref<192000x128xf32, #tpu.memory_space<hbm>> -> memref<80x128xf32, #tpu.memory_space<hbm>>
          %dma_wait3A_101 = arith.constant 0 : i32
          %dma_wait3A_102 = tpu.memref_slice %arg6[%mul3A_6, %dma_wait3A_101] : memref<192000x128xf32, #tpu.memory_space<hbm>> -> memref<80x128xf32, #tpu.memory_space<hbm>>
          tpu.wait_dma2 semaphore(%arg24 : memref<!tpu.dma_semaphore, #tpu.memory_space<semaphore_mem>>) src(%arg15 : memref<80x128xf32, #tpu.memory_space<vmem>>) dst(%dma_wait3A_102 : memref<80x128xf32, #tpu.memory_space<hbm>>)
        } else {
        }
        %scan3A_87 = arith.constant 0 : i32
        %scan3A_88 = arith.constant 40 : i32
        %scan3A_89 = arith.addi %scan3A_87, %scan3A_88 : i32
        %scan3A_90 = arith.constant 1 : i32
        scf.for %scan3A_99 = %scan3A_87 to %scan3A_89 step %scan3A_90  : i32 {
          %mul3A_100 = arith.constant 2 : i32
          %mul3A_101 = arith.muli %scan3A_99, %mul3A_100 : i32
          %add3A_102 = arith.constant 0 : i32
          %add3A_103 = arith.addi %add3A_102, %mul3A_101 : i32
          %add3A_104 = arith.constant 0 : i32
          %add3A_105 = arith.addi %add3A_103, %add3A_104 : i32
          %get3A = arith.index_cast %add3A_105 : i32 to index
          %get3A_106 = arith.constant 0 : index
          %get3A_107 = tpu.vector_load %arg9[%get3A, %get3A_106] {strides = array<i32>} : memref<80x128xf32, #tpu.memory_space<vmem>>, vector<1x16xf32>,
          %get3A_108 = vector.shape_cast %get3A_107 : vector<1x16xf32> to vector<1x16xf32>
          %add3A_109 = arith.constant 0 : i32
          %add3A_110 = arith.addi %add3A_103, %add3A_109 : i32
          %get3A_111 = arith.index_cast %add3A_110 : i32 to index
          %get3A_112 = arith.constant 0 : index
          %get3A_113 = tpu.vector_load %arg12[%get3A_111, %get3A_112] {strides = array<i32>} : memref<80x128xf32, #tpu.memory_space<vmem>>, vector<1x16xf32>,
          %get3A_114 = vector.shape_cast %get3A_113 : vector<1x16xf32> to vector<1x16xf32>
          %add3A_115 = arith.addf %get3A_108, %get3A_114 : vector<1x16xf32>
          %max3A = arith.constant 0.000000e+00 : f32
          %max3A_116 = vector.broadcast %max3A : f32 to vector<1x16xf32>
          %max3A_117 = arith.maximumf %add3A_115, %max3A_116 : vector<1x16xf32>
          %add3A_118 = arith.constant 0 : i32
          %add3A_119 = arith.addi %add3A_103, %add3A_118 : i32
          %swap3A = arith.index_cast %add3A_119 : i32 to index
          %swap3A_120 = arith.constant 0 : index
          %swap3A_121 = tpu.vector_load %arg15[%swap3A, %swap3A_120] {strides = array<i32>} : memref<80x128xf32, #tpu.memory_space<vmem>>, vector<1x16xf32>,
          %swap3A_122 = vector.shape_cast %swap3A_121 : vector<1x16xf32> to vector<1x16xf32>
          %swap3A_123 = vector.shape_cast %max3A_117 : vector<1x16xf32> to vector<1x16xf32>
          tpu.vector_store %arg15[%swap3A, %swap3A_120], %swap3A_123 {strides = array<i32>} : memref<80x128xf32, #tpu.memory_space<vmem>>, vector<1x16xf32>,
          %add3A_124 = arith.constant 0 : i32
          %add3A_125 = arith.addi %add3A_103, %add3A_124 : i32
          %get3A_126 = arith.index_cast %add3A_125 : i32 to index
          %get3A_127 = arith.constant 16 : index
          %get3A_128 = tpu.vector_load %arg9[%get3A_126, %get3A_127] {strides = array<i32>} : memref<80x128xf32, #tpu.memory_space<vmem>>, vector<1x16xf32>,
          %get3A_129 = vector.shape_cast %get3A_128 : vector<1x16xf32> to vector<1x16xf32>
          %add3A_130 = arith.constant 0 : i32
          %add3A_131 = arith.addi %add3A_103, %add3A_130 : i32
          %get3A_132 = arith.index_cast %add3A_131 : i32 to index
          %get3A_133 = arith.constant 16 : index
          %get3A_134 = tpu.vector_load %arg12[%get3A_132, %get3A_133] {strides = array<i32>} : memref<80x128xf32, #tpu.memory_space<vmem>>, vector<1x16xf32>,
          %get3A_135 = vector.shape_cast %get3A_134 : vector<1x16xf32> to vector<1x16xf32>
          %add3A_136 = arith.addf %get3A_129, %get3A_135 : vector<1x16xf32>
          %max3A_137 = arith.constant 0.000000e+00 : f32
          %max3A_138 = vector.broadcast %max3A_137 : f32 to vector<1x16xf32>
          %max3A_139 = arith.maximumf %add3A_136, %max3A_138 : vector<1x16xf32>
          %add3A_140 = arith.constant 0 : i32
          %add3A_141 = arith.addi %add3A_103, %add3A_140 : i32
          %swap3A_142 = arith.index_cast %add3A_141 : i32 to index
          %swap3A_143 = arith.constant 16 : index
          %swap3A_144 = tpu.vector_load %arg15[%swap3A_142, %swap3A_143] {strides = array<i32>} : memref<80x128xf32, #tpu.memory_space<vmem>>, vector<1x16xf32>,
          %swap3A_145 = vector.shape_cast %swap3A_144 : vector<1x16xf32> to vector<1x16xf32>
          %swap3A_146 = vector.shape_cast %max3A_139 : vector<1x16xf32> to vector<1x16xf32>
          tpu.vector_store %arg15[%swap3A_142, %swap3A_143], %swap3A_146 {strides = array<i32>} : memref<80x128xf32, #tpu.memory_space<vmem>>, vector<1x16xf32>,
          %add3A_147 = arith.constant 0 : i32
          %add3A_148 = arith.addi %add3A_103, %add3A_147 : i32
          %get3A_149 = arith.index_cast %add3A_148 : i32 to index
          %get3A_150 = arith.constant 32 : index
          %get3A_151 = tpu.vector_load %arg9[%get3A_149, %get3A_150] {strides = array<i32>} : memref<80x128xf32, #tpu.memory_space<vmem>>, vector<1x16xf32>,
          %get3A_152 = vector.shape_cast %get3A_151 : vector<1x16xf32> to vector<1x16xf32>
          %add3A_153 = arith.constant 0 : i32
          %add3A_154 = arith.addi %add3A_103, %add3A_153 : i32
          %get3A_155 = arith.index_cast %add3A_154 : i32 to index
          %get3A_156 = arith.constant 32 : index
          %get3A_157 = tpu.vector_load %arg12[%get3A_155, %get3A_156] {strides = array<i32>} : memref<80x128xf32, #tpu.memory_space<vmem>>, vector<1x16xf32>,
          %get3A_158 = vector.shape_cast %get3A_157 : vector<1x16xf32> to vector<1x16xf32>
          %add3A_159 = arith.addf %get3A_152, %get3A_158 : vector<1x16xf32>
          %max3A_160 = arith.constant 0.000000e+00 : f32
          %max3A_161 = vector.broadcast %max3A_160 : f32 to vector<1x16xf32>
          %max3A_162 = arith.maximumf %add3A_159, %max3A_161 : vector<1x16xf32>
          %add3A_163 = arith.constant 0 : i32
          %add3A_164 = arith.addi %add3A_103, %add3A_163 : i32
          %swap3A_165 = arith.index_cast %add3A_164 : i32 to index
          %swap3A_166 = arith.constant 32 : index
          %swap3A_167 = tpu.vector_load %arg15[%swap3A_165, %swap3A_166] {strides = array<i32>} : memref<80x128xf32, #tpu.memory_space<vmem>>, vector<1x16xf32>,
          %swap3A_168 = vector.shape_cast %swap3A_167 : vector<1x16xf32> to vector<1x16xf32>
          %swap3A_169 = vector.shape_cast %max3A_162 : vector<1x16xf32> to vector<1x16xf32>
          tpu.vector_store %arg15[%swap3A_165, %swap3A_166], %swap3A_169 {strides = array<i32>} : memref<80x128xf32, #tpu.memory_space<vmem>>, vector<1x16xf32>,
          %add3A_170 = arith.constant 0 : i32
          %add3A_171 = arith.addi %add3A_103, %add3A_170 : i32
          %get3A_172 = arith.index_cast %add3A_171 : i32 to index
          %get3A_173 = arith.constant 48 : index
          %get3A_174 = tpu.vector_load %arg9[%get3A_172, %get3A_173] {strides = array<i32>} : memref<80x128xf32, #tpu.memory_space<vmem>>, vector<1x16xf32>,
          %get3A_175 = vector.shape_cast %get3A_174 : vector<1x16xf32> to vector<1x16xf32>
          %add3A_176 = arith.constant 0 : i32
          %add3A_177 = arith.addi %add3A_103, %add3A_176 : i32
          %get3A_178 = arith.index_cast %add3A_177 : i32 to index
          %get3A_179 = arith.constant 48 : index
          %get3A_180 = tpu.vector_load %arg12[%get3A_178, %get3A_179] {strides = array<i32>} : memref<80x128xf32, #tpu.memory_space<vmem>>, vector<1x16xf32>,
          %get3A_181 = vector.shape_cast %get3A_180 : vector<1x16xf32> to vector<1x16xf32>
          %add3A_182 = arith.addf %get3A_175, %get3A_181 : vector<1x16xf32>
          %max3A_183 = arith.constant 0.000000e+00 : f32
          %max3A_184 = vector.broadcast %max3A_183 : f32 to vector<1x16xf32>
          %max3A_185 = arith.maximumf %add3A_182, %max3A_184 : vector<1x16xf32>
          %add3A_186 = arith.constant 0 : i32
          %add3A_187 = arith.addi %add3A_103, %add3A_186 : i32
          %swap3A_188 = arith.index_cast %add3A_187 : i32 to index
          %swap3A_189 = arith.constant 48 : index
          %swap3A_190 = tpu.vector_load %arg15[%swap3A_188, %swap3A_189] {strides = array<i32>} : memref<80x128xf32, #tpu.memory_space<vmem>>, vector<1x16xf32>,
          %swap3A_191 = vector.shape_cast %swap3A_190 : vector<1x16xf32> to vector<1x16xf32>
          %swap3A_192 = vector.shape_cast %max3A_185 : vector<1x16xf32> to vector<1x16xf32>
          tpu.vector_store %arg15[%swap3A_188, %swap3A_189], %swap3A_192 {strides = array<i32>} : memref<80x128xf32, #tpu.memory_space<vmem>>, vector<1x16xf32>,
          %add3A_193 = arith.constant 0 : i32
          %add3A_194 = arith.addi %add3A_103, %add3A_193 : i32
          %get3A_195 = arith.index_cast %add3A_194 : i32 to index
          %get3A_196 = arith.constant 64 : index
          %get3A_197 = tpu.vector_load %arg9[%get3A_195, %get3A_196] {strides = array<i32>} : memref<80x128xf32, #tpu.memory_space<vmem>>, vector<1x16xf32>,
          %get3A_198 = vector.shape_cast %get3A_197 : vector<1x16xf32> to vector<1x16xf32>
          %add3A_199 = arith.constant 0 : i32
          %add3A_200 = arith.addi %add3A_103, %add3A_199 : i32
          %get3A_201 = arith.index_cast %add3A_200 : i32 to index
          %get3A_202 = arith.constant 64 : index
          %get3A_203 = tpu.vector_load %arg12[%get3A_201, %get3A_202] {strides = array<i32>} : memref<80x128xf32, #tpu.memory_space<vmem>>, vector<1x16xf32>,
          %get3A_204 = vector.shape_cast %get3A_203 : vector<1x16xf32> to vector<1x16xf32>
          %add3A_205 = arith.addf %get3A_198, %get3A_204 : vector<1x16xf32>
          %max3A_206 = arith.constant 0.000000e+00 : f32
          %max3A_207 = vector.broadcast %max3A_206 : f32 to vector<1x16xf32>
          %max3A_208 = arith.maximumf %add3A_205, %max3A_207 : vector<1x16xf32>
          %add3A_209 = arith.constant 0 : i32
          %add3A_210 = arith.addi %add3A_103, %add3A_209 : i32
          %swap3A_211 = arith.index_cast %add3A_210 : i32 to index
          %swap3A_212 = arith.constant 64 : index
          %swap3A_213 = tpu.vector_load %arg15[%swap3A_211, %swap3A_212] {strides = array<i32>} : memref<80x128xf32, #tpu.memory_space<vmem>>, vector<1x16xf32>,
          %swap3A_214 = vector.shape_cast %swap3A_213 : vector<1x16xf32> to vector<1x16xf32>
          %swap3A_215 = vector.shape_cast %max3A_208 : vector<1x16xf32> to vector<1x16xf32>
          tpu.vector_store %arg15[%swap3A_211, %swap3A_212], %swap3A_215 {strides = array<i32>} : memref<80x128xf32, #tpu.memory_space<vmem>>, vector<1x16xf32>,
          %add3A_216 = arith.constant 0 : i32
          %add3A_217 = arith.addi %add3A_103, %add3A_216 : i32
          %get3A_218 = arith.index_cast %add3A_217 : i32 to index
          %get3A_219 = arith.constant 80 : index
          %get3A_220 = tpu.vector_load %arg9[%get3A_218, %get3A_219] {strides = array<i32>} : memref<80x128xf32, #tpu.memory_space<vmem>>, vector<1x16xf32>,
          %get3A_221 = vector.shape_cast %get3A_220 : vector<1x16xf32> to vector<1x16xf32>
          %add3A_222 = arith.constant 0 : i32
          %add3A_223 = arith.addi %add3A_103, %add3A_222 : i32
          %get3A_224 = arith.index_cast %add3A_223 : i32 to index
          %get3A_225 = arith.constant 80 : index
          %get3A_226 = tpu.vector_load %arg12[%get3A_224, %get3A_225] {strides = array<i32>} : memref<80x128xf32, #tpu.memory_space<vmem>>, vector<1x16xf32>,
          %get3A_227 = vector.shape_cast %get3A_226 : vector<1x16xf32> to vector<1x16xf32>
          %add3A_228 = arith.addf %get3A_221, %get3A_227 : vector<1x16xf32>
          %max3A_229 = arith.constant 0.000000e+00 : f32
          %max3A_230 = vector.broadcast %max3A_229 : f32 to vector<1x16xf32>
          %max3A_231 = arith.maximumf %add3A_228, %max3A_230 : vector<1x16xf32>
          %add3A_232 = arith.constant 0 : i32
          %add3A_233 = arith.addi %add3A_103, %add3A_232 : i32
          %swap3A_234 = arith.index_cast %add3A_233 : i32 to index
          %swap3A_235 = arith.constant 80 : index
          %swap3A_236 = tpu.vector_load %arg15[%swap3A_234, %swap3A_235] {strides = array<i32>} : memref<80x128xf32, #tpu.memory_space<vmem>>, vector<1x16xf32>,
          %swap3A_237 = vector.shape_cast %swap3A_236 : vector<1x16xf32> to vector<1x16xf32>
          %swap3A_238 = vector.shape_cast %max3A_231 : vector<1x16xf32> to vector<1x16xf32>
          tpu.vector_store %arg15[%swap3A_234, %swap3A_235], %swap3A_238 {strides = array<i32>} : memref<80x128xf32, #tpu.memory_space<vmem>>, vector<1x16xf32>,
          %add3A_239 = arith.constant 0 : i32
          %add3A_240 = arith.addi %add3A_103, %add3A_239 : i32
          %get3A_241 = arith.index_cast %add3A_240 : i32 to index
          %get3A_242 = arith.constant 96 : index
          %get3A_243 = tpu.vector_load %arg9[%get3A_241, %get3A_242] {strides = array<i32>} : memref<80x128xf32, #tpu.memory_space<vmem>>, vector<1x16xf32>,
          %get3A_244 = vector.shape_cast %get3A_243 : vector<1x16xf32> to vector<1x16xf32>
          %add3A_245 = arith.constant 0 : i32
          %add3A_246 = arith.addi %add3A_103, %add3A_245 : i32
          %get3A_247 = arith.index_cast %add3A_246 : i32 to index
          %get3A_248 = arith.constant 96 : index
          %get3A_249 = tpu.vector_load %arg12[%get3A_247, %get3A_248] {strides = array<i32>} : memref<80x128xf32, #tpu.memory_space<vmem>>, vector<1x16xf32>,
          %get3A_250 = vector.shape_cast %get3A_249 : vector<1x16xf32> to vector<1x16xf32>
          %add3A_251 = arith.addf %get3A_244, %get3A_250 : vector<1x16xf32>
          %max3A_252 = arith.constant 0.000000e+00 : f32
          %max3A_253 = vector.broadcast %max3A_252 : f32 to vector<1x16xf32>
          %max3A_254 = arith.maximumf %add3A_251, %max3A_253 : vector<1x16xf32>
          %add3A_255 = arith.constant 0 : i32
          %add3A_256 = arith.addi %add3A_103, %add3A_255 : i32
          %swap3A_257 = arith.index_cast %add3A_256 : i32 to index
          %swap3A_258 = arith.constant 96 : index
          %swap3A_259 = tpu.vector_load %arg15[%swap3A_257, %swap3A_258] {strides = array<i32>} : memref<80x128xf32, #tpu.memory_space<vmem>>, vector<1x16xf32>,
          %swap3A_260 = vector.shape_cast %swap3A_259 : vector<1x16xf32> to vector<1x16xf32>
          %swap3A_261 = vector.shape_cast %max3A_254 : vector<1x16xf32> to vector<1x16xf32>
          tpu.vector_store %arg15[%swap3A_257, %swap3A_258], %swap3A_261 {strides = array<i32>} : memref<80x128xf32, #tpu.memory_space<vmem>>, vector<1x16xf32>,
          %add3A_262 = arith.constant 0 : i32
          %add3A_263 = arith.addi %add3A_103, %add3A_262 : i32
          %get3A_264 = arith.index_cast %add3A_263 : i32 to index
          %get3A_265 = arith.constant 112 : index
          %get3A_266 = tpu.vector_load %arg9[%get3A_264, %get3A_265] {strides = array<i32>} : memref<80x128xf32, #tpu.memory_space<vmem>>, vector<1x16xf32>,
          %get3A_267 = vector.shape_cast %get3A_266 : vector<1x16xf32> to vector<1x16xf32>
          %add3A_268 = arith.constant 0 : i32
          %add3A_269 = arith.addi %add3A_103, %add3A_268 : i32
          %get3A_270 = arith.index_cast %add3A_269 : i32 to index
          %get3A_271 = arith.constant 112 : index
          %get3A_272 = tpu.vector_load %arg12[%get3A_270, %get3A_271] {strides = array<i32>} : memref<80x128xf32, #tpu.memory_space<vmem>>, vector<1x16xf32>,
          %get3A_273 = vector.shape_cast %get3A_272 : vector<1x16xf32> to vector<1x16xf32>
          %add3A_274 = arith.addf %get3A_267, %get3A_273 : vector<1x16xf32>
          %max3A_275 = arith.constant 0.000000e+00 : f32
          %max3A_276 = vector.broadcast %max3A_275 : f32 to vector<1x16xf32>
          %max3A_277 = arith.maximumf %add3A_274, %max3A_276 : vector<1x16xf32>
          %add3A_278 = arith.constant 0 : i32
          %add3A_279 = arith.addi %add3A_103, %add3A_278 : i32
          %swap3A_280 = arith.index_cast %add3A_279 : i32 to index
          %swap3A_281 = arith.constant 112 : index
          %swap3A_282 = tpu.vector_load %arg15[%swap3A_280, %swap3A_281] {strides = array<i32>} : memref<80x128xf32, #tpu.memory_space<vmem>>, vector<1x16xf32>,
          %swap3A_283 = vector.shape_cast %swap3A_282 : vector<1x16xf32> to vector<1x16xf32>
          %swap3A_284 = vector.shape_cast %max3A_277 : vector<1x16xf32> to vector<1x16xf32>
          tpu.vector_store %arg15[%swap3A_280, %swap3A_281], %swap3A_284 {strides = array<i32>} : memref<80x128xf32, #tpu.memory_space<vmem>>, vector<1x16xf32>,
          %add3A_285 = arith.constant 1 : i32
          %add3A_286 = arith.addi %add3A_103, %add3A_285 : i32
          %get3A_287 = arith.index_cast %add3A_286 : i32 to index
          %get3A_288 = arith.constant 0 : index
          %get3A_289 = tpu.vector_load %arg9[%get3A_287, %get3A_288] {strides = array<i32>} : memref<80x128xf32, #tpu.memory_space<vmem>>, vector<1x16xf32>,
          %get3A_290 = vector.shape_cast %get3A_289 : vector<1x16xf32> to vector<1x16xf32>
          %add3A_291 = arith.constant 1 : i32
          %add3A_292 = arith.addi %add3A_103, %add3A_291 : i32
          %get3A_293 = arith.index_cast %add3A_292 : i32 to index
          %get3A_294 = arith.constant 0 : index
          %get3A_295 = tpu.vector_load %arg12[%get3A_293, %get3A_294] {strides = array<i32>} : memref<80x128xf32, #tpu.memory_space<vmem>>, vector<1x16xf32>,
          %get3A_296 = vector.shape_cast %get3A_295 : vector<1x16xf32> to vector<1x16xf32>
          %add3A_297 = arith.addf %get3A_290, %get3A_296 : vector<1x16xf32>
          %max3A_298 = arith.constant 0.000000e+00 : f32
          %max3A_299 = vector.broadcast %max3A_298 : f32 to vector<1x16xf32>
          %max3A_300 = arith.maximumf %add3A_297, %max3A_299 : vector<1x16xf32>
          %add3A_301 = arith.constant 1 : i32
          %add3A_302 = arith.addi %add3A_103, %add3A_301 : i32
          %swap3A_303 = arith.index_cast %add3A_302 : i32 to index
          %swap3A_304 = arith.constant 0 : index
          %swap3A_305 = tpu.vector_load %arg15[%swap3A_303, %swap3A_304] {strides = array<i32>} : memref<80x128xf32, #tpu.memory_space<vmem>>, vector<1x16xf32>,
          %swap3A_306 = vector.shape_cast %swap3A_305 : vector<1x16xf32> to vector<1x16xf32>
          %swap3A_307 = vector.shape_cast %max3A_300 : vector<1x16xf32> to vector<1x16xf32>
          tpu.vector_store %arg15[%swap3A_303, %swap3A_304], %swap3A_307 {strides = array<i32>} : memref<80x128xf32, #tpu.memory_space<vmem>>, vector<1x16xf32>,
          %add3A_308 = arith.constant 1 : i32
          %add3A_309 = arith.addi %add3A_103, %add3A_308 : i32
          %get3A_310 = arith.index_cast %add3A_309 : i32 to index
          %get3A_311 = arith.constant 16 : index
          %get3A_312 = tpu.vector_load %arg9[%get3A_310, %get3A_311] {strides = array<i32>} : memref<80x128xf32, #tpu.memory_space<vmem>>, vector<1x16xf32>,
          %get3A_313 = vector.shape_cast %get3A_312 : vector<1x16xf32> to vector<1x16xf32>
          %add3A_314 = arith.constant 1 : i32
          %add3A_315 = arith.addi %add3A_103, %add3A_314 : i32
          %get3A_316 = arith.index_cast %add3A_315 : i32 to index
          %get3A_317 = arith.constant 16 : index
          %get3A_318 = tpu.vector_load %arg12[%get3A_316, %get3A_317] {strides = array<i32>} : memref<80x128xf32, #tpu.memory_space<vmem>>, vector<1x16xf32>,
          %get3A_319 = vector.shape_cast %get3A_318 : vector<1x16xf32> to vector<1x16xf32>
          %add3A_320 = arith.addf %get3A_313, %get3A_319 : vector<1x16xf32>
          %max3A_321 = arith.constant 0.000000e+00 : f32
          %max3A_322 = vector.broadcast %max3A_321 : f32 to vector<1x16xf32>
          %max3A_323 = arith.maximumf %add3A_320, %max3A_322 : vector<1x16xf32>
          %add3A_324 = arith.constant 1 : i32
          %add3A_325 = arith.addi %add3A_103, %add3A_324 : i32
          %swap3A_326 = arith.index_cast %add3A_325 : i32 to index
          %swap3A_327 = arith.constant 16 : index
          %swap3A_328 = tpu.vector_load %arg15[%swap3A_326, %swap3A_327] {strides = array<i32>} : memref<80x128xf32, #tpu.memory_space<vmem>>, vector<1x16xf32>,
          %swap3A_329 = vector.shape_cast %swap3A_328 : vector<1x16xf32> to vector<1x16xf32>
          %swap3A_330 = vector.shape_cast %max3A_323 : vector<1x16xf32> to vector<1x16xf32>
          tpu.vector_store %arg15[%swap3A_326, %swap3A_327], %swap3A_330 {strides = array<i32>} : memref<80x128xf32, #tpu.memory_space<vmem>>, vector<1x16xf32>,
          %add3A_331 = arith.constant 1 : i32
          %add3A_332 = arith.addi %add3A_103, %add3A_331 : i32
          %get3A_333 = arith.index_cast %add3A_332 : i32 to index
          %get3A_334 = arith.constant 32 : index
          %get3A_335 = tpu.vector_load %arg9[%get3A_333, %get3A_334] {strides = array<i32>} : memref<80x128xf32, #tpu.memory_space<vmem>>, vector<1x16xf32>,
          %get3A_336 = vector.shape_cast %get3A_335 : vector<1x16xf32> to vector<1x16xf32>
          %add3A_337 = arith.constant 1 : i32
          %add3A_338 = arith.addi %add3A_103, %add3A_337 : i32
          %get3A_339 = arith.index_cast %add3A_338 : i32 to index
          %get3A_340 = arith.constant 32 : index
          %get3A_341 = tpu.vector_load %arg12[%get3A_339, %get3A_340] {strides = array<i32>} : memref<80x128xf32, #tpu.memory_space<vmem>>, vector<1x16xf32>,
          %get3A_342 = vector.shape_cast %get3A_341 : vector<1x16xf32> to vector<1x16xf32>
          %add3A_343 = arith.addf %get3A_336, %get3A_342 : vector<1x16xf32>
          %max3A_344 = arith.constant 0.000000e+00 : f32
          %max3A_345 = vector.broadcast %max3A_344 : f32 to vector<1x16xf32>
          %max3A_346 = arith.maximumf %add3A_343, %max3A_345 : vector<1x16xf32>
          %add3A_347 = arith.constant 1 : i32
          %add3A_348 = arith.addi %add3A_103, %add3A_347 : i32
          %swap3A_349 = arith.index_cast %add3A_348 : i32 to index
          %swap3A_350 = arith.constant 32 : index
          %swap3A_351 = tpu.vector_load %arg15[%swap3A_349, %swap3A_350] {strides = array<i32>} : memref<80x128xf32, #tpu.memory_space<vmem>>, vector<1x16xf32>,
          %swap3A_352 = vector.shape_cast %swap3A_351 : vector<1x16xf32> to vector<1x16xf32>
          %swap3A_353 = vector.shape_cast %max3A_346 : vector<1x16xf32> to vector<1x16xf32>
          tpu.vector_store %arg15[%swap3A_349, %swap3A_350], %swap3A_353 {strides = array<i32>} : memref<80x128xf32, #tpu.memory_space<vmem>>, vector<1x16xf32>,
          %add3A_354 = arith.constant 1 : i32
          %add3A_355 = arith.addi %add3A_103, %add3A_354 : i32
          %get3A_356 = arith.index_cast %add3A_355 : i32 to index
          %get3A_357 = arith.constant 48 : index
          %get3A_358 = tpu.vector_load %arg9[%get3A_356, %get3A_357] {strides = array<i32>} : memref<80x128xf32, #tpu.memory_space<vmem>>, vector<1x16xf32>,
          %get3A_359 = vector.shape_cast %get3A_358 : vector<1x16xf32> to vector<1x16xf32>
          %add3A_360 = arith.constant 1 : i32
          %add3A_361 = arith.addi %add3A_103, %add3A_360 : i32
          %get3A_362 = arith.index_cast %add3A_361 : i32 to index
          %get3A_363 = arith.constant 48 : index
          %get3A_364 = tpu.vector_load %arg12[%get3A_362, %get3A_363] {strides = array<i32>} : memref<80x128xf32, #tpu.memory_space<vmem>>, vector<1x16xf32>,
          %get3A_365 = vector.shape_cast %get3A_364 : vector<1x16xf32> to vector<1x16xf32>
          %add3A_366 = arith.addf %get3A_359, %get3A_365 : vector<1x16xf32>
          %max3A_367 = arith.constant 0.000000e+00 : f32
          %max3A_368 = vector.broadcast %max3A_367 : f32 to vector<1x16xf32>
          %max3A_369 = arith.maximumf %add3A_366, %max3A_368 : vector<1x16xf32>
          %add3A_370 = arith.constant 1 : i32
          %add3A_371 = arith.addi %add3A_103, %add3A_370 : i32
          %swap3A_372 = arith.index_cast %add3A_371 : i32 to index
          %swap3A_373 = arith.constant 48 : index
          %swap3A_374 = tpu.vector_load %arg15[%swap3A_372, %swap3A_373] {strides = array<i32>} : memref<80x128xf32, #tpu.memory_space<vmem>>, vector<1x16xf32>,
          %swap3A_375 = vector.shape_cast %swap3A_374 : vector<1x16xf32> to vector<1x16xf32>
          %swap3A_376 = vector.shape_cast %max3A_369 : vector<1x16xf32> to vector<1x16xf32>
          tpu.vector_store %arg15[%swap3A_372, %swap3A_373], %swap3A_376 {strides = array<i32>} : memref<80x128xf32, #tpu.memory_space<vmem>>, vector<1x16xf32>,
          %add3A_377 = arith.constant 1 : i32
          %add3A_378 = arith.addi %add3A_103, %add3A_377 : i32
          %get3A_379 = arith.index_cast %add3A_378 : i32 to index
          %get3A_380 = arith.constant 64 : index
          %get3A_381 = tpu.vector_load %arg9[%get3A_379, %get3A_380] {strides = array<i32>} : memref<80x128xf32, #tpu.memory_space<vmem>>, vector<1x16xf32>,
          %get3A_382 = vector.shape_cast %get3A_381 : vector<1x16xf32> to vector<1x16xf32>
          %add3A_383 = arith.constant 1 : i32
          %add3A_384 = arith.addi %add3A_103, %add3A_383 : i32
          %get3A_385 = arith.index_cast %add3A_384 : i32 to index
          %get3A_386 = arith.constant 64 : index
          %get3A_387 = tpu.vector_load %arg12[%get3A_385, %get3A_386] {strides = array<i32>} : memref<80x128xf32, #tpu.memory_space<vmem>>, vector<1x16xf32>,
          %get3A_388 = vector.shape_cast %get3A_387 : vector<1x16xf32> to vector<1x16xf32>
          %add3A_389 = arith.addf %get3A_382, %get3A_388 : vector<1x16xf32>
          %max3A_390 = arith.constant 0.000000e+00 : f32
          %max3A_391 = vector.broadcast %max3A_390 : f32 to vector<1x16xf32>
          %max3A_392 = arith.maximumf %add3A_389, %max3A_391 : vector<1x16xf32>
          %add3A_393 = arith.constant 1 : i32
          %add3A_394 = arith.addi %add3A_103, %add3A_393 : i32
          %swap3A_395 = arith.index_cast %add3A_394 : i32 to index
          %swap3A_396 = arith.constant 64 : index
          %swap3A_397 = tpu.vector_load %arg15[%swap3A_395, %swap3A_396] {strides = array<i32>} : memref<80x128xf32, #tpu.memory_space<vmem>>, vector<1x16xf32>,
          %swap3A_398 = vector.shape_cast %swap3A_397 : vector<1x16xf32> to vector<1x16xf32>
          %swap3A_399 = vector.shape_cast %max3A_392 : vector<1x16xf32> to vector<1x16xf32>
          tpu.vector_store %arg15[%swap3A_395, %swap3A_396], %swap3A_399 {strides = array<i32>} : memref<80x128xf32, #tpu.memory_space<vmem>>, vector<1x16xf32>,
          %add3A_400 = arith.constant 1 : i32
          %add3A_401 = arith.addi %add3A_103, %add3A_400 : i32
          %get3A_402 = arith.index_cast %add3A_401 : i32 to index
          %get3A_403 = arith.constant 80 : index
          %get3A_404 = tpu.vector_load %arg9[%get3A_402, %get3A_403] {strides = array<i32>} : memref<80x128xf32, #tpu.memory_space<vmem>>, vector<1x16xf32>,
          %get3A_405 = vector.shape_cast %get3A_404 : vector<1x16xf32> to vector<1x16xf32>
          %add3A_406 = arith.constant 1 : i32
          %add3A_407 = arith.addi %add3A_103, %add3A_406 : i32
          %get3A_408 = arith.index_cast %add3A_407 : i32 to index
          %get3A_409 = arith.constant 80 : index
          %get3A_410 = tpu.vector_load %arg12[%get3A_408, %get3A_409] {strides = array<i32>} : memref<80x128xf32, #tpu.memory_space<vmem>>, vector<1x16xf32>,
          %get3A_411 = vector.shape_cast %get3A_410 : vector<1x16xf32> to vector<1x16xf32>
          %add3A_412 = arith.addf %get3A_405, %get3A_411 : vector<1x16xf32>
          %max3A_413 = arith.constant 0.000000e+00 : f32
          %max3A_414 = vector.broadcast %max3A_413 : f32 to vector<1x16xf32>
          %max3A_415 = arith.maximumf %add3A_412, %max3A_414 : vector<1x16xf32>
          %add3A_416 = arith.constant 1 : i32
          %add3A_417 = arith.addi %add3A_103, %add3A_416 : i32
          %swap3A_418 = arith.index_cast %add3A_417 : i32 to index
          %swap3A_419 = arith.constant 80 : index
          %swap3A_420 = tpu.vector_load %arg15[%swap3A_418, %swap3A_419] {strides = array<i32>} : memref<80x128xf32, #tpu.memory_space<vmem>>, vector<1x16xf32>,
          %swap3A_421 = vector.shape_cast %swap3A_420 : vector<1x16xf32> to vector<1x16xf32>
          %swap3A_422 = vector.shape_cast %max3A_415 : vector<1x16xf32> to vector<1x16xf32>
          tpu.vector_store %arg15[%swap3A_418, %swap3A_419], %swap3A_422 {strides = array<i32>} : memref<80x128xf32, #tpu.memory_space<vmem>>, vector<1x16xf32>,
          %add3A_423 = arith.constant 1 : i32
          %add3A_424 = arith.addi %add3A_103, %add3A_423 : i32
          %get3A_425 = arith.index_cast %add3A_424 : i32 to index
          %get3A_426 = arith.constant 96 : index
          %get3A_427 = tpu.vector_load %arg9[%get3A_425, %get3A_426] {strides = array<i32>} : memref<80x128xf32, #tpu.memory_space<vmem>>, vector<1x16xf32>,
          %get3A_428 = vector.shape_cast %get3A_427 : vector<1x16xf32> to vector<1x16xf32>
          %add3A_429 = arith.constant 1 : i32
          %add3A_430 = arith.addi %add3A_103, %add3A_429 : i32
          %get3A_431 = arith.index_cast %add3A_430 : i32 to index
          %get3A_432 = arith.constant 96 : index
          %get3A_433 = tpu.vector_load %arg12[%get3A_431, %get3A_432] {strides = array<i32>} : memref<80x128xf32, #tpu.memory_space<vmem>>, vector<1x16xf32>,
          %get3A_434 = vector.shape_cast %get3A_433 : vector<1x16xf32> to vector<1x16xf32>
          %add3A_435 = arith.addf %get3A_428, %get3A_434 : vector<1x16xf32>
          %max3A_436 = arith.constant 0.000000e+00 : f32
          %max3A_437 = vector.broadcast %max3A_436 : f32 to vector<1x16xf32>
          %max3A_438 = arith.maximumf %add3A_435, %max3A_437 : vector<1x16xf32>
          %add3A_439 = arith.constant 1 : i32
          %add3A_440 = arith.addi %add3A_103, %add3A_439 : i32
          %swap3A_441 = arith.index_cast %add3A_440 : i32 to index
          %swap3A_442 = arith.constant 96 : index
          %swap3A_443 = tpu.vector_load %arg15[%swap3A_441, %swap3A_442] {strides = array<i32>} : memref<80x128xf32, #tpu.memory_space<vmem>>, vector<1x16xf32>,
          %swap3A_444 = vector.shape_cast %swap3A_443 : vector<1x16xf32> to vector<1x16xf32>
          %swap3A_445 = vector.shape_cast %max3A_438 : vector<1x16xf32> to vector<1x16xf32>
          tpu.vector_store %arg15[%swap3A_441, %swap3A_442], %swap3A_445 {strides = array<i32>} : memref<80x128xf32, #tpu.memory_space<vmem>>, vector<1x16xf32>,
          %add3A_446 = arith.constant 1 : i32
          %add3A_447 = arith.addi %add3A_103, %add3A_446 : i32
          %get3A_448 = arith.index_cast %add3A_447 : i32 to index
          %get3A_449 = arith.constant 112 : index
          %get3A_450 = tpu.vector_load %arg9[%get3A_448, %get3A_449] {strides = array<i32>} : memref<80x128xf32, #tpu.memory_space<vmem>>, vector<1x16xf32>,
          %get3A_451 = vector.shape_cast %get3A_450 : vector<1x16xf32> to vector<1x16xf32>
          %add3A_452 = arith.constant 1 : i32
          %add3A_453 = arith.addi %add3A_103, %add3A_452 : i32
          %get3A_454 = arith.index_cast %add3A_453 : i32 to index
          %get3A_455 = arith.constant 112 : index
          %get3A_456 = tpu.vector_load %arg12[%get3A_454, %get3A_455] {strides = array<i32>} : memref<80x128xf32, #tpu.memory_space<vmem>>, vector<1x16xf32>,
          %get3A_457 = vector.shape_cast %get3A_456 : vector<1x16xf32> to vector<1x16xf32>
          %add3A_458 = arith.addf %get3A_451, %get3A_457 : vector<1x16xf32>
          %max3A_459 = arith.constant 0.000000e+00 : f32
          %max3A_460 = vector.broadcast %max3A_459 : f32 to vector<1x16xf32>
          %max3A_461 = arith.maximumf %add3A_458, %max3A_460 : vector<1x16xf32>
          %add3A_462 = arith.constant 1 : i32
          %add3A_463 = arith.addi %add3A_103, %add3A_462 : i32
          %swap3A_464 = arith.index_cast %add3A_463 : i32 to index
          %swap3A_465 = arith.constant 112 : index
          %swap3A_466 = tpu.vector_load %arg15[%swap3A_464, %swap3A_465] {strides = array<i32>} : memref<80x128xf32, #tpu.memory_space<vmem>>, vector<1x16xf32>,
          %swap3A_467 = vector.shape_cast %swap3A_466 : vector<1x16xf32> to vector<1x16xf32>
          %swap3A_468 = vector.shape_cast %max3A_461 : vector<1x16xf32> to vector<1x16xf32>
          tpu.vector_store %arg15[%swap3A_464, %swap3A_465], %swap3A_468 {strides = array<i32>} : memref<80x128xf32, #tpu.memory_space<vmem>>, vector<1x16xf32>,
        }
        %scan3A_91 = arith.constant 40 : i32
        %mul3A_92 = arith.constant 80 : i32
        %mul3A_93 = arith.muli %add3A_47, %mul3A_92 : i32
        %add3A_94 = arith.addi %mul3A_6, %mul3A_93 : i32
        %dma_start3A_95 = arith.constant 0 : i32
        %dma_start3A_96 = tpu.memref_slice %arg6[%add3A_94, %dma_start3A_95] : memref<192000x128xf32, #tpu.memory_space<hbm>> -> memref<80x128xf32, #tpu.memory_space<hbm>>
        %dma_start3A_97 = arith.constant 0 : i32
        %dma_start3A_98 = tpu.memref_slice %arg6[%add3A_94, %dma_start3A_97] : memref<192000x128xf32, #tpu.memory_space<hbm>> -> memref<80x128xf32, #tpu.memory_space<hbm>>
        tpu.enqueue_dma source(%arg15 : memref<80x128xf32, #tpu.memory_space<vmem>>) target(%dma_start3A_98 : memref<80x128xf32, #tpu.memory_space<hbm>>) target_semaphore(%arg24 : memref<!tpu.dma_semaphore, #tpu.memory_space<semaphore_mem>>)
      } else {
      }
      %add3A_50 = arith.constant 1 : i32
      %add3A_51 = arith.addi %add3A_45, %add3A_50 : i32
      %lt3A_52 = arith.constant 75 : i32
      %lt3A_53 = arith.cmpi slt, %add3A_51, %lt3A_52 : i32
      %convert_element_type3A_54 = arith.extui %lt3A_53 : i1 to i32
      %cond3A_55 = arith.constant 0 : i32
      %cond3A_56 = arith.cmpi ne, %convert_element_type3A_54, %cond3A_55 : i32
      scf.if %cond3A_56 {
        %add3A_64 = arith.constant 2 : i32
        %add3A_65 = arith.addi %add3A_51, %add3A_64 : i32
        %lt3A_66 = arith.constant 75 : i32
        %lt3A_67 = arith.cmpi slt, %add3A_65, %lt3A_66 : i32
        %convert_element_type3A_68 = arith.extui %lt3A_67 : i1 to i32
        %cond3A_69 = arith.constant 0 : i32
        %cond3A_70 = arith.cmpi ne, %convert_element_type3A_68, %cond3A_69 : i32
        scf.if %cond3A_70 {
          %add3A_99 = arith.constant 2 : i32
          %add3A_100 = arith.addi %add3A_51, %add3A_99 : i32
          %mul3A_101 = arith.constant 80 : i32
          %mul3A_102 = arith.muli %add3A_100, %mul3A_101 : i32
          %dma_start3A_103 = tpu.memref_slice %arg7[%mul3A_102] : memref<6000xi32, #tpu.memory_space<vmem>> -> memref<80xi32, #tpu.memory_space<vmem>>
          %dma_start3A_104 = arith.constant 0 : i32
          %dma_start3A_105 = arith.constant 0 : i32
          %dma_start3A_106 = tpu.memref_slice %arg2[%dma_start3A_104, %dma_start3A_105] : memref<10000x128xf32, #tpu.memory_space<hbm>> -> memref<10000x128xf32, #tpu.memory_space<hbm>>
          tpu.enqueue_indirect_dma source(%dma_start3A_106 : memref<10000x128xf32, #tpu.memory_space<hbm>>) target(%arg9 : memref<80x128xf32, #tpu.memory_space<vmem>>) offsets(%dma_start3A_103 : memref<80xi32, #tpu.memory_space<vmem>>) semaphore(%arg18 : memref<!tpu.dma_semaphore, #tpu.memory_space<semaphore_mem>>)
          %dma_start3A_107 = tpu.memref_slice %arg8[%mul3A_102] : memref<6000xi32, #tpu.memory_space<vmem>> -> memref<80xi32, #tpu.memory_space<vmem>>
          %dma_start3A_108 = arith.constant 0 : i32
          %dma_start3A_109 = arith.constant 0 : i32
          %dma_start3A_110 = tpu.memref_slice %arg3[%dma_start3A_108, %dma_start3A_109] : memref<10000x128xf32, #tpu.memory_space<hbm>> -> memref<10000x128xf32, #tpu.memory_space<hbm>>
          tpu.enqueue_indirect_dma source(%dma_start3A_110 : memref<10000x128xf32, #tpu.memory_space<hbm>>) target(%arg12 : memref<80x128xf32, #tpu.memory_space<vmem>>) offsets(%dma_start3A_107 : memref<80xi32, #tpu.memory_space<vmem>>) semaphore(%arg21 : memref<!tpu.dma_semaphore, #tpu.memory_space<semaphore_mem>>)
        } else {
        }
        %dma_wait3A_71 = arith.constant 0 : i32
        %dma_wait3A_72 = arith.constant 0 : i32
        %dma_wait3A_73 = tpu.memref_slice %arg2[%dma_wait3A_71, %dma_wait3A_72] : memref<10000x128xf32, #tpu.memory_space<hbm>> -> memref<80x128xf32, #tpu.memory_space<hbm>>
        %dma_wait3A_74 = arith.constant 0 : i32
        %dma_wait3A_75 = arith.constant 0 : i32
        %dma_wait3A_76 = tpu.memref_slice %arg2[%dma_wait3A_74, %dma_wait3A_75] : memref<10000x128xf32, #tpu.memory_space<hbm>> -> memref<80x128xf32, #tpu.memory_space<hbm>>
        tpu.wait_dma2 semaphore(%arg19 : memref<!tpu.dma_semaphore, #tpu.memory_space<semaphore_mem>>) src(%dma_wait3A_76 : memref<80x128xf32, #tpu.memory_space<hbm>>) dst(%arg10 : memref<80x128xf32, #tpu.memory_space<vmem>>)
        %dma_wait3A_77 = arith.constant 0 : i32
        %dma_wait3A_78 = arith.constant 0 : i32
        %dma_wait3A_79 = tpu.memref_slice %arg3[%dma_wait3A_77, %dma_wait3A_78] : memref<10000x128xf32, #tpu.memory_space<hbm>> -> memref<80x128xf32, #tpu.memory_space<hbm>>
        %dma_wait3A_80 = arith.constant 0 : i32
        %dma_wait3A_81 = arith.constant 0 : i32
        %dma_wait3A_82 = tpu.memref_slice %arg3[%dma_wait3A_80, %dma_wait3A_81] : memref<10000x128xf32, #tpu.memory_space<hbm>> -> memref<80x128xf32, #tpu.memory_space<hbm>>
        tpu.wait_dma2 semaphore(%arg22 : memref<!tpu.dma_semaphore, #tpu.memory_space<semaphore_mem>>) src(%dma_wait3A_82 : memref<80x128xf32, #tpu.memory_space<hbm>>) dst(%arg13 : memref<80x128xf32, #tpu.memory_space<vmem>>)
        %ge3A = arith.constant 3 : i32
        %ge3A_83 = arith.cmpi sge, %add3A_51, %ge3A : i32
        %convert_element_type3A_84 = arith.extui %ge3A_83 : i1 to i32
        %cond3A_85 = arith.constant 0 : i32
        %cond3A_86 = arith.cmpi ne, %convert_element_type3A_84, %cond3A_85 : i32
        scf.if %cond3A_86 {
          %dma_wait3A_99 = arith.constant 0 : i32
          %dma_wait3A_100 = tpu.memref_slice %arg6[%mul3A_6, %dma_wait3A_99] : memref<192000x128xf32, #tpu.memory_space<hbm>> -> memref<80x128xf32, #tpu.memory_space<hbm>>
          %dma_wait3A_101 = arith.constant 0 : i32
          %dma_wait3A_102 = tpu.memref_slice %arg6[%mul3A_6, %dma_wait3A_101] : memref<192000x128xf32, #tpu.memory_space<hbm>> -> memref<80x128xf32, #tpu.memory_space<hbm>>
          tpu.wait_dma2 semaphore(%arg25 : memref<!tpu.dma_semaphore, #tpu.memory_space<semaphore_mem>>) src(%arg16 : memref<80x128xf32, #tpu.memory_space<vmem>>) dst(%dma_wait3A_102 : memref<80x128xf32, #tpu.memory_space<hbm>>)
        } else {
        }
        %scan3A_87 = arith.constant 0 : i32
        %scan3A_88 = arith.constant 40 : i32
        %scan3A_89 = arith.addi %scan3A_87, %scan3A_88 : i32
        %scan3A_90 = arith.constant 1 : i32
        scf.for %scan3A_99 = %scan3A_87 to %scan3A_89 step %scan3A_90  : i32 {
          %mul3A_100 = arith.constant 2 : i32
          %mul3A_101 = arith.muli %scan3A_99, %mul3A_100 : i32
          %add3A_102 = arith.constant 0 : i32
          %add3A_103 = arith.addi %add3A_102, %mul3A_101 : i32
          %add3A_104 = arith.constant 0 : i32
          %add3A_105 = arith.addi %add3A_103, %add3A_104 : i32
          %get3A = arith.index_cast %add3A_105 : i32 to index
          %get3A_106 = arith.constant 0 : index
          %get3A_107 = tpu.vector_load %arg10[%get3A, %get3A_106] {strides = array<i32>} : memref<80x128xf32, #tpu.memory_space<vmem>>, vector<1x16xf32>,
          %get3A_108 = vector.shape_cast %get3A_107 : vector<1x16xf32> to vector<1x16xf32>
          %add3A_109 = arith.constant 0 : i32
          %add3A_110 = arith.addi %add3A_103, %add3A_109 : i32
          %get3A_111 = arith.index_cast %add3A_110 : i32 to index
          %get3A_112 = arith.constant 0 : index
          %get3A_113 = tpu.vector_load %arg13[%get3A_111, %get3A_112] {strides = array<i32>} : memref<80x128xf32, #tpu.memory_space<vmem>>, vector<1x16xf32>,
          %get3A_114 = vector.shape_cast %get3A_113 : vector<1x16xf32> to vector<1x16xf32>
          %add3A_115 = arith.addf %get3A_108, %get3A_114 : vector<1x16xf32>
          %max3A = arith.constant 0.000000e+00 : f32
          %max3A_116 = vector.broadcast %max3A : f32 to vector<1x16xf32>
          %max3A_117 = arith.maximumf %add3A_115, %max3A_116 : vector<1x16xf32>
          %add3A_118 = arith.constant 0 : i32
          %add3A_119 = arith.addi %add3A_103, %add3A_118 : i32
          %swap3A = arith.index_cast %add3A_119 : i32 to index
          %swap3A_120 = arith.constant 0 : index
          %swap3A_121 = tpu.vector_load %arg16[%swap3A, %swap3A_120] {strides = array<i32>} : memref<80x128xf32, #tpu.memory_space<vmem>>, vector<1x16xf32>,
          %swap3A_122 = vector.shape_cast %swap3A_121 : vector<1x16xf32> to vector<1x16xf32>
          %swap3A_123 = vector.shape_cast %max3A_117 : vector<1x16xf32> to vector<1x16xf32>
          tpu.vector_store %arg16[%swap3A, %swap3A_120], %swap3A_123 {strides = array<i32>} : memref<80x128xf32, #tpu.memory_space<vmem>>, vector<1x16xf32>,
          %add3A_124 = arith.constant 0 : i32
          %add3A_125 = arith.addi %add3A_103, %add3A_124 : i32
          %get3A_126 = arith.index_cast %add3A_125 : i32 to index
          %get3A_127 = arith.constant 16 : index
          %get3A_128 = tpu.vector_load %arg10[%get3A_126, %get3A_127] {strides = array<i32>} : memref<80x128xf32, #tpu.memory_space<vmem>>, vector<1x16xf32>,
          %get3A_129 = vector.shape_cast %get3A_128 : vector<1x16xf32> to vector<1x16xf32>
          %add3A_130 = arith.constant 0 : i32
          %add3A_131 = arith.addi %add3A_103, %add3A_130 : i32
          %get3A_132 = arith.index_cast %add3A_131 : i32 to index
          %get3A_133 = arith.constant 16 : index
          %get3A_134 = tpu.vector_load %arg13[%get3A_132, %get3A_133] {strides = array<i32>} : memref<80x128xf32, #tpu.memory_space<vmem>>, vector<1x16xf32>,
          %get3A_135 = vector.shape_cast %get3A_134 : vector<1x16xf32> to vector<1x16xf32>
          %add3A_136 = arith.addf %get3A_129, %get3A_135 : vector<1x16xf32>
          %max3A_137 = arith.constant 0.000000e+00 : f32
          %max3A_138 = vector.broadcast %max3A_137 : f32 to vector<1x16xf32>
          %max3A_139 = arith.maximumf %add3A_136, %max3A_138 : vector<1x16xf32>
          %add3A_140 = arith.constant 0 : i32
          %add3A_141 = arith.addi %add3A_103, %add3A_140 : i32
          %swap3A_142 = arith.index_cast %add3A_141 : i32 to index
          %swap3A_143 = arith.constant 16 : index
          %swap3A_144 = tpu.vector_load %arg16[%swap3A_142, %swap3A_143] {strides = array<i32>} : memref<80x128xf32, #tpu.memory_space<vmem>>, vector<1x16xf32>,
          %swap3A_145 = vector.shape_cast %swap3A_144 : vector<1x16xf32> to vector<1x16xf32>
          %swap3A_146 = vector.shape_cast %max3A_139 : vector<1x16xf32> to vector<1x16xf32>
          tpu.vector_store %arg16[%swap3A_142, %swap3A_143], %swap3A_146 {strides = array<i32>} : memref<80x128xf32, #tpu.memory_space<vmem>>, vector<1x16xf32>,
          %add3A_147 = arith.constant 0 : i32
          %add3A_148 = arith.addi %add3A_103, %add3A_147 : i32
          %get3A_149 = arith.index_cast %add3A_148 : i32 to index
          %get3A_150 = arith.constant 32 : index
          %get3A_151 = tpu.vector_load %arg10[%get3A_149, %get3A_150] {strides = array<i32>} : memref<80x128xf32, #tpu.memory_space<vmem>>, vector<1x16xf32>,
          %get3A_152 = vector.shape_cast %get3A_151 : vector<1x16xf32> to vector<1x16xf32>
          %add3A_153 = arith.constant 0 : i32
          %add3A_154 = arith.addi %add3A_103, %add3A_153 : i32
          %get3A_155 = arith.index_cast %add3A_154 : i32 to index
          %get3A_156 = arith.constant 32 : index
          %get3A_157 = tpu.vector_load %arg13[%get3A_155, %get3A_156] {strides = array<i32>} : memref<80x128xf32, #tpu.memory_space<vmem>>, vector<1x16xf32>,
          %get3A_158 = vector.shape_cast %get3A_157 : vector<1x16xf32> to vector<1x16xf32>
          %add3A_159 = arith.addf %get3A_152, %get3A_158 : vector<1x16xf32>
          %max3A_160 = arith.constant 0.000000e+00 : f32
          %max3A_161 = vector.broadcast %max3A_160 : f32 to vector<1x16xf32>
          %max3A_162 = arith.maximumf %add3A_159, %max3A_161 : vector<1x16xf32>
          %add3A_163 = arith.constant 0 : i32
          %add3A_164 = arith.addi %add3A_103, %add3A_163 : i32
          %swap3A_165 = arith.index_cast %add3A_164 : i32 to index
          %swap3A_166 = arith.constant 32 : index
          %swap3A_167 = tpu.vector_load %arg16[%swap3A_165, %swap3A_166] {strides = array<i32>} : memref<80x128xf32, #tpu.memory_space<vmem>>, vector<1x16xf32>,
          %swap3A_168 = vector.shape_cast %swap3A_167 : vector<1x16xf32> to vector<1x16xf32>
          %swap3A_169 = vector.shape_cast %max3A_162 : vector<1x16xf32> to vector<1x16xf32>
          tpu.vector_store %arg16[%swap3A_165, %swap3A_166], %swap3A_169 {strides = array<i32>} : memref<80x128xf32, #tpu.memory_space<vmem>>, vector<1x16xf32>,
          %add3A_170 = arith.constant 0 : i32
          %add3A_171 = arith.addi %add3A_103, %add3A_170 : i32
          %get3A_172 = arith.index_cast %add3A_171 : i32 to index
          %get3A_173 = arith.constant 48 : index
          %get3A_174 = tpu.vector_load %arg10[%get3A_172, %get3A_173] {strides = array<i32>} : memref<80x128xf32, #tpu.memory_space<vmem>>, vector<1x16xf32>,
          %get3A_175 = vector.shape_cast %get3A_174 : vector<1x16xf32> to vector<1x16xf32>
          %add3A_176 = arith.constant 0 : i32
          %add3A_177 = arith.addi %add3A_103, %add3A_176 : i32
          %get3A_178 = arith.index_cast %add3A_177 : i32 to index
          %get3A_179 = arith.constant 48 : index
          %get3A_180 = tpu.vector_load %arg13[%get3A_178, %get3A_179] {strides = array<i32>} : memref<80x128xf32, #tpu.memory_space<vmem>>, vector<1x16xf32>,
          %get3A_181 = vector.shape_cast %get3A_180 : vector<1x16xf32> to vector<1x16xf32>
          %add3A_182 = arith.addf %get3A_175, %get3A_181 : vector<1x16xf32>
          %max3A_183 = arith.constant 0.000000e+00 : f32
          %max3A_184 = vector.broadcast %max3A_183 : f32 to vector<1x16xf32>
          %max3A_185 = arith.maximumf %add3A_182, %max3A_184 : vector<1x16xf32>
          %add3A_186 = arith.constant 0 : i32
          %add3A_187 = arith.addi %add3A_103, %add3A_186 : i32
          %swap3A_188 = arith.index_cast %add3A_187 : i32 to index
          %swap3A_189 = arith.constant 48 : index
          %swap3A_190 = tpu.vector_load %arg16[%swap3A_188, %swap3A_189] {strides = array<i32>} : memref<80x128xf32, #tpu.memory_space<vmem>>, vector<1x16xf32>,
          %swap3A_191 = vector.shape_cast %swap3A_190 : vector<1x16xf32> to vector<1x16xf32>
          %swap3A_192 = vector.shape_cast %max3A_185 : vector<1x16xf32> to vector<1x16xf32>
          tpu.vector_store %arg16[%swap3A_188, %swap3A_189], %swap3A_192 {strides = array<i32>} : memref<80x128xf32, #tpu.memory_space<vmem>>, vector<1x16xf32>,
          %add3A_193 = arith.constant 0 : i32
          %add3A_194 = arith.addi %add3A_103, %add3A_193 : i32
          %get3A_195 = arith.index_cast %add3A_194 : i32 to index
          %get3A_196 = arith.constant 64 : index
          %get3A_197 = tpu.vector_load %arg10[%get3A_195, %get3A_196] {strides = array<i32>} : memref<80x128xf32, #tpu.memory_space<vmem>>, vector<1x16xf32>,
          %get3A_198 = vector.shape_cast %get3A_197 : vector<1x16xf32> to vector<1x16xf32>
          %add3A_199 = arith.constant 0 : i32
          %add3A_200 = arith.addi %add3A_103, %add3A_199 : i32
          %get3A_201 = arith.index_cast %add3A_200 : i32 to index
          %get3A_202 = arith.constant 64 : index
          %get3A_203 = tpu.vector_load %arg13[%get3A_201, %get3A_202] {strides = array<i32>} : memref<80x128xf32, #tpu.memory_space<vmem>>, vector<1x16xf32>,
          %get3A_204 = vector.shape_cast %get3A_203 : vector<1x16xf32> to vector<1x16xf32>
          %add3A_205 = arith.addf %get3A_198, %get3A_204 : vector<1x16xf32>
          %max3A_206 = arith.constant 0.000000e+00 : f32
          %max3A_207 = vector.broadcast %max3A_206 : f32 to vector<1x16xf32>
          %max3A_208 = arith.maximumf %add3A_205, %max3A_207 : vector<1x16xf32>
          %add3A_209 = arith.constant 0 : i32
          %add3A_210 = arith.addi %add3A_103, %add3A_209 : i32
          %swap3A_211 = arith.index_cast %add3A_210 : i32 to index
          %swap3A_212 = arith.constant 64 : index
          %swap3A_213 = tpu.vector_load %arg16[%swap3A_211, %swap3A_212] {strides = array<i32>} : memref<80x128xf32, #tpu.memory_space<vmem>>, vector<1x16xf32>,
          %swap3A_214 = vector.shape_cast %swap3A_213 : vector<1x16xf32> to vector<1x16xf32>
          %swap3A_215 = vector.shape_cast %max3A_208 : vector<1x16xf32> to vector<1x16xf32>
          tpu.vector_store %arg16[%swap3A_211, %swap3A_212], %swap3A_215 {strides = array<i32>} : memref<80x128xf32, #tpu.memory_space<vmem>>, vector<1x16xf32>,
          %add3A_216 = arith.constant 0 : i32
          %add3A_217 = arith.addi %add3A_103, %add3A_216 : i32
          %get3A_218 = arith.index_cast %add3A_217 : i32 to index
          %get3A_219 = arith.constant 80 : index
          %get3A_220 = tpu.vector_load %arg10[%get3A_218, %get3A_219] {strides = array<i32>} : memref<80x128xf32, #tpu.memory_space<vmem>>, vector<1x16xf32>,
          %get3A_221 = vector.shape_cast %get3A_220 : vector<1x16xf32> to vector<1x16xf32>
          %add3A_222 = arith.constant 0 : i32
          %add3A_223 = arith.addi %add3A_103, %add3A_222 : i32
          %get3A_224 = arith.index_cast %add3A_223 : i32 to index
          %get3A_225 = arith.constant 80 : index
          %get3A_226 = tpu.vector_load %arg13[%get3A_224, %get3A_225] {strides = array<i32>} : memref<80x128xf32, #tpu.memory_space<vmem>>, vector<1x16xf32>,
          %get3A_227 = vector.shape_cast %get3A_226 : vector<1x16xf32> to vector<1x16xf32>
          %add3A_228 = arith.addf %get3A_221, %get3A_227 : vector<1x16xf32>
          %max3A_229 = arith.constant 0.000000e+00 : f32
          %max3A_230 = vector.broadcast %max3A_229 : f32 to vector<1x16xf32>
          %max3A_231 = arith.maximumf %add3A_228, %max3A_230 : vector<1x16xf32>
          %add3A_232 = arith.constant 0 : i32
          %add3A_233 = arith.addi %add3A_103, %add3A_232 : i32
          %swap3A_234 = arith.index_cast %add3A_233 : i32 to index
          %swap3A_235 = arith.constant 80 : index
          %swap3A_236 = tpu.vector_load %arg16[%swap3A_234, %swap3A_235] {strides = array<i32>} : memref<80x128xf32, #tpu.memory_space<vmem>>, vector<1x16xf32>,
          %swap3A_237 = vector.shape_cast %swap3A_236 : vector<1x16xf32> to vector<1x16xf32>
          %swap3A_238 = vector.shape_cast %max3A_231 : vector<1x16xf32> to vector<1x16xf32>
          tpu.vector_store %arg16[%swap3A_234, %swap3A_235], %swap3A_238 {strides = array<i32>} : memref<80x128xf32, #tpu.memory_space<vmem>>, vector<1x16xf32>,
          %add3A_239 = arith.constant 0 : i32
          %add3A_240 = arith.addi %add3A_103, %add3A_239 : i32
          %get3A_241 = arith.index_cast %add3A_240 : i32 to index
          %get3A_242 = arith.constant 96 : index
          %get3A_243 = tpu.vector_load %arg10[%get3A_241, %get3A_242] {strides = array<i32>} : memref<80x128xf32, #tpu.memory_space<vmem>>, vector<1x16xf32>,
          %get3A_244 = vector.shape_cast %get3A_243 : vector<1x16xf32> to vector<1x16xf32>
          %add3A_245 = arith.constant 0 : i32
          %add3A_246 = arith.addi %add3A_103, %add3A_245 : i32
          %get3A_247 = arith.index_cast %add3A_246 : i32 to index
          %get3A_248 = arith.constant 96 : index
          %get3A_249 = tpu.vector_load %arg13[%get3A_247, %get3A_248] {strides = array<i32>} : memref<80x128xf32, #tpu.memory_space<vmem>>, vector<1x16xf32>,
          %get3A_250 = vector.shape_cast %get3A_249 : vector<1x16xf32> to vector<1x16xf32>
          %add3A_251 = arith.addf %get3A_244, %get3A_250 : vector<1x16xf32>
          %max3A_252 = arith.constant 0.000000e+00 : f32
          %max3A_253 = vector.broadcast %max3A_252 : f32 to vector<1x16xf32>
          %max3A_254 = arith.maximumf %add3A_251, %max3A_253 : vector<1x16xf32>
          %add3A_255 = arith.constant 0 : i32
          %add3A_256 = arith.addi %add3A_103, %add3A_255 : i32
          %swap3A_257 = arith.index_cast %add3A_256 : i32 to index
          %swap3A_258 = arith.constant 96 : index
          %swap3A_259 = tpu.vector_load %arg16[%swap3A_257, %swap3A_258] {strides = array<i32>} : memref<80x128xf32, #tpu.memory_space<vmem>>, vector<1x16xf32>,
          %swap3A_260 = vector.shape_cast %swap3A_259 : vector<1x16xf32> to vector<1x16xf32>
          %swap3A_261 = vector.shape_cast %max3A_254 : vector<1x16xf32> to vector<1x16xf32>
          tpu.vector_store %arg16[%swap3A_257, %swap3A_258], %swap3A_261 {strides = array<i32>} : memref<80x128xf32, #tpu.memory_space<vmem>>, vector<1x16xf32>,
          %add3A_262 = arith.constant 0 : i32
          %add3A_263 = arith.addi %add3A_103, %add3A_262 : i32
          %get3A_264 = arith.index_cast %add3A_263 : i32 to index
          %get3A_265 = arith.constant 112 : index
          %get3A_266 = tpu.vector_load %arg10[%get3A_264, %get3A_265] {strides = array<i32>} : memref<80x128xf32, #tpu.memory_space<vmem>>, vector<1x16xf32>,
          %get3A_267 = vector.shape_cast %get3A_266 : vector<1x16xf32> to vector<1x16xf32>
          %add3A_268 = arith.constant 0 : i32
          %add3A_269 = arith.addi %add3A_103, %add3A_268 : i32
          %get3A_270 = arith.index_cast %add3A_269 : i32 to index
          %get3A_271 = arith.constant 112 : index
          %get3A_272 = tpu.vector_load %arg13[%get3A_270, %get3A_271] {strides = array<i32>} : memref<80x128xf32, #tpu.memory_space<vmem>>, vector<1x16xf32>,
          %get3A_273 = vector.shape_cast %get3A_272 : vector<1x16xf32> to vector<1x16xf32>
          %add3A_274 = arith.addf %get3A_267, %get3A_273 : vector<1x16xf32>
          %max3A_275 = arith.constant 0.000000e+00 : f32
          %max3A_276 = vector.broadcast %max3A_275 : f32 to vector<1x16xf32>
          %max3A_277 = arith.maximumf %add3A_274, %max3A_276 : vector<1x16xf32>
          %add3A_278 = arith.constant 0 : i32
          %add3A_279 = arith.addi %add3A_103, %add3A_278 : i32
          %swap3A_280 = arith.index_cast %add3A_279 : i32 to index
          %swap3A_281 = arith.constant 112 : index
          %swap3A_282 = tpu.vector_load %arg16[%swap3A_280, %swap3A_281] {strides = array<i32>} : memref<80x128xf32, #tpu.memory_space<vmem>>, vector<1x16xf32>,
          %swap3A_283 = vector.shape_cast %swap3A_282 : vector<1x16xf32> to vector<1x16xf32>
          %swap3A_284 = vector.shape_cast %max3A_277 : vector<1x16xf32> to vector<1x16xf32>
          tpu.vector_store %arg16[%swap3A_280, %swap3A_281], %swap3A_284 {strides = array<i32>} : memref<80x128xf32, #tpu.memory_space<vmem>>, vector<1x16xf32>,
          %add3A_285 = arith.constant 1 : i32
          %add3A_286 = arith.addi %add3A_103, %add3A_285 : i32
          %get3A_287 = arith.index_cast %add3A_286 : i32 to index
          %get3A_288 = arith.constant 0 : index
          %get3A_289 = tpu.vector_load %arg10[%get3A_287, %get3A_288] {strides = array<i32>} : memref<80x128xf32, #tpu.memory_space<vmem>>, vector<1x16xf32>,
          %get3A_290 = vector.shape_cast %get3A_289 : vector<1x16xf32> to vector<1x16xf32>
          %add3A_291 = arith.constant 1 : i32
          %add3A_292 = arith.addi %add3A_103, %add3A_291 : i32
          %get3A_293 = arith.index_cast %add3A_292 : i32 to index
          %get3A_294 = arith.constant 0 : index
          %get3A_295 = tpu.vector_load %arg13[%get3A_293, %get3A_294] {strides = array<i32>} : memref<80x128xf32, #tpu.memory_space<vmem>>, vector<1x16xf32>,
          %get3A_296 = vector.shape_cast %get3A_295 : vector<1x16xf32> to vector<1x16xf32>
          %add3A_297 = arith.addf %get3A_290, %get3A_296 : vector<1x16xf32>
          %max3A_298 = arith.constant 0.000000e+00 : f32
          %max3A_299 = vector.broadcast %max3A_298 : f32 to vector<1x16xf32>
          %max3A_300 = arith.maximumf %add3A_297, %max3A_299 : vector<1x16xf32>
          %add3A_301 = arith.constant 1 : i32
          %add3A_302 = arith.addi %add3A_103, %add3A_301 : i32
          %swap3A_303 = arith.index_cast %add3A_302 : i32 to index
          %swap3A_304 = arith.constant 0 : index
          %swap3A_305 = tpu.vector_load %arg16[%swap3A_303, %swap3A_304] {strides = array<i32>} : memref<80x128xf32, #tpu.memory_space<vmem>>, vector<1x16xf32>,
          %swap3A_306 = vector.shape_cast %swap3A_305 : vector<1x16xf32> to vector<1x16xf32>
          %swap3A_307 = vector.shape_cast %max3A_300 : vector<1x16xf32> to vector<1x16xf32>
          tpu.vector_store %arg16[%swap3A_303, %swap3A_304], %swap3A_307 {strides = array<i32>} : memref<80x128xf32, #tpu.memory_space<vmem>>, vector<1x16xf32>,
          %add3A_308 = arith.constant 1 : i32
          %add3A_309 = arith.addi %add3A_103, %add3A_308 : i32
          %get3A_310 = arith.index_cast %add3A_309 : i32 to index
          %get3A_311 = arith.constant 16 : index
          %get3A_312 = tpu.vector_load %arg10[%get3A_310, %get3A_311] {strides = array<i32>} : memref<80x128xf32, #tpu.memory_space<vmem>>, vector<1x16xf32>,
          %get3A_313 = vector.shape_cast %get3A_312 : vector<1x16xf32> to vector<1x16xf32>
          %add3A_314 = arith.constant 1 : i32
          %add3A_315 = arith.addi %add3A_103, %add3A_314 : i32
          %get3A_316 = arith.index_cast %add3A_315 : i32 to index
          %get3A_317 = arith.constant 16 : index
          %get3A_318 = tpu.vector_load %arg13[%get3A_316, %get3A_317] {strides = array<i32>} : memref<80x128xf32, #tpu.memory_space<vmem>>, vector<1x16xf32>,
          %get3A_319 = vector.shape_cast %get3A_318 : vector<1x16xf32> to vector<1x16xf32>
          %add3A_320 = arith.addf %get3A_313, %get3A_319 : vector<1x16xf32>
          %max3A_321 = arith.constant 0.000000e+00 : f32
          %max3A_322 = vector.broadcast %max3A_321 : f32 to vector<1x16xf32>
          %max3A_323 = arith.maximumf %add3A_320, %max3A_322 : vector<1x16xf32>
          %add3A_324 = arith.constant 1 : i32
          %add3A_325 = arith.addi %add3A_103, %add3A_324 : i32
          %swap3A_326 = arith.index_cast %add3A_325 : i32 to index
          %swap3A_327 = arith.constant 16 : index
          %swap3A_328 = tpu.vector_load %arg16[%swap3A_326, %swap3A_327] {strides = array<i32>} : memref<80x128xf32, #tpu.memory_space<vmem>>, vector<1x16xf32>,
          %swap3A_329 = vector.shape_cast %swap3A_328 : vector<1x16xf32> to vector<1x16xf32>
          %swap3A_330 = vector.shape_cast %max3A_323 : vector<1x16xf32> to vector<1x16xf32>
          tpu.vector_store %arg16[%swap3A_326, %swap3A_327], %swap3A_330 {strides = array<i32>} : memref<80x128xf32, #tpu.memory_space<vmem>>, vector<1x16xf32>,
          %add3A_331 = arith.constant 1 : i32
          %add3A_332 = arith.addi %add3A_103, %add3A_331 : i32
          %get3A_333 = arith.index_cast %add3A_332 : i32 to index
          %get3A_334 = arith.constant 32 : index
          %get3A_335 = tpu.vector_load %arg10[%get3A_333, %get3A_334] {strides = array<i32>} : memref<80x128xf32, #tpu.memory_space<vmem>>, vector<1x16xf32>,
          %get3A_336 = vector.shape_cast %get3A_335 : vector<1x16xf32> to vector<1x16xf32>
          %add3A_337 = arith.constant 1 : i32
          %add3A_338 = arith.addi %add3A_103, %add3A_337 : i32
          %get3A_339 = arith.index_cast %add3A_338 : i32 to index
          %get3A_340 = arith.constant 32 : index
          %get3A_341 = tpu.vector_load %arg13[%get3A_339, %get3A_340] {strides = array<i32>} : memref<80x128xf32, #tpu.memory_space<vmem>>, vector<1x16xf32>,
          %get3A_342 = vector.shape_cast %get3A_341 : vector<1x16xf32> to vector<1x16xf32>
          %add3A_343 = arith.addf %get3A_336, %get3A_342 : vector<1x16xf32>
          %max3A_344 = arith.constant 0.000000e+00 : f32
          %max3A_345 = vector.broadcast %max3A_344 : f32 to vector<1x16xf32>
          %max3A_346 = arith.maximumf %add3A_343, %max3A_345 : vector<1x16xf32>
          %add3A_347 = arith.constant 1 : i32
          %add3A_348 = arith.addi %add3A_103, %add3A_347 : i32
          %swap3A_349 = arith.index_cast %add3A_348 : i32 to index
          %swap3A_350 = arith.constant 32 : index
          %swap3A_351 = tpu.vector_load %arg16[%swap3A_349, %swap3A_350] {strides = array<i32>} : memref<80x128xf32, #tpu.memory_space<vmem>>, vector<1x16xf32>,
          %swap3A_352 = vector.shape_cast %swap3A_351 : vector<1x16xf32> to vector<1x16xf32>
          %swap3A_353 = vector.shape_cast %max3A_346 : vector<1x16xf32> to vector<1x16xf32>
          tpu.vector_store %arg16[%swap3A_349, %swap3A_350], %swap3A_353 {strides = array<i32>} : memref<80x128xf32, #tpu.memory_space<vmem>>, vector<1x16xf32>,
          %add3A_354 = arith.constant 1 : i32
          %add3A_355 = arith.addi %add3A_103, %add3A_354 : i32
          %get3A_356 = arith.index_cast %add3A_355 : i32 to index
          %get3A_357 = arith.constant 48 : index
          %get3A_358 = tpu.vector_load %arg10[%get3A_356, %get3A_357] {strides = array<i32>} : memref<80x128xf32, #tpu.memory_space<vmem>>, vector<1x16xf32>,
          %get3A_359 = vector.shape_cast %get3A_358 : vector<1x16xf32> to vector<1x16xf32>
          %add3A_360 = arith.constant 1 : i32
          %add3A_361 = arith.addi %add3A_103, %add3A_360 : i32
          %get3A_362 = arith.index_cast %add3A_361 : i32 to index
          %get3A_363 = arith.constant 48 : index
          %get3A_364 = tpu.vector_load %arg13[%get3A_362, %get3A_363] {strides = array<i32>} : memref<80x128xf32, #tpu.memory_space<vmem>>, vector<1x16xf32>,
          %get3A_365 = vector.shape_cast %get3A_364 : vector<1x16xf32> to vector<1x16xf32>
          %add3A_366 = arith.addf %get3A_359, %get3A_365 : vector<1x16xf32>
          %max3A_367 = arith.constant 0.000000e+00 : f32
          %max3A_368 = vector.broadcast %max3A_367 : f32 to vector<1x16xf32>
          %max3A_369 = arith.maximumf %add3A_366, %max3A_368 : vector<1x16xf32>
          %add3A_370 = arith.constant 1 : i32
          %add3A_371 = arith.addi %add3A_103, %add3A_370 : i32
          %swap3A_372 = arith.index_cast %add3A_371 : i32 to index
          %swap3A_373 = arith.constant 48 : index
          %swap3A_374 = tpu.vector_load %arg16[%swap3A_372, %swap3A_373] {strides = array<i32>} : memref<80x128xf32, #tpu.memory_space<vmem>>, vector<1x16xf32>,
          %swap3A_375 = vector.shape_cast %swap3A_374 : vector<1x16xf32> to vector<1x16xf32>
          %swap3A_376 = vector.shape_cast %max3A_369 : vector<1x16xf32> to vector<1x16xf32>
          tpu.vector_store %arg16[%swap3A_372, %swap3A_373], %swap3A_376 {strides = array<i32>} : memref<80x128xf32, #tpu.memory_space<vmem>>, vector<1x16xf32>,
          %add3A_377 = arith.constant 1 : i32
          %add3A_378 = arith.addi %add3A_103, %add3A_377 : i32
          %get3A_379 = arith.index_cast %add3A_378 : i32 to index
          %get3A_380 = arith.constant 64 : index
          %get3A_381 = tpu.vector_load %arg10[%get3A_379, %get3A_380] {strides = array<i32>} : memref<80x128xf32, #tpu.memory_space<vmem>>, vector<1x16xf32>,
          %get3A_382 = vector.shape_cast %get3A_381 : vector<1x16xf32> to vector<1x16xf32>
          %add3A_383 = arith.constant 1 : i32
          %add3A_384 = arith.addi %add3A_103, %add3A_383 : i32
          %get3A_385 = arith.index_cast %add3A_384 : i32 to index
          %get3A_386 = arith.constant 64 : index
          %get3A_387 = tpu.vector_load %arg13[%get3A_385, %get3A_386] {strides = array<i32>} : memref<80x128xf32, #tpu.memory_space<vmem>>, vector<1x16xf32>,
          %get3A_388 = vector.shape_cast %get3A_387 : vector<1x16xf32> to vector<1x16xf32>
          %add3A_389 = arith.addf %get3A_382, %get3A_388 : vector<1x16xf32>
          %max3A_390 = arith.constant 0.000000e+00 : f32
          %max3A_391 = vector.broadcast %max3A_390 : f32 to vector<1x16xf32>
          %max3A_392 = arith.maximumf %add3A_389, %max3A_391 : vector<1x16xf32>
          %add3A_393 = arith.constant 1 : i32
          %add3A_394 = arith.addi %add3A_103, %add3A_393 : i32
          %swap3A_395 = arith.index_cast %add3A_394 : i32 to index
          %swap3A_396 = arith.constant 64 : index
          %swap3A_397 = tpu.vector_load %arg16[%swap3A_395, %swap3A_396] {strides = array<i32>} : memref<80x128xf32, #tpu.memory_space<vmem>>, vector<1x16xf32>,
          %swap3A_398 = vector.shape_cast %swap3A_397 : vector<1x16xf32> to vector<1x16xf32>
          %swap3A_399 = vector.shape_cast %max3A_392 : vector<1x16xf32> to vector<1x16xf32>
          tpu.vector_store %arg16[%swap3A_395, %swap3A_396], %swap3A_399 {strides = array<i32>} : memref<80x128xf32, #tpu.memory_space<vmem>>, vector<1x16xf32>,
          %add3A_400 = arith.constant 1 : i32
          %add3A_401 = arith.addi %add3A_103, %add3A_400 : i32
          %get3A_402 = arith.index_cast %add3A_401 : i32 to index
          %get3A_403 = arith.constant 80 : index
          %get3A_404 = tpu.vector_load %arg10[%get3A_402, %get3A_403] {strides = array<i32>} : memref<80x128xf32, #tpu.memory_space<vmem>>, vector<1x16xf32>,
          %get3A_405 = vector.shape_cast %get3A_404 : vector<1x16xf32> to vector<1x16xf32>
          %add3A_406 = arith.constant 1 : i32
          %add3A_407 = arith.addi %add3A_103, %add3A_406 : i32
          %get3A_408 = arith.index_cast %add3A_407 : i32 to index
          %get3A_409 = arith.constant 80 : index
          %get3A_410 = tpu.vector_load %arg13[%get3A_408, %get3A_409] {strides = array<i32>} : memref<80x128xf32, #tpu.memory_space<vmem>>, vector<1x16xf32>,
          %get3A_411 = vector.shape_cast %get3A_410 : vector<1x16xf32> to vector<1x16xf32>
          %add3A_412 = arith.addf %get3A_405, %get3A_411 : vector<1x16xf32>
          %max3A_413 = arith.constant 0.000000e+00 : f32
          %max3A_414 = vector.broadcast %max3A_413 : f32 to vector<1x16xf32>
          %max3A_415 = arith.maximumf %add3A_412, %max3A_414 : vector<1x16xf32>
          %add3A_416 = arith.constant 1 : i32
          %add3A_417 = arith.addi %add3A_103, %add3A_416 : i32
          %swap3A_418 = arith.index_cast %add3A_417 : i32 to index
          %swap3A_419 = arith.constant 80 : index
          %swap3A_420 = tpu.vector_load %arg16[%swap3A_418, %swap3A_419] {strides = array<i32>} : memref<80x128xf32, #tpu.memory_space<vmem>>, vector<1x16xf32>,
          %swap3A_421 = vector.shape_cast %swap3A_420 : vector<1x16xf32> to vector<1x16xf32>
          %swap3A_422 = vector.shape_cast %max3A_415 : vector<1x16xf32> to vector<1x16xf32>
          tpu.vector_store %arg16[%swap3A_418, %swap3A_419], %swap3A_422 {strides = array<i32>} : memref<80x128xf32, #tpu.memory_space<vmem>>, vector<1x16xf32>,
          %add3A_423 = arith.constant 1 : i32
          %add3A_424 = arith.addi %add3A_103, %add3A_423 : i32
          %get3A_425 = arith.index_cast %add3A_424 : i32 to index
          %get3A_426 = arith.constant 96 : index
          %get3A_427 = tpu.vector_load %arg10[%get3A_425, %get3A_426] {strides = array<i32>} : memref<80x128xf32, #tpu.memory_space<vmem>>, vector<1x16xf32>,
          %get3A_428 = vector.shape_cast %get3A_427 : vector<1x16xf32> to vector<1x16xf32>
          %add3A_429 = arith.constant 1 : i32
          %add3A_430 = arith.addi %add3A_103, %add3A_429 : i32
          %get3A_431 = arith.index_cast %add3A_430 : i32 to index
          %get3A_432 = arith.constant 96 : index
          %get3A_433 = tpu.vector_load %arg13[%get3A_431, %get3A_432] {strides = array<i32>} : memref<80x128xf32, #tpu.memory_space<vmem>>, vector<1x16xf32>,
          %get3A_434 = vector.shape_cast %get3A_433 : vector<1x16xf32> to vector<1x16xf32>
          %add3A_435 = arith.addf %get3A_428, %get3A_434 : vector<1x16xf32>
          %max3A_436 = arith.constant 0.000000e+00 : f32
          %max3A_437 = vector.broadcast %max3A_436 : f32 to vector<1x16xf32>
          %max3A_438 = arith.maximumf %add3A_435, %max3A_437 : vector<1x16xf32>
          %add3A_439 = arith.constant 1 : i32
          %add3A_440 = arith.addi %add3A_103, %add3A_439 : i32
          %swap3A_441 = arith.index_cast %add3A_440 : i32 to index
          %swap3A_442 = arith.constant 96 : index
          %swap3A_443 = tpu.vector_load %arg16[%swap3A_441, %swap3A_442] {strides = array<i32>} : memref<80x128xf32, #tpu.memory_space<vmem>>, vector<1x16xf32>,
          %swap3A_444 = vector.shape_cast %swap3A_443 : vector<1x16xf32> to vector<1x16xf32>
          %swap3A_445 = vector.shape_cast %max3A_438 : vector<1x16xf32> to vector<1x16xf32>
          tpu.vector_store %arg16[%swap3A_441, %swap3A_442], %swap3A_445 {strides = array<i32>} : memref<80x128xf32, #tpu.memory_space<vmem>>, vector<1x16xf32>,
          %add3A_446 = arith.constant 1 : i32
          %add3A_447 = arith.addi %add3A_103, %add3A_446 : i32
          %get3A_448 = arith.index_cast %add3A_447 : i32 to index
          %get3A_449 = arith.constant 112 : index
          %get3A_450 = tpu.vector_load %arg10[%get3A_448, %get3A_449] {strides = array<i32>} : memref<80x128xf32, #tpu.memory_space<vmem>>, vector<1x16xf32>,
          %get3A_451 = vector.shape_cast %get3A_450 : vector<1x16xf32> to vector<1x16xf32>
          %add3A_452 = arith.constant 1 : i32
          %add3A_453 = arith.addi %add3A_103, %add3A_452 : i32
          %get3A_454 = arith.index_cast %add3A_453 : i32 to index
          %get3A_455 = arith.constant 112 : index
          %get3A_456 = tpu.vector_load %arg13[%get3A_454, %get3A_455] {strides = array<i32>} : memref<80x128xf32, #tpu.memory_space<vmem>>, vector<1x16xf32>,
          %get3A_457 = vector.shape_cast %get3A_456 : vector<1x16xf32> to vector<1x16xf32>
          %add3A_458 = arith.addf %get3A_451, %get3A_457 : vector<1x16xf32>
          %max3A_459 = arith.constant 0.000000e+00 : f32
          %max3A_460 = vector.broadcast %max3A_459 : f32 to vector<1x16xf32>
          %max3A_461 = arith.maximumf %add3A_458, %max3A_460 : vector<1x16xf32>
          %add3A_462 = arith.constant 1 : i32
          %add3A_463 = arith.addi %add3A_103, %add3A_462 : i32
          %swap3A_464 = arith.index_cast %add3A_463 : i32 to index
          %swap3A_465 = arith.constant 112 : index
          %swap3A_466 = tpu.vector_load %arg16[%swap3A_464, %swap3A_465] {strides = array<i32>} : memref<80x128xf32, #tpu.memory_space<vmem>>, vector<1x16xf32>,
          %swap3A_467 = vector.shape_cast %swap3A_466 : vector<1x16xf32> to vector<1x16xf32>
          %swap3A_468 = vector.shape_cast %max3A_461 : vector<1x16xf32> to vector<1x16xf32>
          tpu.vector_store %arg16[%swap3A_464, %swap3A_465], %swap3A_468 {strides = array<i32>} : memref<80x128xf32, #tpu.memory_space<vmem>>, vector<1x16xf32>,
        }
        %scan3A_91 = arith.constant 40 : i32
        %mul3A_92 = arith.constant 80 : i32
        %mul3A_93 = arith.muli %add3A_51, %mul3A_92 : i32
        %add3A_94 = arith.addi %mul3A_6, %mul3A_93 : i32
        %dma_start3A_95 = arith.constant 0 : i32
        %dma_start3A_96 = tpu.memref_slice %arg6[%add3A_94, %dma_start3A_95] : memref<192000x128xf32, #tpu.memory_space<hbm>> -> memref<80x128xf32, #tpu.memory_space<hbm>>
        %dma_start3A_97 = arith.constant 0 : i32
        %dma_start3A_98 = tpu.memref_slice %arg6[%add3A_94, %dma_start3A_97] : memref<192000x128xf32, #tpu.memory_space<hbm>> -> memref<80x128xf32, #tpu.memory_space<hbm>>
        tpu.enqueue_dma source(%arg16 : memref<80x128xf32, #tpu.memory_space<vmem>>) target(%dma_start3A_98 : memref<80x128xf32, #tpu.memory_space<hbm>>) target_semaphore(%arg25 : memref<!tpu.dma_semaphore, #tpu.memory_space<semaphore_mem>>)
      } else {
      }
      %add3A_57 = arith.constant 2 : i32
      %add3A_58 = arith.addi %add3A_45, %add3A_57 : i32
      %lt3A_59 = arith.constant 75 : i32
      %lt3A_60 = arith.cmpi slt, %add3A_58, %lt3A_59 : i32
      %convert_element_type3A_61 = arith.extui %lt3A_60 : i1 to i32
      %cond3A_62 = arith.constant 0 : i32
      %cond3A_63 = arith.cmpi ne, %convert_element_type3A_61, %cond3A_62 : i32
      scf.if %cond3A_63 {
        %add3A_64 = arith.constant 2 : i32
        %add3A_65 = arith.addi %add3A_58, %add3A_64 : i32
        %lt3A_66 = arith.constant 75 : i32
        %lt3A_67 = arith.cmpi slt, %add3A_65, %lt3A_66 : i32
        %convert_element_type3A_68 = arith.extui %lt3A_67 : i1 to i32
        %cond3A_69 = arith.constant 0 : i32
        %cond3A_70 = arith.cmpi ne, %convert_element_type3A_68, %cond3A_69 : i32
        scf.if %cond3A_70 {
          %add3A_99 = arith.constant 2 : i32
          %add3A_100 = arith.addi %add3A_58, %add3A_99 : i32
          %mul3A_101 = arith.constant 80 : i32
          %mul3A_102 = arith.muli %add3A_100, %mul3A_101 : i32
          %dma_start3A_103 = tpu.memref_slice %arg7[%mul3A_102] : memref<6000xi32, #tpu.memory_space<vmem>> -> memref<80xi32, #tpu.memory_space<vmem>>
          %dma_start3A_104 = arith.constant 0 : i32
          %dma_start3A_105 = arith.constant 0 : i32
          %dma_start3A_106 = tpu.memref_slice %arg2[%dma_start3A_104, %dma_start3A_105] : memref<10000x128xf32, #tpu.memory_space<hbm>> -> memref<10000x128xf32, #tpu.memory_space<hbm>>
          tpu.enqueue_indirect_dma source(%dma_start3A_106 : memref<10000x128xf32, #tpu.memory_space<hbm>>) target(%arg10 : memref<80x128xf32, #tpu.memory_space<vmem>>) offsets(%dma_start3A_103 : memref<80xi32, #tpu.memory_space<vmem>>) semaphore(%arg19 : memref<!tpu.dma_semaphore, #tpu.memory_space<semaphore_mem>>)
          %dma_start3A_107 = tpu.memref_slice %arg8[%mul3A_102] : memref<6000xi32, #tpu.memory_space<vmem>> -> memref<80xi32, #tpu.memory_space<vmem>>
          %dma_start3A_108 = arith.constant 0 : i32
          %dma_start3A_109 = arith.constant 0 : i32
          %dma_start3A_110 = tpu.memref_slice %arg3[%dma_start3A_108, %dma_start3A_109] : memref<10000x128xf32, #tpu.memory_space<hbm>> -> memref<10000x128xf32, #tpu.memory_space<hbm>>
          tpu.enqueue_indirect_dma source(%dma_start3A_110 : memref<10000x128xf32, #tpu.memory_space<hbm>>) target(%arg13 : memref<80x128xf32, #tpu.memory_space<vmem>>) offsets(%dma_start3A_107 : memref<80xi32, #tpu.memory_space<vmem>>) semaphore(%arg22 : memref<!tpu.dma_semaphore, #tpu.memory_space<semaphore_mem>>)
        } else {
        }
        %dma_wait3A_71 = arith.constant 0 : i32
        %dma_wait3A_72 = arith.constant 0 : i32
        %dma_wait3A_73 = tpu.memref_slice %arg2[%dma_wait3A_71, %dma_wait3A_72] : memref<10000x128xf32, #tpu.memory_space<hbm>> -> memref<80x128xf32, #tpu.memory_space<hbm>>
        %dma_wait3A_74 = arith.constant 0 : i32
        %dma_wait3A_75 = arith.constant 0 : i32
        %dma_wait3A_76 = tpu.memref_slice %arg2[%dma_wait3A_74, %dma_wait3A_75] : memref<10000x128xf32, #tpu.memory_space<hbm>> -> memref<80x128xf32, #tpu.memory_space<hbm>>
        tpu.wait_dma2 semaphore(%arg20 : memref<!tpu.dma_semaphore, #tpu.memory_space<semaphore_mem>>) src(%dma_wait3A_76 : memref<80x128xf32, #tpu.memory_space<hbm>>) dst(%arg11 : memref<80x128xf32, #tpu.memory_space<vmem>>)
        %dma_wait3A_77 = arith.constant 0 : i32
        %dma_wait3A_78 = arith.constant 0 : i32
        %dma_wait3A_79 = tpu.memref_slice %arg3[%dma_wait3A_77, %dma_wait3A_78] : memref<10000x128xf32, #tpu.memory_space<hbm>> -> memref<80x128xf32, #tpu.memory_space<hbm>>
        %dma_wait3A_80 = arith.constant 0 : i32
        %dma_wait3A_81 = arith.constant 0 : i32
        %dma_wait3A_82 = tpu.memref_slice %arg3[%dma_wait3A_80, %dma_wait3A_81] : memref<10000x128xf32, #tpu.memory_space<hbm>> -> memref<80x128xf32, #tpu.memory_space<hbm>>
        tpu.wait_dma2 semaphore(%arg23 : memref<!tpu.dma_semaphore, #tpu.memory_space<semaphore_mem>>) src(%dma_wait3A_82 : memref<80x128xf32, #tpu.memory_space<hbm>>) dst(%arg14 : memref<80x128xf32, #tpu.memory_space<vmem>>)
        %ge3A = arith.constant 3 : i32
        %ge3A_83 = arith.cmpi sge, %add3A_58, %ge3A : i32
        %convert_element_type3A_84 = arith.extui %ge3A_83 : i1 to i32
        %cond3A_85 = arith.constant 0 : i32
        %cond3A_86 = arith.cmpi ne, %convert_element_type3A_84, %cond3A_85 : i32
        scf.if %cond3A_86 {
          %dma_wait3A_99 = arith.constant 0 : i32
          %dma_wait3A_100 = tpu.memref_slice %arg6[%mul3A_6, %dma_wait3A_99] : memref<192000x128xf32, #tpu.memory_space<hbm>> -> memref<80x128xf32, #tpu.memory_space<hbm>>
          %dma_wait3A_101 = arith.constant 0 : i32
          %dma_wait3A_102 = tpu.memref_slice %arg6[%mul3A_6, %dma_wait3A_101] : memref<192000x128xf32, #tpu.memory_space<hbm>> -> memref<80x128xf32, #tpu.memory_space<hbm>>
          tpu.wait_dma2 semaphore(%arg26 : memref<!tpu.dma_semaphore, #tpu.memory_space<semaphore_mem>>) src(%arg17 : memref<80x128xf32, #tpu.memory_space<vmem>>) dst(%dma_wait3A_102 : memref<80x128xf32, #tpu.memory_space<hbm>>)
        } else {
        }
        %scan3A_87 = arith.constant 0 : i32
        %scan3A_88 = arith.constant 40 : i32
        %scan3A_89 = arith.addi %scan3A_87, %scan3A_88 : i32
        %scan3A_90 = arith.constant 1 : i32
        scf.for %scan3A_99 = %scan3A_87 to %scan3A_89 step %scan3A_90  : i32 {
          %mul3A_100 = arith.constant 2 : i32
          %mul3A_101 = arith.muli %scan3A_99, %mul3A_100 : i32
          %add3A_102 = arith.constant 0 : i32
          %add3A_103 = arith.addi %add3A_102, %mul3A_101 : i32
          %add3A_104 = arith.constant 0 : i32
          %add3A_105 = arith.addi %add3A_103, %add3A_104 : i32
          %get3A = arith.index_cast %add3A_105 : i32 to index
          %get3A_106 = arith.constant 0 : index
          %get3A_107 = tpu.vector_load %arg11[%get3A, %get3A_106] {strides = array<i32>} : memref<80x128xf32, #tpu.memory_space<vmem>>, vector<1x16xf32>,
          %get3A_108 = vector.shape_cast %get3A_107 : vector<1x16xf32> to vector<1x16xf32>
          %add3A_109 = arith.constant 0 : i32
          %add3A_110 = arith.addi %add3A_103, %add3A_109 : i32
          %get3A_111 = arith.index_cast %add3A_110 : i32 to index
          %get3A_112 = arith.constant 0 : index
          %get3A_113 = tpu.vector_load %arg14[%get3A_111, %get3A_112] {strides = array<i32>} : memref<80x128xf32, #tpu.memory_space<vmem>>, vector<1x16xf32>,
          %get3A_114 = vector.shape_cast %get3A_113 : vector<1x16xf32> to vector<1x16xf32>
          %add3A_115 = arith.addf %get3A_108, %get3A_114 : vector<1x16xf32>
          %max3A = arith.constant 0.000000e+00 : f32
          %max3A_116 = vector.broadcast %max3A : f32 to vector<1x16xf32>
          %max3A_117 = arith.maximumf %add3A_115, %max3A_116 : vector<1x16xf32>
          %add3A_118 = arith.constant 0 : i32
          %add3A_119 = arith.addi %add3A_103, %add3A_118 : i32
          %swap3A = arith.index_cast %add3A_119 : i32 to index
          %swap3A_120 = arith.constant 0 : index
          %swap3A_121 = tpu.vector_load %arg17[%swap3A, %swap3A_120] {strides = array<i32>} : memref<80x128xf32, #tpu.memory_space<vmem>>, vector<1x16xf32>,
          %swap3A_122 = vector.shape_cast %swap3A_121 : vector<1x16xf32> to vector<1x16xf32>
          %swap3A_123 = vector.shape_cast %max3A_117 : vector<1x16xf32> to vector<1x16xf32>
          tpu.vector_store %arg17[%swap3A, %swap3A_120], %swap3A_123 {strides = array<i32>} : memref<80x128xf32, #tpu.memory_space<vmem>>, vector<1x16xf32>,
          %add3A_124 = arith.constant 0 : i32
          %add3A_125 = arith.addi %add3A_103, %add3A_124 : i32
          %get3A_126 = arith.index_cast %add3A_125 : i32 to index
          %get3A_127 = arith.constant 16 : index
          %get3A_128 = tpu.vector_load %arg11[%get3A_126, %get3A_127] {strides = array<i32>} : memref<80x128xf32, #tpu.memory_space<vmem>>, vector<1x16xf32>,
          %get3A_129 = vector.shape_cast %get3A_128 : vector<1x16xf32> to vector<1x16xf32>
          %add3A_130 = arith.constant 0 : i32
          %add3A_131 = arith.addi %add3A_103, %add3A_130 : i32
          %get3A_132 = arith.index_cast %add3A_131 : i32 to index
          %get3A_133 = arith.constant 16 : index
          %get3A_134 = tpu.vector_load %arg14[%get3A_132, %get3A_133] {strides = array<i32>} : memref<80x128xf32, #tpu.memory_space<vmem>>, vector<1x16xf32>,
          %get3A_135 = vector.shape_cast %get3A_134 : vector<1x16xf32> to vector<1x16xf32>
          %add3A_136 = arith.addf %get3A_129, %get3A_135 : vector<1x16xf32>
          %max3A_137 = arith.constant 0.000000e+00 : f32
          %max3A_138 = vector.broadcast %max3A_137 : f32 to vector<1x16xf32>
          %max3A_139 = arith.maximumf %add3A_136, %max3A_138 : vector<1x16xf32>
          %add3A_140 = arith.constant 0 : i32
          %add3A_141 = arith.addi %add3A_103, %add3A_140 : i32
          %swap3A_142 = arith.index_cast %add3A_141 : i32 to index
          %swap3A_143 = arith.constant 16 : index
          %swap3A_144 = tpu.vector_load %arg17[%swap3A_142, %swap3A_143] {strides = array<i32>} : memref<80x128xf32, #tpu.memory_space<vmem>>, vector<1x16xf32>,
          %swap3A_145 = vector.shape_cast %swap3A_144 : vector<1x16xf32> to vector<1x16xf32>
          %swap3A_146 = vector.shape_cast %max3A_139 : vector<1x16xf32> to vector<1x16xf32>
          tpu.vector_store %arg17[%swap3A_142, %swap3A_143], %swap3A_146 {strides = array<i32>} : memref<80x128xf32, #tpu.memory_space<vmem>>, vector<1x16xf32>,
          %add3A_147 = arith.constant 0 : i32
          %add3A_148 = arith.addi %add3A_103, %add3A_147 : i32
          %get3A_149 = arith.index_cast %add3A_148 : i32 to index
          %get3A_150 = arith.constant 32 : index
          %get3A_151 = tpu.vector_load %arg11[%get3A_149, %get3A_150] {strides = array<i32>} : memref<80x128xf32, #tpu.memory_space<vmem>>, vector<1x16xf32>,
          %get3A_152 = vector.shape_cast %get3A_151 : vector<1x16xf32> to vector<1x16xf32>
          %add3A_153 = arith.constant 0 : i32
          %add3A_154 = arith.addi %add3A_103, %add3A_153 : i32
          %get3A_155 = arith.index_cast %add3A_154 : i32 to index
          %get3A_156 = arith.constant 32 : index
          %get3A_157 = tpu.vector_load %arg14[%get3A_155, %get3A_156] {strides = array<i32>} : memref<80x128xf32, #tpu.memory_space<vmem>>, vector<1x16xf32>,
          %get3A_158 = vector.shape_cast %get3A_157 : vector<1x16xf32> to vector<1x16xf32>
          %add3A_159 = arith.addf %get3A_152, %get3A_158 : vector<1x16xf32>
          %max3A_160 = arith.constant 0.000000e+00 : f32
          %max3A_161 = vector.broadcast %max3A_160 : f32 to vector<1x16xf32>
          %max3A_162 = arith.maximumf %add3A_159, %max3A_161 : vector<1x16xf32>
          %add3A_163 = arith.constant 0 : i32
          %add3A_164 = arith.addi %add3A_103, %add3A_163 : i32
          %swap3A_165 = arith.index_cast %add3A_164 : i32 to index
          %swap3A_166 = arith.constant 32 : index
          %swap3A_167 = tpu.vector_load %arg17[%swap3A_165, %swap3A_166] {strides = array<i32>} : memref<80x128xf32, #tpu.memory_space<vmem>>, vector<1x16xf32>,
          %swap3A_168 = vector.shape_cast %swap3A_167 : vector<1x16xf32> to vector<1x16xf32>
          %swap3A_169 = vector.shape_cast %max3A_162 : vector<1x16xf32> to vector<1x16xf32>
          tpu.vector_store %arg17[%swap3A_165, %swap3A_166], %swap3A_169 {strides = array<i32>} : memref<80x128xf32, #tpu.memory_space<vmem>>, vector<1x16xf32>,
          %add3A_170 = arith.constant 0 : i32
          %add3A_171 = arith.addi %add3A_103, %add3A_170 : i32
          %get3A_172 = arith.index_cast %add3A_171 : i32 to index
          %get3A_173 = arith.constant 48 : index
          %get3A_174 = tpu.vector_load %arg11[%get3A_172, %get3A_173] {strides = array<i32>} : memref<80x128xf32, #tpu.memory_space<vmem>>, vector<1x16xf32>,
          %get3A_175 = vector.shape_cast %get3A_174 : vector<1x16xf32> to vector<1x16xf32>
          %add3A_176 = arith.constant 0 : i32
          %add3A_177 = arith.addi %add3A_103, %add3A_176 : i32
          %get3A_178 = arith.index_cast %add3A_177 : i32 to index
          %get3A_179 = arith.constant 48 : index
          %get3A_180 = tpu.vector_load %arg14[%get3A_178, %get3A_179] {strides = array<i32>} : memref<80x128xf32, #tpu.memory_space<vmem>>, vector<1x16xf32>,
          %get3A_181 = vector.shape_cast %get3A_180 : vector<1x16xf32> to vector<1x16xf32>
          %add3A_182 = arith.addf %get3A_175, %get3A_181 : vector<1x16xf32>
          %max3A_183 = arith.constant 0.000000e+00 : f32
          %max3A_184 = vector.broadcast %max3A_183 : f32 to vector<1x16xf32>
          %max3A_185 = arith.maximumf %add3A_182, %max3A_184 : vector<1x16xf32>
          %add3A_186 = arith.constant 0 : i32
          %add3A_187 = arith.addi %add3A_103, %add3A_186 : i32
          %swap3A_188 = arith.index_cast %add3A_187 : i32 to index
          %swap3A_189 = arith.constant 48 : index
          %swap3A_190 = tpu.vector_load %arg17[%swap3A_188, %swap3A_189] {strides = array<i32>} : memref<80x128xf32, #tpu.memory_space<vmem>>, vector<1x16xf32>,
          %swap3A_191 = vector.shape_cast %swap3A_190 : vector<1x16xf32> to vector<1x16xf32>
          %swap3A_192 = vector.shape_cast %max3A_185 : vector<1x16xf32> to vector<1x16xf32>
          tpu.vector_store %arg17[%swap3A_188, %swap3A_189], %swap3A_192 {strides = array<i32>} : memref<80x128xf32, #tpu.memory_space<vmem>>, vector<1x16xf32>,
          %add3A_193 = arith.constant 0 : i32
          %add3A_194 = arith.addi %add3A_103, %add3A_193 : i32
          %get3A_195 = arith.index_cast %add3A_194 : i32 to index
          %get3A_196 = arith.constant 64 : index
          %get3A_197 = tpu.vector_load %arg11[%get3A_195, %get3A_196] {strides = array<i32>} : memref<80x128xf32, #tpu.memory_space<vmem>>, vector<1x16xf32>,
          %get3A_198 = vector.shape_cast %get3A_197 : vector<1x16xf32> to vector<1x16xf32>
          %add3A_199 = arith.constant 0 : i32
          %add3A_200 = arith.addi %add3A_103, %add3A_199 : i32
          %get3A_201 = arith.index_cast %add3A_200 : i32 to index
          %get3A_202 = arith.constant 64 : index
          %get3A_203 = tpu.vector_load %arg14[%get3A_201, %get3A_202] {strides = array<i32>} : memref<80x128xf32, #tpu.memory_space<vmem>>, vector<1x16xf32>,
          %get3A_204 = vector.shape_cast %get3A_203 : vector<1x16xf32> to vector<1x16xf32>
          %add3A_205 = arith.addf %get3A_198, %get3A_204 : vector<1x16xf32>
          %max3A_206 = arith.constant 0.000000e+00 : f32
          %max3A_207 = vector.broadcast %max3A_206 : f32 to vector<1x16xf32>
          %max3A_208 = arith.maximumf %add3A_205, %max3A_207 : vector<1x16xf32>
          %add3A_209 = arith.constant 0 : i32
          %add3A_210 = arith.addi %add3A_103, %add3A_209 : i32
          %swap3A_211 = arith.index_cast %add3A_210 : i32 to index
          %swap3A_212 = arith.constant 64 : index
          %swap3A_213 = tpu.vector_load %arg17[%swap3A_211, %swap3A_212] {strides = array<i32>} : memref<80x128xf32, #tpu.memory_space<vmem>>, vector<1x16xf32>,
          %swap3A_214 = vector.shape_cast %swap3A_213 : vector<1x16xf32> to vector<1x16xf32>
          %swap3A_215 = vector.shape_cast %max3A_208 : vector<1x16xf32> to vector<1x16xf32>
          tpu.vector_store %arg17[%swap3A_211, %swap3A_212], %swap3A_215 {strides = array<i32>} : memref<80x128xf32, #tpu.memory_space<vmem>>, vector<1x16xf32>,
          %add3A_216 = arith.constant 0 : i32
          %add3A_217 = arith.addi %add3A_103, %add3A_216 : i32
          %get3A_218 = arith.index_cast %add3A_217 : i32 to index
          %get3A_219 = arith.constant 80 : index
          %get3A_220 = tpu.vector_load %arg11[%get3A_218, %get3A_219] {strides = array<i32>} : memref<80x128xf32, #tpu.memory_space<vmem>>, vector<1x16xf32>,
          %get3A_221 = vector.shape_cast %get3A_220 : vector<1x16xf32> to vector<1x16xf32>
          %add3A_222 = arith.constant 0 : i32
          %add3A_223 = arith.addi %add3A_103, %add3A_222 : i32
          %get3A_224 = arith.index_cast %add3A_223 : i32 to index
          %get3A_225 = arith.constant 80 : index
          %get3A_226 = tpu.vector_load %arg14[%get3A_224, %get3A_225] {strides = array<i32>} : memref<80x128xf32, #tpu.memory_space<vmem>>, vector<1x16xf32>,
          %get3A_227 = vector.shape_cast %get3A_226 : vector<1x16xf32> to vector<1x16xf32>
          %add3A_228 = arith.addf %get3A_221, %get3A_227 : vector<1x16xf32>
          %max3A_229 = arith.constant 0.000000e+00 : f32
          %max3A_230 = vector.broadcast %max3A_229 : f32 to vector<1x16xf32>
          %max3A_231 = arith.maximumf %add3A_228, %max3A_230 : vector<1x16xf32>
          %add3A_232 = arith.constant 0 : i32
          %add3A_233 = arith.addi %add3A_103, %add3A_232 : i32
          %swap3A_234 = arith.index_cast %add3A_233 : i32 to index
          %swap3A_235 = arith.constant 80 : index
          %swap3A_236 = tpu.vector_load %arg17[%swap3A_234, %swap3A_235] {strides = array<i32>} : memref<80x128xf32, #tpu.memory_space<vmem>>, vector<1x16xf32>,
          %swap3A_237 = vector.shape_cast %swap3A_236 : vector<1x16xf32> to vector<1x16xf32>
          %swap3A_238 = vector.shape_cast %max3A_231 : vector<1x16xf32> to vector<1x16xf32>
          tpu.vector_store %arg17[%swap3A_234, %swap3A_235], %swap3A_238 {strides = array<i32>} : memref<80x128xf32, #tpu.memory_space<vmem>>, vector<1x16xf32>,
          %add3A_239 = arith.constant 0 : i32
          %add3A_240 = arith.addi %add3A_103, %add3A_239 : i32
          %get3A_241 = arith.index_cast %add3A_240 : i32 to index
          %get3A_242 = arith.constant 96 : index
          %get3A_243 = tpu.vector_load %arg11[%get3A_241, %get3A_242] {strides = array<i32>} : memref<80x128xf32, #tpu.memory_space<vmem>>, vector<1x16xf32>,
          %get3A_244 = vector.shape_cast %get3A_243 : vector<1x16xf32> to vector<1x16xf32>
          %add3A_245 = arith.constant 0 : i32
          %add3A_246 = arith.addi %add3A_103, %add3A_245 : i32
          %get3A_247 = arith.index_cast %add3A_246 : i32 to index
          %get3A_248 = arith.constant 96 : index
          %get3A_249 = tpu.vector_load %arg14[%get3A_247, %get3A_248] {strides = array<i32>} : memref<80x128xf32, #tpu.memory_space<vmem>>, vector<1x16xf32>,
          %get3A_250 = vector.shape_cast %get3A_249 : vector<1x16xf32> to vector<1x16xf32>
          %add3A_251 = arith.addf %get3A_244, %get3A_250 : vector<1x16xf32>
          %max3A_252 = arith.constant 0.000000e+00 : f32
          %max3A_253 = vector.broadcast %max3A_252 : f32 to vector<1x16xf32>
          %max3A_254 = arith.maximumf %add3A_251, %max3A_253 : vector<1x16xf32>
          %add3A_255 = arith.constant 0 : i32
          %add3A_256 = arith.addi %add3A_103, %add3A_255 : i32
          %swap3A_257 = arith.index_cast %add3A_256 : i32 to index
          %swap3A_258 = arith.constant 96 : index
          %swap3A_259 = tpu.vector_load %arg17[%swap3A_257, %swap3A_258] {strides = array<i32>} : memref<80x128xf32, #tpu.memory_space<vmem>>, vector<1x16xf32>,
          %swap3A_260 = vector.shape_cast %swap3A_259 : vector<1x16xf32> to vector<1x16xf32>
          %swap3A_261 = vector.shape_cast %max3A_254 : vector<1x16xf32> to vector<1x16xf32>
          tpu.vector_store %arg17[%swap3A_257, %swap3A_258], %swap3A_261 {strides = array<i32>} : memref<80x128xf32, #tpu.memory_space<vmem>>, vector<1x16xf32>,
          %add3A_262 = arith.constant 0 : i32
          %add3A_263 = arith.addi %add3A_103, %add3A_262 : i32
          %get3A_264 = arith.index_cast %add3A_263 : i32 to index
          %get3A_265 = arith.constant 112 : index
          %get3A_266 = tpu.vector_load %arg11[%get3A_264, %get3A_265] {strides = array<i32>} : memref<80x128xf32, #tpu.memory_space<vmem>>, vector<1x16xf32>,
          %get3A_267 = vector.shape_cast %get3A_266 : vector<1x16xf32> to vector<1x16xf32>
          %add3A_268 = arith.constant 0 : i32
          %add3A_269 = arith.addi %add3A_103, %add3A_268 : i32
          %get3A_270 = arith.index_cast %add3A_269 : i32 to index
          %get3A_271 = arith.constant 112 : index
          %get3A_272 = tpu.vector_load %arg14[%get3A_270, %get3A_271] {strides = array<i32>} : memref<80x128xf32, #tpu.memory_space<vmem>>, vector<1x16xf32>,
          %get3A_273 = vector.shape_cast %get3A_272 : vector<1x16xf32> to vector<1x16xf32>
          %add3A_274 = arith.addf %get3A_267, %get3A_273 : vector<1x16xf32>
          %max3A_275 = arith.constant 0.000000e+00 : f32
          %max3A_276 = vector.broadcast %max3A_275 : f32 to vector<1x16xf32>
          %max3A_277 = arith.maximumf %add3A_274, %max3A_276 : vector<1x16xf32>
          %add3A_278 = arith.constant 0 : i32
          %add3A_279 = arith.addi %add3A_103, %add3A_278 : i32
          %swap3A_280 = arith.index_cast %add3A_279 : i32 to index
          %swap3A_281 = arith.constant 112 : index
          %swap3A_282 = tpu.vector_load %arg17[%swap3A_280, %swap3A_281] {strides = array<i32>} : memref<80x128xf32, #tpu.memory_space<vmem>>, vector<1x16xf32>,
          %swap3A_283 = vector.shape_cast %swap3A_282 : vector<1x16xf32> to vector<1x16xf32>
          %swap3A_284 = vector.shape_cast %max3A_277 : vector<1x16xf32> to vector<1x16xf32>
          tpu.vector_store %arg17[%swap3A_280, %swap3A_281], %swap3A_284 {strides = array<i32>} : memref<80x128xf32, #tpu.memory_space<vmem>>, vector<1x16xf32>,
          %add3A_285 = arith.constant 1 : i32
          %add3A_286 = arith.addi %add3A_103, %add3A_285 : i32
          %get3A_287 = arith.index_cast %add3A_286 : i32 to index
          %get3A_288 = arith.constant 0 : index
          %get3A_289 = tpu.vector_load %arg11[%get3A_287, %get3A_288] {strides = array<i32>} : memref<80x128xf32, #tpu.memory_space<vmem>>, vector<1x16xf32>,
          %get3A_290 = vector.shape_cast %get3A_289 : vector<1x16xf32> to vector<1x16xf32>
          %add3A_291 = arith.constant 1 : i32
          %add3A_292 = arith.addi %add3A_103, %add3A_291 : i32
          %get3A_293 = arith.index_cast %add3A_292 : i32 to index
          %get3A_294 = arith.constant 0 : index
          %get3A_295 = tpu.vector_load %arg14[%get3A_293, %get3A_294] {strides = array<i32>} : memref<80x128xf32, #tpu.memory_space<vmem>>, vector<1x16xf32>,
          %get3A_296 = vector.shape_cast %get3A_295 : vector<1x16xf32> to vector<1x16xf32>
          %add3A_297 = arith.addf %get3A_290, %get3A_296 : vector<1x16xf32>
          %max3A_298 = arith.constant 0.000000e+00 : f32
          %max3A_299 = vector.broadcast %max3A_298 : f32 to vector<1x16xf32>
          %max3A_300 = arith.maximumf %add3A_297, %max3A_299 : vector<1x16xf32>
          %add3A_301 = arith.constant 1 : i32
          %add3A_302 = arith.addi %add3A_103, %add3A_301 : i32
          %swap3A_303 = arith.index_cast %add3A_302 : i32 to index
          %swap3A_304 = arith.constant 0 : index
          %swap3A_305 = tpu.vector_load %arg17[%swap3A_303, %swap3A_304] {strides = array<i32>} : memref<80x128xf32, #tpu.memory_space<vmem>>, vector<1x16xf32>,
          %swap3A_306 = vector.shape_cast %swap3A_305 : vector<1x16xf32> to vector<1x16xf32>
          %swap3A_307 = vector.shape_cast %max3A_300 : vector<1x16xf32> to vector<1x16xf32>
          tpu.vector_store %arg17[%swap3A_303, %swap3A_304], %swap3A_307 {strides = array<i32>} : memref<80x128xf32, #tpu.memory_space<vmem>>, vector<1x16xf32>,
          %add3A_308 = arith.constant 1 : i32
          %add3A_309 = arith.addi %add3A_103, %add3A_308 : i32
          %get3A_310 = arith.index_cast %add3A_309 : i32 to index
          %get3A_311 = arith.constant 16 : index
          %get3A_312 = tpu.vector_load %arg11[%get3A_310, %get3A_311] {strides = array<i32>} : memref<80x128xf32, #tpu.memory_space<vmem>>, vector<1x16xf32>,
          %get3A_313 = vector.shape_cast %get3A_312 : vector<1x16xf32> to vector<1x16xf32>
          %add3A_314 = arith.constant 1 : i32
          %add3A_315 = arith.addi %add3A_103, %add3A_314 : i32
          %get3A_316 = arith.index_cast %add3A_315 : i32 to index
          %get3A_317 = arith.constant 16 : index
          %get3A_318 = tpu.vector_load %arg14[%get3A_316, %get3A_317] {strides = array<i32>} : memref<80x128xf32, #tpu.memory_space<vmem>>, vector<1x16xf32>,
          %get3A_319 = vector.shape_cast %get3A_318 : vector<1x16xf32> to vector<1x16xf32>
          %add3A_320 = arith.addf %get3A_313, %get3A_319 : vector<1x16xf32>
          %max3A_321 = arith.constant 0.000000e+00 : f32
          %max3A_322 = vector.broadcast %max3A_321 : f32 to vector<1x16xf32>
          %max3A_323 = arith.maximumf %add3A_320, %max3A_322 : vector<1x16xf32>
          %add3A_324 = arith.constant 1 : i32
          %add3A_325 = arith.addi %add3A_103, %add3A_324 : i32
          %swap3A_326 = arith.index_cast %add3A_325 : i32 to index
          %swap3A_327 = arith.constant 16 : index
          %swap3A_328 = tpu.vector_load %arg17[%swap3A_326, %swap3A_327] {strides = array<i32>} : memref<80x128xf32, #tpu.memory_space<vmem>>, vector<1x16xf32>,
          %swap3A_329 = vector.shape_cast %swap3A_328 : vector<1x16xf32> to vector<1x16xf32>
          %swap3A_330 = vector.shape_cast %max3A_323 : vector<1x16xf32> to vector<1x16xf32>
          tpu.vector_store %arg17[%swap3A_326, %swap3A_327], %swap3A_330 {strides = array<i32>} : memref<80x128xf32, #tpu.memory_space<vmem>>, vector<1x16xf32>,
          %add3A_331 = arith.constant 1 : i32
          %add3A_332 = arith.addi %add3A_103, %add3A_331 : i32
          %get3A_333 = arith.index_cast %add3A_332 : i32 to index
          %get3A_334 = arith.constant 32 : index
          %get3A_335 = tpu.vector_load %arg11[%get3A_333, %get3A_334] {strides = array<i32>} : memref<80x128xf32, #tpu.memory_space<vmem>>, vector<1x16xf32>,
          %get3A_336 = vector.shape_cast %get3A_335 : vector<1x16xf32> to vector<1x16xf32>
          %add3A_337 = arith.constant 1 : i32
          %add3A_338 = arith.addi %add3A_103, %add3A_337 : i32
          %get3A_339 = arith.index_cast %add3A_338 : i32 to index
          %get3A_340 = arith.constant 32 : index
          %get3A_341 = tpu.vector_load %arg14[%get3A_339, %get3A_340] {strides = array<i32>} : memref<80x128xf32, #tpu.memory_space<vmem>>, vector<1x16xf32>,
          %get3A_342 = vector.shape_cast %get3A_341 : vector<1x16xf32> to vector<1x16xf32>
          %add3A_343 = arith.addf %get3A_336, %get3A_342 : vector<1x16xf32>
          %max3A_344 = arith.constant 0.000000e+00 : f32
          %max3A_345 = vector.broadcast %max3A_344 : f32 to vector<1x16xf32>
          %max3A_346 = arith.maximumf %add3A_343, %max3A_345 : vector<1x16xf32>
          %add3A_347 = arith.constant 1 : i32
          %add3A_348 = arith.addi %add3A_103, %add3A_347 : i32
          %swap3A_349 = arith.index_cast %add3A_348 : i32 to index
          %swap3A_350 = arith.constant 32 : index
          %swap3A_351 = tpu.vector_load %arg17[%swap3A_349, %swap3A_350] {strides = array<i32>} : memref<80x128xf32, #tpu.memory_space<vmem>>, vector<1x16xf32>,
          %swap3A_352 = vector.shape_cast %swap3A_351 : vector<1x16xf32> to vector<1x16xf32>
          %swap3A_353 = vector.shape_cast %max3A_346 : vector<1x16xf32> to vector<1x16xf32>
          tpu.vector_store %arg17[%swap3A_349, %swap3A_350], %swap3A_353 {strides = array<i32>} : memref<80x128xf32, #tpu.memory_space<vmem>>, vector<1x16xf32>,
          %add3A_354 = arith.constant 1 : i32
          %add3A_355 = arith.addi %add3A_103, %add3A_354 : i32
          %get3A_356 = arith.index_cast %add3A_355 : i32 to index
          %get3A_357 = arith.constant 48 : index
          %get3A_358 = tpu.vector_load %arg11[%get3A_356, %get3A_357] {strides = array<i32>} : memref<80x128xf32, #tpu.memory_space<vmem>>, vector<1x16xf32>,
          %get3A_359 = vector.shape_cast %get3A_358 : vector<1x16xf32> to vector<1x16xf32>
          %add3A_360 = arith.constant 1 : i32
          %add3A_361 = arith.addi %add3A_103, %add3A_360 : i32
          %get3A_362 = arith.index_cast %add3A_361 : i32 to index
          %get3A_363 = arith.constant 48 : index
          %get3A_364 = tpu.vector_load %arg14[%get3A_362, %get3A_363] {strides = array<i32>} : memref<80x128xf32, #tpu.memory_space<vmem>>, vector<1x16xf32>,
          %get3A_365 = vector.shape_cast %get3A_364 : vector<1x16xf32> to vector<1x16xf32>
          %add3A_366 = arith.addf %get3A_359, %get3A_365 : vector<1x16xf32>
          %max3A_367 = arith.constant 0.000000e+00 : f32
          %max3A_368 = vector.broadcast %max3A_367 : f32 to vector<1x16xf32>
          %max3A_369 = arith.maximumf %add3A_366, %max3A_368 : vector<1x16xf32>
          %add3A_370 = arith.constant 1 : i32
          %add3A_371 = arith.addi %add3A_103, %add3A_370 : i32
          %swap3A_372 = arith.index_cast %add3A_371 : i32 to index
          %swap3A_373 = arith.constant 48 : index
          %swap3A_374 = tpu.vector_load %arg17[%swap3A_372, %swap3A_373] {strides = array<i32>} : memref<80x128xf32, #tpu.memory_space<vmem>>, vector<1x16xf32>,
          %swap3A_375 = vector.shape_cast %swap3A_374 : vector<1x16xf32> to vector<1x16xf32>
          %swap3A_376 = vector.shape_cast %max3A_369 : vector<1x16xf32> to vector<1x16xf32>
          tpu.vector_store %arg17[%swap3A_372, %swap3A_373], %swap3A_376 {strides = array<i32>} : memref<80x128xf32, #tpu.memory_space<vmem>>, vector<1x16xf32>,
          %add3A_377 = arith.constant 1 : i32
          %add3A_378 = arith.addi %add3A_103, %add3A_377 : i32
          %get3A_379 = arith.index_cast %add3A_378 : i32 to index
          %get3A_380 = arith.constant 64 : index
          %get3A_381 = tpu.vector_load %arg11[%get3A_379, %get3A_380] {strides = array<i32>} : memref<80x128xf32, #tpu.memory_space<vmem>>, vector<1x16xf32>,
          %get3A_382 = vector.shape_cast %get3A_381 : vector<1x16xf32> to vector<1x16xf32>
          %add3A_383 = arith.constant 1 : i32
          %add3A_384 = arith.addi %add3A_103, %add3A_383 : i32
          %get3A_385 = arith.index_cast %add3A_384 : i32 to index
          %get3A_386 = arith.constant 64 : index
          %get3A_387 = tpu.vector_load %arg14[%get3A_385, %get3A_386] {strides = array<i32>} : memref<80x128xf32, #tpu.memory_space<vmem>>, vector<1x16xf32>,
          %get3A_388 = vector.shape_cast %get3A_387 : vector<1x16xf32> to vector<1x16xf32>
          %add3A_389 = arith.addf %get3A_382, %get3A_388 : vector<1x16xf32>
          %max3A_390 = arith.constant 0.000000e+00 : f32
          %max3A_391 = vector.broadcast %max3A_390 : f32 to vector<1x16xf32>
          %max3A_392 = arith.maximumf %add3A_389, %max3A_391 : vector<1x16xf32>
          %add3A_393 = arith.constant 1 : i32
          %add3A_394 = arith.addi %add3A_103, %add3A_393 : i32
          %swap3A_395 = arith.index_cast %add3A_394 : i32 to index
          %swap3A_396 = arith.constant 64 : index
          %swap3A_397 = tpu.vector_load %arg17[%swap3A_395, %swap3A_396] {strides = array<i32>} : memref<80x128xf32, #tpu.memory_space<vmem>>, vector<1x16xf32>,
          %swap3A_398 = vector.shape_cast %swap3A_397 : vector<1x16xf32> to vector<1x16xf32>
          %swap3A_399 = vector.shape_cast %max3A_392 : vector<1x16xf32> to vector<1x16xf32>
          tpu.vector_store %arg17[%swap3A_395, %swap3A_396], %swap3A_399 {strides = array<i32>} : memref<80x128xf32, #tpu.memory_space<vmem>>, vector<1x16xf32>,
          %add3A_400 = arith.constant 1 : i32
          %add3A_401 = arith.addi %add3A_103, %add3A_400 : i32
          %get3A_402 = arith.index_cast %add3A_401 : i32 to index
          %get3A_403 = arith.constant 80 : index
          %get3A_404 = tpu.vector_load %arg11[%get3A_402, %get3A_403] {strides = array<i32>} : memref<80x128xf32, #tpu.memory_space<vmem>>, vector<1x16xf32>,
          %get3A_405 = vector.shape_cast %get3A_404 : vector<1x16xf32> to vector<1x16xf32>
          %add3A_406 = arith.constant 1 : i32
          %add3A_407 = arith.addi %add3A_103, %add3A_406 : i32
          %get3A_408 = arith.index_cast %add3A_407 : i32 to index
          %get3A_409 = arith.constant 80 : index
          %get3A_410 = tpu.vector_load %arg14[%get3A_408, %get3A_409] {strides = array<i32>} : memref<80x128xf32, #tpu.memory_space<vmem>>, vector<1x16xf32>,
          %get3A_411 = vector.shape_cast %get3A_410 : vector<1x16xf32> to vector<1x16xf32>
          %add3A_412 = arith.addf %get3A_405, %get3A_411 : vector<1x16xf32>
          %max3A_413 = arith.constant 0.000000e+00 : f32
          %max3A_414 = vector.broadcast %max3A_413 : f32 to vector<1x16xf32>
          %max3A_415 = arith.maximumf %add3A_412, %max3A_414 : vector<1x16xf32>
          %add3A_416 = arith.constant 1 : i32
          %add3A_417 = arith.addi %add3A_103, %add3A_416 : i32
          %swap3A_418 = arith.index_cast %add3A_417 : i32 to index
          %swap3A_419 = arith.constant 80 : index
          %swap3A_420 = tpu.vector_load %arg17[%swap3A_418, %swap3A_419] {strides = array<i32>} : memref<80x128xf32, #tpu.memory_space<vmem>>, vector<1x16xf32>,
          %swap3A_421 = vector.shape_cast %swap3A_420 : vector<1x16xf32> to vector<1x16xf32>
          %swap3A_422 = vector.shape_cast %max3A_415 : vector<1x16xf32> to vector<1x16xf32>
          tpu.vector_store %arg17[%swap3A_418, %swap3A_419], %swap3A_422 {strides = array<i32>} : memref<80x128xf32, #tpu.memory_space<vmem>>, vector<1x16xf32>,
          %add3A_423 = arith.constant 1 : i32
          %add3A_424 = arith.addi %add3A_103, %add3A_423 : i32
          %get3A_425 = arith.index_cast %add3A_424 : i32 to index
          %get3A_426 = arith.constant 96 : index
          %get3A_427 = tpu.vector_load %arg11[%get3A_425, %get3A_426] {strides = array<i32>} : memref<80x128xf32, #tpu.memory_space<vmem>>, vector<1x16xf32>,
          %get3A_428 = vector.shape_cast %get3A_427 : vector<1x16xf32> to vector<1x16xf32>
          %add3A_429 = arith.constant 1 : i32
          %add3A_430 = arith.addi %add3A_103, %add3A_429 : i32
          %get3A_431 = arith.index_cast %add3A_430 : i32 to index
          %get3A_432 = arith.constant 96 : index
          %get3A_433 = tpu.vector_load %arg14[%get3A_431, %get3A_432] {strides = array<i32>} : memref<80x128xf32, #tpu.memory_space<vmem>>, vector<1x16xf32>,
          %get3A_434 = vector.shape_cast %get3A_433 : vector<1x16xf32> to vector<1x16xf32>
          %add3A_435 = arith.addf %get3A_428, %get3A_434 : vector<1x16xf32>
          %max3A_436 = arith.constant 0.000000e+00 : f32
          %max3A_437 = vector.broadcast %max3A_436 : f32 to vector<1x16xf32>
          %max3A_438 = arith.maximumf %add3A_435, %max3A_437 : vector<1x16xf32>
          %add3A_439 = arith.constant 1 : i32
          %add3A_440 = arith.addi %add3A_103, %add3A_439 : i32
          %swap3A_441 = arith.index_cast %add3A_440 : i32 to index
          %swap3A_442 = arith.constant 96 : index
          %swap3A_443 = tpu.vector_load %arg17[%swap3A_441, %swap3A_442] {strides = array<i32>} : memref<80x128xf32, #tpu.memory_space<vmem>>, vector<1x16xf32>,
          %swap3A_444 = vector.shape_cast %swap3A_443 : vector<1x16xf32> to vector<1x16xf32>
          %swap3A_445 = vector.shape_cast %max3A_438 : vector<1x16xf32> to vector<1x16xf32>
          tpu.vector_store %arg17[%swap3A_441, %swap3A_442], %swap3A_445 {strides = array<i32>} : memref<80x128xf32, #tpu.memory_space<vmem>>, vector<1x16xf32>,
          %add3A_446 = arith.constant 1 : i32
          %add3A_447 = arith.addi %add3A_103, %add3A_446 : i32
          %get3A_448 = arith.index_cast %add3A_447 : i32 to index
          %get3A_449 = arith.constant 112 : index
          %get3A_450 = tpu.vector_load %arg11[%get3A_448, %get3A_449] {strides = array<i32>} : memref<80x128xf32, #tpu.memory_space<vmem>>, vector<1x16xf32>,
          %get3A_451 = vector.shape_cast %get3A_450 : vector<1x16xf32> to vector<1x16xf32>
          %add3A_452 = arith.constant 1 : i32
          %add3A_453 = arith.addi %add3A_103, %add3A_452 : i32
          %get3A_454 = arith.index_cast %add3A_453 : i32 to index
          %get3A_455 = arith.constant 112 : index
          %get3A_456 = tpu.vector_load %arg14[%get3A_454, %get3A_455] {strides = array<i32>} : memref<80x128xf32, #tpu.memory_space<vmem>>, vector<1x16xf32>,
          %get3A_457 = vector.shape_cast %get3A_456 : vector<1x16xf32> to vector<1x16xf32>
          %add3A_458 = arith.addf %get3A_451, %get3A_457 : vector<1x16xf32>
          %max3A_459 = arith.constant 0.000000e+00 : f32
          %max3A_460 = vector.broadcast %max3A_459 : f32 to vector<1x16xf32>
          %max3A_461 = arith.maximumf %add3A_458, %max3A_460 : vector<1x16xf32>
          %add3A_462 = arith.constant 1 : i32
          %add3A_463 = arith.addi %add3A_103, %add3A_462 : i32
          %swap3A_464 = arith.index_cast %add3A_463 : i32 to index
          %swap3A_465 = arith.constant 112 : index
          %swap3A_466 = tpu.vector_load %arg17[%swap3A_464, %swap3A_465] {strides = array<i32>} : memref<80x128xf32, #tpu.memory_space<vmem>>, vector<1x16xf32>,
          %swap3A_467 = vector.shape_cast %swap3A_466 : vector<1x16xf32> to vector<1x16xf32>
          %swap3A_468 = vector.shape_cast %max3A_461 : vector<1x16xf32> to vector<1x16xf32>
          tpu.vector_store %arg17[%swap3A_464, %swap3A_465], %swap3A_468 {strides = array<i32>} : memref<80x128xf32, #tpu.memory_space<vmem>>, vector<1x16xf32>,
        }
        %scan3A_91 = arith.constant 40 : i32
        %mul3A_92 = arith.constant 80 : i32
        %mul3A_93 = arith.muli %add3A_58, %mul3A_92 : i32
        %add3A_94 = arith.addi %mul3A_6, %mul3A_93 : i32
        %dma_start3A_95 = arith.constant 0 : i32
        %dma_start3A_96 = tpu.memref_slice %arg6[%add3A_94, %dma_start3A_95] : memref<192000x128xf32, #tpu.memory_space<hbm>> -> memref<80x128xf32, #tpu.memory_space<hbm>>
        %dma_start3A_97 = arith.constant 0 : i32
        %dma_start3A_98 = tpu.memref_slice %arg6[%add3A_94, %dma_start3A_97] : memref<192000x128xf32, #tpu.memory_space<hbm>> -> memref<80x128xf32, #tpu.memory_space<hbm>>
        tpu.enqueue_dma source(%arg17 : memref<80x128xf32, #tpu.memory_space<vmem>>) target(%dma_start3A_98 : memref<80x128xf32, #tpu.memory_space<hbm>>) target_semaphore(%arg26 : memref<!tpu.dma_semaphore, #tpu.memory_space<semaphore_mem>>)
      } else {
      }
    }
    %scan3A_29 = arith.constant 26 : i32
    %dma_wait3A = arith.constant 0 : i32
    %dma_wait3A_30 = tpu.memref_slice %arg6[%mul3A_6, %dma_wait3A] : memref<192000x128xf32, #tpu.memory_space<hbm>> -> memref<80x128xf32, #tpu.memory_space<hbm>>
    %dma_wait3A_31 = arith.constant 0 : i32
    %dma_wait3A_32 = tpu.memref_slice %arg6[%mul3A_6, %dma_wait3A_31] : memref<192000x128xf32, #tpu.memory_space<hbm>> -> memref<80x128xf32, #tpu.memory_space<hbm>>
    tpu.wait_dma2 semaphore(%arg24 : memref<!tpu.dma_semaphore, #tpu.memory_space<semaphore_mem>>) src(%arg15 : memref<80x128xf32, #tpu.memory_space<vmem>>) dst(%dma_wait3A_32 : memref<80x128xf32, #tpu.memory_space<hbm>>)
    %dma_wait3A_33 = arith.constant 0 : i32
    %dma_wait3A_34 = tpu.memref_slice %arg6[%mul3A_6, %dma_wait3A_33] : memref<192000x128xf32, #tpu.memory_space<hbm>> -> memref<80x128xf32, #tpu.memory_space<hbm>>
    %dma_wait3A_35 = arith.constant 0 : i32
    %dma_wait3A_36 = tpu.memref_slice %arg6[%mul3A_6, %dma_wait3A_35] : memref<192000x128xf32, #tpu.memory_space<hbm>> -> memref<80x128xf32, #tpu.memory_space<hbm>>
    tpu.wait_dma2 semaphore(%arg25 : memref<!tpu.dma_semaphore, #tpu.memory_space<semaphore_mem>>) src(%arg16 : memref<80x128xf32, #tpu.memory_space<vmem>>) dst(%dma_wait3A_36 : memref<80x128xf32, #tpu.memory_space<hbm>>)
    %dma_wait3A_37 = arith.constant 0 : i32
    %dma_wait3A_38 = tpu.memref_slice %arg6[%mul3A_6, %dma_wait3A_37] : memref<192000x128xf32, #tpu.memory_space<hbm>> -> memref<80x128xf32, #tpu.memory_space<hbm>>
    %dma_wait3A_39 = arith.constant 0 : i32
    %dma_wait3A_40 = tpu.memref_slice %arg6[%mul3A_6, %dma_wait3A_39] : memref<192000x128xf32, #tpu.memory_space<hbm>> -> memref<80x128xf32, #tpu.memory_space<hbm>>
    tpu.wait_dma2 semaphore(%arg26 : memref<!tpu.dma_semaphore, #tpu.memory_space<semaphore_mem>>) src(%arg17 : memref<80x128xf32, #tpu.memory_space<vmem>>) dst(%dma_wait3A_40 : memref<80x128xf32, #tpu.memory_space<hbm>>)
    return
  }
}

module attributes {stable_mosaic.version = 14 : i64} {
  func.func @_pre_body(%arg0: i32, %arg1: memref<2000x128xf32, #tpu.memory_space<vmem>>, %arg2: memref<128x128xf32, #tpu.memory_space<vmem>>, %arg3: memref<128x128xf32, #tpu.memory_space<vmem>>, %arg4: memref<1x128xf32, #tpu.memory_space<vmem>>, %arg5: memref<2000x128xf32, #tpu.memory_space<vmem>>, %arg6: memref<2000x128xf32, #tpu.memory_space<vmem>>) attributes {dimension_semantics = [#tpu.dimension_semantics<arbitrary>], iteration_bounds = array<i64: 5>, scalar_prefetch = 0 : i64, scratch_operands = 0 : i64, tpu.core_type = #tpu.core_type<tc>, window_params = [{transform_indices = @transform_0, window_bounds = array<i64: 2000, 128>}, {pipeline_mode = #tpu.pipeline_mode<synchronous>, transform_indices = @transform_1, window_bounds = array<i64: 128, 128>}, {pipeline_mode = #tpu.pipeline_mode<synchronous>, transform_indices = @transform_2, window_bounds = array<i64: 128, 128>}, {pipeline_mode = #tpu.pipeline_mode<synchronous>, transform_indices = @transform_3, window_bounds = array<i64: 1, 128>}, {transform_indices = @transform_4, window_bounds = array<i64: 2000, 128>}, {transform_indices = @transform_5, window_bounds = array<i64: 2000, 128>}]} {
    %get3A = arith.constant 0 : index
    %get3A_0 = arith.constant 0 : index
    %get3A_1 = vector.load %arg1[%get3A, %get3A_0] : memref<2000x128xf32, #tpu.memory_space<vmem>>, vector<2000x128xf32>
    %get3A_2 = arith.constant 0 : index
    %get3A_3 = arith.constant 0 : index
    %get3A_4 = vector.load %arg2[%get3A_2, %get3A_3] : memref<128x128xf32, #tpu.memory_space<vmem>>, vector<128x128xf32>
    %dot_general3A = arith.constant dense<0.000000e+00> : vector<2000x128xf32>
    %dot_general3A_5 = tpu.matmul %get3A_1, %get3A_4, %dot_general3A {dimension_numbers = #tpu.dot_dimension_numbers<[1], [0], [0], [1], [0, 0, 1, 1], [], []>, transpose_lhs_hint = false} : vector<2000x128xf32>, vector<128x128xf32>, vector<2000x128xf32> -> vector<2000x128xf32>
    %get3A_6 = arith.constant 0 : index
    %get3A_7 = arith.constant 0 : index
    %get3A_8 = vector.load %arg4[%get3A_6, %get3A_7] : memref<1x128xf32, #tpu.memory_space<vmem>>, vector<1x128xf32>
    %add3A = vector.broadcast %get3A_8 : vector<1x128xf32> to vector<2000x128xf32>
    %add3A_9 = arith.addf %dot_general3A_5, %add3A : vector<2000x128xf32>
    %swap3A = arith.constant 0 : index
    %swap3A_10 = arith.constant 0 : index
    %swap3A_11 = vector.load %arg5[%swap3A, %swap3A_10] : memref<2000x128xf32, #tpu.memory_space<vmem>>, vector<2000x128xf32>
    tpu.vector_store %arg5[%swap3A, %swap3A_10], %add3A_9 {strides = array<i32>} : memref<2000x128xf32, #tpu.memory_space<vmem>>, vector<2000x128xf32>,
    %get3A_12 = arith.constant 0 : index
    %get3A_13 = arith.constant 0 : index
    %get3A_14 = vector.load %arg3[%get3A_12, %get3A_13] : memref<128x128xf32, #tpu.memory_space<vmem>>, vector<128x128xf32>
    %dot_general3A_15 = arith.constant dense<0.000000e+00> : vector<2000x128xf32>
    %dot_general3A_16 = tpu.matmul %get3A_1, %get3A_14, %dot_general3A_15 {dimension_numbers = #tpu.dot_dimension_numbers<[1], [0], [0], [1], [0, 0, 1, 1], [], []>, transpose_lhs_hint = false} : vector<2000x128xf32>, vector<128x128xf32>, vector<2000x128xf32> -> vector<2000x128xf32>
    %swap3A_17 = arith.constant 0 : index
    %swap3A_18 = arith.constant 0 : index
    %swap3A_19 = vector.load %arg6[%swap3A_17, %swap3A_18] : memref<2000x128xf32, #tpu.memory_space<vmem>>, vector<2000x128xf32>
    tpu.vector_store %arg6[%swap3A_17, %swap3A_18], %dot_general3A_16 {strides = array<i32>} : memref<2000x128xf32, #tpu.memory_space<vmem>>, vector<2000x128xf32>,
    return
  }
  func.func @transform_0(%arg0: i32) -> (i32, i32) {
    %c0_i32 = arith.constant 0 : i32
    %c0_i32_0 = arith.constant 0 : i32
    return %arg0, %c0_i32 : i32, i32
  }
  func.func @transform_1(%arg0: i32) -> (i32, i32) {
    %c0_i32 = arith.constant 0 : i32
    %c0_i32_0 = arith.constant 0 : i32
    %c0_i32_1 = arith.constant 0 : i32
    return %c0_i32, %c0_i32_0 : i32, i32
  }
  func.func @transform_2(%arg0: i32) -> (i32, i32) {
    %c0_i32 = arith.constant 0 : i32
    %c0_i32_0 = arith.constant 0 : i32
    %c0_i32_1 = arith.constant 0 : i32
    return %c0_i32, %c0_i32_0 : i32, i32
  }
  func.func @transform_3(%arg0: i32) -> (i32, i32) {
    %c0_i32 = arith.constant 0 : i32
    %c0_i32_0 = arith.constant 0 : i32
    %c0_i32_1 = arith.constant 0 : i32
    return %c0_i32, %c0_i32_0 : i32, i32
  }
  func.func @transform_4(%arg0: i32) -> (i32, i32) {
    %c0_i32 = arith.constant 0 : i32
    %c0_i32_0 = arith.constant 0 : i32
    return %arg0, %c0_i32 : i32, i32
  }
  func.func @transform_5(%arg0: i32) -> (i32, i32) {
    %c0_i32 = arith.constant 0 : i32
    %c0_i32_0 = arith.constant 0 : i32
    return %arg0, %c0_i32 : i32, i32
  }
}

module attributes {stable_mosaic.version = 14 : i64} {
  func.func @_mid_body(%arg0: i32, %arg1: memref<2000x128xf32, #tpu.memory_space<vmem>>, %arg2: memref<128x128xf32, #tpu.memory_space<vmem>>, %arg3: memref<1x128xf32, #tpu.memory_space<vmem>>, %arg4: memref<1x128xf32, #tpu.memory_space<vmem>>, %arg5: memref<2000x128xf32, #tpu.memory_space<vmem>>) attributes {dimension_semantics = [#tpu.dimension_semantics<arbitrary>], iteration_bounds = array<i64: 64>, scalar_prefetch = 0 : i64, scratch_operands = 0 : i64, tpu.core_type = #tpu.core_type<tc>, window_params = [{transform_indices = @transform_0, window_bounds = array<i64: 2000, 128>}, {pipeline_mode = #tpu.pipeline_mode<synchronous>, transform_indices = @transform_1, window_bounds = array<i64: 128, 128>}, {pipeline_mode = #tpu.pipeline_mode<synchronous>, transform_indices = @transform_2, window_bounds = array<i64: 1, 128>}, {pipeline_mode = #tpu.pipeline_mode<synchronous>, transform_indices = @transform_3, window_bounds = array<i64: 1, 128>}, {transform_indices = @transform_4, window_bounds = array<i64: 2000, 128>}]} {
    %get3A = arith.constant 0 : index
    %get3A_0 = arith.constant 0 : index
    %get3A_1 = vector.load %arg1[%get3A, %get3A_0] : memref<2000x128xf32, #tpu.memory_space<vmem>>, vector<2000x128xf32>
    %get3A_2 = arith.constant 0 : index
    %get3A_3 = arith.constant 0 : index
    %get3A_4 = vector.load %arg2[%get3A_2, %get3A_3] : memref<128x128xf32, #tpu.memory_space<vmem>>, vector<128x128xf32>
    %dot_general3A = arith.constant dense<0.000000e+00> : vector<2000x128xf32>
    %dot_general3A_5 = tpu.matmul %get3A_1, %get3A_4, %dot_general3A {dimension_numbers = #tpu.dot_dimension_numbers<[1], [0], [0], [1], [0, 0, 1, 1], [], []>, transpose_lhs_hint = false} : vector<2000x128xf32>, vector<128x128xf32>, vector<2000x128xf32> -> vector<2000x128xf32>
    %get3A_6 = arith.constant 0 : index
    %get3A_7 = arith.constant 0 : index
    %get3A_8 = vector.load %arg3[%get3A_6, %get3A_7] : memref<1x128xf32, #tpu.memory_space<vmem>>, vector<1x128xf32>
    %add3A = vector.broadcast %get3A_8 : vector<1x128xf32> to vector<2000x128xf32>
    %add3A_9 = arith.addf %dot_general3A_5, %add3A : vector<2000x128xf32>
    %max3A = arith.constant 0.000000e+00 : f32
    %max3A_10 = vector.broadcast %max3A : f32 to vector<2000x128xf32>
    %max3A_11 = arith.maximumf %add3A_9, %max3A_10 : vector<2000x128xf32>
    %get3A_12 = arith.constant 0 : index
    %get3A_13 = arith.constant 0 : index
    %get3A_14 = vector.load %arg4[%get3A_12, %get3A_13] : memref<1x128xf32, #tpu.memory_space<vmem>>, vector<1x128xf32>
    %add3A_15 = vector.broadcast %get3A_14 : vector<1x128xf32> to vector<2000x128xf32>
    %add3A_16 = arith.addf %max3A_11, %add3A_15 : vector<2000x128xf32>
    %swap3A = arith.constant 0 : index
    %swap3A_17 = arith.constant 0 : index
    %swap3A_18 = vector.load %arg5[%swap3A, %swap3A_17] : memref<2000x128xf32, #tpu.memory_space<vmem>>, vector<2000x128xf32>
    tpu.vector_store %arg5[%swap3A, %swap3A_17], %add3A_16 {strides = array<i32>} : memref<2000x128xf32, #tpu.memory_space<vmem>>, vector<2000x128xf32>,
    return
  }
  func.func @transform_0(%arg0: i32) -> (i32, i32) {
    %c0_i32 = arith.constant 0 : i32
    %c0_i32_0 = arith.constant 0 : i32
    return %arg0, %c0_i32 : i32, i32
  }
  func.func @transform_1(%arg0: i32) -> (i32, i32) {
    %c0_i32 = arith.constant 0 : i32
    %c0_i32_0 = arith.constant 0 : i32
    %c0_i32_1 = arith.constant 0 : i32
    return %c0_i32, %c0_i32_0 : i32, i32
  }
  func.func @transform_2(%arg0: i32) -> (i32, i32) {
    %c0_i32 = arith.constant 0 : i32
    %c0_i32_0 = arith.constant 0 : i32
    %c0_i32_1 = arith.constant 0 : i32
    return %c0_i32, %c0_i32_0 : i32, i32
  }
  func.func @transform_3(%arg0: i32) -> (i32, i32) {
    %c0_i32 = arith.constant 0 : i32
    %c0_i32_0 = arith.constant 0 : i32
    %c0_i32_1 = arith.constant 0 : i32
    return %c0_i32, %c0_i32_0 : i32, i32
  }
  func.func @transform_4(%arg0: i32) -> (i32, i32) {
    %c0_i32 = arith.constant 0 : i32
    %c0_i32_0 = arith.constant 0 : i32
    return %arg0, %c0_i32 : i32, i32
  }
}

module attributes {stable_mosaic.version = 14 : i64} {
  func.func @_mid_body(%arg0: i32, %arg1: memref<2000x128xf32, #tpu.memory_space<vmem>>, %arg2: memref<128x128xf32, #tpu.memory_space<vmem>>, %arg3: memref<1x128xf32, #tpu.memory_space<vmem>>, %arg4: memref<1x128xf32, #tpu.memory_space<vmem>>, %arg5: memref<2000x128xf32, #tpu.memory_space<vmem>>) attributes {dimension_semantics = [#tpu.dimension_semantics<arbitrary>], iteration_bounds = array<i64: 96>, scalar_prefetch = 0 : i64, scratch_operands = 0 : i64, tpu.core_type = #tpu.core_type<tc>, window_params = [{transform_indices = @transform_0, window_bounds = array<i64: 2000, 128>}, {pipeline_mode = #tpu.pipeline_mode<synchronous>, transform_indices = @transform_1, window_bounds = array<i64: 128, 128>}, {pipeline_mode = #tpu.pipeline_mode<synchronous>, transform_indices = @transform_2, window_bounds = array<i64: 1, 128>}, {pipeline_mode = #tpu.pipeline_mode<synchronous>, transform_indices = @transform_3, window_bounds = array<i64: 1, 128>}, {transform_indices = @transform_4, window_bounds = array<i64: 2000, 128>}]} {
    %get3A = arith.constant 0 : index
    %get3A_0 = arith.constant 0 : index
    %get3A_1 = vector.load %arg1[%get3A, %get3A_0] : memref<2000x128xf32, #tpu.memory_space<vmem>>, vector<2000x128xf32>
    %get3A_2 = arith.constant 0 : index
    %get3A_3 = arith.constant 0 : index
    %get3A_4 = vector.load %arg2[%get3A_2, %get3A_3] : memref<128x128xf32, #tpu.memory_space<vmem>>, vector<128x128xf32>
    %dot_general3A = arith.constant dense<0.000000e+00> : vector<2000x128xf32>
    %dot_general3A_5 = tpu.matmul %get3A_1, %get3A_4, %dot_general3A {dimension_numbers = #tpu.dot_dimension_numbers<[1], [0], [0], [1], [0, 0, 1, 1], [], []>, transpose_lhs_hint = false} : vector<2000x128xf32>, vector<128x128xf32>, vector<2000x128xf32> -> vector<2000x128xf32>
    %get3A_6 = arith.constant 0 : index
    %get3A_7 = arith.constant 0 : index
    %get3A_8 = vector.load %arg3[%get3A_6, %get3A_7] : memref<1x128xf32, #tpu.memory_space<vmem>>, vector<1x128xf32>
    %add3A = vector.broadcast %get3A_8 : vector<1x128xf32> to vector<2000x128xf32>
    %add3A_9 = arith.addf %dot_general3A_5, %add3A : vector<2000x128xf32>
    %max3A = arith.constant 0.000000e+00 : f32
    %max3A_10 = vector.broadcast %max3A : f32 to vector<2000x128xf32>
    %max3A_11 = arith.maximumf %add3A_9, %max3A_10 : vector<2000x128xf32>
    %get3A_12 = arith.constant 0 : index
    %get3A_13 = arith.constant 0 : index
    %get3A_14 = vector.load %arg4[%get3A_12, %get3A_13] : memref<1x128xf32, #tpu.memory_space<vmem>>, vector<1x128xf32>
    %add3A_15 = vector.broadcast %get3A_14 : vector<1x128xf32> to vector<2000x128xf32>
    %add3A_16 = arith.addf %max3A_11, %add3A_15 : vector<2000x128xf32>
    %swap3A = arith.constant 0 : index
    %swap3A_17 = arith.constant 0 : index
    %swap3A_18 = vector.load %arg5[%swap3A, %swap3A_17] : memref<2000x128xf32, #tpu.memory_space<vmem>>, vector<2000x128xf32>
    tpu.vector_store %arg5[%swap3A, %swap3A_17], %add3A_16 {strides = array<i32>} : memref<2000x128xf32, #tpu.memory_space<vmem>>, vector<2000x128xf32>,
    return
  }
  func.func @transform_0(%arg0: i32) -> (i32, i32) {
    %c0_i32 = arith.constant 0 : i32
    %c0_i32_0 = arith.constant 0 : i32
    return %arg0, %c0_i32 : i32, i32
  }
  func.func @transform_1(%arg0: i32) -> (i32, i32) {
    %c0_i32 = arith.constant 0 : i32
    %c0_i32_0 = arith.constant 0 : i32
    %c0_i32_1 = arith.constant 0 : i32
    return %c0_i32, %c0_i32_0 : i32, i32
  }
  func.func @transform_2(%arg0: i32) -> (i32, i32) {
    %c0_i32 = arith.constant 0 : i32
    %c0_i32_0 = arith.constant 0 : i32
    %c0_i32_1 = arith.constant 0 : i32
    return %c0_i32, %c0_i32_0 : i32, i32
  }
  func.func @transform_3(%arg0: i32) -> (i32, i32) {
    %c0_i32 = arith.constant 0 : i32
    %c0_i32_0 = arith.constant 0 : i32
    %c0_i32_1 = arith.constant 0 : i32
    return %c0_i32, %c0_i32_0 : i32, i32
  }
  func.func @transform_4(%arg0: i32) -> (i32, i32) {
    %c0_i32 = arith.constant 0 : i32
    %c0_i32_0 = arith.constant 0 : i32
    return %arg0, %c0_i32 : i32, i32
  }
}

module attributes {stable_mosaic.version = 14 : i64} {
  func.func @_pinbox_body(%arg0: i32, %arg1: memref<2x2000x128xf32, #tpu.memory_space<vmem>>, %arg2: memref<128x128xf32, #tpu.memory_space<vmem>>, %arg3: memref<2000x128xf32, #tpu.memory_space<vmem>>) attributes {dimension_semantics = [#tpu.dimension_semantics<arbitrary>], iteration_bounds = array<i64: 5>, scalar_prefetch = 0 : i64, scratch_operands = 0 : i64, tpu.core_type = #tpu.core_type<tc>, window_params = [{transform_indices = @transform_0, window_bounds = array<i64: 2, 2000, 128>}, {pipeline_mode = #tpu.pipeline_mode<synchronous>, transform_indices = @transform_1, window_bounds = array<i64: 128, 128>}, {transform_indices = @transform_2, window_bounds = array<i64: 2000, 128>}]} {
    %get3A = arith.constant 0 : index
    %get3A_0 = arith.constant 0 : index
    %get3A_1 = arith.constant 0 : index
    %get3A_2 = vector.load %arg1[%get3A, %get3A_0, %get3A_1] : memref<2x2000x128xf32, #tpu.memory_space<vmem>>, vector<1x2000x128xf32>
    %get3A_3 = vector.shape_cast %get3A_2 : vector<1x2000x128xf32> to vector<2000x128xf32>
    %get3A_4 = arith.constant 1 : index
    %get3A_5 = arith.constant 0 : index
    %get3A_6 = arith.constant 0 : index
    %get3A_7 = vector.load %arg1[%get3A_4, %get3A_5, %get3A_6] : memref<2x2000x128xf32, #tpu.memory_space<vmem>>, vector<1x2000x128xf32>
    %get3A_8 = vector.shape_cast %get3A_7 : vector<1x2000x128xf32> to vector<2000x128xf32>
    %add3A = arith.addf %get3A_3, %get3A_8 : vector<2000x128xf32>
    %get3A_9 = arith.constant 0 : index
    %get3A_10 = arith.constant 0 : index
    %get3A_11 = vector.load %arg2[%get3A_9, %get3A_10] : memref<128x128xf32, #tpu.memory_space<vmem>>, vector<128x128xf32>
    %dot_general3A = arith.constant dense<0.000000e+00> : vector<2000x128xf32>
    %dot_general3A_12 = tpu.matmul %add3A, %get3A_11, %dot_general3A {dimension_numbers = #tpu.dot_dimension_numbers<[1], [0], [0], [1], [0, 0, 1, 1], [], []>, transpose_lhs_hint = false} : vector<2000x128xf32>, vector<128x128xf32>, vector<2000x128xf32> -> vector<2000x128xf32>
    %swap3A = arith.constant 0 : index
    %swap3A_13 = arith.constant 0 : index
    %swap3A_14 = vector.load %arg3[%swap3A, %swap3A_13] : memref<2000x128xf32, #tpu.memory_space<vmem>>, vector<2000x128xf32>
    tpu.vector_store %arg3[%swap3A, %swap3A_13], %dot_general3A_12 {strides = array<i32>} : memref<2000x128xf32, #tpu.memory_space<vmem>>, vector<2000x128xf32>,
    return
  }
  func.func @transform_0(%arg0: i32) -> (i32, i32, i32) {
    %c0_i32 = arith.constant 0 : i32
    %c0_i32_0 = arith.constant 0 : i32
    %c0_i32_1 = arith.constant 0 : i32
    return %c0_i32, %arg0, %c0_i32_0 : i32, i32, i32
  }
  func.func @transform_1(%arg0: i32) -> (i32, i32) {
    %c0_i32 = arith.constant 0 : i32
    %c0_i32_0 = arith.constant 0 : i32
    %c0_i32_1 = arith.constant 0 : i32
    return %c0_i32, %c0_i32_0 : i32, i32
  }
  func.func @transform_2(%arg0: i32) -> (i32, i32) {
    %c0_i32 = arith.constant 0 : i32
    %c0_i32_0 = arith.constant 0 : i32
    return %arg0, %c0_i32 : i32, i32
  }
}

module attributes {stable_mosaic.version = 14 : i64} {
  func.func @_post_body(%arg0: i32, %arg1: memref<2000x128xf32, #tpu.memory_space<vmem>>, %arg2: memref<2000x128xf32, #tpu.memory_space<vmem>>, %arg3: memref<2000x128xf32, #tpu.memory_space<vmem>>, %arg4: memref<128x128xf32, #tpu.memory_space<vmem>>, %arg5: memref<128x128xf32, #tpu.memory_space<vmem>>, %arg6: memref<1x128xf32, #tpu.memory_space<vmem>>, %arg7: memref<128x128xf32, #tpu.memory_space<vmem>>, %arg8: memref<1x128xf32, #tpu.memory_space<vmem>>, %arg9: memref<128x128xf32, #tpu.memory_space<vmem>>, %arg10: memref<1x128xf32, #tpu.memory_space<vmem>>, %arg11: memref<2000x128xf32, #tpu.memory_space<vmem>>) attributes {dimension_semantics = [#tpu.dimension_semantics<arbitrary>], iteration_bounds = array<i64: 5>, scalar_prefetch = 0 : i64, scratch_operands = 0 : i64, tpu.core_type = #tpu.core_type<tc>, window_params = [{transform_indices = @transform_0, window_bounds = array<i64: 2000, 128>}, {transform_indices = @transform_1, window_bounds = array<i64: 2000, 128>}, {transform_indices = @transform_2, window_bounds = array<i64: 2000, 128>}, {pipeline_mode = #tpu.pipeline_mode<synchronous>, transform_indices = @transform_3, window_bounds = array<i64: 128, 128>}, {pipeline_mode = #tpu.pipeline_mode<synchronous>, transform_indices = @transform_4, window_bounds = array<i64: 128, 128>}, {pipeline_mode = #tpu.pipeline_mode<synchronous>, transform_indices = @transform_5, window_bounds = array<i64: 1, 128>}, {pipeline_mode = #tpu.pipeline_mode<synchronous>, transform_indices = @transform_6, window_bounds = array<i64: 128, 128>}, {pipeline_mode = #tpu.pipeline_mode<synchronous>, transform_indices = @transform_7, window_bounds = array<i64: 1, 128>}, {pipeline_mode = #tpu.pipeline_mode<synchronous>, transform_indices = @transform_8, window_bounds = array<i64: 128, 128>}, {pipeline_mode = #tpu.pipeline_mode<synchronous>, transform_indices = @transform_9, window_bounds = array<i64: 1, 128>}, {transform_indices = @transform_10, window_bounds = array<i64: 2000, 128>}]} {
    %get3A = arith.constant 0 : index
    %get3A_0 = arith.constant 0 : index
    %get3A_1 = vector.load %arg1[%get3A, %get3A_0] : memref<2000x128xf32, #tpu.memory_space<vmem>>, vector<2000x128xf32>
    %get3A_2 = arith.constant 0 : index
    %get3A_3 = arith.constant 0 : index
    %get3A_4 = vector.load %arg2[%get3A_2, %get3A_3] : memref<2000x128xf32, #tpu.memory_space<vmem>>, vector<2000x128xf32>
    %add3A = arith.addf %get3A_1, %get3A_4 : vector<2000x128xf32>
    %get3A_5 = arith.constant 0 : index
    %get3A_6 = arith.constant 0 : index
    %get3A_7 = vector.load %arg3[%get3A_5, %get3A_6] : memref<2000x128xf32, #tpu.memory_space<vmem>>, vector<2000x128xf32>
    %get3A_8 = arith.constant 0 : index
    %get3A_9 = arith.constant 0 : index
    %get3A_10 = vector.load %arg4[%get3A_8, %get3A_9] : memref<128x128xf32, #tpu.memory_space<vmem>>, vector<128x128xf32>
    %dot_general3A = arith.constant dense<0.000000e+00> : vector<2000x128xf32>
    %dot_general3A_11 = tpu.matmul %get3A_7, %get3A_10, %dot_general3A {dimension_numbers = #tpu.dot_dimension_numbers<[1], [0], [0], [1], [0, 0, 1, 1], [], []>, transpose_lhs_hint = false} : vector<2000x128xf32>, vector<128x128xf32>, vector<2000x128xf32> -> vector<2000x128xf32>
    %get3A_12 = arith.constant 0 : index
    %get3A_13 = arith.constant 0 : index
    %get3A_14 = vector.load %arg5[%get3A_12, %get3A_13] : memref<128x128xf32, #tpu.memory_space<vmem>>, vector<128x128xf32>
    %dot_general3A_15 = arith.constant dense<0.000000e+00> : vector<2000x128xf32>
    %dot_general3A_16 = tpu.matmul %add3A, %get3A_14, %dot_general3A_15 {dimension_numbers = #tpu.dot_dimension_numbers<[1], [0], [0], [1], [0, 0, 1, 1], [], []>, transpose_lhs_hint = false} : vector<2000x128xf32>, vector<128x128xf32>, vector<2000x128xf32> -> vector<2000x128xf32>
    %add3A_17 = arith.addf %dot_general3A_11, %dot_general3A_16 : vector<2000x128xf32>
    %get3A_18 = arith.constant 0 : index
    %get3A_19 = arith.constant 0 : index
    %get3A_20 = vector.load %arg6[%get3A_18, %get3A_19] : memref<1x128xf32, #tpu.memory_space<vmem>>, vector<1x128xf32>
    %add3A_21 = vector.broadcast %get3A_20 : vector<1x128xf32> to vector<2000x128xf32>
    %add3A_22 = arith.addf %add3A_17, %add3A_21 : vector<2000x128xf32>
    %max3A = arith.constant 0.000000e+00 : f32
    %max3A_23 = vector.broadcast %max3A : f32 to vector<2000x128xf32>
    %max3A_24 = arith.maximumf %add3A_22, %max3A_23 : vector<2000x128xf32>
    %get3A_25 = arith.constant 0 : index
    %get3A_26 = arith.constant 0 : index
    %get3A_27 = vector.load %arg7[%get3A_25, %get3A_26] : memref<128x128xf32, #tpu.memory_space<vmem>>, vector<128x128xf32>
    %dot_general3A_28 = arith.constant dense<0.000000e+00> : vector<2000x128xf32>
    %dot_general3A_29 = tpu.matmul %max3A_24, %get3A_27, %dot_general3A_28 {dimension_numbers = #tpu.dot_dimension_numbers<[1], [0], [0], [1], [0, 0, 1, 1], [], []>, transpose_lhs_hint = false} : vector<2000x128xf32>, vector<128x128xf32>, vector<2000x128xf32> -> vector<2000x128xf32>
    %get3A_30 = arith.constant 0 : index
    %get3A_31 = arith.constant 0 : index
    %get3A_32 = vector.load %arg8[%get3A_30, %get3A_31] : memref<1x128xf32, #tpu.memory_space<vmem>>, vector<1x128xf32>
    %add3A_33 = vector.broadcast %get3A_32 : vector<1x128xf32> to vector<2000x128xf32>
    %add3A_34 = arith.addf %dot_general3A_29, %add3A_33 : vector<2000x128xf32>
    %max3A_35 = arith.constant 0.000000e+00 : f32
    %max3A_36 = vector.broadcast %max3A_35 : f32 to vector<2000x128xf32>
    %max3A_37 = arith.maximumf %add3A_34, %max3A_36 : vector<2000x128xf32>
    %get3A_38 = arith.constant 0 : index
    %get3A_39 = arith.constant 0 : index
    %get3A_40 = vector.load %arg9[%get3A_38, %get3A_39] : memref<128x128xf32, #tpu.memory_space<vmem>>, vector<128x128xf32>
    %dot_general3A_41 = arith.constant dense<0.000000e+00> : vector<2000x128xf32>
    %dot_general3A_42 = tpu.matmul %max3A_37, %get3A_40, %dot_general3A_41 {dimension_numbers = #tpu.dot_dimension_numbers<[1], [0], [0], [1], [0, 0, 1, 1], [], []>, transpose_lhs_hint = false} : vector<2000x128xf32>, vector<128x128xf32>, vector<2000x128xf32> -> vector<2000x128xf32>
    %add3A_43 = arith.addf %get3A_7, %dot_general3A_42 : vector<2000x128xf32>
    %get3A_44 = arith.constant 0 : index
    %get3A_45 = arith.constant 0 : index
    %get3A_46 = vector.load %arg10[%get3A_44, %get3A_45] : memref<1x128xf32, #tpu.memory_space<vmem>>, vector<1x128xf32>
    %add3A_47 = vector.broadcast %get3A_46 : vector<1x128xf32> to vector<2000x128xf32>
    %add3A_48 = arith.addf %add3A_43, %add3A_47 : vector<2000x128xf32>
    %swap3A = arith.constant 0 : index
    %swap3A_49 = arith.constant 0 : index
    %swap3A_50 = vector.load %arg11[%swap3A, %swap3A_49] : memref<2000x128xf32, #tpu.memory_space<vmem>>, vector<2000x128xf32>
    tpu.vector_store %arg11[%swap3A, %swap3A_49], %add3A_48 {strides = array<i32>} : memref<2000x128xf32, #tpu.memory_space<vmem>>, vector<2000x128xf32>,
    return
  }
  func.func @transform_0(%arg0: i32) -> (i32, i32) {
    %c0_i32 = arith.constant 0 : i32
    %c0_i32_0 = arith.constant 0 : i32
    return %arg0, %c0_i32 : i32, i32
  }
  func.func @transform_1(%arg0: i32) -> (i32, i32) {
    %c0_i32 = arith.constant 0 : i32
    %c0_i32_0 = arith.constant 0 : i32
    return %arg0, %c0_i32 : i32, i32
  }
  func.func @transform_2(%arg0: i32) -> (i32, i32) {
    %c0_i32 = arith.constant 0 : i32
    %c0_i32_0 = arith.constant 0 : i32
    return %arg0, %c0_i32 : i32, i32
  }
  func.func @transform_3(%arg0: i32) -> (i32, i32) {
    %c0_i32 = arith.constant 0 : i32
    %c0_i32_0 = arith.constant 0 : i32
    %c0_i32_1 = arith.constant 0 : i32
    return %c0_i32, %c0_i32_0 : i32, i32
  }
  func.func @transform_4(%arg0: i32) -> (i32, i32) {
    %c0_i32 = arith.constant 0 : i32
    %c0_i32_0 = arith.constant 0 : i32
    %c0_i32_1 = arith.constant 0 : i32
    return %c0_i32, %c0_i32_0 : i32, i32
  }
  func.func @transform_5(%arg0: i32) -> (i32, i32) {
    %c0_i32 = arith.constant 0 : i32
    %c0_i32_0 = arith.constant 0 : i32
    %c0_i32_1 = arith.constant 0 : i32
    return %c0_i32, %c0_i32_0 : i32, i32
  }
  func.func @transform_6(%arg0: i32) -> (i32, i32) {
    %c0_i32 = arith.constant 0 : i32
    %c0_i32_0 = arith.constant 0 : i32
    %c0_i32_1 = arith.constant 0 : i32
    return %c0_i32, %c0_i32_0 : i32, i32
  }
  func.func @transform_7(%arg0: i32) -> (i32, i32) {
    %c0_i32 = arith.constant 0 : i32
    %c0_i32_0 = arith.constant 0 : i32
    %c0_i32_1 = arith.constant 0 : i32
    return %c0_i32, %c0_i32_0 : i32, i32
  }
  func.func @transform_8(%arg0: i32) -> (i32, i32) {
    %c0_i32 = arith.constant 0 : i32
    %c0_i32_0 = arith.constant 0 : i32
    %c0_i32_1 = arith.constant 0 : i32
    return %c0_i32, %c0_i32_0 : i32, i32
  }
  func.func @transform_9(%arg0: i32) -> (i32, i32) {
    %c0_i32 = arith.constant 0 : i32
    %c0_i32_0 = arith.constant 0 : i32
    %c0_i32_1 = arith.constant 0 : i32
    return %c0_i32, %c0_i32_0 : i32, i32
  }
  func.func @transform_10(%arg0: i32) -> (i32, i32) {
    %c0_i32 = arith.constant 0 : i32
    %c0_i32_0 = arith.constant 0 : i32
    return %arg0, %c0_i32 : i32, i32
  }
}

</mosaic_0001>

<sc_bundles>
// kernel: kernel.12.cloned.1.call-start
scs
__scs_entry_jumppad:
0x0: {  	(pc) =	sbr.rel $0x88, $3  }
0x1: {  	(tag) =	ssettag $0x0;
	lr =	simm.s32 $0x1  }
0x2: {  	[smem:$0x3F92] =	sst lr;
	_ =	strace $0xD0000000  }
0x3: {  	_ = 	snop  }
0x4: {  	_ = 	snop  }
0x5: {  	_ = 	snop  }
0x6: {  	_ = 	snop  }
0x7: {  	_ = 	snop  }
__scs_overlays_trampoline_lowered:
0x8: {  	[smem:$0x3FA1] =	sst s0  }
0x9: {  	[smem:$0x3FA2] =	sst s1  }
0xa: {  	[smem:$0x3FA3] =	sst s2  }
0xb: {  	[smem:$0x3FA4] =	sst s3  }
0xc: {  	[smem:$0x3FA5] =	sst s4  }
0xd: {  	[smem:$0x3FA6] =	sst s5  }
0xe: {  	[smem:$0x3FA7] =	sst s6  }
0xf: {  	[smem:$0x3FA8] =	sst s7  }
0x10: {  	[smem:$0x3FA9] =	sst s8  }
0x11: {  	[smem:$0x3FAA] =	sst s9;
	s0 =	simm.s32 @!p0 $0x0  }
0x12: {  	s1 =	sld [smem:$0x3F90];
	s0 =	simm.s32 @p0 $0x1  }
0x13: {  	[smem:$0x3FAB] =	sst s0;
	s0 =	simm.s32 @!p1 $0x0  }
0x14: {  	s2 =	sld [smem:$0x3F8F];
	s0 =	simm.s32 @p1 $0x1  }
0x15: {  	[smem:$0x3FAC] =	sst s0;
	s0 =	simm.s32 @!p2 $0x0  }
0x16: {  	s3 =	sld [smem:$0x3FDB];
	s0 =	simm.s32 @p2 $0x1  }
0x17: {  	s4 =	simm.s32 $0x1BF5;
	[smem:$0x3FAE] =	sst s0  }
0x18: {  	s0 =	sld [smem:$0x3F91];
	_ =	swait.ge [sflag:s4], $0x0  }
0x19: {  	s7 =	sld [smem:$0x3F92]  }
0x1a: {  	s8 =	sadd.s32 $0xFFFFE003, lr  }
0x1b: {  	s9 =	sadd.s32 $0xFFFFFEF7, lr;
	s5 =	simm.s32 $0xFFFFFFFF;
	p2 =	slt.u32 s8, $0xFFFFF086  }
0x1c: {  	p1 =	slt.u32 s9, $0xF7A;
	s5 =	simm.s32 @!p2 $0x0  }
0x1d: {  	s5 =	simm.s32 @p1 $0x1;
	p0 =	seq.s32 s7, s2  }
0x1e: {  	s7 =	smul.u32 @!p0 $0xF7A, s2;
	p2 =	seq.s32 @!p0 s5, $0x0  }
0x1f: {  	s9 =	smul.u32 $0xF7A, s1;
	s8 =	simm.s32 @!p0 $0x1BF5;
	p2 =	por !p2, p0  }
0x20: {  	[sflag:s8] =	ssyncset.s32 @!p0 $0xFFFFF086;
	s6 =	sadd.s32 @!p0 s3, s7;
	s7 =	simm.s32 @!p0 $0x108  }
0x21: {  	s3 =	sadd.s32 s3, s9;
	s6 =	sadd.s32 @!p0 $0x88, s6;
	s7 =	simm.s32 @p2 $0x1082  }
0x22: {  	[simem:s7], [sflag:s8] =	dma.local @!p0 [hbm:s6], $0xF7A  }
0x23: {  	s9 =	sor.u32 $0xD0000000, s2;
	s6 =	simm.s32 $0x108;
	_ =	swait.ge @!p0 [sflag:s8], $0x0  }
0x24: {  	s3 =	sadd.s32 $0x88, s3;
	s6 =	simm.s32 @!p1 $0x1082;
	[sflag:s4] =	ssyncset.s32 $0xFFFFF086  }
0x25: {  	[simem:s6], [sflag:s4] =	dma.local [hbm:s3], $0xF7A  }
0x26: {  	[smem:$0x3F92] =	sst s1;
	(tag) =	ssettag s2;
	_ =	strace s9  }
0x27: {  	s1 =	sld [smem:$0x3FA2]  }
0x28: {  	s2 =	sld [smem:$0x3FA3]  }
0x29: {  	s4 =	sld [smem:$0x3FA5]  }
0x2a: {  	p0 =	seq.s32 s5, $0x0;
	s5 =	sld [smem:$0x3FA6]  }
0x2b: {  	s6 =	sld [smem:$0x3FA7]  }
0x2c: {  	s7 =	sld [smem:$0x3FA8]  }
0x2d: {  	s3 =	simm.s32 $0x108;
	s8 =	sld [smem:$0x3FA9]  }
0x2e: {  	s3 =	simm.s32 @!p0 $0x1082;
	s9 =	sld [smem:$0x3FAA]  }
0x2f: {  	lr =	sadd.s32 s0, s3;
	s0 =	sld [smem:$0x3FA1]  }
0x30: {  	s3 =	sld [smem:$0x3FA4]  }
0x31: {  	[smem:$0x3FAD] =	sst s10  }
0x32: {  	s10 =	sld [smem:$0x3FAB];
	_ =	sdelay $0x3  }
0x33: {  	p0 =	seq.s32 s10, $0x1;
	s10 =	sld [smem:$0x3FAD];
	_ =	sdelay $0x3  }
0x34: {  	[smem:$0x3FAD] =	sst s10  }
0x35: {  	s10 =	sld [smem:$0x3FAC];
	_ =	sdelay $0x3  }
0x36: {  	p1 =	seq.s32 s10, $0x1;
	s10 =	sld [smem:$0x3FAD];
	_ =	sdelay $0x3  }
0x37: {  	[smem:$0x3FAD] =	sst s10  }
0x38: {  	s10 =	sld [smem:$0x3FAE]  }
0x39: {  	_ = 	snop;
	(pc) =	sbr.ind lr, $3  }
0x3a: {  	_ = 	snop  }
0x3b: {  	_ = 	snop  }
0x3c: {  	p2 =	seq.s32 s10, $0x1;
	s10 =	sld [smem:$0x3FAD]  }
0x3d: {  	_ =	shalt  }
0x3e: {  	_ =	shalt  }
0x3f: {  	_ =	shalt  }
0x40: {  	_ =	shalt  }
0x41: {  	_ =	shalt  }
0x42: {  	_ =	shalt  }
0x43: {  	_ =	shalt  }
0x44: {  	_ =	shalt  }
0x45: {  	_ =	shalt  }
0x46: {  	_ =	shalt  }
0x47: {  	_ =	shalt  }
0x48: {  	_ =	shalt  }
0x49: {  	_ =	shalt  }
0x4a: {  	_ =	shalt  }
0x4b: {  	_ =	shalt  }
0x4c: {  	_ =	shalt  }
0x4d: {  	_ =	shalt  }
0x4e: {  	_ =	shalt  }
0x4f: {  	_ =	shalt  }
0x50: {  	_ =	shalt  }
0x51: {  	_ =	shalt  }
0x52: {  	_ =	shalt  }
0x53: {  	_ =	shalt  }
0x54: {  	_ =	shalt  }
0x55: {  	_ =	shalt  }
0x56: {  	_ =	shalt  }
0x57: {  	_ =	shalt  }
0x58: {  	_ =	shalt  }
0x59: {  	_ =	shalt  }
0x5a: {  	_ =	shalt  }
0x5b: {  	_ =	shalt  }
0x5c: {  	_ =	shalt  }
0x5d: {  	_ =	shalt  }
0x5e: {  	_ =	shalt  }
0x5f: {  	_ =	shalt  }
0x60: {  	_ =	shalt  }
0x61: {  	_ =	shalt  }
0x62: {  	_ =	shalt  }
0x63: {  	_ =	shalt  }
0x64: {  	_ =	shalt  }
0x65: {  	_ =	shalt  }
0x66: {  	_ =	shalt  }
0x67: {  	_ =	shalt  }
0x68: {  	_ =	shalt  }
0x69: {  	_ =	shalt  }
0x6a: {  	_ =	shalt  }
0x6b: {  	_ =	shalt  }
0x6c: {  	_ =	shalt  }
0x6d: {  	_ =	shalt  }
0x6e: {  	_ =	shalt  }
0x6f: {  	_ =	shalt  }
0x70: {  	_ =	shalt  }
0x71: {  	_ =	shalt  }
0x72: {  	_ =	shalt  }
0x73: {  	_ =	shalt  }
0x74: {  	_ =	shalt  }
0x75: {  	_ =	shalt  }
0x76: {  	_ =	shalt  }
0x77: {  	_ =	shalt  }
0x78: {  	_ =	shalt  }
0x79: {  	_ =	shalt  }
0x7a: {  	_ =	shalt  }
0x7b: {  	_ =	shalt  }
0x7c: {  	_ =	shalt  }
0x7d: {  	_ =	shalt  }
0x7e: {  	_ =	shalt  }
0x7f: {  	_ =	shalt  }
0x80: {  	_ =	shalt  }
0x81: {  	_ =	shalt  }
0x82: {  	_ =	shalt  }
0x83: {  	_ =	shalt  }
0x84: {  	_ =	shalt  }
0x85: {  	_ =	shalt  }
0x86: {  	_ =	shalt  }
0x87: {  	_ =	shalt  }
.Lfunc_end0:
.L_simem_size_0:
called_computation_lowered:
.L_overlay_start_0:
0x88: {  	s2 =	sld [smem:$0x3FD9]  }
0x89: {  	s3 =	sld [smem:$0x3FFE];
	_ =	sdelay $0x1  }
0x8a: {  	s1 =	srdreg.scid  }
0x8b: {  	s0 =	sand.u32 $0x1, s1  }
0x8c: {  	s17 =	sshll.u32 s0, $0xA;
	s2 =	sadd.s32 s3, s2  }
0x8d: {  	s2 =	sadd.s32 s2, s17  }
0x8e: {  	[smem:$0x3FB9] =	sst s2  }
0x8f: {  	_ = 	snop  }
0x90: {  	s18 =	sld [smem:$0x3FC8]  }
0x91: {  	s4 =	sld [smem:$0x3FC7]  }
0x92: {  	s5 =	sld [smem:$0x3FD0];
	(tm) =	ssettm $0x1  }
0x93: {  	s19 =	sld [smem:$0x3FFB];
	_ =	sdelay $0x3  }
0x94: {  	_ =	strace s19  }
0x95: {  	s2 =	sld [smem:$0x3FFC];
	_ =	sdelay $0x3  }
0x96: {  	_ =	strace s2  }
0x97: {  	s2 =	sld [smem:$0x3FFD];
	_ =	sdelay $0x3  }
0x98: {  	_ =	strace s2  }
0x99: {  	_ =	strace $0x8FFFFFFF  }
0x9a: {  	s20 =	sld [smem:$0x3FDB];
	_ =	sdelay $0x1  }
0x9b: {  	s6 =	simm.s32 $_scs_section_size  }
0x9c: {  	s7 =	simm.s32 $_size__tile_overlayer_lowered;
	s8 =	simm.s32 $_tile_overlayer_lowered  }
0x9d: {  	s9 =	simm.s32 $0x1BFF;
	s21 =	sshll.u32 s8, $0x1;
	s6 =	sadd.s32 s6, s20  }
0x9e: {  	s22 =	simm.s32 $0x0;
	s7 =	sshll.u32 s7, $0x1;
	s8 =	sadd.s32 s21, s6  }
0x9f: {  	[timem:s22], [sflag:s9] =	dma.local [hbm:s8], s7  }
0xa0: {  	_ =	swait.ge [sflag:s9], s7  }
0xa1: {  	s7 =	ssub.s32 $0x0, s7;
	[sflag:s9] =	ssyncset.done $0x0  }
0xa2: {  	[sflag:s9] =	ssyncadd.s32 s7;
	_ =	sdelay $0x1  }
0xa3: {  	s23 =	simm.s32 $0x1B8B  }
0xa4: {  	_ =	swait.ge [sflag:s23], $0x1  }
0xa5: {  	[sflag:s23] =	ssyncset.done $0x0  }
0xa6: {  	[sflag:s23] =	ssyncadd.s32 $0xFFFFFFFF  }
0xa7: {  	s7 =	sld [smem:$0x0]  }
0xa8: {  	s8 =	sand.u32 $0xFFFFFFFE, s1  }
0xa9: {  	p0 =	sne.s32 s1, s8  }
0xaa: {  	s8 =	sshll.u32 @p0 s8, $0xE  }
0xab: {  	s8 =	sadd.s32 @p0 $0x11B8D, s8;
	s9 =	sshll.u32 @p0 s7, $0x11  }
0xac: {  	s8 =	sor.u32 @p0 s9, s8  }
0xad: {  	[sflag:s8] =	ssyncadd.remote.s32 @p0 $0x1;
	_ =	sdelay $0x1  }
0xae: {  	s8 =	simm.s32 @p0 $0x1B8D  }
0xaf: {  	_ =	swait.eq @p0 [sflag:s8], $0x1  }
0xb0: {  	[sflag:s8] =	ssyncadd.s32 @p0 $0xFFFFFFFF  }
0xb1: {  	s9 =	sshll.u32 @!p0 s1, $0xE  }
0xb2: {  	s9 =	sor.u32 @!p0 $0x4000, s9;
	s8 =	simm.s32 @!p0 $0x1B8D  }
0xb3: {  	s7 =	sshll.u32 @!p0 s7, $0x11;
	s9 =	sadd.s32 @!p0 $0x11B8D, s9;
	_ =	swait.eq @!p0 [sflag:s8], $0x1  }
0xb4: {  	s7 =	sor.u32 @!p0 s7, s9;
	[sflag:s8] =	ssyncadd.s32 @!p0 $0xFFFFFFFF  }
0xb5: {  	s25 =	simm.s32 $0x1B8E;
	s24 =	sld [smem:$0x3FFE];
	[sflag:s7] =	ssyncadd.remote.s32 @!p0 $0x1  }
0xb6: {  	s26 =	simm.s32 $execute0_lowered;
	[smem:$0x3FD2] =	sst s25  }
0xb7: {  	s8 =	sshll.u32 s26, $0x1;
	_ =	strace $0x80000049;
	[dreg:$0x1] =	wrdreg $0xFFFFFFFF  }
0xb8: {  	s28 =	simm.s32 $_size_execute0_lowered;
	s6 =	sadd.s32 s6, s8;
	[dreg:$0x0] =	wrdreg $0x0  }
0xb9: {  	s8 =	sshll.u32 s28, $0x1;
	[dreg:$0x2] =	wrdreg s6  }
0xba: {  	[dreg:$0x3] =	wrdreg s8  }
0xbb: {  	[dreg:$0x4] =	wrdreg $0xC0  }
0xbc: {  	_ =	task [dreg:s22], $0x5FFFF  }
0xbd: {  	[dreg:$0x1] =	wrdreg $0xFFFFFFFF  }
0xbe: {  	[dreg:$0x0] =	wrdreg $0x60  }
0xbf: {  	[dreg:$0x2] =	wrdreg s5  }
0xc0: {  	[dreg:$0x3] =	wrdreg s24  }
0xc1: {  	[dreg:$0x4] =	wrdreg s4  }
0xc2: {  	[dreg:$0x5] =	wrdreg s18  }
0xc3: {  	[dreg:$0x6] =	wrdreg $0x9  }
0xc4: {  	_ =	task.clear_ibuf [dreg:s22], $0x7FFFF;
	_ =	strace $0x90000049  }
0xc5: {  	s29 =	simm.s32 $0x9;
	_ =	strace $0x8000004B  }
0xc6: {  	_ =	swait.ge [sflag:s29], $0x1  }
0xc7: {  	[sflag:s29] =	ssyncadd.s32 $0xFFFFFFFF  }
0xc8: {  	_ =	strace $0x9000004B  }
0xc9: {  	_ =	sfence  }
0xca: {  	s30 =	sld [smem:$0x0];
	_ =	sdelay $0x2  }
0xcb: {  	s31 =	sshll.u32 s1, $0xD;
	s1 =	sshrl.u32 s1, $0x2  }
0xcc: {  	s4 =	sand.u32 $0x4000, s31;
	s1 =	sadd.s32 s1, s30  }
0xcd: {  	s0 =	sor.u32 s4, s0;
	s1 =	sshll.u32 s1, $0x11  }
0xce: {  	s0 =	sor.u32 s1, s0  }
0xcf: {  	s0 =	sadd.s32 $0x8F2B, s0  }
0xd0: {  	[sflag:s0] =	ssyncadd.remote.s32 $0x1  }
0xd1: {  	_ =	sfence.sel $0xFFFF  }
0xd2: {  	[dreg:$0x0] =	wrdreg $0xFFFFFFFF;
	(pc) =	sbr.abs _section_cstart, $3  }
0xd3: {  	[dreg:$0x1] =	wrdreg $0xFFFFFFFF  }
0xd4: {  	_ =	task.clear_ibuf [dreg:s22], $0x2FFFF;
	_ =	strace $0x9FFFFFFF  }
0xd5: {  	(tm) =	ssettm $0x7FFFFFFF  }
tec
execute0_lowered:
.L_overlay_start_1:
0x0: {  	(tag) =	ssettag $0x1  }
0x1: {  	s1 =	rddreg [dreg:$0x0]  }
0x2: {  	s0 =	rddreg [dreg:$0x1]  }
0x3: {  	s2 =	rddreg [dreg:$0x2];
	s3 =	srdreg.scid  }
0x4: {  	s5 =	stileid.u32;
	s7 =	rddreg [dreg:$0x3]  }
0x5: {  	s11 =	simm.s32 $0xA;
	s13 =	simm.s32 $0x50;
	s19 =	simm.s32 $0x7  }
0x6: {  	s20 =	simm.s32 $0x8;
	s21 =	simm.s32 $0x9;
	s22 =	simm.s32 $0x7F00  }
0x7: {  	s23 =	simm.s32 $0xF700;
	s24 =	simm.s32 $0x1;
	s28 =	simm.s32 $0x2  }
0x8: {  	s29 =	simm.s32 $0x5;
	s30 =	simm.s32 $0x14700;
	s31 =	simm.s32 $0x3  }
0x9: {  	s14 =	simm.s32 $0x0;
	s4 =	sand.u32 $0x1, s3;
	s5 =	sshll.u32 s5, $0x1  }
0xa: {  	s3 =	simm.s32 $0x0;
	s6 =	sadd.s32 $0x21F200, s0;
	s5 =	sor.u32 s4, s5  }
0xb: {  	[smem:$0x7FF] =	sst s3;
	s8 =	ssub.s32 $0x2, s4;
	s4 =	smul.u32 $0x1770, s5  }
.Ltmp0:
0xc: {  	_ =	strace $0x8000004A;
	s9 =	sshrl.u32 s8, $0x1;
	(pc) =	sbr.rel .LBB2_1-.Ltmp0, $4  }
0xd: {  	s5 =	sadd.s32 $0x4000, s0;
	s0 =	simm.s32 $0x16F00;
	s25 =	ssub.s32 s8, s9  }
0xe: {  	s26 =	sshrl.u32 s4, $0x3;
	s9 =	sadd.s32 $0x50, s4;
	s10 =	smax.u32 s25, $0x1  }
0xf: {  	s25 =	simm.s32 $0x4;
	s2 =	sadd.s32 s2, s26;
	s8 =	sadd.s32 s7, s26  }
0x10: {  	s26 =	simm.s32 $0x11F00;
	[dreg:$0x5] =	wrdreg s2;
	s2 =	simm.s32 $0x6  }
.LBB2_10:
0x11: {  	_ =	swait.ge [sflag:s19], $0x2800  }
0x12: {  	[sflag:s19] =	ssyncset.done $0x0  }
0x13: {  	s14 =	sadd.s32 $0x1, s14;
	[sflag:s19] =	ssyncadd.s32 $0xFFFFD800  }
0x14: {  	p0 =	sne.s32 s14, s10;
	_ =	swait.ge [sflag:s20], $0x2800  }
.Ltmp1:
0x15: {  	[sflag:s20] =	ssyncset.done $0x0;
	(pc) =	sbr.rel @!p0 .LBB2_11-.Ltmp1, $4  }
0x16: {  	[sflag:s20] =	ssyncadd.s32 $0xFFFFD800  }
0x17: {  	_ =	swait.ge [sflag:s21], $0x2800  }
0x18: {  	[sflag:s21] =	ssyncset.done $0x0  }
0x19: {  	[sflag:s21] =	ssyncadd.s32 $0xFFFFD800  }
.LBB2_1:
0x1a: {  	s7 =	rddreg [dreg:$0x5]  }
0x1b: {  	[tilespmem:s3], [sflag:$0xA] =	stream.linear.gather [hbm4b:s7+s3], $0x1770, $0x38;
	[tilespmem:$0x19700] =	vst v63  }
0x1c: {  	_ =	swait.ge [sflag:s11], $0x1770  }
0x1d: {  	[sflag:s11] =	ssyncset.done $0x0  }
0x1e: {  	s18 =	simm.s32 $0x1780;
	[sflag:s11] =	ssyncadd.s32 $0xFFFFE890  }
0x1f: {  	[tilespmem:s18], [sflag:$0xA] =	stream.linear.gather [hbm4b:s8+s3], $0x1770, $0x38;
	[tilespmem:$0x19700] =	vst v63  }
0x20: {  	_ =	swait.ge [sflag:s11], $0x1770  }
0x21: {  	[sflag:s11] =	ssyncset.done $0x0  }
0x22: {  	s12 =	simm.s32 $0x2F00;
	[sflag:s11] =	ssyncadd.s32 $0xFFFFE890  }
0x23: {  	[tilespmem:s12], [sflag:$0x1] =	stream.indirect.gather [hbm4b:s1+s13], $0x80, s3, s13, $0xb8;
	[tilespmem:$0x19700] =	vst v63  }
0x24: {  	s15 =	simm.s32 $0xA700  }
0x25: {  	[tilespmem:s15], [sflag:$0x4] =	stream.indirect.gather [hbm4b:s5+s13], $0x80, s18, s13, $0xb8;
	[tilespmem:$0x19700] =	vst v63  }
0x26: {  	s16 =	simm.s32 $0x5700  }
0x27: {  	[tilespmem:s16], [sflag:$0x2] =	stream.indirect.gather [hbm4b:s1+s13], $0x80, s13, s13, $0xb8;
	[tilespmem:$0x19700] =	vst v63  }
0x28: {  	s17 =	simm.s32 $0x17D0;
	s18 =	simm.s32 $0xCF00;
	s15 =	simm.s32 $0x0  }
0x29: {  	[tilespmem:s18], [sflag:$0x5] =	stream.indirect.gather [hbm4b:s5+s13], $0x80, s17, s13, $0xb8;
	[tilespmem:$0x19700] =	vst v63  }
.LBB2_2:
0x2a: {  	p0 =	seq.s32 s15, $0x19  }
.Ltmp2:
0x2b: {  	_ = 	snop;
	(pc) =	sbr.rel @p0 .LBB2_10-.Ltmp2, $1  }
0x2c: {  	_ =	sdelay $0x3  }
0x2d: {  	s17 =	smul.u32 $0xF0, s15;
	_ =	sdelay $0x1  }
0x2e: {  	s16 =	sadd.s32 $0xA0, s17  }
0x2f: {  	[tilespmem:s22], [sflag:$0x3] =	stream.indirect.gather [hbm4b:s1+s13], $0x80, s16, s13, $0xb8;
	[tilespmem:$0x19700] =	vst v63  }
0x30: {  	s7 =	sadd.s32 $0x1820, s17  }
0x31: {  	[tilespmem:s23], [sflag:$0x6] =	stream.indirect.gather [hbm4b:s5+s13], $0x80, s7, s13, $0xb8;
	[tilespmem:$0x19700] =	vst v63  }
0x32: {  	_ =	swait.ge [sflag:s24], $0x2800  }
0x33: {  	[sflag:s24] =	ssyncset.done $0x0  }
0x34: {  	[sflag:s24] =	ssyncadd.s32 $0xFFFFD800  }
0x35: {  	_ =	swait.ge [sflag:s25], $0x2800  }
0x36: {  	p0 =	seq.s32 s15, $0x0;
	[sflag:s25] =	ssyncset.done $0x0  }
0x37: {  	s7 =	simm.s32 @!p0 $0x7;
	[sflag:s25] =	ssyncadd.s32 $0xFFFFD800  }
0x38: {  	_ =	swait.ge @!p0 [sflag:s7], $0x2800  }
0x39: {  	[sflag:s7] =	ssyncset.done @!p0 $0x0  }
0x3a: {  	s18 =	simm.s32 $0xF0;
	[sflag:s7] =	ssyncadd.s32 @!p0 $0xFFFFD800  }
0x3b: {  	v0 =	vld [tilespmem:s18+$0x2F00]  }
0x3c: {  	v1 =	vld [tilespmem:s18+$0xA700]  }
0x3d: {  	v2 =	vld [tilespmem:s18+$0x2E10]  }
0x3e: {  	v3 =	vld [tilespmem:s18+$0xA610]  }
0x3f: {  	v4 =	vld [tilespmem:s18+$0x2E20]  }
0x40: {  	v5 =	vld [tilespmem:s18+$0xA620]  }
0x41: {  	v6 =	vld [tilespmem:s18+$0x2E30]  }
0x42: {  	v0 =	vadd.f32 v1, v0;
	v1 =	vld [tilespmem:s18+$0xA630]  }
0x43: {  	v7 =	vld [tilespmem:s18+$0x2E40]  }
0x44: {  	v2 =	vadd.f32 v3, v2;
	v3 =	vld [tilespmem:s18+$0xA640]  }
0x45: {  	v4 =	vadd.f32 v5, v4;
	v5 =	vld [tilespmem:s18+$0x2E60];
	v0 =	vmax.f32 v0, $0.0e+00  }
0x46: {  	[tilespmem:s18+$0x11F00] =	vst v0;
	v0 =	vmax.f32 v2, $0.0e+00;
	v2 =	vld [tilespmem:s18+$0x2E50]  }
0x47: {  	v4 =	vmax.f32 v4, $0.0e+00;
	[tilespmem:s18+$0x11E10] =	vst v0;
	v0 =	vld [tilespmem:s18+$0xA650];
	v1 =	vadd.f32 v1, v6  }
0x48: {  	[tilespmem:s18+$0x11E20] =	vst v4;
	v4 =	vld [tilespmem:s18+$0xA660]  }
0x49: {  	v6 =	vld [tilespmem:s18+$0x2E70];
	v1 =	vmax.f32 v1, $0.0e+00  }
0x4a: {  	v3 =	vadd.f32 v3, v7;
	[tilespmem:s18+$0x11E30] =	vst v1;
	v1 =	vld [tilespmem:s18+$0xA670]  }
0x4b: {  	v7 =	vld [tilespmem:s18+$0x2E80]  }
0x4c: {  	v3 =	vmax.f32 v3, $0.0e+00;
	v0 =	vadd.f32 v0, v2;
	v2 =	vld [tilespmem:s18+$0xA680]  }
0x4d: {  	[tilespmem:s18+$0x11E40] =	vst v3;
	v3 =	vld [tilespmem:s18+$0x2E90];
	v4 =	vadd.f32 v4, v5  }
0x4e: {  	v5 =	vld [tilespmem:s18+$0x2EA0];
	v0 =	vmax.f32 v0, $0.0e+00  }
0x4f: {  	v4 =	vmax.f32 v4, $0.0e+00;
	[tilespmem:s18+$0x11E50] =	vst v0;
	v0 =	vld [tilespmem:s18+$0xA690];
	v1 =	vadd.f32 v1, v6  }
0x50: {  	[tilespmem:s18+$0x11E60] =	vst v4;
	v4 =	vld [tilespmem:s18+$0xA6A0]  }
0x51: {  	v6 =	vld [tilespmem:s18+$0x2EB0];
	v2 =	vadd.f32 v2, v7;
	v1 =	vmax.f32 v1, $0.0e+00  }
0x52: {  	[tilespmem:s18+$0x11E70] =	vst v1;
	v1 =	vld [tilespmem:s18+$0xA6B0]  }
0x53: {  	v7 =	vld [tilespmem:s18+$0x2EC0];
	v2 =	vmax.f32 v2, $0.0e+00  }
0x54: {  	v0 =	vadd.f32 v0, v3;
	[tilespmem:s18+$0x11E80] =	vst v2;
	v2 =	vld [tilespmem:s18+$0xA6C0]  }
0x55: {  	v8 =	vld [tilespmem:s18+$0x2ED0];
	v3 =	vadd.f32 v4, v5  }
0x56: {  	v5 =	vld [tilespmem:s18+$0xA6D0];
	v0 =	vmax.f32 v0, $0.0e+00  }
0x57: {  	v3 =	vmax.f32 v3, $0.0e+00;
	[tilespmem:s18+$0x11E90] =	vst v0;
	v0 =	vld [tilespmem:s18+$0x2EE0];
	v1 =	vadd.f32 v1, v6  }
0x58: {  	[tilespmem:s18+$0x11EA0] =	vst v3;
	v3 =	vld [tilespmem:s18+$0xA6E0]  }
0x59: {  	v6 =	vadd.f32 v2, v7;
	v4 =	vmax.f32 v1, $0.0e+00;
	v1 =	vld [tilespmem:s18+$0x2EF0]  }
0x5a: {  	s12 =	simm.s32 $0x1F0;
	[tilespmem:s18+$0x11EB0] =	vst v4;
	v4 =	vld [tilespmem:s18+$0xA6F0]  }
0x5b: {  	s7 =	simm.s32 $0xBC0;
	v5 =	vadd.f32 v5, v8;
	v6 =	vmax.f32 v6, $0.0e+00;
	v2 =	vld [tilespmem:s12+$0x2F00]  }
.LBB2_4:
0x5c: {  	p1 =	sne.s32 s7, $0x9FC0;
	v7 =	vld [tilespmem:s12+$0xA700];
	[tilespmem:s18+$0x11EC0] =	vst v6  }
0x5d: {  	v6 =	vld [tilespmem:s12+$0x2E10];
	v5 =	vmax.f32 v5, $0.0e+00;
	v0 =	vadd.f32 v3, v0  }
0x5e: {  	v3 =	vld [tilespmem:s12+$0xA610];
	[tilespmem:s18+$0x11ED0] =	vst v5  }
0x5f: {  	v5 =	vld [tilespmem:s12+$0x2E20];
	v0 =	vmax.f32 v0, $0.0e+00;
	v1 =	vadd.f32 v4, v1  }
0x60: {  	v4 =	vld [tilespmem:s12+$0xA620];
	[tilespmem:s18+$0x11EE0] =	vst v0  }
0x61: {  	v0 =	vld [tilespmem:s12+$0x2E30];
	v2 =	vadd.f32 v7, v2;
	v1 =	vmax.f32 v1, $0.0e+00  }
0x62: {  	v7 =	vld [tilespmem:s12+$0xA630];
	[tilespmem:s18+$0x11EF0] =	vst v1;
	s18 =	smov.u32 s12  }
0x63: {  	v1 =	vadd.f32 v3, v6;
	v3 =	vld [tilespmem:s18+$0x2E40];
	v2 =	vmax.f32 v2, $0.0e+00  }
0x64: {  	v6 =	vld [tilespmem:s18+$0xA640];
	[tilespmem:s18+$0x11F00] =	vst v2  }
0x65: {  	v1 =	vmax.f32 v1, $0.0e+00;
	v2 =	vadd.f32 v4, v5;
	v4 =	vld [tilespmem:s18+$0x2E50]  }
0x66: {  	[tilespmem:s18+$0x11E10] =	vst v1;
	v1 =	vld [tilespmem:s18+$0xA650]  }
0x67: {  	v2 =	vmax.f32 v2, $0.0e+00;
	v0 =	vadd.f32 v7, v0;
	v5 =	vld [tilespmem:s18+$0x2E60]  }
0x68: {  	[tilespmem:s18+$0x11E20] =	vst v2;
	v2 =	vld [tilespmem:s18+$0xA660]  }
0x69: {  	v0 =	vmax.f32 v0, $0.0e+00;
	v3 =	vadd.f32 v6, v3;
	v6 =	vld [tilespmem:s18+$0x2E70]  }
0x6a: {  	[tilespmem:s18+$0x11E30] =	vst v0;
	v0 =	vld [tilespmem:s18+$0xA670]  }
0x6b: {  	v3 =	vmax.f32 v3, $0.0e+00;
	v1 =	vadd.f32 v1, v4;
	v4 =	vld [tilespmem:s18+$0x2E80]  }
0x6c: {  	[tilespmem:s18+$0x11E40] =	vst v3;
	v3 =	vld [tilespmem:s18+$0xA680]  }
0x6d: {  	v1 =	vmax.f32 v1, $0.0e+00;
	v2 =	vadd.f32 v2, v5;
	v5 =	vld [tilespmem:s18+$0x2E90]  }
0x6e: {  	[tilespmem:s18+$0x11E50] =	vst v1;
	v1 =	vld [tilespmem:s18+$0xA690]  }
0x6f: {  	v2 =	vmax.f32 v2, $0.0e+00;
	v0 =	vadd.f32 v0, v6;
	v6 =	vld [tilespmem:s18+$0x2EA0]  }
0x70: {  	[tilespmem:s18+$0x11E60] =	vst v2;
	v2 =	vld [tilespmem:s18+$0xA6A0]  }
0x71: {  	v0 =	vmax.f32 v0, $0.0e+00;
	v3 =	vadd.f32 v3, v4;
	v4 =	vld [tilespmem:s18+$0x2EB0]  }
0x72: {  	[tilespmem:s18+$0x11E70] =	vst v0;
	v0 =	vld [tilespmem:s18+$0xA6B0]  }
0x73: {  	v3 =	vmax.f32 v3, $0.0e+00;
	v1 =	vadd.f32 v1, v5;
	v5 =	vld [tilespmem:s18+$0x2EC0]  }
0x74: {  	[tilespmem:s18+$0x11E80] =	vst v3;
	v7 =	vld [tilespmem:s18+$0xA6C0]  }
0x75: {  	v1 =	vmax.f32 v1, $0.0e+00;
	v2 =	vadd.f32 v2, v6;
	v8 =	vld [tilespmem:s18+$0x2ED0]  }
0x76: {  	[tilespmem:s18+$0x11E90] =	vst v1;
	v9 =	vld [tilespmem:s18+$0xA6D0]  }
.Ltmp3:
0x77: {  	v1 =	vmax.f32 v2, $0.0e+00;
	v2 =	vadd.f32 v0, v4;
	v0 =	vld [tilespmem:s18+$0x2EE0];
	(pc) =	sbr.rel @p1 .LBB2_4-.Ltmp3, $4  }
0x78: {  	[tilespmem:s18+$0x11EA0] =	vst v1;
	v3 =	vld [tilespmem:s18+$0xA6E0]  }
0x79: {  	v2 =	vmax.f32 v2, $0.0e+00;
	v5 =	vadd.f32 v7, v5;
	v1 =	vld [tilespmem:s18+$0x2EF0]  }
0x7a: {  	s12 =	sshra.s32 s7, $0x2;
	[tilespmem:s18+$0x11EB0] =	vst v2;
	v4 =	vld [tilespmem:s18+$0xA6F0]  }
0x7b: {  	s7 =	sadd.s32 $0x400, s7;
	v2 =	vld [tilespmem:s12+$0x2F00];
	v6 =	vmax.f32 v5, $0.0e+00;
	v5 =	vadd.f32 v9, v8  }
0x7c: {  	v7 =	vld [tilespmem:s12+$0xA700];
	[tilespmem:s18+$0x11EC0] =	vst v6  }
0x7d: {  	v6 =	vld [tilespmem:s12+$0x2E10];
	v5 =	vmax.f32 v5, $0.0e+00;
	v0 =	vadd.f32 v3, v0  }
0x7e: {  	v8 =	vld [tilespmem:s12+$0xA610];
	[tilespmem:s18+$0x11ED0] =	vst v5  }
0x7f: {  	v3 =	vld [tilespmem:s12+$0x2E20];
	v0 =	vmax.f32 v0, $0.0e+00;
	v1 =	vadd.f32 v4, v1  }
0x80: {  	v5 =	vld [tilespmem:s12+$0xA620];
	[tilespmem:s18+$0x11EE0] =	vst v0  }
0x81: {  	v0 =	vld [tilespmem:s12+$0x2E30];
	v1 =	vmax.f32 v1, $0.0e+00  }
0x82: {  	v4 =	vld [tilespmem:s12+$0xA630];
	v2 =	vadd.f32 v7, v2;
	[tilespmem:s18+$0x11EF0] =	vst v1  }
0x83: {  	v6 =	vadd.f32 v8, v6;
	v1 =	vld [tilespmem:s12+$0x2E40]  }
0x84: {  	v2 =	vmax.f32 v2, $0.0e+00;
	v7 =	vld [tilespmem:s12+$0xA640]  }
0x85: {  	[tilespmem:s12+$0x11F00] =	vst v2;
	v2 =	vmax.f32 v6, $0.0e+00;
	v6 =	vld [tilespmem:s12+$0x2E50]  }
0x86: {  	v3 =	vadd.f32 v5, v3;
	v5 =	vld [tilespmem:s12+$0x2E60]  }
0x87: {  	[tilespmem:s12+$0x11E10] =	vst v2;
	v2 =	vld [tilespmem:s12+$0xA650];
	v0 =	vadd.f32 v4, v0  }
0x88: {  	v3 =	vmax.f32 v3, $0.0e+00;
	v4 =	vld [tilespmem:s12+$0x2E70]  }
0x89: {  	[tilespmem:s12+$0x11E20] =	vst v3;
	v3 =	vld [tilespmem:s12+$0xA660];
	v0 =	vmax.f32 v0, $0.0e+00  }
0x8a: {  	v1 =	vadd.f32 v7, v1;
	[tilespmem:s12+$0x11E30] =	vst v0;
	v0 =	vld [tilespmem:s12+$0xA670]  }
0x8b: {  	v7 =	vld [tilespmem:s12+$0x2E80]  }
0x8c: {  	v1 =	vmax.f32 v1, $0.0e+00;
	v2 =	vadd.f32 v2, v6;
	v6 =	vld [tilespmem:s12+$0x2E90]  }
0x8d: {  	[tilespmem:s12+$0x11E40] =	vst v1;
	v1 =	vld [tilespmem:s12+$0xA680]  }
0x8e: {  	v2 =	vmax.f32 v2, $0.0e+00;
	v3 =	vadd.f32 v3, v5;
	v5 =	vld [tilespmem:s12+$0x2EA0]  }
0x8f: {  	[tilespmem:s12+$0x11E50] =	vst v2;
	v2 =	vld [tilespmem:s12+$0xA690];
	v0 =	vadd.f32 v0, v4  }
0x90: {  	v3 =	vmax.f32 v3, $0.0e+00;
	v4 =	vld [tilespmem:s12+$0x2EB0]  }
0x91: {  	[tilespmem:s12+$0x11E60] =	vst v3;
	v3 =	vld [tilespmem:s12+$0xA6A0];
	v0 =	vmax.f32 v0, $0.0e+00  }
0x92: {  	v1 =	vadd.f32 v1, v7;
	[tilespmem:s12+$0x11E70] =	vst v0;
	v0 =	vld [tilespmem:s12+$0xA6B0]  }
0x93: {  	v7 =	vld [tilespmem:s12+$0x2EC0]  }
0x94: {  	v1 =	vmax.f32 v1, $0.0e+00;
	v2 =	vadd.f32 v2, v6;
	v6 =	vld [tilespmem:s12+$0x2ED0]  }
0x95: {  	[tilespmem:s12+$0x11E80] =	vst v1;
	v1 =	vld [tilespmem:s12+$0xA6C0]  }
0x96: {  	v2 =	vmax.f32 v2, $0.0e+00;
	v3 =	vadd.f32 v3, v5;
	v5 =	vld [tilespmem:s12+$0x2EE0]  }
0x97: {  	[tilespmem:s12+$0x11E90] =	vst v2;
	v2 =	vld [tilespmem:s12+$0xA6D0];
	v0 =	vadd.f32 v0, v4  }
0x98: {  	v3 =	vmax.f32 v3, $0.0e+00;
	v4 =	vld [tilespmem:s12+$0x2EF0]  }
0x99: {  	[tilespmem:s12+$0x11EA0] =	vst v3;
	v3 =	vld [tilespmem:s12+$0xA6E0];
	v0 =	vmax.f32 v0, $0.0e+00  }
0x9a: {  	[tilespmem:s12+$0x11EB0] =	vst v0;
	v0 =	vld [tilespmem:s12+$0xA6F0];
	_ =	sdelay $0x1  }
0x9b: {  	v1 =	vadd.f32 v1, v7  }
0x9c: {  	v2 =	vadd.f32 v2, v6  }
0x9d: {  	v1 =	vmax.f32 v1, $0.0e+00;
	v3 =	vadd.f32 v3, v5  }
0x9e: {  	[tilespmem:s12+$0x11EC0] =	vst v1;
	v1 =	vmax.f32 v2, $0.0e+00;
	v0 =	vadd.f32 v0, v4  }
0x9f: {  	s7 =	sadd.s32 s4, s17;
	[tilespmem:s12+$0x11ED0] =	vst v1;
	v1 =	vmax.f32 v3, $0.0e+00  }
0xa0: {  	s7 =	sshll.u32 s7, $0x4;
	[tilespmem:s12+$0x11EE0] =	vst v1;
	v0 =	vmax.f32 v0, $0.0e+00  }
0xa1: {  	p1 =	sgt.u32 s15, $0x17;
	s7 =	sadd.s32 s6, s7;
	[tilespmem:s12+$0x11EF0] =	vst v0  }
0xa2: {  	[hbm4b:s7+s3] =	stream.linear.scatter [tilespmem:s26], [sflag:$0x7], $0x2800, $0x38;
	[tilespmem:$0x19700] =	vst v63  }
0xa3: {  	s18 =	simm.s32 @!p1 $0x2F00;
	s12 =	simm.s32 @!p1 $0x50;
	s7 =	sadd.s32 @!p1 $0xF0, s17  }
0xa4: {  	[tilespmem:s18], [sflag:$0x1] =	stream.indirect.gather @!p1 [hbm4b:s1+s12], $0x80, s7, s12, $0xb8;
	[tilespmem:$0x19700] =	vst v63  }
0xa5: {  	s7 =	sadd.s32 @!p1 $0x1870, s17;
	s18 =	simm.s32 @!p1 $0xA700  }
0xa6: {  	[tilespmem:s18], [sflag:$0x4] =	stream.indirect.gather @!p1 [hbm4b:s5+s12], $0x80, s7, s12, $0xb8;
	[tilespmem:$0x19700] =	vst v63  }
0xa7: {  	_ =	swait.ge [sflag:s28], $0x2800  }
0xa8: {  	[sflag:s28] =	ssyncset.done $0x0  }
0xa9: {  	[sflag:s28] =	ssyncadd.s32 $0xFFFFD800  }
0xaa: {  	_ =	swait.ge [sflag:s29], $0x2800  }
0xab: {  	[sflag:s29] =	ssyncset.done $0x0  }
0xac: {  	s7 =	simm.s32 @!p0 $0x8;
	[sflag:s29] =	ssyncadd.s32 $0xFFFFD800  }
0xad: {  	_ =	swait.ge @!p0 [sflag:s7], $0x2800  }
0xae: {  	[sflag:s7] =	ssyncset.done @!p0 $0x0  }
0xaf: {  	s18 =	simm.s32 $0xF0;
	[sflag:s7] =	ssyncadd.s32 @!p0 $0xFFFFD800  }
0xb0: {  	v0 =	vld [tilespmem:s18+$0x5700]  }
0xb1: {  	v1 =	vld [tilespmem:s18+$0xCF00]  }
0xb2: {  	v2 =	vld [tilespmem:s18+$0x5610]  }
0xb3: {  	v3 =	vld [tilespmem:s18+$0xCE10]  }
0xb4: {  	v4 =	vld [tilespmem:s18+$0x5620]  }
0xb5: {  	v5 =	vld [tilespmem:s18+$0xCE20]  }
0xb6: {  	v6 =	vld [tilespmem:s18+$0x5630]  }
0xb7: {  	v0 =	vadd.f32 v1, v0;
	v1 =	vld [tilespmem:s18+$0xCE30]  }
0xb8: {  	v7 =	vld [tilespmem:s18+$0x5640]  }
0xb9: {  	v2 =	vadd.f32 v3, v2;
	v3 =	vld [tilespmem:s18+$0xCE40]  }
0xba: {  	v4 =	vadd.f32 v5, v4;
	v5 =	vld [tilespmem:s18+$0x5660];
	v0 =	vmax.f32 v0, $0.0e+00  }
0xbb: {  	[tilespmem:s18+$0x14700] =	vst v0;
	v0 =	vmax.f32 v2, $0.0e+00;
	v2 =	vld [tilespmem:s18+$0x5650]  }
0xbc: {  	v4 =	vmax.f32 v4, $0.0e+00;
	[tilespmem:s18+$0x14610] =	vst v0;
	v0 =	vld [tilespmem:s18+$0xCE50];
	v1 =	vadd.f32 v1, v6  }
0xbd: {  	[tilespmem:s18+$0x14620] =	vst v4;
	v4 =	vld [tilespmem:s18+$0xCE60]  }
0xbe: {  	v6 =	vld [tilespmem:s18+$0x5670];
	v1 =	vmax.f32 v1, $0.0e+00  }
0xbf: {  	v3 =	vadd.f32 v3, v7;
	[tilespmem:s18+$0x14630] =	vst v1;
	v1 =	vld [tilespmem:s18+$0xCE70]  }
0xc0: {  	v7 =	vld [tilespmem:s18+$0x5680]  }
0xc1: {  	v3 =	vmax.f32 v3, $0.0e+00;
	v0 =	vadd.f32 v0, v2;
	v2 =	vld [tilespmem:s18+$0xCE80]  }
0xc2: {  	[tilespmem:s18+$0x14640] =	vst v3;
	v3 =	vld [tilespmem:s18+$0x5690];
	v4 =	vadd.f32 v4, v5  }
0xc3: {  	v5 =	vld [tilespmem:s18+$0x56A0];
	v0 =	vmax.f32 v0, $0.0e+00  }
0xc4: {  	v4 =	vmax.f32 v4, $0.0e+00;
	[tilespmem:s18+$0x14650] =	vst v0;
	v0 =	vld [tilespmem:s18+$0xCE90];
	v1 =	vadd.f32 v1, v6  }
0xc5: {  	[tilespmem:s18+$0x14660] =	vst v4;
	v4 =	vld [tilespmem:s18+$0xCEA0]  }
0xc6: {  	v6 =	vld [tilespmem:s18+$0x56B0];
	v2 =	vadd.f32 v2, v7;
	v1 =	vmax.f32 v1, $0.0e+00  }
0xc7: {  	[tilespmem:s18+$0x14670] =	vst v1;
	v1 =	vld [tilespmem:s18+$0xCEB0]  }
0xc8: {  	v7 =	vld [tilespmem:s18+$0x56C0];
	v2 =	vmax.f32 v2, $0.0e+00  }
0xc9: {  	v0 =	vadd.f32 v0, v3;
	[tilespmem:s18+$0x14680] =	vst v2;
	v2 =	vld [tilespmem:s18+$0xCEC0]  }
0xca: {  	v8 =	vld [tilespmem:s18+$0x56D0];
	v3 =	vadd.f32 v4, v5  }
0xcb: {  	v5 =	vld [tilespmem:s18+$0xCED0];
	v0 =	vmax.f32 v0, $0.0e+00  }
0xcc: {  	v3 =	vmax.f32 v3, $0.0e+00;
	[tilespmem:s18+$0x14690] =	vst v0;
	v0 =	vld [tilespmem:s18+$0x56E0];
	v1 =	vadd.f32 v1, v6  }
0xcd: {  	[tilespmem:s18+$0x146A0] =	vst v3;
	v3 =	vld [tilespmem:s18+$0xCEE0]  }
0xce: {  	v6 =	vadd.f32 v2, v7;
	v4 =	vmax.f32 v1, $0.0e+00;
	v1 =	vld [tilespmem:s18+$0x56F0]  }
0xcf: {  	s12 =	simm.s32 $0x1F0;
	[tilespmem:s18+$0x146B0] =	vst v4;
	v4 =	vld [tilespmem:s18+$0xCEF0]  }
0xd0: {  	s7 =	simm.s32 $0xBC0;
	v5 =	vadd.f32 v5, v8;
	v6 =	vmax.f32 v6, $0.0e+00;
	v2 =	vld [tilespmem:s12+$0x5700]  }
.LBB2_6:
0xd1: {  	p2 =	sne.s32 s7, $0x9FC0;
	v7 =	vld [tilespmem:s12+$0xCF00];
	[tilespmem:s18+$0x146C0] =	vst v6  }
0xd2: {  	v6 =	vld [tilespmem:s12+$0x5610];
	v5 =	vmax.f32 v5, $0.0e+00;
	v0 =	vadd.f32 v3, v0  }
0xd3: {  	v3 =	vld [tilespmem:s12+$0xCE10];
	[tilespmem:s18+$0x146D0] =	vst v5  }
0xd4: {  	v5 =	vld [tilespmem:s12+$0x5620];
	v0 =	vmax.f32 v0, $0.0e+00;
	v1 =	vadd.f32 v4, v1  }
0xd5: {  	v4 =	vld [tilespmem:s12+$0xCE20];
	[tilespmem:s18+$0x146E0] =	vst v0  }
0xd6: {  	v0 =	vld [tilespmem:s12+$0x5630];
	v2 =	vadd.f32 v7, v2;
	v1 =	vmax.f32 v1, $0.0e+00  }
0xd7: {  	v7 =	vld [tilespmem:s12+$0xCE30];
	[tilespmem:s18+$0x146F0] =	vst v1;
	s18 =	smov.u32 s12  }
0xd8: {  	v1 =	vadd.f32 v3, v6;
	v3 =	vld [tilespmem:s18+$0x5640];
	v2 =	vmax.f32 v2, $0.0e+00  }
0xd9: {  	v6 =	vld [tilespmem:s18+$0xCE40];
	[tilespmem:s18+$0x14700] =	vst v2  }
0xda: {  	v1 =	vmax.f32 v1, $0.0e+00;
	v2 =	vadd.f32 v4, v5;
	v4 =	vld [tilespmem:s18+$0x5650]  }
0xdb: {  	[tilespmem:s18+$0x14610] =	vst v1;
	v1 =	vld [tilespmem:s18+$0xCE50]  }
0xdc: {  	v2 =	vmax.f32 v2, $0.0e+00;
	v0 =	vadd.f32 v7, v0;
	v5 =	vld [tilespmem:s18+$0x5660]  }
0xdd: {  	[tilespmem:s18+$0x14620] =	vst v2;
	v2 =	vld [tilespmem:s18+$0xCE60]  }
0xde: {  	v0 =	vmax.f32 v0, $0.0e+00;
	v3 =	vadd.f32 v6, v3;
	v6 =	vld [tilespmem:s18+$0x5670]  }
0xdf: {  	[tilespmem:s18+$0x14630] =	vst v0;
	v0 =	vld [tilespmem:s18+$0xCE70]  }
0xe0: {  	v3 =	vmax.f32 v3, $0.0e+00;
	v1 =	vadd.f32 v1, v4;
	v4 =	vld [tilespmem:s18+$0x5680]  }
0xe1: {  	[tilespmem:s18+$0x14640] =	vst v3;
	v3 =	vld [tilespmem:s18+$0xCE80]  }
0xe2: {  	v1 =	vmax.f32 v1, $0.0e+00;
	v2 =	vadd.f32 v2, v5;
	v5 =	vld [tilespmem:s18+$0x5690]  }
0xe3: {  	[tilespmem:s18+$0x14650] =	vst v1;
	v1 =	vld [tilespmem:s18+$0xCE90]  }
0xe4: {  	v2 =	vmax.f32 v2, $0.0e+00;
	v0 =	vadd.f32 v0, v6;
	v6 =	vld [tilespmem:s18+$0x56A0]  }
0xe5: {  	[tilespmem:s18+$0x14660] =	vst v2;
	v2 =	vld [tilespmem:s18+$0xCEA0]  }
0xe6: {  	v0 =	vmax.f32 v0, $0.0e+00;
	v3 =	vadd.f32 v3, v4;
	v4 =	vld [tilespmem:s18+$0x56B0]  }
0xe7: {  	[tilespmem:s18+$0x14670] =	vst v0;
	v0 =	vld [tilespmem:s18+$0xCEB0]  }
0xe8: {  	v3 =	vmax.f32 v3, $0.0e+00;
	v1 =	vadd.f32 v1, v5;
	v5 =	vld [tilespmem:s18+$0x56C0]  }
0xe9: {  	[tilespmem:s18+$0x14680] =	vst v3;
	v7 =	vld [tilespmem:s18+$0xCEC0]  }
0xea: {  	v1 =	vmax.f32 v1, $0.0e+00;
	v2 =	vadd.f32 v2, v6;
	v8 =	vld [tilespmem:s18+$0x56D0]  }
0xeb: {  	[tilespmem:s18+$0x14690] =	vst v1;
	v9 =	vld [tilespmem:s18+$0xCED0]  }
.Ltmp4:
0xec: {  	v1 =	vmax.f32 v2, $0.0e+00;
	v2 =	vadd.f32 v0, v4;
	v0 =	vld [tilespmem:s18+$0x56E0];
	(pc) =	sbr.rel @p2 .LBB2_6-.Ltmp4, $4  }
0xed: {  	[tilespmem:s18+$0x146A0] =	vst v1;
	v3 =	vld [tilespmem:s18+$0xCEE0]  }
0xee: {  	v2 =	vmax.f32 v2, $0.0e+00;
	v5 =	vadd.f32 v7, v5;
	v1 =	vld [tilespmem:s18+$0x56F0]  }
0xef: {  	s12 =	sshra.s32 s7, $0x2;
	[tilespmem:s18+$0x146B0] =	vst v2;
	v4 =	vld [tilespmem:s18+$0xCEF0]  }
0xf0: {  	s7 =	sadd.s32 $0x400, s7;
	v2 =	vld [tilespmem:s12+$0x5700];
	v6 =	vmax.f32 v5, $0.0e+00;
	v5 =	vadd.f32 v9, v8  }
0xf1: {  	v7 =	vld [tilespmem:s12+$0xCF00];
	[tilespmem:s18+$0x146C0] =	vst v6  }
0xf2: {  	v6 =	vld [tilespmem:s12+$0x5610];
	v5 =	vmax.f32 v5, $0.0e+00;
	v0 =	vadd.f32 v3, v0  }
0xf3: {  	v8 =	vld [tilespmem:s12+$0xCE10];
	[tilespmem:s18+$0x146D0] =	vst v5  }
0xf4: {  	v3 =	vld [tilespmem:s12+$0x5620];
	v0 =	vmax.f32 v0, $0.0e+00;
	v1 =	vadd.f32 v4, v1  }
0xf5: {  	v5 =	vld [tilespmem:s12+$0xCE20];
	[tilespmem:s18+$0x146E0] =	vst v0  }
0xf6: {  	v0 =	vld [tilespmem:s12+$0x5630];
	v1 =	vmax.f32 v1, $0.0e+00  }
0xf7: {  	v4 =	vld [tilespmem:s12+$0xCE30];
	v2 =	vadd.f32 v7, v2;
	[tilespmem:s18+$0x146F0] =	vst v1  }
0xf8: {  	v6 =	vadd.f32 v8, v6;
	v1 =	vld [tilespmem:s12+$0x5640]  }
0xf9: {  	v2 =	vmax.f32 v2, $0.0e+00;
	v7 =	vld [tilespmem:s12+$0xCE40]  }
0xfa: {  	[tilespmem:s12+$0x14700] =	vst v2;
	v2 =	vmax.f32 v6, $0.0e+00;
	v6 =	vld [tilespmem:s12+$0x5650]  }
0xfb: {  	v3 =	vadd.f32 v5, v3;
	v5 =	vld [tilespmem:s12+$0x5660]  }
0xfc: {  	[tilespmem:s12+$0x14610] =	vst v2;
	v2 =	vld [tilespmem:s12+$0xCE50];
	v0 =	vadd.f32 v4, v0  }
0xfd: {  	v3 =	vmax.f32 v3, $0.0e+00;
	v4 =	vld [tilespmem:s12+$0x5670]  }
0xfe: {  	[tilespmem:s12+$0x14620] =	vst v3;
	v3 =	vld [tilespmem:s12+$0xCE60];
	v0 =	vmax.f32 v0, $0.0e+00  }
0xff: {  	v1 =	vadd.f32 v7, v1;
	[tilespmem:s12+$0x14630] =	vst v0;
	v0 =	vld [tilespmem:s12+$0xCE70]  }
0x100: {  	v7 =	vld [tilespmem:s12+$0x5680]  }
0x101: {  	v1 =	vmax.f32 v1, $0.0e+00;
	v2 =	vadd.f32 v2, v6;
	v6 =	vld [tilespmem:s12+$0x5690]  }
0x102: {  	[tilespmem:s12+$0x14640] =	vst v1;
	v1 =	vld [tilespmem:s12+$0xCE80]  }
0x103: {  	v2 =	vmax.f32 v2, $0.0e+00;
	v3 =	vadd.f32 v3, v5;
	v5 =	vld [tilespmem:s12+$0x56A0]  }
0x104: {  	[tilespmem:s12+$0x14650] =	vst v2;
	v2 =	vld [tilespmem:s12+$0xCE90];
	v0 =	vadd.f32 v0, v4  }
0x105: {  	v3 =	vmax.f32 v3, $0.0e+00;
	v4 =	vld [tilespmem:s12+$0x56B0]  }
0x106: {  	[tilespmem:s12+$0x14660] =	vst v3;
	v3 =	vld [tilespmem:s12+$0xCEA0];
	v0 =	vmax.f32 v0, $0.0e+00  }
0x107: {  	v1 =	vadd.f32 v1, v7;
	[tilespmem:s12+$0x14670] =	vst v0;
	v0 =	vld [tilespmem:s12+$0xCEB0]  }
0x108: {  	v7 =	vld [tilespmem:s12+$0x56C0]  }
0x109: {  	v1 =	vmax.f32 v1, $0.0e+00;
	v2 =	vadd.f32 v2, v6;
	v6 =	vld [tilespmem:s12+$0x56D0]  }
0x10a: {  	[tilespmem:s12+$0x14680] =	vst v1;
	v1 =	vld [tilespmem:s12+$0xCEC0]  }
0x10b: {  	v2 =	vmax.f32 v2, $0.0e+00;
	v3 =	vadd.f32 v3, v5;
	v5 =	vld [tilespmem:s12+$0x56E0]  }
0x10c: {  	[tilespmem:s12+$0x14690] =	vst v2;
	v2 =	vld [tilespmem:s12+$0xCED0];
	v0 =	vadd.f32 v0, v4  }
0x10d: {  	v3 =	vmax.f32 v3, $0.0e+00;
	v4 =	vld [tilespmem:s12+$0x56F0]  }
0x10e: {  	[tilespmem:s12+$0x146A0] =	vst v3;
	v3 =	vld [tilespmem:s12+$0xCEE0];
	v0 =	vmax.f32 v0, $0.0e+00  }
0x10f: {  	[tilespmem:s12+$0x146B0] =	vst v0;
	v0 =	vld [tilespmem:s12+$0xCEF0];
	_ =	sdelay $0x1  }
0x110: {  	v1 =	vadd.f32 v1, v7  }
0x111: {  	v2 =	vadd.f32 v2, v6  }
0x112: {  	v1 =	vmax.f32 v1, $0.0e+00;
	v3 =	vadd.f32 v3, v5  }
0x113: {  	[tilespmem:s12+$0x146C0] =	vst v1;
	v1 =	vmax.f32 v2, $0.0e+00;
	v0 =	vadd.f32 v0, v4  }
0x114: {  	s7 =	sadd.s32 s17, s9;
	[tilespmem:s12+$0x146D0] =	vst v1;
	v1 =	vmax.f32 v3, $0.0e+00  }
0x115: {  	s7 =	sshll.u32 s7, $0x4;
	[tilespmem:s12+$0x146E0] =	vst v1;
	v0 =	vmax.f32 v0, $0.0e+00  }
0x116: {  	s7 =	sadd.s32 s6, s7;
	[tilespmem:s12+$0x146F0] =	vst v0  }
0x117: {  	[hbm4b:s7+s3] =	stream.linear.scatter [tilespmem:s30], [sflag:$0x8], $0x2800, $0x38;
	[tilespmem:$0x19700] =	vst v63  }
0x118: {  	s18 =	simm.s32 @!p1 $0x5700;
	s12 =	simm.s32 @!p1 $0x50;
	s7 =	sadd.s32 @!p1 $0x140, s17  }
0x119: {  	[tilespmem:s18], [sflag:$0x2] =	stream.indirect.gather @!p1 [hbm4b:s1+s12], $0x80, s7, s12, $0xb8;
	[tilespmem:$0x19700] =	vst v63  }
0x11a: {  	s7 =	sadd.s32 @!p1 $0x18C0, s17;
	s17 =	simm.s32 @!p1 $0xCF00  }
0x11b: {  	[tilespmem:s17], [sflag:$0x5] =	stream.indirect.gather @!p1 [hbm4b:s5+s12], $0x80, s7, s12, $0xb8;
	[tilespmem:$0x19700] =	vst v63  }
0x11c: {  	_ =	swait.ge [sflag:s31], $0x2800  }
0x11d: {  	[sflag:s31] =	ssyncset.done $0x0  }
0x11e: {  	[sflag:s31] =	ssyncadd.s32 $0xFFFFD800  }
0x11f: {  	_ =	swait.ge [sflag:s2], $0x2800  }
0x120: {  	[sflag:s2] =	ssyncset.done $0x0  }
0x121: {  	s7 =	simm.s32 @!p0 $0x9;
	[sflag:s2] =	ssyncadd.s32 $0xFFFFD800  }
0x122: {  	_ =	swait.ge @!p0 [sflag:s7], $0x2800  }
0x123: {  	[sflag:s7] =	ssyncset.done @!p0 $0x0  }
0x124: {  	s17 =	simm.s32 $0xF0;
	[sflag:s7] =	ssyncadd.s32 @!p0 $0xFFFFD800  }
0x125: {  	v0 =	vld [tilespmem:s17+$0x7F00]  }
0x126: {  	v1 =	vld [tilespmem:s17+$0xF700]  }
0x127: {  	v2 =	vld [tilespmem:s17+$0x7E10]  }
0x128: {  	v3 =	vld [tilespmem:s17+$0xF610]  }
0x129: {  	v4 =	vld [tilespmem:s17+$0x7E20]  }
0x12a: {  	v5 =	vld [tilespmem:s17+$0xF620]  }
0x12b: {  	v6 =	vld [tilespmem:s17+$0x7E30]  }
0x12c: {  	v0 =	vadd.f32 v1, v0;
	v1 =	vld [tilespmem:s17+$0xF630]  }
0x12d: {  	v7 =	vld [tilespmem:s17+$0x7E40]  }
0x12e: {  	v2 =	vadd.f32 v3, v2;
	v3 =	vld [tilespmem:s17+$0xF640]  }
0x12f: {  	v4 =	vadd.f32 v5, v4;
	v5 =	vld [tilespmem:s17+$0x7E60];
	v0 =	vmax.f32 v0, $0.0e+00  }
0x130: {  	[tilespmem:s17+$0x16F00] =	vst v0;
	v0 =	vmax.f32 v2, $0.0e+00;
	v2 =	vld [tilespmem:s17+$0x7E50]  }
0x131: {  	v4 =	vmax.f32 v4, $0.0e+00;
	[tilespmem:s17+$0x16E10] =	vst v0;
	v0 =	vld [tilespmem:s17+$0xF650];
	v1 =	vadd.f32 v1, v6  }
0x132: {  	[tilespmem:s17+$0x16E20] =	vst v4;
	v4 =	vld [tilespmem:s17+$0xF660]  }
0x133: {  	v6 =	vld [tilespmem:s17+$0x7E70];
	v1 =	vmax.f32 v1, $0.0e+00  }
0x134: {  	v3 =	vadd.f32 v3, v7;
	[tilespmem:s17+$0x16E30] =	vst v1;
	v1 =	vld [tilespmem:s17+$0xF670]  }
0x135: {  	v7 =	vld [tilespmem:s17+$0x7E80]  }
0x136: {  	v3 =	vmax.f32 v3, $0.0e+00;
	v0 =	vadd.f32 v0, v2;
	v2 =	vld [tilespmem:s17+$0xF680]  }
0x137: {  	[tilespmem:s17+$0x16E40] =	vst v3;
	v3 =	vld [tilespmem:s17+$0x7E90];
	v4 =	vadd.f32 v4, v5  }
0x138: {  	v5 =	vld [tilespmem:s17+$0x7EA0];
	v0 =	vmax.f32 v0, $0.0e+00  }
0x139: {  	v4 =	vmax.f32 v4, $0.0e+00;
	[tilespmem:s17+$0x16E50] =	vst v0;
	v0 =	vld [tilespmem:s17+$0xF690];
	v1 =	vadd.f32 v1, v6  }
0x13a: {  	[tilespmem:s17+$0x16E60] =	vst v4;
	v4 =	vld [tilespmem:s17+$0xF6A0]  }
0x13b: {  	v6 =	vld [tilespmem:s17+$0x7EB0];
	v2 =	vadd.f32 v2, v7;
	v1 =	vmax.f32 v1, $0.0e+00  }
0x13c: {  	[tilespmem:s17+$0x16E70] =	vst v1;
	v1 =	vld [tilespmem:s17+$0xF6B0]  }
0x13d: {  	v7 =	vld [tilespmem:s17+$0x7EC0];
	v2 =	vmax.f32 v2, $0.0e+00  }
0x13e: {  	v0 =	vadd.f32 v0, v3;
	[tilespmem:s17+$0x16E80] =	vst v2;
	v2 =	vld [tilespmem:s17+$0xF6C0]  }
0x13f: {  	v8 =	vld [tilespmem:s17+$0x7ED0];
	v3 =	vadd.f32 v4, v5  }
0x140: {  	v5 =	vld [tilespmem:s17+$0xF6D0];
	v0 =	vmax.f32 v0, $0.0e+00  }
0x141: {  	v3 =	vmax.f32 v3, $0.0e+00;
	[tilespmem:s17+$0x16E90] =	vst v0;
	v0 =	vld [tilespmem:s17+$0x7EE0];
	v1 =	vadd.f32 v1, v6  }
0x142: {  	[tilespmem:s17+$0x16EA0] =	vst v3;
	v3 =	vld [tilespmem:s17+$0xF6E0]  }
0x143: {  	v6 =	vadd.f32 v2, v7;
	v4 =	vmax.f32 v1, $0.0e+00;
	v1 =	vld [tilespmem:s17+$0x7EF0]  }
0x144: {  	s12 =	simm.s32 $0x1F0;
	[tilespmem:s17+$0x16EB0] =	vst v4;
	v4 =	vld [tilespmem:s17+$0xF6F0]  }
0x145: {  	s7 =	simm.s32 $0xBC0;
	v5 =	vadd.f32 v5, v8;
	v6 =	vmax.f32 v6, $0.0e+00;
	v2 =	vld [tilespmem:s12+$0x7F00]  }
.LBB2_8:
0x146: {  	p0 =	sne.s32 s7, $0x9FC0;
	v7 =	vld [tilespmem:s12+$0xF700];
	[tilespmem:s17+$0x16EC0] =	vst v6  }
0x147: {  	v6 =	vld [tilespmem:s12+$0x7E10];
	v5 =	vmax.f32 v5, $0.0e+00;
	v0 =	vadd.f32 v3, v0  }
0x148: {  	v3 =	vld [tilespmem:s12+$0xF610];
	[tilespmem:s17+$0x16ED0] =	vst v5  }
0x149: {  	v5 =	vld [tilespmem:s12+$0x7E20];
	v0 =	vmax.f32 v0, $0.0e+00;
	v1 =	vadd.f32 v4, v1  }
0x14a: {  	v4 =	vld [tilespmem:s12+$0xF620];
	[tilespmem:s17+$0x16EE0] =	vst v0  }
0x14b: {  	v0 =	vld [tilespmem:s12+$0x7E30];
	v2 =	vadd.f32 v7, v2;
	v1 =	vmax.f32 v1, $0.0e+00  }
0x14c: {  	v7 =	vld [tilespmem:s12+$0xF630];
	[tilespmem:s17+$0x16EF0] =	vst v1;
	s17 =	smov.u32 s12  }
0x14d: {  	v1 =	vadd.f32 v3, v6;
	v3 =	vld [tilespmem:s17+$0x7E40];
	v2 =	vmax.f32 v2, $0.0e+00  }
0x14e: {  	v6 =	vld [tilespmem:s17+$0xF640];
	[tilespmem:s17+$0x16F00] =	vst v2  }
0x14f: {  	v1 =	vmax.f32 v1, $0.0e+00;
	v2 =	vadd.f32 v4, v5;
	v4 =	vld [tilespmem:s17+$0x7E50]  }
0x150: {  	[tilespmem:s17+$0x16E10] =	vst v1;
	v1 =	vld [tilespmem:s17+$0xF650]  }
0x151: {  	v2 =	vmax.f32 v2, $0.0e+00;
	v0 =	vadd.f32 v7, v0;
	v5 =	vld [tilespmem:s17+$0x7E60]  }
0x152: {  	[tilespmem:s17+$0x16E20] =	vst v2;
	v2 =	vld [tilespmem:s17+$0xF660]  }
0x153: {  	v0 =	vmax.f32 v0, $0.0e+00;
	v3 =	vadd.f32 v6, v3;
	v6 =	vld [tilespmem:s17+$0x7E70]  }
0x154: {  	[tilespmem:s17+$0x16E30] =	vst v0;
	v0 =	vld [tilespmem:s17+$0xF670]  }
0x155: {  	v3 =	vmax.f32 v3, $0.0e+00;
	v1 =	vadd.f32 v1, v4;
	v4 =	vld [tilespmem:s17+$0x7E80]  }
0x156: {  	[tilespmem:s17+$0x16E40] =	vst v3;
	v3 =	vld [tilespmem:s17+$0xF680]  }
0x157: {  	v1 =	vmax.f32 v1, $0.0e+00;
	v2 =	vadd.f32 v2, v5;
	v5 =	vld [tilespmem:s17+$0x7E90]  }
0x158: {  	[tilespmem:s17+$0x16E50] =	vst v1;
	v1 =	vld [tilespmem:s17+$0xF690]  }
0x159: {  	v2 =	vmax.f32 v2, $0.0e+00;
	v0 =	vadd.f32 v0, v6;
	v6 =	vld [tilespmem:s17+$0x7EA0]  }
0x15a: {  	[tilespmem:s17+$0x16E60] =	vst v2;
	v2 =	vld [tilespmem:s17+$0xF6A0]  }
0x15b: {  	v0 =	vmax.f32 v0, $0.0e+00;
	v3 =	vadd.f32 v3, v4;
	v4 =	vld [tilespmem:s17+$0x7EB0]  }
0x15c: {  	[tilespmem:s17+$0x16E70] =	vst v0;
	v0 =	vld [tilespmem:s17+$0xF6B0]  }
0x15d: {  	v3 =	vmax.f32 v3, $0.0e+00;
	v1 =	vadd.f32 v1, v5;
	v5 =	vld [tilespmem:s17+$0x7EC0]  }
0x15e: {  	[tilespmem:s17+$0x16E80] =	vst v3;
	v7 =	vld [tilespmem:s17+$0xF6C0]  }
0x15f: {  	v1 =	vmax.f32 v1, $0.0e+00;
	v2 =	vadd.f32 v2, v6;
	v8 =	vld [tilespmem:s17+$0x7ED0]  }
0x160: {  	[tilespmem:s17+$0x16E90] =	vst v1;
	v9 =	vld [tilespmem:s17+$0xF6D0]  }
.Ltmp5:
0x161: {  	v1 =	vmax.f32 v2, $0.0e+00;
	v2 =	vadd.f32 v0, v4;
	v0 =	vld [tilespmem:s17+$0x7EE0];
	(pc) =	sbr.rel @p0 .LBB2_8-.Ltmp5, $4  }
0x162: {  	[tilespmem:s17+$0x16EA0] =	vst v1;
	v3 =	vld [tilespmem:s17+$0xF6E0]  }
0x163: {  	v2 =	vmax.f32 v2, $0.0e+00;
	v5 =	vadd.f32 v7, v5;
	v1 =	vld [tilespmem:s17+$0x7EF0]  }
0x164: {  	s12 =	sshra.s32 s7, $0x2;
	[tilespmem:s17+$0x16EB0] =	vst v2;
	v4 =	vld [tilespmem:s17+$0xF6F0]  }
0x165: {  	s7 =	sadd.s32 $0x400, s7;
	v2 =	vld [tilespmem:s12+$0x7F00];
	v6 =	vmax.f32 v5, $0.0e+00;
	v5 =	vadd.f32 v9, v8  }
0x166: {  	v7 =	vld [tilespmem:s12+$0xF700];
	[tilespmem:s17+$0x16EC0] =	vst v6  }
0x167: {  	v6 =	vld [tilespmem:s12+$0x7E10];
	v5 =	vmax.f32 v5, $0.0e+00;
	v0 =	vadd.f32 v3, v0  }
0x168: {  	v8 =	vld [tilespmem:s12+$0xF610];
	[tilespmem:s17+$0x16ED0] =	vst v5  }
0x169: {  	v36 =	vld [tilespmem:s12+$0x7E20];
	v0 =	vmax.f32 v0, $0.0e+00;
	v1 =	vadd.f32 v4, v1  }
0x16a: {  	v5 =	vld [tilespmem:s12+$0xF620];
	[tilespmem:s17+$0x16EE0] =	vst v0  }
0x16b: {  	v0 =	vld [tilespmem:s12+$0x7E30];
	v1 =	vmax.f32 v1, $0.0e+00  }
0x16c: {  	v37 =	vld [tilespmem:s12+$0xF630];
	[tilespmem:s17+$0x16EF0] =	vst v1  }
0x16d: {  	v1 =	vld [tilespmem:s12+$0x7E40]  }
0x16e: {  	v38 =	vld [tilespmem:s12+$0xF640]  }
0x16f: {  	v40 =	vld [tilespmem:s12+$0x7E50]  }
0x170: {  	v41 =	vld [tilespmem:s12+$0xF650]  }
0x171: {  	v42 =	vld [tilespmem:s12+$0x7E60]  }
0x172: {  	v43 =	vld [tilespmem:s12+$0xF660]  }
0x173: {  	v44 =	vld [tilespmem:s12+$0x7E70]  }
0x174: {  	v45 =	vld [tilespmem:s12+$0xF670]  }
0x175: {  	v46 =	vld [tilespmem:s12+$0x7E80]  }
0x176: {  	v47 =	vld [tilespmem:s12+$0xF680]  }
0x177: {  	v48 =	vld [tilespmem:s12+$0x7E90]  }
0x178: {  	v49 =	vld [tilespmem:s12+$0xF690]  }
0x179: {  	v50 =	vld [tilespmem:s12+$0x7EA0]  }
0x17a: {  	v2 =	vadd.f32 v7, v2;
	v51 =	vld [tilespmem:s12+$0xF6A0]  }
0x17b: {  	v6 =	vadd.f32 v8, v6;
	v52 =	vld [tilespmem:s12+$0x7EB0]  }
0x17c: {  	v2 =	vmax.f32 v2, $0.0e+00;
	v53 =	vld [tilespmem:s12+$0xF6B0];
	v3 =	vadd.f32 v5, v36  }
0x17d: {  	v54 =	vld [tilespmem:s12+$0x7EC0];
	[tilespmem:s12+$0x16F00] =	vst v2;
	v39 =	vmax.f32 v6, $0.0e+00;
	v0 =	vadd.f32 v37, v0  }
0x17e: {  	v55 =	vld [tilespmem:s12+$0xF6C0];
	[tilespmem:s12+$0x16E10] =	vst v39;
	v3 =	vmax.f32 v3, $0.0e+00;
	v1 =	vadd.f32 v38, v1  }
0x17f: {  	v56 =	vld [tilespmem:s12+$0x7ED0];
	[tilespmem:s12+$0x16E20] =	vst v3;
	v0 =	vmax.f32 v0, $0.0e+00;
	v2 =	vadd.f32 v41, v40  }
0x180: {  	v57 =	vld [tilespmem:s12+$0xF6D0];
	v3 =	vadd.f32 v43, v42;
	[tilespmem:s12+$0x16E30] =	vst v0;
	v1 =	vmax.f32 v1, $0.0e+00  }
0x181: {  	v58 =	vld [tilespmem:s12+$0x7EE0];
	v0 =	vadd.f32 v45, v44;
	v2 =	vmax.f32 v2, $0.0e+00;
	[tilespmem:s12+$0x16E40] =	vst v1  }
0x182: {  	v59 =	vld [tilespmem:s12+$0xF6E0];
	v3 =	vmax.f32 v3, $0.0e+00;
	[tilespmem:s12+$0x16E50] =	vst v2;
	v1 =	vadd.f32 v47, v46  }
0x183: {  	v60 =	vld [tilespmem:s12+$0x7EF0];
	[tilespmem:s12+$0x16E60] =	vst v3;
	v0 =	vmax.f32 v0, $0.0e+00;
	v2 =	vadd.f32 v49, v48  }
0x184: {  	v61 =	vld [tilespmem:s12+$0xF6F0];
	v3 =	vadd.f32 v51, v50;
	[tilespmem:s12+$0x16E70] =	vst v0;
	v1 =	vmax.f32 v1, $0.0e+00  }
0x185: {  	v0 =	vadd.f32 v53, v52;
	v2 =	vmax.f32 v2, $0.0e+00;
	[tilespmem:s12+$0x16E80] =	vst v1  }
0x186: {  	v3 =	vmax.f32 v3, $0.0e+00;
	[tilespmem:s12+$0x16E90] =	vst v2;
	v1 =	vadd.f32 v55, v54  }
0x187: {  	s15 =	sadd.s32 $0x1, s15;
	[tilespmem:s12+$0x16EA0] =	vst v3;
	v0 =	vmax.f32 v0, $0.0e+00;
	v2 =	vadd.f32 v57, v56  }
0x188: {  	p0 =	sne.s32 s15, $0x1A;
	v3 =	vadd.f32 v59, v58;
	[tilespmem:s12+$0x16EB0] =	vst v0;
	v1 =	vmax.f32 v1, $0.0e+00  }
.Ltmp6:
0x189: {  	v0 =	vadd.f32 v61, v60;
	v62 =	vmax.f32 v2, $0.0e+00;
	[tilespmem:s12+$0x16EC0] =	vst v1;
	(pc) =	sbr.rel @p0 .LBB2_2-.Ltmp6, $4  }
.Ltmp7:
0x18a: {  	s7 =	sadd.s32 s4, s16;
	v63 =	vmax.f32 v3, $0.0e+00;
	[tilespmem:s12+$0x16ED0] =	vst v62;
	(pc) =	sbr.rel @!p0 .LBB2_10-.Ltmp7, $4  }
0x18b: {  	s7 =	sshll.u32 s7, $0x4;
	[tilespmem:s12+$0x16EE0] =	vst v63;
	v0 =	vmax.f32 v0, $0.0e+00  }
0x18c: {  	s7 =	sadd.s32 s6, s7;
	[tilespmem:s12+$0x16EF0] =	vst v0  }
0x18d: {  	[hbm4b:s7+s3] =	stream.linear.scatter [tilespmem:s0], [sflag:$0x9], $0x2800, $0x38;
	[tilespmem:$0x19700] =	vst v63  }
0x18e: {  	_ = 	snop  }
.LBB2_11:
0x18f: {  	_ =	sfence.sel $0x180000  }
0x190: {  	[bflag:$0x0] =	sbarrier.arrive $0xFFFF  }
0x191: {  	_ =	strace $0x9000004A  }
0x192: {  	s0 =	stileid.u32;
	[bflag:$0x2] =	sbarrier.arrive $0xFFFF  }
0x193: {  	p0 =	sne.s32 s0, $0x0;
	s0 =	rddreg [dreg:$0x4]  }
0x194: {  	s0 =	sadd.s32 @!p0 $0x100000, s0  }
0x195: {  	[sflag:s0] =	ssyncadd.tile.s32 @!p0 $0x1;
	_ =	shalt  }
.Lfunc_end2:
_tile_overlayer_lowered:
.L_overlay_start_2:
0x196: {  	(tag) =	ssettag $0x2  }
0x197: {  	s0 =	rddreg [dreg:$0x0];
	s2 =	stileid.u32  }
0x198: {  	s1 =	rddreg [dreg:$0x1];
	p0 =	sne.s32 s2, $0x0  }
0x199: {  	s3 =	rddreg [dreg:$0x2];
	[bflag:$0x3] =	sbarrier.arrive $0xFFFF;
	s2 =	simm.s32 @!p0 $0x1C0A  }
0x19a: {  	[timem:s3], [sflag:s2] =	dma.local @!p0 [hbm:s0], s1  }
0x19b: {  	s0 =	simm.s32 @!p0 $0xA  }
0x19c: {  	_ =	swait.ge @!p0 [sflag:s0], s1  }
0x19d: {  	s1 =	ssub.s32 @!p0 $0x0, s1;
	[sflag:s0] =	ssyncset.done @!p0 $0x0  }
0x19e: {  	[sflag:s0] =	ssyncadd.s32 @!p0 s1  }
0x19f: {  	[bflag:$0x3] =	sbarrier.arrive $0xFFFF  }
0x1a0: {  	_ =	shalt  }

// kernel: kernel.15.cloned.1.call-start
scs
__scs_entry_jumppad:
0x0: {  	(pc) =	sbr.rel $0x88, $3  }
0x1: {  	(tag) =	ssettag $0x0;
	lr =	simm.s32 $0x1  }
0x2: {  	[smem:$0x3F92] =	sst lr;
	_ =	strace $0xD0000000  }
0x3: {  	_ = 	snop  }
0x4: {  	_ = 	snop  }
0x5: {  	_ = 	snop  }
0x6: {  	_ = 	snop  }
0x7: {  	_ = 	snop  }
__scs_overlays_trampoline_lowered:
0x8: {  	[smem:$0x3FA1] =	sst s0  }
0x9: {  	[smem:$0x3FA2] =	sst s1  }
0xa: {  	[smem:$0x3FA3] =	sst s2  }
0xb: {  	[smem:$0x3FA4] =	sst s3  }
0xc: {  	[smem:$0x3FA5] =	sst s4  }
0xd: {  	[smem:$0x3FA6] =	sst s5  }
0xe: {  	[smem:$0x3FA7] =	sst s6  }
0xf: {  	[smem:$0x3FA8] =	sst s7  }
0x10: {  	[smem:$0x3FA9] =	sst s8  }
0x11: {  	[smem:$0x3FAA] =	sst s9;
	s0 =	simm.s32 @!p0 $0x0  }
0x12: {  	s1 =	sld [smem:$0x3F90];
	s0 =	simm.s32 @p0 $0x1  }
0x13: {  	[smem:$0x3FAB] =	sst s0;
	s0 =	simm.s32 @!p1 $0x0  }
0x14: {  	s2 =	sld [smem:$0x3F8F];
	s0 =	simm.s32 @p1 $0x1  }
0x15: {  	[smem:$0x3FAC] =	sst s0;
	s0 =	simm.s32 @!p2 $0x0  }
0x16: {  	s3 =	sld [smem:$0x3FDB];
	s0 =	simm.s32 @p2 $0x1  }
0x17: {  	s4 =	simm.s32 $0x1BF5;
	[smem:$0x3FAE] =	sst s0  }
0x18: {  	s0 =	sld [smem:$0x3F91];
	_ =	swait.ge [sflag:s4], $0x0  }
0x19: {  	s7 =	sld [smem:$0x3F92]  }
0x1a: {  	s8 =	sadd.s32 $0xFFFFE003, lr  }
0x1b: {  	s9 =	sadd.s32 $0xFFFFFEF7, lr;
	s5 =	simm.s32 $0xFFFFFFFF;
	p2 =	slt.u32 s8, $0xFFFFF086  }
0x1c: {  	p1 =	slt.u32 s9, $0xF7A;
	s5 =	simm.s32 @!p2 $0x0  }
0x1d: {  	s5 =	simm.s32 @p1 $0x1;
	p0 =	seq.s32 s7, s2  }
0x1e: {  	s7 =	smul.u32 @!p0 $0xF7A, s2;
	p2 =	seq.s32 @!p0 s5, $0x0  }
0x1f: {  	s9 =	smul.u32 $0xF7A, s1;
	s8 =	simm.s32 @!p0 $0x1BF5;
	p2 =	por !p2, p0  }
0x20: {  	[sflag:s8] =	ssyncset.s32 @!p0 $0xFFFFF086;
	s6 =	sadd.s32 @!p0 s3, s7;
	s7 =	simm.s32 @!p0 $0x108  }
0x21: {  	s3 =	sadd.s32 s3, s9;
	s6 =	sadd.s32 @!p0 $0x88, s6;
	s7 =	simm.s32 @p2 $0x1082  }
0x22: {  	[simem:s7], [sflag:s8] =	dma.local @!p0 [hbm:s6], $0xF7A  }
0x23: {  	s9 =	sor.u32 $0xD0000000, s2;
	s6 =	simm.s32 $0x108;
	_ =	swait.ge @!p0 [sflag:s8], $0x0  }
0x24: {  	s3 =	sadd.s32 $0x88, s3;
	s6 =	simm.s32 @!p1 $0x1082;
	[sflag:s4] =	ssyncset.s32 $0xFFFFF086  }
0x25: {  	[simem:s6], [sflag:s4] =	dma.local [hbm:s3], $0xF7A  }
0x26: {  	[smem:$0x3F92] =	sst s1;
	(tag) =	ssettag s2;
	_ =	strace s9  }
0x27: {  	s1 =	sld [smem:$0x3FA2]  }
0x28: {  	s2 =	sld [smem:$0x3FA3]  }
0x29: {  	s4 =	sld [smem:$0x3FA5]  }
0x2a: {  	p0 =	seq.s32 s5, $0x0;
	s5 =	sld [smem:$0x3FA6]  }
0x2b: {  	s6 =	sld [smem:$0x3FA7]  }
0x2c: {  	s7 =	sld [smem:$0x3FA8]  }
0x2d: {  	s3 =	simm.s32 $0x108;
	s8 =	sld [smem:$0x3FA9]  }
0x2e: {  	s3 =	simm.s32 @!p0 $0x1082;
	s9 =	sld [smem:$0x3FAA]  }
0x2f: {  	lr =	sadd.s32 s0, s3;
	s0 =	sld [smem:$0x3FA1]  }
0x30: {  	s3 =	sld [smem:$0x3FA4]  }
0x31: {  	[smem:$0x3FAD] =	sst s10  }
0x32: {  	s10 =	sld [smem:$0x3FAB];
	_ =	sdelay $0x3  }
0x33: {  	p0 =	seq.s32 s10, $0x1;
	s10 =	sld [smem:$0x3FAD];
	_ =	sdelay $0x3  }
0x34: {  	[smem:$0x3FAD] =	sst s10  }
0x35: {  	s10 =	sld [smem:$0x3FAC];
	_ =	sdelay $0x3  }
0x36: {  	p1 =	seq.s32 s10, $0x1;
	s10 =	sld [smem:$0x3FAD];
	_ =	sdelay $0x3  }
0x37: {  	[smem:$0x3FAD] =	sst s10  }
0x38: {  	s10 =	sld [smem:$0x3FAE]  }
0x39: {  	_ = 	snop;
	(pc) =	sbr.ind lr, $3  }
0x3a: {  	_ = 	snop  }
0x3b: {  	_ = 	snop  }
0x3c: {  	p2 =	seq.s32 s10, $0x1;
	s10 =	sld [smem:$0x3FAD]  }
0x3d: {  	_ =	shalt  }
0x3e: {  	_ =	shalt  }
0x3f: {  	_ =	shalt  }
0x40: {  	_ =	shalt  }
0x41: {  	_ =	shalt  }
0x42: {  	_ =	shalt  }
0x43: {  	_ =	shalt  }
0x44: {  	_ =	shalt  }
0x45: {  	_ =	shalt  }
0x46: {  	_ =	shalt  }
0x47: {  	_ =	shalt  }
0x48: {  	_ =	shalt  }
0x49: {  	_ =	shalt  }
0x4a: {  	_ =	shalt  }
0x4b: {  	_ =	shalt  }
0x4c: {  	_ =	shalt  }
0x4d: {  	_ =	shalt  }
0x4e: {  	_ =	shalt  }
0x4f: {  	_ =	shalt  }
0x50: {  	_ =	shalt  }
0x51: {  	_ =	shalt  }
0x52: {  	_ =	shalt  }
0x53: {  	_ =	shalt  }
0x54: {  	_ =	shalt  }
0x55: {  	_ =	shalt  }
0x56: {  	_ =	shalt  }
0x57: {  	_ =	shalt  }
0x58: {  	_ =	shalt  }
0x59: {  	_ =	shalt  }
0x5a: {  	_ =	shalt  }
0x5b: {  	_ =	shalt  }
0x5c: {  	_ =	shalt  }
0x5d: {  	_ =	shalt  }
0x5e: {  	_ =	shalt  }
0x5f: {  	_ =	shalt  }
0x60: {  	_ =	shalt  }
0x61: {  	_ =	shalt  }
0x62: {  	_ =	shalt  }
0x63: {  	_ =	shalt  }
0x64: {  	_ =	shalt  }
0x65: {  	_ =	shalt  }
0x66: {  	_ =	shalt  }
0x67: {  	_ =	shalt  }
0x68: {  	_ =	shalt  }
0x69: {  	_ =	shalt  }
0x6a: {  	_ =	shalt  }
0x6b: {  	_ =	shalt  }
0x6c: {  	_ =	shalt  }
0x6d: {  	_ =	shalt  }
0x6e: {  	_ =	shalt  }
0x6f: {  	_ =	shalt  }
0x70: {  	_ =	shalt  }
0x71: {  	_ =	shalt  }
0x72: {  	_ =	shalt  }
0x73: {  	_ =	shalt  }
0x74: {  	_ =	shalt  }
0x75: {  	_ =	shalt  }
0x76: {  	_ =	shalt  }
0x77: {  	_ =	shalt  }
0x78: {  	_ =	shalt  }
0x79: {  	_ =	shalt  }
0x7a: {  	_ =	shalt  }
0x7b: {  	_ =	shalt  }
0x7c: {  	_ =	shalt  }
0x7d: {  	_ =	shalt  }
0x7e: {  	_ =	shalt  }
0x7f: {  	_ =	shalt  }
0x80: {  	_ =	shalt  }
0x81: {  	_ =	shalt  }
0x82: {  	_ =	shalt  }
0x83: {  	_ =	shalt  }
0x84: {  	_ =	shalt  }
0x85: {  	_ =	shalt  }
0x86: {  	_ =	shalt  }
0x87: {  	_ =	shalt  }
.Lfunc_end0:
.L_simem_size_0:
called_computation.1_lowered:
.L_overlay_start_0:
0x88: {  	s2 =	sld [smem:$0x3FD9]  }
0x89: {  	s3 =	sld [smem:$0x3FFE];
	_ =	sdelay $0x1  }
0x8a: {  	s1 =	srdreg.scid  }
0x8b: {  	s0 =	sand.u32 $0x1, s1  }
0x8c: {  	s17 =	sshll.u32 s0, $0xA;
	s2 =	sadd.s32 s3, s2  }
0x8d: {  	s2 =	sadd.s32 s2, s17  }
0x8e: {  	[smem:$0x3FB9] =	sst s2  }
0x8f: {  	_ = 	snop  }
0x90: {  	s18 =	sld [smem:$0x3FC7];
	(tm) =	ssettm $0x1  }
0x91: {  	s19 =	sld [smem:$0x3FFB];
	_ =	sdelay $0x3  }
0x92: {  	_ =	strace s19  }
0x93: {  	s2 =	sld [smem:$0x3FFC];
	_ =	sdelay $0x3  }
0x94: {  	_ =	strace s2  }
0x95: {  	s2 =	sld [smem:$0x3FFD];
	_ =	sdelay $0x3  }
0x96: {  	_ =	strace s2  }
0x97: {  	_ =	strace $0x8FFFFFFF  }
0x98: {  	s20 =	sld [smem:$0x3FDB];
	_ =	sdelay $0x1  }
0x99: {  	s4 =	simm.s32 $_scs_section_size  }
0x9a: {  	s5 =	simm.s32 $_size__tile_overlayer_lowered;
	s6 =	simm.s32 $_tile_overlayer_lowered  }
0x9b: {  	s7 =	simm.s32 $0x1BFF;
	s21 =	sshll.u32 s6, $0x1;
	s4 =	sadd.s32 s4, s20  }
0x9c: {  	s22 =	simm.s32 $0x0;
	s5 =	sshll.u32 s5, $0x1;
	s6 =	sadd.s32 s21, s4  }
0x9d: {  	[timem:s22], [sflag:s7] =	dma.local [hbm:s6], s5  }
0x9e: {  	_ =	swait.ge [sflag:s7], s5  }
0x9f: {  	s5 =	ssub.s32 $0x0, s5;
	[sflag:s7] =	ssyncset.done $0x0  }
0xa0: {  	[sflag:s7] =	ssyncadd.s32 s5;
	_ =	sdelay $0x1  }
0xa1: {  	s23 =	simm.s32 $0x1B8B  }
0xa2: {  	_ =	swait.ge [sflag:s23], $0x1  }
0xa3: {  	[sflag:s23] =	ssyncset.done $0x0  }
0xa4: {  	[sflag:s23] =	ssyncadd.s32 $0xFFFFFFFF  }
0xa5: {  	s5 =	sld [smem:$0x0]  }
0xa6: {  	s6 =	sand.u32 $0xFFFFFFFE, s1  }
0xa7: {  	p0 =	sne.s32 s1, s6  }
0xa8: {  	s6 =	sshll.u32 @p0 s6, $0xE  }
0xa9: {  	s6 =	sadd.s32 @p0 $0x11B8D, s6;
	s7 =	sshll.u32 @p0 s5, $0x11  }
0xaa: {  	s6 =	sor.u32 @p0 s7, s6  }
0xab: {  	[sflag:s6] =	ssyncadd.remote.s32 @p0 $0x1;
	_ =	sdelay $0x1  }
0xac: {  	s6 =	simm.s32 @p0 $0x1B8D  }
0xad: {  	_ =	swait.eq @p0 [sflag:s6], $0x1  }
0xae: {  	[sflag:s6] =	ssyncadd.s32 @p0 $0xFFFFFFFF  }
0xaf: {  	s7 =	sshll.u32 @!p0 s1, $0xE  }
0xb0: {  	s7 =	sor.u32 @!p0 $0x4000, s7;
	s6 =	simm.s32 @!p0 $0x1B8D  }
0xb1: {  	s5 =	sshll.u32 @!p0 s5, $0x11;
	s7 =	sadd.s32 @!p0 $0x11B8D, s7;
	_ =	swait.eq @!p0 [sflag:s6], $0x1  }
0xb2: {  	s5 =	sor.u32 @!p0 s5, s7;
	[sflag:s6] =	ssyncadd.s32 @!p0 $0xFFFFFFFF  }
0xb3: {  	s25 =	simm.s32 $0x1B8E;
	s24 =	sld [smem:$0x3FFE];
	[sflag:s5] =	ssyncadd.remote.s32 @!p0 $0x1  }
0xb4: {  	s26 =	simm.s32 $execute0_lowered;
	[smem:$0x3FD2] =	sst s25  }
0xb5: {  	s6 =	sshll.u32 s26, $0x1;
	_ =	strace $0x8000004F;
	[dreg:$0x1] =	wrdreg $0xFFFFFFFF  }
0xb6: {  	s28 =	simm.s32 $_size_execute0_lowered;
	s4 =	sadd.s32 s4, s6;
	[dreg:$0x0] =	wrdreg $0x0  }
0xb7: {  	s6 =	sshll.u32 s28, $0x1;
	[dreg:$0x2] =	wrdreg s4  }
0xb8: {  	[dreg:$0x3] =	wrdreg s6  }
0xb9: {  	[dreg:$0x4] =	wrdreg $0xC0  }
0xba: {  	_ =	task [dreg:s22], $0x5FFFF  }
0xbb: {  	[dreg:$0x1] =	wrdreg $0xFFFFFFFF  }
0xbc: {  	[dreg:$0x0] =	wrdreg $0x60  }
0xbd: {  	[dreg:$0x2] =	wrdreg s24  }
0xbe: {  	[dreg:$0x3] =	wrdreg s18  }
0xbf: {  	[dreg:$0x4] =	wrdreg $0x0  }
0xc0: {  	[dreg:$0x5] =	wrdreg $0x9  }
0xc1: {  	_ =	task.clear_ibuf [dreg:s22], $0x6FFFF;
	_ =	strace $0x9000004F  }
0xc2: {  	s29 =	simm.s32 $0x9;
	_ =	strace $0x80000051  }
0xc3: {  	_ =	swait.ge [sflag:s29], $0x1  }
0xc4: {  	[sflag:s29] =	ssyncadd.s32 $0xFFFFFFFF  }
0xc5: {  	_ =	strace $0x90000051  }
0xc6: {  	_ =	sfence  }
0xc7: {  	s30 =	sld [smem:$0x0];
	_ =	sdelay $0x2  }
0xc8: {  	s31 =	sshll.u32 s1, $0xD;
	s1 =	sshrl.u32 s1, $0x2  }
0xc9: {  	s4 =	sand.u32 $0x4000, s31;
	s1 =	sadd.s32 s1, s30  }
0xca: {  	s0 =	sor.u32 s4, s0;
	s1 =	sshll.u32 s1, $0x11  }
0xcb: {  	s0 =	sor.u32 s1, s0  }
0xcc: {  	s0 =	sadd.s32 $0x8F2B, s0  }
0xcd: {  	[sflag:s0] =	ssyncadd.remote.s32 $0x1  }
0xce: {  	_ =	sfence.sel $0xFFFF  }
0xcf: {  	[dreg:$0x0] =	wrdreg $0xFFFFFFFF;
	(pc) =	sbr.abs _section_cstart, $3  }
0xd0: {  	[dreg:$0x1] =	wrdreg $0xFFFFFFFF  }
0xd1: {  	_ =	task.clear_ibuf [dreg:s22], $0x2FFFF;
	_ =	strace $0x9FFFFFFF  }
0xd2: {  	(tm) =	ssettm $0x7FFFFFFF  }
0xd3: {  	_ =	shalt  }
tec
execute0_lowered:
.L_overlay_start_1:
0x0: {  	(tag) =	ssettag $0x1  }
0x1: {  	s19 =	stileid.u32  }
0x2: {  	s0 =	srdreg.scid;
	s4 =	smul.u32 $0x14000, s19  }
0x3: {  	s0 =	sand.u32 $0x1, s0;
	s1 =	sshll.u32 s19, $0x1;
	s29 =	smul.u32 $0x2EE00, s19  }
0x4: {  	s3 =	rddreg [dreg:$0x0];
	s2 =	smul.u32 $0x140000, s0;
	s1 =	sor.u32 s0, s1  }
0x5: {  	s5 =	rddreg [dreg:$0x1];
	s8 =	sadd.s32 $0x7B200, s3;
	s7 =	smul.u32 $0x1770, s1  }
0x6: {  	s28 =	sadd.s32 $0x701200, s3;
	s6 =	ssub.s32 $0x2, s0;
	s1 =	smul.u32 $0x17700, s1  }
0x7: {  	s9 =	sshrl.u32 s6, $0x1;
	s11 =	sadd.s32 $0x6000, s4;
	s10 =	sadd.s32 s2, s4  }
0x8: {  	s6 =	ssub.s32 s6, s9;
	s13 =	sshrl.u32 s7, $0x3;
	s1 =	sadd.s32 s28, s1  }
0x9: {  	s10 =	sshrl.u32 s10, $0x3;
	s5 =	sadd.s32 s5, s13;
	[dreg:$0xf] =	wrdreg s1  }
0xa: {  	s14 =	sadd.s32 s8, s10;
	s10 =	sadd.s32 $0x4000, s4;
	[dreg:$0x4] =	wrdreg s5  }
0xb: {  	s13 =	sadd.s32 s2, s11;
	[dreg:$0x5] =	wrdreg s14;
	s5 =	sor.u32 $0x2000, s4  }
0xc: {  	s12 =	sadd.s32 s2, s10;
	s17 =	sshrl.u32 s13, $0x3;
	s13 =	sadd.s32 $0xA000, s4  }
0xd: {  	s14 =	sadd.s32 $0xC000, s4;
	s15 =	sadd.s32 s2, s5;
	s16 =	sshrl.u32 s12, $0x3  }
0xe: {  	s18 =	sadd.s32 s8, s17;
	s17 =	sadd.s32 $0xE000, s4;
	s9 =	sshrl.u32 s15, $0x3  }
0xf: {  	[dreg:$0x8] =	wrdreg s18;
	s15 =	sadd.s32 s2, s13;
	s24 =	sadd.s32 s2, s17  }
0x10: {  	s18 =	sadd.s32 $0x10000, s4;
	s9 =	sadd.s32 s8, s9;
	s21 =	sshrl.u32 s15, $0x3  }
0x11: {  	s25 =	sadd.s32 s2, s18;
	[dreg:$0x6] =	wrdreg s9;
	s9 =	sadd.s32 s8, s16  }
0x12: {  	s16 =	sadd.s32 s2, s14;
	[dreg:$0x7] =	wrdreg s9;
	s9 =	sadd.s32 $0x8000, s4  }
0x13: {  	s15 =	rddreg [dreg:$0x2];
	s22 =	sshrl.u32 s16, $0x3;
	s20 =	sadd.s32 s2, s9  }
0x14: {  	s4 =	sadd.s32 $0x12000, s4;
	s23 =	sadd.s32 s8, s22;
	s12 =	sshrl.u32 s20, $0x3  }
0x15: {  	s2 =	sadd.s32 s2, s4;
	[dreg:$0xb] =	wrdreg s23;
	s12 =	sadd.s32 s8, s12  }
0x16: {  	s2 =	sshrl.u32 s2, $0x3;
	[dreg:$0x9] =	wrdreg s12;
	s12 =	sadd.s32 s8, s21  }
0x17: {  	s2 =	sadd.s32 s8, s2;
	[dreg:$0xa] =	wrdreg s12;
	s12 =	sshrl.u32 s24, $0x3  }
0x18: {  	s26 =	sshrl.u32 s25, $0x3;
	[dreg:$0xe] =	wrdreg s2;
	s12 =	sadd.s32 s8, s12  }
0x19: {  	s31 =	smul.u32 $0x50000, s19;
	[dreg:$0xc] =	wrdreg s12;
	s12 =	sadd.s32 s8, s26  }
0x1a: {  	s30 =	sshll.u32 s7, $0x4;
	[dreg:$0xd] =	wrdreg s12;
	s12 =	simm.s32 $0x0  }
0x1b: {  	s6 =	smax.u32 s6, $0x1;
	s3 =	sadd.s32 s28, s30;
	[smem:$0x7FF] =	sst s12  }
0x1c: {  	s7 =	sadd.s32 $0x500, s3;
	_ =	strace $0x80000050;
	[dreg:$0x10] =	wrdreg s6  }
0x1d: {  	s0 =	smul.u32 $0x17700, s0;
	s8 =	sadd.s32 $0xA00, s3;
	[dreg:$0x11] =	wrdreg s7  }
0x1e: {  	s1 =	sadd.s32 s29, s28;
	s19 =	sadd.s32 $0xF00, s3;
	[dreg:$0x12] =	wrdreg s8  }
0x1f: {  	s0 =	sadd.s32 s0, s1;
	s20 =	sadd.s32 s5, s15;
	[dreg:$0x13] =	wrdreg s19  }
0x20: {  	s0 =	sadd.s32 $0x1E00, s0;
	s21 =	sadd.s32 s10, s15;
	[dreg:$0x14] =	wrdreg s20  }
0x21: {  	s25 =	sadd.s32 s14, s15;
	s22 =	sadd.s32 s11, s15;
	[dreg:$0x15] =	wrdreg s21  }
0x22: {  	s28 =	sadd.s32 s18, s15;
	s23 =	sadd.s32 s9, s15;
	[dreg:$0x16] =	wrdreg s22  }
0x23: {  	s18 =	simm.s32 $0x2;
	s24 =	sadd.s32 s13, s15;
	[dreg:$0x17] =	wrdreg s23  }
0x24: {  	s29 =	sadd.s32 s4, s15;
	s11 =	simm.s32 $0x15780;
	[dreg:$0x18] =	wrdreg s24  }
0x25: {  	s9 =	simm.s32 $0x7;
	s26 =	sadd.s32 s17, s15;
	[dreg:$0x19] =	wrdreg s25  }
0x26: {  	s2 =	sshrl.u32 s31, $0x2;
	s10 =	simm.s32 $0x14000;
	[dreg:$0x1a] =	wrdreg s26  }
0x27: {  	s16 =	sadd.s32 s2, s15;
	s13 =	simm.s32 $0x50;
	[dreg:$0x1b] =	wrdreg s28  }
0x28: {  	s30 =	sadd.s32 $0x2000, s16;
	s31 =	sadd.s32 $0x4000, s16;
	[dreg:$0x1c] =	wrdreg s29  }
0x29: {  	s1 =	sadd.s32 $0x6000, s16;
	s2 =	sadd.s32 $0x8000, s16;
	[dreg:$0x1d] =	wrdreg s0  }
0x2a: {  	s4 =	sadd.s32 $0xC000, s16;
	s5 =	sadd.s32 $0xE000, s16;
	[dreg:$0x1e] =	wrdreg s30  }
0x2b: {  	s3 =	sadd.s32 $0xA000, s16;
	s17 =	simm.s32 $0x17F80;
	[dreg:$0x1f] =	wrdreg s31  }
0x2c: {  	s6 =	sadd.s32 $0x10000, s16;
	s7 =	sadd.s32 $0x12000, s16;
	s8 =	simm.s32 $0x1CF80  }
0x2d: {  	s19 =	simm.s32 $0x1A780;
	s20 =	simm.s32 $0x3;
	s21 =	simm.s32 $0x4  }
0x2e: {  	v0 =	vimm.f32 $0.0e+00;
	s22 =	simm.s32 $0x5;
	s23 =	simm.s32 $0x6;
	s24 =	simm.s32 $0x0  }
.LBB2_1:
0x2f: {  	s25 =	simm.s32 $0x0;
	s26 =	simm.s32 $0x200  }
.LBB2_2:
0x30: {  	p0 =	sne.s32 s26, $0x7E00;
	[tilespmem:s25+$0x1CFF0] =	vst v0  }
0x31: {  	[tilespmem:s25+$0x1CF80] =	vst v0  }
0x32: {  	[tilespmem:s25+$0x1CF90] =	vst v0  }
.Ltmp0:
0x33: {  	[tilespmem:s25+$0x1CFA0] =	vst v0;
	(pc) =	sbr.rel @p0 .LBB2_2-.Ltmp0, $4  }
0x34: {  	[tilespmem:s25+$0x1CFB0] =	vst v0  }
0x35: {  	[tilespmem:s25+$0x1CFC0] =	vst v0  }
0x36: {  	[tilespmem:s25+$0x1CFD0] =	vst v0  }
0x37: {  	[tilespmem:s25+$0x1CFE0] =	vst v0;
	s25 =	sshra.s32 s26, $0x2;
	s26 =	sadd.s32 $0x200, s26  }
0x38: {  	[tilespmem:s25+$0x1CFF0] =	vst v0  }
0x39: {  	[tilespmem:s25+$0x1CF80] =	vst v0  }
0x3a: {  	[tilespmem:s25+$0x1CF90] =	vst v0  }
0x3b: {  	[tilespmem:s25+$0x1CFA0] =	vst v0  }
0x3c: {  	[tilespmem:s25+$0x1CFB0] =	vst v0  }
0x3d: {  	[tilespmem:s25+$0x1CFC0] =	vst v0  }
0x3e: {  	[tilespmem:s25+$0x1CFD0] =	vst v0  }
0x3f: {  	[tilespmem:s25+$0x1CFE0] =	vst v0  }
0x40: {  	[spmem:s16] =	stream.linear.scatter [tilespmem:s8], [sflag:$0x7], $0x2000, $0x38;
	[tilespmem:$0x1EF80] =	vst v63  }
0x41: {  	_ =	swait.ge [sflag:s9], $0x2000  }
0x42: {  	[sflag:s9] =	ssyncset.done $0x0  }
0x43: {  	s0 =	rddreg [dreg:$0x1e];
	[sflag:s9] =	ssyncadd.s32 $0xFFFFE000  }
0x44: {  	[spmem:s0] =	stream.linear.scatter [tilespmem:s8], [sflag:$0x7], $0x2000, $0x38;
	[tilespmem:$0x1EF80] =	vst v63  }
0x45: {  	_ =	swait.ge [sflag:s9], $0x2000  }
0x46: {  	[sflag:s9] =	ssyncset.done $0x0  }
0x47: {  	s26 =	rddreg [dreg:$0x1f];
	[sflag:s9] =	ssyncadd.s32 $0xFFFFE000  }
0x48: {  	[spmem:s26] =	stream.linear.scatter [tilespmem:s8], [sflag:$0x7], $0x2000, $0x38;
	[tilespmem:$0x1EF80] =	vst v63  }
0x49: {  	_ =	swait.ge [sflag:s9], $0x2000  }
0x4a: {  	[sflag:s9] =	ssyncset.done $0x0  }
0x4b: {  	[sflag:s9] =	ssyncadd.s32 $0xFFFFE000  }
0x4c: {  	[spmem:s1] =	stream.linear.scatter [tilespmem:s8], [sflag:$0x7], $0x2000, $0x38;
	[tilespmem:$0x1EF80] =	vst v63  }
0x4d: {  	_ =	swait.ge [sflag:s9], $0x2000  }
0x4e: {  	[sflag:s9] =	ssyncset.done $0x0  }
0x4f: {  	[sflag:s9] =	ssyncadd.s32 $0xFFFFE000  }
0x50: {  	[spmem:s2] =	stream.linear.scatter [tilespmem:s8], [sflag:$0x7], $0x2000, $0x38;
	[tilespmem:$0x1EF80] =	vst v63  }
0x51: {  	_ =	swait.ge [sflag:s9], $0x2000  }
0x52: {  	[sflag:s9] =	ssyncset.done $0x0  }
0x53: {  	[sflag:s9] =	ssyncadd.s32 $0xFFFFE000  }
0x54: {  	[spmem:s3] =	stream.linear.scatter [tilespmem:s8], [sflag:$0x7], $0x2000, $0x38;
	[tilespmem:$0x1EF80] =	vst v63  }
0x55: {  	_ =	swait.ge [sflag:s9], $0x2000  }
0x56: {  	[sflag:s9] =	ssyncset.done $0x0  }
0x57: {  	[sflag:s9] =	ssyncadd.s32 $0xFFFFE000  }
0x58: {  	[spmem:s4] =	stream.linear.scatter [tilespmem:s8], [sflag:$0x7], $0x2000, $0x38;
	[tilespmem:$0x1EF80] =	vst v63  }
0x59: {  	_ =	swait.ge [sflag:s9], $0x2000  }
0x5a: {  	[sflag:s9] =	ssyncset.done $0x0  }
0x5b: {  	[sflag:s9] =	ssyncadd.s32 $0xFFFFE000  }
0x5c: {  	[spmem:s5] =	stream.linear.scatter [tilespmem:s8], [sflag:$0x7], $0x2000, $0x38;
	[tilespmem:$0x1EF80] =	vst v63  }
0x5d: {  	_ =	swait.ge [sflag:s9], $0x2000  }
0x5e: {  	[sflag:s9] =	ssyncset.done $0x0  }
0x5f: {  	[sflag:s9] =	ssyncadd.s32 $0xFFFFE000  }
0x60: {  	[spmem:s6] =	stream.linear.scatter [tilespmem:s8], [sflag:$0x7], $0x2000, $0x38;
	[tilespmem:$0x1EF80] =	vst v63  }
0x61: {  	_ =	swait.ge [sflag:s9], $0x2000  }
0x62: {  	[sflag:s9] =	ssyncset.done $0x0  }
0x63: {  	[sflag:s9] =	ssyncadd.s32 $0xFFFFE000  }
0x64: {  	[spmem:s7] =	stream.linear.scatter [tilespmem:s8], [sflag:$0x7], $0x2000, $0x38;
	[tilespmem:$0x1EF80] =	vst v63  }
0x65: {  	_ =	swait.ge [sflag:s9], $0x2000  }
0x66: {  	[sflag:s9] =	ssyncset.done $0x0  }
0x67: {  	s25 =	simm.s32 $0x0;
	s28 =	rddreg [dreg:$0x4];
	[sflag:s9] =	ssyncadd.s32 $0xFFFFE000  }
0x68: {  	[tilespmem:s10], [sflag:$0x7] =	stream.linear.gather [hbm4b:s28+s25], $0x1770, $0x38;
	[tilespmem:$0x1EF80] =	vst v63  }
0x69: {  	_ =	swait.ge [sflag:s9], $0x1770  }
0x6a: {  	[sflag:s9] =	ssyncset.done $0x0  }
0x6b: {  	[sflag:s9] =	ssyncadd.s32 $0xFFFFE890  }
0x6c: {  	[bflag:$0x0] =	sbarrier.arrive $0xFFFF  }
0x6d: {  	s26 =	simm.s32 $0x1;
	s29 =	rddreg [dreg:$0xf]  }
0x6e: {  	[tilespmem:s11], [sflag:$0x1] =	stream.linear.gather [hbm4b:s29+s25], $0x2800, $0x38;
	[tilespmem:$0x1EF80] =	vst v63  }
0x6f: {  	_ =	swait.ge [sflag:s26], $0x2800  }
0x70: {  	[sflag:s26] =	ssyncset.done $0x0  }
0x71: {  	[sflag:s26] =	ssyncadd.s32 $0xFFFFD800  }
0x72: {  	[spmem:s15] =	stream.indirect.scatter.add.f32 [tilespmem:s11], [sflag:$0x4], $0x80, s10, s13, $0xb8;
	[tilespmem:$0x1EF80] =	vst v63  }
0x73: {  	s30 =	rddreg [dreg:$0x11]  }
0x74: {  	[tilespmem:s17], [sflag:$0x2] =	stream.linear.gather [hbm4b:s30+s25], $0x2800, $0x38;
	[tilespmem:$0x1EF80] =	vst v63  }
0x75: {  	_ =	swait.ge [sflag:s18], $0x2800  }
0x76: {  	[sflag:s18] =	ssyncset.done $0x0  }
0x77: {  	s14 =	simm.s32 $0x14050;
	[sflag:s18] =	ssyncadd.s32 $0xFFFFD800  }
0x78: {  	[spmem:s15] =	stream.indirect.scatter.add.f32 [tilespmem:s17], [sflag:$0x5], $0x80, s14, s13, $0xb8;
	[tilespmem:$0x1EF80] =	vst v63  }
0x79: {  	s28 =	rddreg [dreg:$0x12]  }
0x7a: {  	[tilespmem:s19], [sflag:$0x3] =	stream.linear.gather [hbm4b:s28+s25], $0x2800, $0x38;
	[tilespmem:$0x1EF80] =	vst v63  }
0x7b: {  	_ =	swait.ge [sflag:s20], $0x2800  }
0x7c: {  	[sflag:s20] =	ssyncset.done $0x0  }
0x7d: {  	s29 =	simm.s32 $0x140A0;
	[sflag:s20] =	ssyncadd.s32 $0xFFFFD800  }
0x7e: {  	[spmem:s15] =	stream.indirect.scatter.add.f32 [tilespmem:s19], [sflag:$0x6], $0x80, s29, s13, $0xb8;
	[tilespmem:$0x1EF80] =	vst v63  }
0x7f: {  	_ =	swait.ge [sflag:s21], $0x2800  }
0x80: {  	[sflag:s21] =	ssyncset.done $0x0;
	s30 =	rddreg [dreg:$0x13]  }
0x81: {  	s31 =	rddreg [dreg:$0x1d];
	[sflag:s21] =	ssyncadd.s32 $0xFFFFD800  }
0x82: {  	[tilespmem:s11], [sflag:$0x1] =	stream.linear.gather [hbm4b:s30+s25], $0x2800, $0x38;
	[tilespmem:$0x1EF80] =	vst v63  }
.LBB2_4:
0x83: {  	p0 =	seq.s32 s25, $0x5A00  }
0x84: {  	s29 =	simm.s32 @!p0 $0x1  }
0x85: {  	_ =	swait.ge @!p0 [sflag:s29], $0x2800  }
0x86: {  	[sflag:s29] =	ssyncset.done @!p0 $0x0  }
0x87: {  	[sflag:s29] =	ssyncadd.s32 @!p0 $0xFFFFD800;
	s29 =	sshra.s32 @!p0 s25, $0x2  }
0x88: {  	s14 =	simm.s32 @!p0 $0x50;
	s0 =	simm.s32 @!p0 $0x15780;
	s30 =	sadd.s32 @!p0 $0x140F0, s29  }
0x89: {  	[spmem:s15] =	stream.indirect.scatter.add.f32 @!p0 [tilespmem:s0], [sflag:$0x4], $0x80, s30, s14, $0xb8;
	[tilespmem:$0x1EF80] =	vst v63  }
0x8a: {  	s0 =	simm.s32 @!p0 $0x5  }
0x8b: {  	_ =	swait.ge @!p0 [sflag:s0], $0x2800  }
0x8c: {  	s28 =	simm.s32 @!p0 $0x17F80;
	[sflag:s0] =	ssyncset.done @!p0 $0x0  }
0x8d: {  	s30 =	simm.s32 @!p0 $0x0;
	[sflag:s0] =	ssyncadd.s32 @!p0 $0xFFFFD800;
	s0 =	sadd.s32 @!p0 $0xFFFFF600, s31  }
0x8e: {  	[tilespmem:s28], [sflag:$0x2] =	stream.linear.gather @!p0 [hbm4b:s0+s30], $0x2800, $0x38;
	[tilespmem:$0x1EF80] =	vst v63  }
0x8f: {  	s0 =	simm.s32 @!p0 $0x2  }
0x90: {  	_ =	swait.ge @!p0 [sflag:s0], $0x2800  }
0x91: {  	[sflag:s0] =	ssyncset.done @!p0 $0x0  }
0x92: {  	[sflag:s0] =	ssyncadd.s32 @!p0 $0xFFFFD800;
	s0 =	sadd.s32 @!p0 $0x14140, s29  }
0x93: {  	[spmem:s15] =	stream.indirect.scatter.add.f32 @!p0 [tilespmem:s28], [sflag:$0x5], $0x80, s0, s14, $0xb8;
	[tilespmem:$0x1EF80] =	vst v63  }
0x94: {  	s0 =	simm.s32 @!p0 $0x6  }
0x95: {  	_ =	swait.ge @!p0 [sflag:s0], $0x2800  }
0x96: {  	[sflag:s0] =	ssyncset.done @!p0 $0x0  }
0x97: {  	s28 =	simm.s32 @!p0 $0x1A780;
	[sflag:s0] =	ssyncadd.s32 @!p0 $0xFFFFD800;
	s0 =	sadd.s32 @!p0 $0xFFFFFB00, s31  }
0x98: {  	[tilespmem:s28], [sflag:$0x3] =	stream.linear.gather @!p0 [hbm4b:s0+s30], $0x2800, $0x38;
	[tilespmem:$0x1EF80] =	vst v63  }
0x99: {  	s0 =	simm.s32 @!p0 $0x3  }
0x9a: {  	_ =	swait.ge @!p0 [sflag:s0], $0x2800  }
0x9b: {  	p1 =	sgt.u32 @!p0 s26, $0x17;
	[sflag:s0] =	ssyncset.done @!p0 $0x0  }
0x9c: {  	p1 =	por p1, p0;
	[sflag:s0] =	ssyncadd.s32 @!p0 $0xFFFFD800;
	s0 =	sadd.s32 @!p0 $0x14190, s29  }
0x9d: {  	[spmem:s15] =	stream.indirect.scatter.add.f32 @!p0 [tilespmem:s28], [sflag:$0x6], $0x80, s0, s14, $0xb8;
	[tilespmem:$0x1EF80] =	vst v63  }
0x9e: {  	s0 =	simm.s32 @!p1 $0x4  }
0x9f: {  	_ =	swait.ge @!p1 [sflag:s0], $0x2800  }
0xa0: {  	s25 =	sadd.s32 @!p0 $0x3C0, s25;
	[sflag:s0] =	ssyncset.done @!p1 $0x0  }
0xa1: {  	s14 =	simm.s32 @!p1 $0x15780;
	[sflag:s0] =	ssyncadd.s32 @!p1 $0xFFFFD800;
	s0 =	simm.s32 @!p1 $0x0  }
0xa2: {  	[tilespmem:s14], [sflag:$0x1] =	stream.linear.gather @!p1 [hbm4b:s31+s0], $0x2800, $0x38;
	[tilespmem:$0x1EF80] =	vst v63  }
0xa3: {  	p1 =	sne.s32 @!p0 s25, $0x5DC0  }
0xa4: {  	p1 =	por p0, !p1  }
.Ltmp1:
0xa5: {  	_ = 	snop;
	(pc) =	sbr.rel @!p1 .LBB2_4-.Ltmp1, $2  }
0xa6: {  	_ =	sdelay $0x2  }
0xa7: {  	s26 =	sadd.s32 @!p0 $0x1, s26;
	s31 =	sadd.s32 @!p0 $0xF00, s31  }
0xa8: {  	_ =	swait.ge [sflag:s21], $0x2800  }
0xa9: {  	[sflag:s21] =	ssyncset.done $0x0  }
0xaa: {  	[sflag:s21] =	ssyncadd.s32 $0xFFFFD800  }
0xab: {  	_ =	swait.ge [sflag:s22], $0x2800  }
0xac: {  	[sflag:s22] =	ssyncset.done $0x0  }
0xad: {  	[sflag:s22] =	ssyncadd.s32 $0xFFFFD800  }
0xae: {  	_ =	swait.ge [sflag:s23], $0x2800  }
0xaf: {  	[sflag:s23] =	ssyncset.done $0x0  }
0xb0: {  	[sflag:s23] =	ssyncadd.s32 $0xFFFFD800  }
0xb1: {  	[bflag:$0x0] =	sbarrier.arrive $0xFFFF  }
0xb2: {  	[tilespmem:s8], [sflag:$0x7] =	stream.linear.gather [spmem:s16], $0x2000, $0x38;
	[tilespmem:$0x1EF80] =	vst v63  }
0xb3: {  	_ =	swait.ge [sflag:s9], $0x2000  }
0xb4: {  	[sflag:s9] =	ssyncset.done $0x0  }
0xb5: {  	s0 =	rddreg [dreg:$0x5];
	[sflag:s9] =	ssyncadd.s32 $0xFFFFE000  }
0xb6: {  	[hbm4b:s0+s12] =	stream.linear.scatter [tilespmem:s8], [sflag:$0x7], $0x2000, $0x38;
	[tilespmem:$0x1EF80] =	vst v63  }
0xb7: {  	_ =	swait.ge [sflag:s9], $0x2000  }
0xb8: {  	[sflag:s9] =	ssyncset.done $0x0  }
0xb9: {  	s26 =	rddreg [dreg:$0x14];
	[sflag:s9] =	ssyncadd.s32 $0xFFFFE000  }
0xba: {  	[tilespmem:s8], [sflag:$0x7] =	stream.linear.gather [spmem:s26], $0x2000, $0x38;
	[tilespmem:$0x1EF80] =	vst v63  }
0xbb: {  	_ =	swait.ge [sflag:s9], $0x2000  }
0xbc: {  	[sflag:s9] =	ssyncset.done $0x0  }
0xbd: {  	s28 =	rddreg [dreg:$0x6];
	[sflag:s9] =	ssyncadd.s32 $0xFFFFE000  }
0xbe: {  	[hbm4b:s28+s12] =	stream.linear.scatter [tilespmem:s8], [sflag:$0x7], $0x2000, $0x38;
	[tilespmem:$0x1EF80] =	vst v63  }
0xbf: {  	_ =	swait.ge [sflag:s9], $0x2000  }
0xc0: {  	[sflag:s9] =	ssyncset.done $0x0  }
0xc1: {  	s29 =	rddreg [dreg:$0x15];
	[sflag:s9] =	ssyncadd.s32 $0xFFFFE000  }
0xc2: {  	[tilespmem:s8], [sflag:$0x7] =	stream.linear.gather [spmem:s29], $0x2000, $0x38;
	[tilespmem:$0x1EF80] =	vst v63  }
0xc3: {  	_ =	swait.ge [sflag:s9], $0x2000  }
0xc4: {  	[sflag:s9] =	ssyncset.done $0x0  }
0xc5: {  	s30 =	rddreg [dreg:$0x7];
	[sflag:s9] =	ssyncadd.s32 $0xFFFFE000  }
0xc6: {  	[hbm4b:s30+s12] =	stream.linear.scatter [tilespmem:s8], [sflag:$0x7], $0x2000, $0x38;
	[tilespmem:$0x1EF80] =	vst v63  }
0xc7: {  	_ =	swait.ge [sflag:s9], $0x2000  }
0xc8: {  	[sflag:s9] =	ssyncset.done $0x0  }
0xc9: {  	s31 =	rddreg [dreg:$0x16];
	[sflag:s9] =	ssyncadd.s32 $0xFFFFE000  }
0xca: {  	[tilespmem:s8], [sflag:$0x7] =	stream.linear.gather [spmem:s31], $0x2000, $0x38;
	[tilespmem:$0x1EF80] =	vst v63  }
0xcb: {  	_ =	swait.ge [sflag:s9], $0x2000  }
0xcc: {  	[sflag:s9] =	ssyncset.done $0x0  }
0xcd: {  	s14 =	rddreg [dreg:$0x8];
	[sflag:s9] =	ssyncadd.s32 $0xFFFFE000  }
0xce: {  	[hbm4b:s14+s12] =	stream.linear.scatter [tilespmem:s8], [sflag:$0x7], $0x2000, $0x38;
	[tilespmem:$0x1EF80] =	vst v63  }
0xcf: {  	_ =	swait.ge [sflag:s9], $0x2000  }
0xd0: {  	[sflag:s9] =	ssyncset.done $0x0  }
0xd1: {  	s25 =	rddreg [dreg:$0x17];
	[sflag:s9] =	ssyncadd.s32 $0xFFFFE000  }
0xd2: {  	[tilespmem:s8], [sflag:$0x7] =	stream.linear.gather [spmem:s25], $0x2000, $0x38;
	[tilespmem:$0x1EF80] =	vst v63  }
0xd3: {  	_ =	swait.ge [sflag:s9], $0x2000  }
0xd4: {  	[sflag:s9] =	ssyncset.done $0x0  }
0xd5: {  	s26 =	rddreg [dreg:$0x9];
	[sflag:s9] =	ssyncadd.s32 $0xFFFFE000  }
0xd6: {  	[hbm4b:s26+s12] =	stream.linear.scatter [tilespmem:s8], [sflag:$0x7], $0x2000, $0x38;
	[tilespmem:$0x1EF80] =	vst v63  }
0xd7: {  	_ =	swait.ge [sflag:s9], $0x2000  }
0xd8: {  	[sflag:s9] =	ssyncset.done $0x0  }
0xd9: {  	s28 =	rddreg [dreg:$0x18];
	[sflag:s9] =	ssyncadd.s32 $0xFFFFE000  }
0xda: {  	[tilespmem:s8], [sflag:$0x7] =	stream.linear.gather [spmem:s28], $0x2000, $0x38;
	[tilespmem:$0x1EF80] =	vst v63  }
0xdb: {  	_ =	swait.ge [sflag:s9], $0x2000  }
0xdc: {  	[sflag:s9] =	ssyncset.done $0x0  }
0xdd: {  	s29 =	rddreg [dreg:$0xa];
	[sflag:s9] =	ssyncadd.s32 $0xFFFFE000  }
0xde: {  	[hbm4b:s29+s12] =	stream.linear.scatter [tilespmem:s8], [sflag:$0x7], $0x2000, $0x38;
	[tilespmem:$0x1EF80] =	vst v63  }
0xdf: {  	_ =	swait.ge [sflag:s9], $0x2000  }
0xe0: {  	[sflag:s9] =	ssyncset.done $0x0  }
0xe1: {  	s30 =	rddreg [dreg:$0x19];
	[sflag:s9] =	ssyncadd.s32 $0xFFFFE000  }
0xe2: {  	[tilespmem:s8], [sflag:$0x7] =	stream.linear.gather [spmem:s30], $0x2000, $0x38;
	[tilespmem:$0x1EF80] =	vst v63  }
0xe3: {  	_ =	swait.ge [sflag:s9], $0x2000  }
0xe4: {  	[sflag:s9] =	ssyncset.done $0x0  }
0xe5: {  	s31 =	rddreg [dreg:$0xb];
	[sflag:s9] =	ssyncadd.s32 $0xFFFFE000  }
0xe6: {  	[hbm4b:s31+s12] =	stream.linear.scatter [tilespmem:s8], [sflag:$0x7], $0x2000, $0x38;
	[tilespmem:$0x1EF80] =	vst v63  }
0xe7: {  	_ =	swait.ge [sflag:s9], $0x2000  }
0xe8: {  	[sflag:s9] =	ssyncset.done $0x0  }
0xe9: {  	s14 =	rddreg [dreg:$0x1a];
	[sflag:s9] =	ssyncadd.s32 $0xFFFFE000  }
0xea: {  	[tilespmem:s8], [sflag:$0x7] =	stream.linear.gather [spmem:s14], $0x2000, $0x38;
	[tilespmem:$0x1EF80] =	vst v63  }
0xeb: {  	_ =	swait.ge [sflag:s9], $0x2000  }
0xec: {  	[sflag:s9] =	ssyncset.done $0x0  }
0xed: {  	s25 =	rddreg [dreg:$0xc];
	[sflag:s9] =	ssyncadd.s32 $0xFFFFE000  }
0xee: {  	[hbm4b:s25+s12] =	stream.linear.scatter [tilespmem:s8], [sflag:$0x7], $0x2000, $0x38;
	[tilespmem:$0x1EF80] =	vst v63  }
0xef: {  	_ =	swait.ge [sflag:s9], $0x2000  }
0xf0: {  	[sflag:s9] =	ssyncset.done $0x0  }
0xf1: {  	s26 =	rddreg [dreg:$0x1b];
	[sflag:s9] =	ssyncadd.s32 $0xFFFFE000  }
0xf2: {  	[tilespmem:s8], [sflag:$0x7] =	stream.linear.gather [spmem:s26], $0x2000, $0x38;
	[tilespmem:$0x1EF80] =	vst v63  }
0xf3: {  	_ =	swait.ge [sflag:s9], $0x2000  }
0xf4: {  	[sflag:s9] =	ssyncset.done $0x0  }
0xf5: {  	s28 =	rddreg [dreg:$0xd];
	[sflag:s9] =	ssyncadd.s32 $0xFFFFE000  }
0xf6: {  	[hbm4b:s28+s12] =	stream.linear.scatter [tilespmem:s8], [sflag:$0x7], $0x2000, $0x38;
	[tilespmem:$0x1EF80] =	vst v63  }
0xf7: {  	_ =	swait.ge [sflag:s9], $0x2000  }
0xf8: {  	[sflag:s9] =	ssyncset.done $0x0  }
0xf9: {  	s29 =	rddreg [dreg:$0x1c];
	[sflag:s9] =	ssyncadd.s32 $0xFFFFE000  }
0xfa: {  	[tilespmem:s8], [sflag:$0x7] =	stream.linear.gather [spmem:s29], $0x2000, $0x38;
	[tilespmem:$0x1EF80] =	vst v63  }
0xfb: {  	_ =	swait.ge [sflag:s9], $0x2000  }
0xfc: {  	[sflag:s9] =	ssyncset.done $0x0  }
0xfd: {  	s30 =	rddreg [dreg:$0xe];
	[sflag:s9] =	ssyncadd.s32 $0xFFFFE000  }
0xfe: {  	[hbm4b:s30+s12] =	stream.linear.scatter [tilespmem:s8], [sflag:$0x7], $0x2000, $0x38;
	[tilespmem:$0x1EF80] =	vst v63  }
0xff: {  	_ =	swait.ge [sflag:s9], $0x2000  }
0x100: {  	s24 =	sadd.s32 $0x1, s24;
	s31 =	rddreg [dreg:$0x10]  }
0x101: {  	p0 =	sne.s32 s24, s31  }
.Ltmp2:
0x102: {  	_ = 	snop;
	(pc) =	sbr.rel @p0 .LBB2_1-.Ltmp2, $3  }
0x103: {  	_ =	sdelay $0x1  }
0x104: {  	[sflag:s9] =	ssyncset.done $0x0  }
0x105: {  	[sflag:s9] =	ssyncadd.s32 $0xFFFFE000  }
0x106: {  	_ =	sfence.sel $0x180000  }
0x107: {  	[bflag:$0x0] =	sbarrier.arrive $0xFFFF  }
0x108: {  	_ =	strace $0x90000050  }
0x109: {  	s0 =	stileid.u32;
	[bflag:$0x2] =	sbarrier.arrive $0xFFFF  }
0x10a: {  	p0 =	sne.s32 s0, $0x0;
	s0 =	rddreg [dreg:$0x3]  }
0x10b: {  	s0 =	sadd.s32 @!p0 $0x100000, s0  }
0x10c: {  	[sflag:s0] =	ssyncadd.tile.s32 @!p0 $0x1;
	_ =	shalt  }
.Lfunc_end2:
_tile_overlayer_lowered:
.L_overlay_start_2:
0x10d: {  	(tag) =	ssettag $0x2  }
0x10e: {  	s0 =	rddreg [dreg:$0x0];
	s2 =	stileid.u32  }
0x10f: {  	s1 =	rddreg [dreg:$0x1];
	p0 =	sne.s32 s2, $0x0  }
0x110: {  	s3 =	rddreg [dreg:$0x2];
	[bflag:$0x3] =	sbarrier.arrive $0xFFFF;
	s2 =	simm.s32 @!p0 $0x1C07  }
0x111: {  	[timem:s3], [sflag:s2] =	dma.local @!p0 [hbm:s0], s1  }
0x112: {  	s0 =	simm.s32 @!p0 $0x7  }
0x113: {  	_ =	swait.ge @!p0 [sflag:s0], s1  }
0x114: {  	s1 =	ssub.s32 @!p0 $0x0, s1;
	[sflag:s0] =	ssyncset.done @!p0 $0x0  }
0x115: {  	[sflag:s0] =	ssyncadd.s32 @!p0 s1  }
0x116: {  	[bflag:$0x3] =	sbarrier.arrive $0xFFFF  }
0x117: {  	_ =	shalt  }

// kernel: kernel.18.cloned.1.call-start
scs
__scs_entry_jumppad:
0x0: {  	(pc) =	sbr.rel $0x88, $3  }
0x1: {  	(tag) =	ssettag $0x0;
	lr =	simm.s32 $0x1  }
0x2: {  	[smem:$0x3F92] =	sst lr;
	_ =	strace $0xD0000000  }
0x3: {  	_ = 	snop  }
0x4: {  	_ = 	snop  }
0x5: {  	_ = 	snop  }
0x6: {  	_ = 	snop  }
0x7: {  	_ = 	snop  }
__scs_overlays_trampoline_lowered:
0x8: {  	[smem:$0x3FA1] =	sst s0  }
0x9: {  	[smem:$0x3FA2] =	sst s1  }
0xa: {  	[smem:$0x3FA3] =	sst s2  }
0xb: {  	[smem:$0x3FA4] =	sst s3  }
0xc: {  	[smem:$0x3FA5] =	sst s4  }
0xd: {  	[smem:$0x3FA6] =	sst s5  }
0xe: {  	[smem:$0x3FA7] =	sst s6  }
0xf: {  	[smem:$0x3FA8] =	sst s7  }
0x10: {  	[smem:$0x3FA9] =	sst s8  }
0x11: {  	[smem:$0x3FAA] =	sst s9;
	s0 =	simm.s32 @!p0 $0x0  }
0x12: {  	s1 =	sld [smem:$0x3F90];
	s0 =	simm.s32 @p0 $0x1  }
0x13: {  	[smem:$0x3FAB] =	sst s0;
	s0 =	simm.s32 @!p1 $0x0  }
0x14: {  	s2 =	sld [smem:$0x3F8F];
	s0 =	simm.s32 @p1 $0x1  }
0x15: {  	[smem:$0x3FAC] =	sst s0;
	s0 =	simm.s32 @!p2 $0x0  }
0x16: {  	s3 =	sld [smem:$0x3FDB];
	s0 =	simm.s32 @p2 $0x1  }
0x17: {  	s4 =	simm.s32 $0x1BF5;
	[smem:$0x3FAE] =	sst s0  }
0x18: {  	s0 =	sld [smem:$0x3F91];
	_ =	swait.ge [sflag:s4], $0x0  }
0x19: {  	s7 =	sld [smem:$0x3F92]  }
0x1a: {  	s8 =	sadd.s32 $0xFFFFE003, lr  }
0x1b: {  	s9 =	sadd.s32 $0xFFFFFEF7, lr;
	s5 =	simm.s32 $0xFFFFFFFF;
	p2 =	slt.u32 s8, $0xFFFFF086  }
0x1c: {  	p1 =	slt.u32 s9, $0xF7A;
	s5 =	simm.s32 @!p2 $0x0  }
0x1d: {  	s5 =	simm.s32 @p1 $0x1;
	p0 =	seq.s32 s7, s2  }
0x1e: {  	s7 =	smul.u32 @!p0 $0xF7A, s2;
	p2 =	seq.s32 @!p0 s5, $0x0  }
0x1f: {  	s9 =	smul.u32 $0xF7A, s1;
	s8 =	simm.s32 @!p0 $0x1BF5;
	p2 =	por !p2, p0  }
0x20: {  	[sflag:s8] =	ssyncset.s32 @!p0 $0xFFFFF086;
	s6 =	sadd.s32 @!p0 s3, s7;
	s7 =	simm.s32 @!p0 $0x108  }
0x21: {  	s3 =	sadd.s32 s3, s9;
	s6 =	sadd.s32 @!p0 $0x88, s6;
	s7 =	simm.s32 @p2 $0x1082  }
0x22: {  	[simem:s7], [sflag:s8] =	dma.local @!p0 [hbm:s6], $0xF7A  }
0x23: {  	s9 =	sor.u32 $0xD0000000, s2;
	s6 =	simm.s32 $0x108;
	_ =	swait.ge @!p0 [sflag:s8], $0x0  }
0x24: {  	s3 =	sadd.s32 $0x88, s3;
	s6 =	simm.s32 @!p1 $0x1082;
	[sflag:s4] =	ssyncset.s32 $0xFFFFF086  }
0x25: {  	[simem:s6], [sflag:s4] =	dma.local [hbm:s3], $0xF7A  }
0x26: {  	[smem:$0x3F92] =	sst s1;
	(tag) =	ssettag s2;
	_ =	strace s9  }
0x27: {  	s1 =	sld [smem:$0x3FA2]  }
0x28: {  	s2 =	sld [smem:$0x3FA3]  }
0x29: {  	s4 =	sld [smem:$0x3FA5]  }
0x2a: {  	p0 =	seq.s32 s5, $0x0;
	s5 =	sld [smem:$0x3FA6]  }
0x2b: {  	s6 =	sld [smem:$0x3FA7]  }
0x2c: {  	s7 =	sld [smem:$0x3FA8]  }
0x2d: {  	s3 =	simm.s32 $0x108;
	s8 =	sld [smem:$0x3FA9]  }
0x2e: {  	s3 =	simm.s32 @!p0 $0x1082;
	s9 =	sld [smem:$0x3FAA]  }
0x2f: {  	lr =	sadd.s32 s0, s3;
	s0 =	sld [smem:$0x3FA1]  }
0x30: {  	s3 =	sld [smem:$0x3FA4]  }
0x31: {  	[smem:$0x3FAD] =	sst s10  }
0x32: {  	s10 =	sld [smem:$0x3FAB];
	_ =	sdelay $0x3  }
0x33: {  	p0 =	seq.s32 s10, $0x1;
	s10 =	sld [smem:$0x3FAD];
	_ =	sdelay $0x3  }
0x34: {  	[smem:$0x3FAD] =	sst s10  }
0x35: {  	s10 =	sld [smem:$0x3FAC];
	_ =	sdelay $0x3  }
0x36: {  	p1 =	seq.s32 s10, $0x1;
	s10 =	sld [smem:$0x3FAD];
	_ =	sdelay $0x3  }
0x37: {  	[smem:$0x3FAD] =	sst s10  }
0x38: {  	s10 =	sld [smem:$0x3FAE]  }
0x39: {  	_ = 	snop;
	(pc) =	sbr.ind lr, $3  }
0x3a: {  	_ = 	snop  }
0x3b: {  	_ = 	snop  }
0x3c: {  	p2 =	seq.s32 s10, $0x1;
	s10 =	sld [smem:$0x3FAD]  }
0x3d: {  	_ =	shalt  }
0x3e: {  	_ =	shalt  }
0x3f: {  	_ =	shalt  }
0x40: {  	_ =	shalt  }
0x41: {  	_ =	shalt  }
0x42: {  	_ =	shalt  }
0x43: {  	_ =	shalt  }
0x44: {  	_ =	shalt  }
0x45: {  	_ =	shalt  }
0x46: {  	_ =	shalt  }
0x47: {  	_ =	shalt  }
0x48: {  	_ =	shalt  }
0x49: {  	_ =	shalt  }
0x4a: {  	_ =	shalt  }
0x4b: {  	_ =	shalt  }
0x4c: {  	_ =	shalt  }
0x4d: {  	_ =	shalt  }
0x4e: {  	_ =	shalt  }
0x4f: {  	_ =	shalt  }
0x50: {  	_ =	shalt  }
0x51: {  	_ =	shalt  }
0x52: {  	_ =	shalt  }
0x53: {  	_ =	shalt  }
0x54: {  	_ =	shalt  }
0x55: {  	_ =	shalt  }
0x56: {  	_ =	shalt  }
0x57: {  	_ =	shalt  }
0x58: {  	_ =	shalt  }
0x59: {  	_ =	shalt  }
0x5a: {  	_ =	shalt  }
0x5b: {  	_ =	shalt  }
0x5c: {  	_ =	shalt  }
0x5d: {  	_ =	shalt  }
0x5e: {  	_ =	shalt  }
0x5f: {  	_ =	shalt  }
0x60: {  	_ =	shalt  }
0x61: {  	_ =	shalt  }
0x62: {  	_ =	shalt  }
0x63: {  	_ =	shalt  }
0x64: {  	_ =	shalt  }
0x65: {  	_ =	shalt  }
0x66: {  	_ =	shalt  }
0x67: {  	_ =	shalt  }
0x68: {  	_ =	shalt  }
0x69: {  	_ =	shalt  }
0x6a: {  	_ =	shalt  }
0x6b: {  	_ =	shalt  }
0x6c: {  	_ =	shalt  }
0x6d: {  	_ =	shalt  }
0x6e: {  	_ =	shalt  }
0x6f: {  	_ =	shalt  }
0x70: {  	_ =	shalt  }
0x71: {  	_ =	shalt  }
0x72: {  	_ =	shalt  }
0x73: {  	_ =	shalt  }
0x74: {  	_ =	shalt  }
0x75: {  	_ =	shalt  }
0x76: {  	_ =	shalt  }
0x77: {  	_ =	shalt  }
0x78: {  	_ =	shalt  }
0x79: {  	_ =	shalt  }
0x7a: {  	_ =	shalt  }
0x7b: {  	_ =	shalt  }
0x7c: {  	_ =	shalt  }
0x7d: {  	_ =	shalt  }
0x7e: {  	_ =	shalt  }
0x7f: {  	_ =	shalt  }
0x80: {  	_ =	shalt  }
0x81: {  	_ =	shalt  }
0x82: {  	_ =	shalt  }
0x83: {  	_ =	shalt  }
0x84: {  	_ =	shalt  }
0x85: {  	_ =	shalt  }
0x86: {  	_ =	shalt  }
0x87: {  	_ =	shalt  }
.Lfunc_end0:
.L_simem_size_0:
called_computation.2_lowered:
.L_overlay_start_0:
0x88: {  	s2 =	sld [smem:$0x3FD9]  }
0x89: {  	s3 =	sld [smem:$0x3FFE];
	_ =	sdelay $0x1  }
0x8a: {  	s1 =	srdreg.scid  }
0x8b: {  	s0 =	sand.u32 $0x1, s1  }
0x8c: {  	s17 =	sshll.u32 s0, $0xA;
	s2 =	sadd.s32 s3, s2  }
0x8d: {  	s2 =	sadd.s32 s2, s17  }
0x8e: {  	[smem:$0x3FB9] =	sst s2  }
0x8f: {  	_ = 	snop  }
0x90: {  	s2 =	sld [smem:$0x3FC8]  }
0x91: {  	s18 =	sld [smem:$0x3FC7]  }
0x92: {  	s4 =	sld [smem:$0x3FD0];
	(tm) =	ssettm $0x1  }
0x93: {  	s5 =	sld [smem:$0x3FFB];
	_ =	sdelay $0x3  }
0x94: {  	_ =	strace s5  }
0x95: {  	s5 =	sld [smem:$0x3FFC];
	_ =	sdelay $0x3  }
0x96: {  	_ =	strace s5  }
0x97: {  	s5 =	sld [smem:$0x3FFD];
	_ =	sdelay $0x3  }
0x98: {  	_ =	strace s5  }
0x99: {  	_ =	strace $0x8FFFFFFF  }
0x9a: {  	s19 =	sld [smem:$0x3FDB];
	_ =	sdelay $0x1  }
0x9b: {  	s6 =	simm.s32 $_scs_section_size  }
0x9c: {  	s7 =	simm.s32 $_size__tile_overlayer_lowered;
	s8 =	simm.s32 $_tile_overlayer_lowered  }
0x9d: {  	s22 =	simm.s32 $0x1BFF;
	s21 =	sshll.u32 s8, $0x1;
	s5 =	sadd.s32 s6, s19  }
0x9e: {  	s9 =	simm.s32 $0x0;
	s20 =	sshll.u32 s7, $0x1;
	s7 =	sadd.s32 s21, s5  }
0x9f: {  	[timem:s9], [sflag:s22] =	dma.local [hbm:s7], s20  }
0xa0: {  	_ =	swait.ge [sflag:s22], s20  }
0xa1: {  	s6 =	ssub.s32 $0x0, s20;
	[sflag:s22] =	ssyncset.done $0x0  }
0xa2: {  	[sflag:s22] =	ssyncadd.s32 s6;
	_ =	sdelay $0x1  }
0xa3: {  	s23 =	simm.s32 $0x1B8B  }
0xa4: {  	_ =	swait.ge [sflag:s23], $0x1  }
0xa5: {  	[sflag:s23] =	ssyncset.done $0x0  }
0xa6: {  	s25 =	simm.s32 $0x1B8E;
	s24 =	sld [smem:$0x3FFE];
	[sflag:s23] =	ssyncadd.s32 $0xFFFFFFFF  }
0xa7: {  	s26 =	simm.s32 $execute0_lowered;
	[smem:$0x3FD2] =	sst s25  }
0xa8: {  	s7 =	sshll.u32 s26, $0x1;
	_ =	strace $0x80000046;
	[dreg:$0x1] =	wrdreg $0xFFFFFFFF  }
0xa9: {  	s28 =	simm.s32 $_size_execute0_lowered;
	s5 =	sadd.s32 s5, s7;
	[dreg:$0x0] =	wrdreg $0x0  }
0xaa: {  	s7 =	sshll.u32 s28, $0x1;
	[dreg:$0x2] =	wrdreg s5  }
0xab: {  	[dreg:$0x3] =	wrdreg s7  }
0xac: {  	[dreg:$0x4] =	wrdreg $0xC0  }
0xad: {  	_ =	task [dreg:s9], $0x5FFFF  }
0xae: {  	[dreg:$0x1] =	wrdreg $0xFFFFFFFF  }
0xaf: {  	[dreg:$0x0] =	wrdreg $0x60  }
0xb0: {  	[dreg:$0x2] =	wrdreg s4  }
0xb1: {  	[dreg:$0x3] =	wrdreg s24  }
0xb2: {  	[dreg:$0x4] =	wrdreg s18  }
0xb3: {  	[dreg:$0x5] =	wrdreg s2  }
0xb4: {  	[dreg:$0x6] =	wrdreg $0xA  }
0xb5: {  	_ =	task.clear_ibuf [dreg:s9], $0x7FFFF;
	_ =	strace $0x90000046  }
0xb6: {  	s29 =	simm.s32 $0xA;
	_ =	strace $0x80000048  }
0xb7: {  	_ =	swait.ge [sflag:s29], $0x1  }
0xb8: {  	[sflag:s29] =	ssyncadd.s32 $0xFFFFFFFF  }
0xb9: {  	_ =	strace $0x90000048  }
0xba: {  	_ =	sfence  }
0xbb: {  	s30 =	sld [smem:$0x0];
	_ =	sdelay $0x2  }
0xbc: {  	s31 =	sshll.u32 s1, $0xD;
	s1 =	sshrl.u32 s1, $0x2  }
0xbd: {  	s3 =	sand.u32 $0x4000, s31;
	s1 =	sadd.s32 s1, s30  }
0xbe: {  	s0 =	sor.u32 s3, s0;
	s1 =	sshll.u32 s1, $0x11  }
0xbf: {  	s0 =	sor.u32 s1, s0  }
0xc0: {  	s0 =	sadd.s32 $0x8F2B, s0  }
0xc1: {  	[sflag:s0] =	ssyncadd.remote.s32 $0x1  }
0xc2: {  	_ =	sfence.sel $0xFFFF  }
0xc3: {  	[dreg:$0x0] =	wrdreg $0xFFFFFFFF;
	(pc) =	sbr.abs _section_cstart, $3  }
0xc4: {  	[dreg:$0x1] =	wrdreg $0xFFFFFFFF  }
0xc5: {  	_ =	task.clear_ibuf [dreg:s9], $0x2FFFF;
	_ =	strace $0x9FFFFFFF  }
0xc6: {  	(tm) =	ssettm $0x7FFFFFFF  }
0xc7: {  	_ =	shalt  }
tec
execute0_lowered:
.L_overlay_start_1:
0x0: {  	(tag) =	ssettag $0x1  }
0x1: {  	s1 =	rddreg [dreg:$0x0]  }
0x2: {  	s0 =	rddreg [dreg:$0x1]  }
0x3: {  	s2 =	rddreg [dreg:$0x2]  }
0x4: {  	s3 =	srdreg.scid;
	s4 =	stileid.u32  }
0x5: {  	s7 =	rddreg [dreg:$0x3];
	s12 =	simm.s32 $0xA;
	s14 =	simm.s32 $0x50  }
0x6: {  	s17 =	simm.s32 $0x4800;
	s19 =	simm.s32 $0xC000;
	s20 =	simm.s32 $0x9  }
0x7: {  	s21 =	simm.s32 $0x7;
	s22 =	simm.s32 $0x8;
	s23 =	simm.s32 $0x1  }
0x8: {  	s24 =	simm.s32 $0x4;
	s25 =	simm.s32 $0x11000;
	s28 =	simm.s32 $0x5  }
0x9: {  	s29 =	simm.s32 $0x13800;
	s30 =	simm.s32 $0x3;
	s31 =	simm.s32 $0x6  }
0xa: {  	s6 =	sand.u32 $0x1, s3;
	s4 =	sshll.u32 s4, $0x1;
	s3 =	simm.s32 $0x0  }
0xb: {  	s5 =	sadd.s32 $0x4000, s0;
	s4 =	sor.u32 s6, s4;
	[smem:$0x7FF] =	sst s3  }
0xc: {  	s8 =	ssub.s32 $0x2, s6;
	s6 =	sadd.s32 $0x2B200, s0;
	s4 =	smul.u32 $0xFA0, s4  }
.Ltmp0:
0xd: {  	_ =	strace $0x80000047;
	s26 =	sshrl.u32 s8, $0x1;
	(pc) =	sbr.rel .LBB2_1-.Ltmp0, $4  }
0xe: {  	s0 =	ssub.s32 s8, s26;
	s26 =	simm.s32 $0x2;
	s9 =	sshrl.u32 s4, $0x3  }
0xf: {  	s10 =	sadd.s32 $0xA0, s4;
	s11 =	smax.u32 s0, $0x1;
	s9 =	sadd.s32 $0x5DC0, s9  }
0x10: {  	s0 =	simm.s32 $0x0;
	s2 =	sadd.s32 s2, s9;
	s8 =	sadd.s32 s7, s9  }
0x11: {  	s9 =	sadd.s32 $0x50, s4;
	[dreg:$0x5] =	wrdreg s2;
	s2 =	simm.s32 $0x16000  }
.LBB2_12:
0x12: {  	_ =	swait.ge [sflag:s20], $0x2800  }
0x13: {  	[sflag:s20] =	ssyncset.done $0x0  }
0x14: {  	s0 =	sadd.s32 $0x1, s0;
	[sflag:s20] =	ssyncadd.s32 $0xFFFFD800  }
0x15: {  	p0 =	sne.s32 s0, s11;
	_ =	swait.ge [sflag:s21], $0x2800  }
.Ltmp1:
0x16: {  	[sflag:s21] =	ssyncset.done $0x0;
	(pc) =	sbr.rel @!p0 .LBB2_13-.Ltmp1, $4  }
0x17: {  	[sflag:s21] =	ssyncadd.s32 $0xFFFFD800  }
0x18: {  	_ =	swait.ge [sflag:s22], $0x2800  }
0x19: {  	[sflag:s22] =	ssyncset.done $0x0  }
0x1a: {  	[sflag:s22] =	ssyncadd.s32 $0xFFFFD800  }
.LBB2_1:
0x1b: {  	s7 =	rddreg [dreg:$0x5]  }
0x1c: {  	[tilespmem:s3], [sflag:$0xA] =	stream.linear.gather [hbm4b:s7+s3], $0xFA0, $0x38;
	[tilespmem:$0x18800] =	vst v63  }
0x1d: {  	_ =	swait.ge [sflag:s12], $0xFA0  }
0x1e: {  	[sflag:s12] =	ssyncset.done $0x0  }
0x1f: {  	s15 =	simm.s32 $0x1000;
	[sflag:s12] =	ssyncadd.s32 $0xFFFFF060  }
0x20: {  	[tilespmem:s15], [sflag:$0xA] =	stream.linear.gather [hbm4b:s8+s3], $0xFA0, $0x38;
	[tilespmem:$0x18800] =	vst v63  }
0x21: {  	_ =	swait.ge [sflag:s12], $0xFA0  }
0x22: {  	[sflag:s12] =	ssyncset.done $0x0  }
0x23: {  	s13 =	simm.s32 $0x2000;
	[sflag:s12] =	ssyncadd.s32 $0xFFFFF060  }
0x24: {  	[tilespmem:s13], [sflag:$0x1] =	stream.indirect.gather [hbm4b:s1+s14], $0x80, s3, s14, $0xb8;
	[tilespmem:$0x18800] =	vst v63  }
0x25: {  	s16 =	simm.s32 $0x9800  }
0x26: {  	[tilespmem:s16], [sflag:$0x4] =	stream.indirect.gather [hbm4b:s5+s14], $0x80, s15, s14, $0xb8;
	[tilespmem:$0x18800] =	vst v63  }
.Ltmp2:
0x27: {  	_ = 	snop;
	(pc) =	sbr.rel .LBB2_2-.Ltmp2, $4  }
0x28: {  	_ = 	snop  }
0x29: {  	[tilespmem:s17], [sflag:$0x2] =	stream.indirect.gather [hbm4b:s1+s14], $0x80, s14, s14, $0xb8;
	[tilespmem:$0x18800] =	vst v63  }
0x2a: {  	s18 =	simm.s32 $0x1050;
	s15 =	simm.s32 $0x0  }
0x2b: {  	[tilespmem:s19], [sflag:$0x5] =	stream.indirect.gather [hbm4b:s5+s14], $0x80, s18, s14, $0xb8;
	[tilespmem:$0x18800] =	vst v63  }
.LBB2_11:
0x2c: {  	s15 =	sadd.s32 $0x1, s15  }
0x2d: {  	p0 =	sne.s32 s15, $0x12  }
.Ltmp3:
0x2e: {  	_ = 	snop;
	(pc) =	sbr.rel @!p0 .LBB2_12-.Ltmp3, $1  }
0x2f: {  	_ =	sdelay $0x3  }
.LBB2_2:
0x30: {  	p0 =	seq.s32 s15, $0x11  }
.Ltmp4:
0x31: {  	_ = 	snop;
	(pc) =	sbr.rel @p0 .LBB2_12-.Ltmp4, $1  }
0x32: {  	_ =	sdelay $0x3  }
0x33: {  	p1 =	sgt.u32 s15, $0xF  }
0x34: {  	s7 =	smul.u32 @!p1 $0xF0, s15;
	_ =	sdelay $0x1  }
0x35: {  	s16 =	simm.s32 @!p1 $0x50;
	s18 =	simm.s32 @!p1 $0x7000;
	s13 =	sadd.s32 @!p1 $0xA0, s7  }
0x36: {  	[tilespmem:s18], [sflag:$0x3] =	stream.indirect.gather @!p1 [hbm4b:s1+s16], $0x80, s13, s16, $0xb8;
	[tilespmem:$0x18800] =	vst v63  }
0x37: {  	s7 =	sadd.s32 @!p1 $0x10A0, s7;
	s13 =	simm.s32 @!p1 $0xE800  }
0x38: {  	[tilespmem:s13], [sflag:$0x6] =	stream.indirect.gather @!p1 [hbm4b:s5+s16], $0x80, s7, s16, $0xb8;
	[tilespmem:$0x18800] =	vst v63  }
0x39: {  	_ =	swait.ge [sflag:s23], $0x2800  }
0x3a: {  	[sflag:s23] =	ssyncset.done $0x0  }
0x3b: {  	[sflag:s23] =	ssyncadd.s32 $0xFFFFD800  }
0x3c: {  	_ =	swait.ge [sflag:s24], $0x2800  }
0x3d: {  	p0 =	seq.s32 s15, $0x0;
	[sflag:s24] =	ssyncset.done $0x0  }
0x3e: {  	s7 =	simm.s32 @!p0 $0x7;
	[sflag:s24] =	ssyncadd.s32 $0xFFFFD800  }
0x3f: {  	_ =	swait.ge @!p0 [sflag:s7], $0x2800  }
0x40: {  	[sflag:s7] =	ssyncset.done @!p0 $0x0  }
0x41: {  	s16 =	simm.s32 $0xF0;
	[sflag:s7] =	ssyncadd.s32 @!p0 $0xFFFFD800  }
0x42: {  	v0 =	vld [tilespmem:s16+$0x2000]  }
0x43: {  	v1 =	vld [tilespmem:s16+$0x9800]  }
0x44: {  	v2 =	vld [tilespmem:s16+$0x1F10]  }
0x45: {  	v3 =	vld [tilespmem:s16+$0x9710]  }
0x46: {  	v4 =	vld [tilespmem:s16+$0x1F20]  }
0x47: {  	v5 =	vld [tilespmem:s16+$0x9720]  }
0x48: {  	v6 =	vld [tilespmem:s16+$0x1F30]  }
0x49: {  	v0 =	vadd.f32 v1, v0;
	v1 =	vld [tilespmem:s16+$0x9730]  }
0x4a: {  	v7 =	vld [tilespmem:s16+$0x1F40]  }
0x4b: {  	v2 =	vadd.f32 v3, v2;
	v3 =	vld [tilespmem:s16+$0x9740]  }
0x4c: {  	v4 =	vadd.f32 v5, v4;
	v5 =	vld [tilespmem:s16+$0x1F60];
	v0 =	vmax.f32 v0, $0.0e+00  }
0x4d: {  	[tilespmem:s16+$0x11000] =	vst v0;
	v0 =	vmax.f32 v2, $0.0e+00;
	v2 =	vld [tilespmem:s16+$0x1F50]  }
0x4e: {  	v4 =	vmax.f32 v4, $0.0e+00;
	[tilespmem:s16+$0x10F10] =	vst v0;
	v0 =	vld [tilespmem:s16+$0x9750];
	v1 =	vadd.f32 v1, v6  }
0x4f: {  	[tilespmem:s16+$0x10F20] =	vst v4;
	v4 =	vld [tilespmem:s16+$0x9760]  }
0x50: {  	v6 =	vld [tilespmem:s16+$0x1F70];
	v1 =	vmax.f32 v1, $0.0e+00  }
0x51: {  	v3 =	vadd.f32 v3, v7;
	[tilespmem:s16+$0x10F30] =	vst v1;
	v1 =	vld [tilespmem:s16+$0x9770]  }
0x52: {  	v7 =	vld [tilespmem:s16+$0x1F80]  }
0x53: {  	v3 =	vmax.f32 v3, $0.0e+00;
	v0 =	vadd.f32 v0, v2;
	v2 =	vld [tilespmem:s16+$0x9780]  }
0x54: {  	[tilespmem:s16+$0x10F40] =	vst v3;
	v3 =	vld [tilespmem:s16+$0x1F90];
	v4 =	vadd.f32 v4, v5  }
0x55: {  	v5 =	vld [tilespmem:s16+$0x1FA0];
	v0 =	vmax.f32 v0, $0.0e+00  }
0x56: {  	v4 =	vmax.f32 v4, $0.0e+00;
	[tilespmem:s16+$0x10F50] =	vst v0;
	v0 =	vld [tilespmem:s16+$0x9790];
	v1 =	vadd.f32 v1, v6  }
0x57: {  	[tilespmem:s16+$0x10F60] =	vst v4;
	v4 =	vld [tilespmem:s16+$0x97A0]  }
0x58: {  	v6 =	vld [tilespmem:s16+$0x1FB0];
	v2 =	vadd.f32 v2, v7;
	v1 =	vmax.f32 v1, $0.0e+00  }
0x59: {  	[tilespmem:s16+$0x10F70] =	vst v1;
	v1 =	vld [tilespmem:s16+$0x97B0]  }
0x5a: {  	v7 =	vld [tilespmem:s16+$0x1FC0];
	v2 =	vmax.f32 v2, $0.0e+00  }
0x5b: {  	v0 =	vadd.f32 v0, v3;
	[tilespmem:s16+$0x10F80] =	vst v2;
	v2 =	vld [tilespmem:s16+$0x97C0]  }
0x5c: {  	v8 =	vld [tilespmem:s16+$0x1FD0];
	v3 =	vadd.f32 v4, v5  }
0x5d: {  	v5 =	vld [tilespmem:s16+$0x97D0];
	v0 =	vmax.f32 v0, $0.0e+00  }
0x5e: {  	v3 =	vmax.f32 v3, $0.0e+00;
	[tilespmem:s16+$0x10F90] =	vst v0;
	v0 =	vld [tilespmem:s16+$0x1FE0];
	v1 =	vadd.f32 v1, v6  }
0x5f: {  	[tilespmem:s16+$0x10FA0] =	vst v3;
	v3 =	vld [tilespmem:s16+$0x97E0]  }
0x60: {  	v6 =	vadd.f32 v2, v7;
	v4 =	vmax.f32 v1, $0.0e+00;
	v1 =	vld [tilespmem:s16+$0x1FF0]  }
0x61: {  	s18 =	simm.s32 $0x1F0;
	[tilespmem:s16+$0x10FB0] =	vst v4;
	v4 =	vld [tilespmem:s16+$0x97F0]  }
0x62: {  	s13 =	simm.s32 $0xBC0;
	v5 =	vadd.f32 v5, v8;
	v6 =	vmax.f32 v6, $0.0e+00;
	v2 =	vld [tilespmem:s18+$0x2000]  }
.LBB2_4:
0x63: {  	p2 =	sne.s32 s13, $0x9FC0;
	v7 =	vld [tilespmem:s18+$0x9800];
	[tilespmem:s16+$0x10FC0] =	vst v6  }
0x64: {  	v6 =	vld [tilespmem:s18+$0x1F10];
	v5 =	vmax.f32 v5, $0.0e+00;
	v0 =	vadd.f32 v3, v0  }
0x65: {  	v3 =	vld [tilespmem:s18+$0x9710];
	[tilespmem:s16+$0x10FD0] =	vst v5  }
0x66: {  	v5 =	vld [tilespmem:s18+$0x1F20];
	v0 =	vmax.f32 v0, $0.0e+00;
	v1 =	vadd.f32 v4, v1  }
0x67: {  	v4 =	vld [tilespmem:s18+$0x9720];
	[tilespmem:s16+$0x10FE0] =	vst v0  }
0x68: {  	v0 =	vld [tilespmem:s18+$0x1F30];
	v2 =	vadd.f32 v7, v2;
	v1 =	vmax.f32 v1, $0.0e+00  }
0x69: {  	v7 =	vld [tilespmem:s18+$0x9730];
	[tilespmem:s16+$0x10FF0] =	vst v1;
	s16 =	smov.u32 s18  }
0x6a: {  	v1 =	vadd.f32 v3, v6;
	v3 =	vld [tilespmem:s16+$0x1F40];
	v2 =	vmax.f32 v2, $0.0e+00  }
0x6b: {  	v6 =	vld [tilespmem:s16+$0x9740];
	[tilespmem:s16+$0x11000] =	vst v2  }
0x6c: {  	v1 =	vmax.f32 v1, $0.0e+00;
	v2 =	vadd.f32 v4, v5;
	v4 =	vld [tilespmem:s16+$0x1F50]  }
0x6d: {  	[tilespmem:s16+$0x10F10] =	vst v1;
	v1 =	vld [tilespmem:s16+$0x9750]  }
0x6e: {  	v2 =	vmax.f32 v2, $0.0e+00;
	v0 =	vadd.f32 v7, v0;
	v5 =	vld [tilespmem:s16+$0x1F60]  }
0x6f: {  	[tilespmem:s16+$0x10F20] =	vst v2;
	v2 =	vld [tilespmem:s16+$0x9760]  }
0x70: {  	v0 =	vmax.f32 v0, $0.0e+00;
	v3 =	vadd.f32 v6, v3;
	v6 =	vld [tilespmem:s16+$0x1F70]  }
0x71: {  	[tilespmem:s16+$0x10F30] =	vst v0;
	v0 =	vld [tilespmem:s16+$0x9770]  }
0x72: {  	v3 =	vmax.f32 v3, $0.0e+00;
	v1 =	vadd.f32 v1, v4;
	v4 =	vld [tilespmem:s16+$0x1F80]  }
0x73: {  	[tilespmem:s16+$0x10F40] =	vst v3;
	v3 =	vld [tilespmem:s16+$0x9780]  }
0x74: {  	v1 =	vmax.f32 v1, $0.0e+00;
	v2 =	vadd.f32 v2, v5;
	v5 =	vld [tilespmem:s16+$0x1F90]  }
0x75: {  	[tilespmem:s16+$0x10F50] =	vst v1;
	v1 =	vld [tilespmem:s16+$0x9790]  }
0x76: {  	v2 =	vmax.f32 v2, $0.0e+00;
	v0 =	vadd.f32 v0, v6;
	v6 =	vld [tilespmem:s16+$0x1FA0]  }
0x77: {  	[tilespmem:s16+$0x10F60] =	vst v2;
	v2 =	vld [tilespmem:s16+$0x97A0]  }
0x78: {  	v0 =	vmax.f32 v0, $0.0e+00;
	v3 =	vadd.f32 v3, v4;
	v4 =	vld [tilespmem:s16+$0x1FB0]  }
0x79: {  	[tilespmem:s16+$0x10F70] =	vst v0;
	v0 =	vld [tilespmem:s16+$0x97B0]  }
0x7a: {  	v3 =	vmax.f32 v3, $0.0e+00;
	v1 =	vadd.f32 v1, v5;
	v5 =	vld [tilespmem:s16+$0x1FC0]  }
0x7b: {  	[tilespmem:s16+$0x10F80] =	vst v3;
	v7 =	vld [tilespmem:s16+$0x97C0]  }
0x7c: {  	v1 =	vmax.f32 v1, $0.0e+00;
	v2 =	vadd.f32 v2, v6;
	v8 =	vld [tilespmem:s16+$0x1FD0]  }
0x7d: {  	[tilespmem:s16+$0x10F90] =	vst v1;
	v9 =	vld [tilespmem:s16+$0x97D0]  }
.Ltmp5:
0x7e: {  	v1 =	vmax.f32 v2, $0.0e+00;
	v2 =	vadd.f32 v0, v4;
	v0 =	vld [tilespmem:s16+$0x1FE0];
	(pc) =	sbr.rel @p2 .LBB2_4-.Ltmp5, $4  }
0x7f: {  	[tilespmem:s16+$0x10FA0] =	vst v1;
	v3 =	vld [tilespmem:s16+$0x97E0]  }
0x80: {  	v2 =	vmax.f32 v2, $0.0e+00;
	v5 =	vadd.f32 v7, v5;
	v1 =	vld [tilespmem:s16+$0x1FF0]  }
0x81: {  	s18 =	sshra.s32 s13, $0x2;
	[tilespmem:s16+$0x10FB0] =	vst v2;
	v4 =	vld [tilespmem:s16+$0x97F0]  }
0x82: {  	s13 =	sadd.s32 $0x400, s13;
	v2 =	vld [tilespmem:s18+$0x2000];
	v6 =	vmax.f32 v5, $0.0e+00;
	v5 =	vadd.f32 v9, v8  }
0x83: {  	v7 =	vld [tilespmem:s18+$0x9800];
	[tilespmem:s16+$0x10FC0] =	vst v6  }
0x84: {  	v6 =	vld [tilespmem:s18+$0x1F10];
	v5 =	vmax.f32 v5, $0.0e+00;
	v0 =	vadd.f32 v3, v0  }
0x85: {  	v8 =	vld [tilespmem:s18+$0x9710];
	[tilespmem:s16+$0x10FD0] =	vst v5  }
0x86: {  	v3 =	vld [tilespmem:s18+$0x1F20];
	v0 =	vmax.f32 v0, $0.0e+00;
	v1 =	vadd.f32 v4, v1  }
0x87: {  	v5 =	vld [tilespmem:s18+$0x9720];
	[tilespmem:s16+$0x10FE0] =	vst v0  }
0x88: {  	v0 =	vld [tilespmem:s18+$0x1F30];
	v1 =	vmax.f32 v1, $0.0e+00  }
0x89: {  	v4 =	vld [tilespmem:s18+$0x9730];
	v2 =	vadd.f32 v7, v2;
	[tilespmem:s16+$0x10FF0] =	vst v1  }
0x8a: {  	v6 =	vadd.f32 v8, v6;
	v1 =	vld [tilespmem:s18+$0x1F40]  }
0x8b: {  	v2 =	vmax.f32 v2, $0.0e+00;
	v7 =	vld [tilespmem:s18+$0x9740]  }
0x8c: {  	[tilespmem:s18+$0x11000] =	vst v2;
	v2 =	vmax.f32 v6, $0.0e+00;
	v6 =	vld [tilespmem:s18+$0x1F50]  }
0x8d: {  	v3 =	vadd.f32 v5, v3;
	v5 =	vld [tilespmem:s18+$0x1F60]  }
0x8e: {  	[tilespmem:s18+$0x10F10] =	vst v2;
	v2 =	vld [tilespmem:s18+$0x9750];
	v0 =	vadd.f32 v4, v0  }
0x8f: {  	v3 =	vmax.f32 v3, $0.0e+00;
	v4 =	vld [tilespmem:s18+$0x1F70]  }
0x90: {  	[tilespmem:s18+$0x10F20] =	vst v3;
	v3 =	vld [tilespmem:s18+$0x9760];
	v0 =	vmax.f32 v0, $0.0e+00  }
0x91: {  	v1 =	vadd.f32 v7, v1;
	[tilespmem:s18+$0x10F30] =	vst v0;
	v0 =	vld [tilespmem:s18+$0x9770]  }
0x92: {  	v7 =	vld [tilespmem:s18+$0x1F80]  }
0x93: {  	v1 =	vmax.f32 v1, $0.0e+00;
	v2 =	vadd.f32 v2, v6;
	v6 =	vld [tilespmem:s18+$0x1F90]  }
0x94: {  	[tilespmem:s18+$0x10F40] =	vst v1;
	v1 =	vld [tilespmem:s18+$0x9780]  }
0x95: {  	v2 =	vmax.f32 v2, $0.0e+00;
	v3 =	vadd.f32 v3, v5;
	v5 =	vld [tilespmem:s18+$0x1FA0]  }
0x96: {  	[tilespmem:s18+$0x10F50] =	vst v2;
	v2 =	vld [tilespmem:s18+$0x9790];
	v0 =	vadd.f32 v0, v4  }
0x97: {  	v3 =	vmax.f32 v3, $0.0e+00;
	v4 =	vld [tilespmem:s18+$0x1FB0]  }
0x98: {  	[tilespmem:s18+$0x10F60] =	vst v3;
	v3 =	vld [tilespmem:s18+$0x97A0];
	v0 =	vmax.f32 v0, $0.0e+00  }
0x99: {  	v1 =	vadd.f32 v1, v7;
	[tilespmem:s18+$0x10F70] =	vst v0;
	v0 =	vld [tilespmem:s18+$0x97B0]  }
0x9a: {  	v7 =	vld [tilespmem:s18+$0x1FC0]  }
0x9b: {  	v1 =	vmax.f32 v1, $0.0e+00;
	v2 =	vadd.f32 v2, v6;
	v6 =	vld [tilespmem:s18+$0x1FD0]  }
0x9c: {  	[tilespmem:s18+$0x10F80] =	vst v1;
	v1 =	vld [tilespmem:s18+$0x97C0]  }
0x9d: {  	v2 =	vmax.f32 v2, $0.0e+00;
	v3 =	vadd.f32 v3, v5;
	v5 =	vld [tilespmem:s18+$0x1FE0]  }
0x9e: {  	[tilespmem:s18+$0x10F90] =	vst v2;
	v2 =	vld [tilespmem:s18+$0x97D0];
	v0 =	vadd.f32 v0, v4  }
0x9f: {  	v3 =	vmax.f32 v3, $0.0e+00;
	v4 =	vld [tilespmem:s18+$0x1FF0]  }
0xa0: {  	[tilespmem:s18+$0x10FA0] =	vst v3;
	v3 =	vld [tilespmem:s18+$0x97E0];
	v0 =	vmax.f32 v0, $0.0e+00  }
0xa1: {  	[tilespmem:s18+$0x10FB0] =	vst v0;
	v0 =	vld [tilespmem:s18+$0x97F0];
	_ =	sdelay $0x1  }
0xa2: {  	v1 =	vadd.f32 v1, v7  }
0xa3: {  	v2 =	vadd.f32 v2, v6  }
0xa4: {  	s16 =	smul.u32 $0xF0, s15;
	v1 =	vmax.f32 v1, $0.0e+00;
	v3 =	vadd.f32 v3, v5  }
0xa5: {  	[tilespmem:s18+$0x10FC0] =	vst v1;
	v1 =	vmax.f32 v2, $0.0e+00;
	v0 =	vadd.f32 v0, v4  }
0xa6: {  	s7 =	sadd.s32 s4, s16;
	[tilespmem:s18+$0x10FD0] =	vst v1;
	v1 =	vmax.f32 v3, $0.0e+00  }
0xa7: {  	s7 =	sshll.u32 s7, $0x4;
	[tilespmem:s18+$0x10FE0] =	vst v1;
	v0 =	vmax.f32 v0, $0.0e+00  }
0xa8: {  	s7 =	sadd.s32 s6, s7;
	[tilespmem:s18+$0x10FF0] =	vst v0  }
0xa9: {  	[hbm4b:s7+s3] =	stream.linear.scatter [tilespmem:s25], [sflag:$0x7], $0x2800, $0x38;
	[tilespmem:$0x18800] =	vst v63  }
0xaa: {  	s13 =	simm.s32 @!p1 $0x50;
	s18 =	simm.s32 @!p1 $0x2000;
	s7 =	sadd.s32 @!p1 $0xF0, s16  }
0xab: {  	[tilespmem:s18], [sflag:$0x1] =	stream.indirect.gather @!p1 [hbm4b:s1+s13], $0x80, s7, s13, $0xb8;
	[tilespmem:$0x18800] =	vst v63  }
0xac: {  	s7 =	sadd.s32 @!p1 $0x10F0, s16;
	s18 =	simm.s32 @!p1 $0x9800  }
0xad: {  	[tilespmem:s18], [sflag:$0x4] =	stream.indirect.gather @!p1 [hbm4b:s5+s13], $0x80, s7, s13, $0xb8;
	[tilespmem:$0x18800] =	vst v63  }
0xae: {  	_ =	swait.ge [sflag:s26], $0x2800  }
0xaf: {  	[sflag:s26] =	ssyncset.done $0x0  }
0xb0: {  	[sflag:s26] =	ssyncadd.s32 $0xFFFFD800  }
0xb1: {  	_ =	swait.ge [sflag:s28], $0x2800  }
0xb2: {  	[sflag:s28] =	ssyncset.done $0x0  }
0xb3: {  	s7 =	simm.s32 @!p0 $0x8;
	[sflag:s28] =	ssyncadd.s32 $0xFFFFD800  }
0xb4: {  	_ =	swait.ge @!p0 [sflag:s7], $0x2800  }
0xb5: {  	[sflag:s7] =	ssyncset.done @!p0 $0x0  }
0xb6: {  	s18 =	simm.s32 $0xF0;
	[sflag:s7] =	ssyncadd.s32 @!p0 $0xFFFFD800  }
0xb7: {  	v0 =	vld [tilespmem:s18+$0x4800]  }
0xb8: {  	v1 =	vld [tilespmem:s18+$0xC000]  }
0xb9: {  	v2 =	vld [tilespmem:s18+$0x4710]  }
0xba: {  	v3 =	vld [tilespmem:s18+$0xBF10]  }
0xbb: {  	v4 =	vld [tilespmem:s18+$0x4720]  }
0xbc: {  	v5 =	vld [tilespmem:s18+$0xBF20]  }
0xbd: {  	v6 =	vld [tilespmem:s18+$0x4730]  }
0xbe: {  	v0 =	vadd.f32 v1, v0;
	v1 =	vld [tilespmem:s18+$0xBF30]  }
0xbf: {  	v7 =	vld [tilespmem:s18+$0x4740]  }
0xc0: {  	v2 =	vadd.f32 v3, v2;
	v3 =	vld [tilespmem:s18+$0xBF40]  }
0xc1: {  	v4 =	vadd.f32 v5, v4;
	v5 =	vld [tilespmem:s18+$0x4760];
	v0 =	vmax.f32 v0, $0.0e+00  }
0xc2: {  	[tilespmem:s18+$0x13800] =	vst v0;
	v0 =	vmax.f32 v2, $0.0e+00;
	v2 =	vld [tilespmem:s18+$0x4750]  }
0xc3: {  	v4 =	vmax.f32 v4, $0.0e+00;
	[tilespmem:s18+$0x13710] =	vst v0;
	v0 =	vld [tilespmem:s18+$0xBF50];
	v1 =	vadd.f32 v1, v6  }
0xc4: {  	[tilespmem:s18+$0x13720] =	vst v4;
	v4 =	vld [tilespmem:s18+$0xBF60]  }
0xc5: {  	v6 =	vld [tilespmem:s18+$0x4770];
	v1 =	vmax.f32 v1, $0.0e+00  }
0xc6: {  	v3 =	vadd.f32 v3, v7;
	[tilespmem:s18+$0x13730] =	vst v1;
	v1 =	vld [tilespmem:s18+$0xBF70]  }
0xc7: {  	v7 =	vld [tilespmem:s18+$0x4780]  }
0xc8: {  	v3 =	vmax.f32 v3, $0.0e+00;
	v0 =	vadd.f32 v0, v2;
	v2 =	vld [tilespmem:s18+$0xBF80]  }
0xc9: {  	[tilespmem:s18+$0x13740] =	vst v3;
	v3 =	vld [tilespmem:s18+$0x4790];
	v4 =	vadd.f32 v4, v5  }
0xca: {  	v5 =	vld [tilespmem:s18+$0x47A0];
	v0 =	vmax.f32 v0, $0.0e+00  }
0xcb: {  	v4 =	vmax.f32 v4, $0.0e+00;
	[tilespmem:s18+$0x13750] =	vst v0;
	v0 =	vld [tilespmem:s18+$0xBF90];
	v1 =	vadd.f32 v1, v6  }
0xcc: {  	[tilespmem:s18+$0x13760] =	vst v4;
	v4 =	vld [tilespmem:s18+$0xBFA0]  }
0xcd: {  	v6 =	vld [tilespmem:s18+$0x47B0];
	v2 =	vadd.f32 v2, v7;
	v1 =	vmax.f32 v1, $0.0e+00  }
0xce: {  	[tilespmem:s18+$0x13770] =	vst v1;
	v1 =	vld [tilespmem:s18+$0xBFB0]  }
0xcf: {  	v7 =	vld [tilespmem:s18+$0x47C0];
	v2 =	vmax.f32 v2, $0.0e+00  }
0xd0: {  	v0 =	vadd.f32 v0, v3;
	[tilespmem:s18+$0x13780] =	vst v2;
	v2 =	vld [tilespmem:s18+$0xBFC0]  }
0xd1: {  	v8 =	vld [tilespmem:s18+$0x47D0];
	v3 =	vadd.f32 v4, v5  }
0xd2: {  	v5 =	vld [tilespmem:s18+$0xBFD0];
	v0 =	vmax.f32 v0, $0.0e+00  }
0xd3: {  	v3 =	vmax.f32 v3, $0.0e+00;
	[tilespmem:s18+$0x13790] =	vst v0;
	v0 =	vld [tilespmem:s18+$0x47E0];
	v1 =	vadd.f32 v1, v6  }
0xd4: {  	[tilespmem:s18+$0x137A0] =	vst v3;
	v3 =	vld [tilespmem:s18+$0xBFE0]  }
0xd5: {  	v6 =	vadd.f32 v2, v7;
	v4 =	vmax.f32 v1, $0.0e+00;
	v1 =	vld [tilespmem:s18+$0x47F0]  }
0xd6: {  	s13 =	simm.s32 $0x1F0;
	[tilespmem:s18+$0x137B0] =	vst v4;
	v4 =	vld [tilespmem:s18+$0xBFF0]  }
0xd7: {  	s7 =	simm.s32 $0xBC0;
	v5 =	vadd.f32 v5, v8;
	v6 =	vmax.f32 v6, $0.0e+00;
	v2 =	vld [tilespmem:s13+$0x4800]  }
.LBB2_6:
0xd8: {  	p2 =	sne.s32 s7, $0x9FC0;
	v7 =	vld [tilespmem:s13+$0xC000];
	[tilespmem:s18+$0x137C0] =	vst v6  }
0xd9: {  	v6 =	vld [tilespmem:s13+$0x4710];
	v5 =	vmax.f32 v5, $0.0e+00;
	v0 =	vadd.f32 v3, v0  }
0xda: {  	v3 =	vld [tilespmem:s13+$0xBF10];
	[tilespmem:s18+$0x137D0] =	vst v5  }
0xdb: {  	v5 =	vld [tilespmem:s13+$0x4720];
	v0 =	vmax.f32 v0, $0.0e+00;
	v1 =	vadd.f32 v4, v1  }
0xdc: {  	v4 =	vld [tilespmem:s13+$0xBF20];
	[tilespmem:s18+$0x137E0] =	vst v0  }
0xdd: {  	v0 =	vld [tilespmem:s13+$0x4730];
	v2 =	vadd.f32 v7, v2;
	v1 =	vmax.f32 v1, $0.0e+00  }
0xde: {  	v7 =	vld [tilespmem:s13+$0xBF30];
	[tilespmem:s18+$0x137F0] =	vst v1;
	s18 =	smov.u32 s13  }
0xdf: {  	v1 =	vadd.f32 v3, v6;
	v3 =	vld [tilespmem:s18+$0x4740];
	v2 =	vmax.f32 v2, $0.0e+00  }
0xe0: {  	v6 =	vld [tilespmem:s18+$0xBF40];
	[tilespmem:s18+$0x13800] =	vst v2  }
0xe1: {  	v1 =	vmax.f32 v1, $0.0e+00;
	v2 =	vadd.f32 v4, v5;
	v4 =	vld [tilespmem:s18+$0x4750]  }
0xe2: {  	[tilespmem:s18+$0x13710] =	vst v1;
	v1 =	vld [tilespmem:s18+$0xBF50]  }
0xe3: {  	v2 =	vmax.f32 v2, $0.0e+00;
	v0 =	vadd.f32 v7, v0;
	v5 =	vld [tilespmem:s18+$0x4760]  }
0xe4: {  	[tilespmem:s18+$0x13720] =	vst v2;
	v2 =	vld [tilespmem:s18+$0xBF60]  }
0xe5: {  	v0 =	vmax.f32 v0, $0.0e+00;
	v3 =	vadd.f32 v6, v3;
	v6 =	vld [tilespmem:s18+$0x4770]  }
0xe6: {  	[tilespmem:s18+$0x13730] =	vst v0;
	v0 =	vld [tilespmem:s18+$0xBF70]  }
0xe7: {  	v3 =	vmax.f32 v3, $0.0e+00;
	v1 =	vadd.f32 v1, v4;
	v4 =	vld [tilespmem:s18+$0x4780]  }
0xe8: {  	[tilespmem:s18+$0x13740] =	vst v3;
	v3 =	vld [tilespmem:s18+$0xBF80]  }
0xe9: {  	v1 =	vmax.f32 v1, $0.0e+00;
	v2 =	vadd.f32 v2, v5;
	v5 =	vld [tilespmem:s18+$0x4790]  }
0xea: {  	[tilespmem:s18+$0x13750] =	vst v1;
	v1 =	vld [tilespmem:s18+$0xBF90]  }
0xeb: {  	v2 =	vmax.f32 v2, $0.0e+00;
	v0 =	vadd.f32 v0, v6;
	v6 =	vld [tilespmem:s18+$0x47A0]  }
0xec: {  	[tilespmem:s18+$0x13760] =	vst v2;
	v2 =	vld [tilespmem:s18+$0xBFA0]  }
0xed: {  	v0 =	vmax.f32 v0, $0.0e+00;
	v3 =	vadd.f32 v3, v4;
	v4 =	vld [tilespmem:s18+$0x47B0]  }
0xee: {  	[tilespmem:s18+$0x13770] =	vst v0;
	v0 =	vld [tilespmem:s18+$0xBFB0]  }
0xef: {  	v3 =	vmax.f32 v3, $0.0e+00;
	v1 =	vadd.f32 v1, v5;
	v5 =	vld [tilespmem:s18+$0x47C0]  }
0xf0: {  	[tilespmem:s18+$0x13780] =	vst v3;
	v7 =	vld [tilespmem:s18+$0xBFC0]  }
0xf1: {  	v1 =	vmax.f32 v1, $0.0e+00;
	v2 =	vadd.f32 v2, v6;
	v8 =	vld [tilespmem:s18+$0x47D0]  }
0xf2: {  	[tilespmem:s18+$0x13790] =	vst v1;
	v9 =	vld [tilespmem:s18+$0xBFD0]  }
.Ltmp6:
0xf3: {  	v1 =	vmax.f32 v2, $0.0e+00;
	v2 =	vadd.f32 v0, v4;
	v0 =	vld [tilespmem:s18+$0x47E0];
	(pc) =	sbr.rel @p2 .LBB2_6-.Ltmp6, $4  }
0xf4: {  	[tilespmem:s18+$0x137A0] =	vst v1;
	v3 =	vld [tilespmem:s18+$0xBFE0]  }
0xf5: {  	v2 =	vmax.f32 v2, $0.0e+00;
	v5 =	vadd.f32 v7, v5;
	v1 =	vld [tilespmem:s18+$0x47F0]  }
0xf6: {  	s13 =	sshra.s32 s7, $0x2;
	[tilespmem:s18+$0x137B0] =	vst v2;
	v4 =	vld [tilespmem:s18+$0xBFF0]  }
0xf7: {  	s7 =	sadd.s32 $0x400, s7;
	v2 =	vld [tilespmem:s13+$0x4800];
	v6 =	vmax.f32 v5, $0.0e+00;
	v5 =	vadd.f32 v9, v8  }
0xf8: {  	v7 =	vld [tilespmem:s13+$0xC000];
	[tilespmem:s18+$0x137C0] =	vst v6  }
0xf9: {  	v6 =	vld [tilespmem:s13+$0x4710];
	v5 =	vmax.f32 v5, $0.0e+00;
	v0 =	vadd.f32 v3, v0  }
0xfa: {  	v8 =	vld [tilespmem:s13+$0xBF10];
	[tilespmem:s18+$0x137D0] =	vst v5  }
0xfb: {  	v36 =	vld [tilespmem:s13+$0x4720];
	v0 =	vmax.f32 v0, $0.0e+00;
	v1 =	vadd.f32 v4, v1  }
0xfc: {  	v5 =	vld [tilespmem:s13+$0xBF20];
	[tilespmem:s18+$0x137E0] =	vst v0  }
0xfd: {  	v0 =	vld [tilespmem:s13+$0x4730];
	v1 =	vmax.f32 v1, $0.0e+00  }
0xfe: {  	v37 =	vld [tilespmem:s13+$0xBF30];
	[tilespmem:s18+$0x137F0] =	vst v1  }
0xff: {  	v1 =	vld [tilespmem:s13+$0x4740]  }
0x100: {  	v38 =	vld [tilespmem:s13+$0xBF40]  }
0x101: {  	v40 =	vld [tilespmem:s13+$0x4750]  }
0x102: {  	v41 =	vld [tilespmem:s13+$0xBF50]  }
0x103: {  	v42 =	vld [tilespmem:s13+$0x4760]  }
0x104: {  	v43 =	vld [tilespmem:s13+$0xBF60]  }
0x105: {  	v44 =	vld [tilespmem:s13+$0x4770]  }
0x106: {  	v45 =	vld [tilespmem:s13+$0xBF70]  }
0x107: {  	v46 =	vld [tilespmem:s13+$0x4780]  }
0x108: {  	v47 =	vld [tilespmem:s13+$0xBF80]  }
0x109: {  	v48 =	vld [tilespmem:s13+$0x4790]  }
0x10a: {  	v49 =	vld [tilespmem:s13+$0xBF90]  }
0x10b: {  	v50 =	vld [tilespmem:s13+$0x47A0]  }
0x10c: {  	v2 =	vadd.f32 v7, v2;
	v51 =	vld [tilespmem:s13+$0xBFA0]  }
0x10d: {  	v6 =	vadd.f32 v8, v6;
	v52 =	vld [tilespmem:s13+$0x47B0]  }
0x10e: {  	v2 =	vmax.f32 v2, $0.0e+00;
	v53 =	vld [tilespmem:s13+$0xBFB0];
	v3 =	vadd.f32 v5, v36  }
0x10f: {  	v54 =	vld [tilespmem:s13+$0x47C0];
	[tilespmem:s13+$0x13800] =	vst v2;
	v39 =	vmax.f32 v6, $0.0e+00;
	v0 =	vadd.f32 v37, v0  }
0x110: {  	v55 =	vld [tilespmem:s13+$0xBFC0];
	[tilespmem:s13+$0x13710] =	vst v39;
	v3 =	vmax.f32 v3, $0.0e+00;
	v1 =	vadd.f32 v38, v1  }
0x111: {  	v56 =	vld [tilespmem:s13+$0x47D0];
	[tilespmem:s13+$0x13720] =	vst v3;
	v0 =	vmax.f32 v0, $0.0e+00;
	v2 =	vadd.f32 v41, v40  }
0x112: {  	v57 =	vld [tilespmem:s13+$0xBFD0];
	v3 =	vadd.f32 v43, v42;
	[tilespmem:s13+$0x13730] =	vst v0;
	v1 =	vmax.f32 v1, $0.0e+00  }
0x113: {  	v58 =	vld [tilespmem:s13+$0x47E0];
	v0 =	vadd.f32 v45, v44;
	v2 =	vmax.f32 v2, $0.0e+00;
	[tilespmem:s13+$0x13740] =	vst v1  }
0x114: {  	v59 =	vld [tilespmem:s13+$0xBFE0];
	v3 =	vmax.f32 v3, $0.0e+00;
	[tilespmem:s13+$0x13750] =	vst v2;
	v1 =	vadd.f32 v47, v46  }
0x115: {  	v60 =	vld [tilespmem:s13+$0x47F0];
	[tilespmem:s13+$0x13760] =	vst v3;
	v0 =	vmax.f32 v0, $0.0e+00;
	v2 =	vadd.f32 v49, v48  }
0x116: {  	v61 =	vld [tilespmem:s13+$0xBFF0];
	v3 =	vadd.f32 v51, v50;
	[tilespmem:s13+$0x13770] =	vst v0;
	v1 =	vmax.f32 v1, $0.0e+00  }
0x117: {  	v0 =	vadd.f32 v53, v52;
	v2 =	vmax.f32 v2, $0.0e+00;
	[tilespmem:s13+$0x13780] =	vst v1  }
0x118: {  	v3 =	vmax.f32 v3, $0.0e+00;
	[tilespmem:s13+$0x13790] =	vst v2;
	v1 =	vadd.f32 v55, v54  }
0x119: {  	[tilespmem:s13+$0x137A0] =	vst v3;
	v0 =	vmax.f32 v0, $0.0e+00;
	v2 =	vadd.f32 v57, v56  }
0x11a: {  	v3 =	vadd.f32 v59, v58;
	[tilespmem:s13+$0x137B0] =	vst v0;
	v1 =	vmax.f32 v1, $0.0e+00  }
.Ltmp7:
0x11b: {  	v0 =	vadd.f32 v61, v60;
	v62 =	vmax.f32 v2, $0.0e+00;
	[tilespmem:s13+$0x137C0] =	vst v1;
	(pc) =	sbr.rel @p1 .LBB2_11-.Ltmp7, $4  }
0x11c: {  	s7 =	sadd.s32 s16, s9;
	v63 =	vmax.f32 v3, $0.0e+00;
	[tilespmem:s13+$0x137D0] =	vst v62  }
0x11d: {  	s7 =	sshll.u32 s7, $0x4;
	[tilespmem:s13+$0x137E0] =	vst v63;
	v0 =	vmax.f32 v0, $0.0e+00  }
0x11e: {  	s7 =	sadd.s32 s6, s7;
	[tilespmem:s13+$0x137F0] =	vst v0  }
0x11f: {  	[hbm4b:s7+s3] =	stream.linear.scatter [tilespmem:s29], [sflag:$0x8], $0x2800, $0x38;
	[tilespmem:$0x18800] =	vst v63  }
0x120: {  	s7 =	sadd.s32 $0x140, s16  }
0x121: {  	[tilespmem:s17], [sflag:$0x2] =	stream.indirect.gather [hbm4b:s1+s14], $0x80, s7, s14, $0xb8;
	[tilespmem:$0x18800] =	vst v63  }
0x122: {  	s18 =	sadd.s32 $0x1140, s16  }
0x123: {  	[tilespmem:s19], [sflag:$0x5] =	stream.indirect.gather [hbm4b:s5+s14], $0x80, s18, s14, $0xb8;
	[tilespmem:$0x18800] =	vst v63  }
0x124: {  	_ =	swait.ge [sflag:s30], $0x2800  }
0x125: {  	[sflag:s30] =	ssyncset.done $0x0  }
0x126: {  	[sflag:s30] =	ssyncadd.s32 $0xFFFFD800  }
0x127: {  	_ =	swait.ge [sflag:s31], $0x2800  }
0x128: {  	[sflag:s31] =	ssyncset.done $0x0  }
0x129: {  	s7 =	simm.s32 @!p0 $0x9;
	[sflag:s31] =	ssyncadd.s32 $0xFFFFD800  }
0x12a: {  	_ =	swait.ge @!p0 [sflag:s7], $0x2800  }
0x12b: {  	[sflag:s7] =	ssyncset.done @!p0 $0x0  }
0x12c: {  	s18 =	simm.s32 $0xF0;
	[sflag:s7] =	ssyncadd.s32 @!p0 $0xFFFFD800  }
0x12d: {  	v0 =	vld [tilespmem:s18+$0x7000]  }
0x12e: {  	v1 =	vld [tilespmem:s18+$0xE800]  }
0x12f: {  	v2 =	vld [tilespmem:s18+$0x6F10]  }
0x130: {  	v3 =	vld [tilespmem:s18+$0xE710]  }
0x131: {  	v4 =	vld [tilespmem:s18+$0x6F20]  }
0x132: {  	v5 =	vld [tilespmem:s18+$0xE720]  }
0x133: {  	v6 =	vld [tilespmem:s18+$0x6F30]  }
0x134: {  	v0 =	vadd.f32 v1, v0;
	v1 =	vld [tilespmem:s18+$0xE730]  }
0x135: {  	v7 =	vld [tilespmem:s18+$0x6F40]  }
0x136: {  	v2 =	vadd.f32 v3, v2;
	v3 =	vld [tilespmem:s18+$0xE740]  }
0x137: {  	v4 =	vadd.f32 v5, v4;
	v5 =	vld [tilespmem:s18+$0x6F60];
	v0 =	vmax.f32 v0, $0.0e+00  }
0x138: {  	[tilespmem:s18+$0x16000] =	vst v0;
	v0 =	vmax.f32 v2, $0.0e+00;
	v2 =	vld [tilespmem:s18+$0x6F50]  }
0x139: {  	v4 =	vmax.f32 v4, $0.0e+00;
	[tilespmem:s18+$0x15F10] =	vst v0;
	v0 =	vld [tilespmem:s18+$0xE750];
	v1 =	vadd.f32 v1, v6  }
0x13a: {  	[tilespmem:s18+$0x15F20] =	vst v4;
	v4 =	vld [tilespmem:s18+$0xE760]  }
0x13b: {  	v6 =	vld [tilespmem:s18+$0x6F70];
	v1 =	vmax.f32 v1, $0.0e+00  }
0x13c: {  	v3 =	vadd.f32 v3, v7;
	[tilespmem:s18+$0x15F30] =	vst v1;
	v1 =	vld [tilespmem:s18+$0xE770]  }
0x13d: {  	v7 =	vld [tilespmem:s18+$0x6F80]  }
0x13e: {  	v3 =	vmax.f32 v3, $0.0e+00;
	v0 =	vadd.f32 v0, v2;
	v2 =	vld [tilespmem:s18+$0xE780]  }
0x13f: {  	[tilespmem:s18+$0x15F40] =	vst v3;
	v3 =	vld [tilespmem:s18+$0x6F90];
	v4 =	vadd.f32 v4, v5  }
0x140: {  	v5 =	vld [tilespmem:s18+$0x6FA0];
	v0 =	vmax.f32 v0, $0.0e+00  }
0x141: {  	v4 =	vmax.f32 v4, $0.0e+00;
	[tilespmem:s18+$0x15F50] =	vst v0;
	v0 =	vld [tilespmem:s18+$0xE790];
	v1 =	vadd.f32 v1, v6  }
0x142: {  	[tilespmem:s18+$0x15F60] =	vst v4;
	v4 =	vld [tilespmem:s18+$0xE7A0]  }
0x143: {  	v6 =	vld [tilespmem:s18+$0x6FB0];
	v2 =	vadd.f32 v2, v7;
	v1 =	vmax.f32 v1, $0.0e+00  }
0x144: {  	[tilespmem:s18+$0x15F70] =	vst v1;
	v1 =	vld [tilespmem:s18+$0xE7B0]  }
0x145: {  	v7 =	vld [tilespmem:s18+$0x6FC0];
	v2 =	vmax.f32 v2, $0.0e+00  }
0x146: {  	v0 =	vadd.f32 v0, v3;
	[tilespmem:s18+$0x15F80] =	vst v2;
	v2 =	vld [tilespmem:s18+$0xE7C0]  }
0x147: {  	v8 =	vld [tilespmem:s18+$0x6FD0];
	v3 =	vadd.f32 v4, v5  }
0x148: {  	v5 =	vld [tilespmem:s18+$0xE7D0];
	v0 =	vmax.f32 v0, $0.0e+00  }
0x149: {  	v3 =	vmax.f32 v3, $0.0e+00;
	[tilespmem:s18+$0x15F90] =	vst v0;
	v0 =	vld [tilespmem:s18+$0x6FE0];
	v1 =	vadd.f32 v1, v6  }
0x14a: {  	[tilespmem:s18+$0x15FA0] =	vst v3;
	v3 =	vld [tilespmem:s18+$0xE7E0]  }
0x14b: {  	v6 =	vadd.f32 v2, v7;
	v4 =	vmax.f32 v1, $0.0e+00;
	v1 =	vld [tilespmem:s18+$0x6FF0]  }
0x14c: {  	s13 =	simm.s32 $0x1F0;
	[tilespmem:s18+$0x15FB0] =	vst v4;
	v4 =	vld [tilespmem:s18+$0xE7F0]  }
0x14d: {  	s7 =	simm.s32 $0xBC0;
	v5 =	vadd.f32 v5, v8;
	v6 =	vmax.f32 v6, $0.0e+00;
	v2 =	vld [tilespmem:s13+$0x7000]  }
.LBB2_9:
0x14e: {  	p0 =	sne.s32 s7, $0x9FC0;
	v7 =	vld [tilespmem:s13+$0xE800];
	[tilespmem:s18+$0x15FC0] =	vst v6  }
0x14f: {  	v6 =	vld [tilespmem:s13+$0x6F10];
	v5 =	vmax.f32 v5, $0.0e+00;
	v0 =	vadd.f32 v3, v0  }
0x150: {  	v3 =	vld [tilespmem:s13+$0xE710];
	[tilespmem:s18+$0x15FD0] =	vst v5  }
0x151: {  	v5 =	vld [tilespmem:s13+$0x6F20];
	v0 =	vmax.f32 v0, $0.0e+00;
	v1 =	vadd.f32 v4, v1  }
0x152: {  	v4 =	vld [tilespmem:s13+$0xE720];
	[tilespmem:s18+$0x15FE0] =	vst v0  }
0x153: {  	v0 =	vld [tilespmem:s13+$0x6F30];
	v2 =	vadd.f32 v7, v2;
	v1 =	vmax.f32 v1, $0.0e+00  }
0x154: {  	v7 =	vld [tilespmem:s13+$0xE730];
	[tilespmem:s18+$0x15FF0] =	vst v1;
	s18 =	smov.u32 s13  }
0x155: {  	v1 =	vadd.f32 v3, v6;
	v3 =	vld [tilespmem:s18+$0x6F40];
	v2 =	vmax.f32 v2, $0.0e+00  }
0x156: {  	v6 =	vld [tilespmem:s18+$0xE740];
	[tilespmem:s18+$0x16000] =	vst v2  }
0x157: {  	v1 =	vmax.f32 v1, $0.0e+00;
	v2 =	vadd.f32 v4, v5;
	v4 =	vld [tilespmem:s18+$0x6F50]  }
0x158: {  	[tilespmem:s18+$0x15F10] =	vst v1;
	v1 =	vld [tilespmem:s18+$0xE750]  }
0x159: {  	v2 =	vmax.f32 v2, $0.0e+00;
	v0 =	vadd.f32 v7, v0;
	v5 =	vld [tilespmem:s18+$0x6F60]  }
0x15a: {  	[tilespmem:s18+$0x15F20] =	vst v2;
	v2 =	vld [tilespmem:s18+$0xE760]  }
0x15b: {  	v0 =	vmax.f32 v0, $0.0e+00;
	v3 =	vadd.f32 v6, v3;
	v6 =	vld [tilespmem:s18+$0x6F70]  }
0x15c: {  	[tilespmem:s18+$0x15F30] =	vst v0;
	v0 =	vld [tilespmem:s18+$0xE770]  }
0x15d: {  	v3 =	vmax.f32 v3, $0.0e+00;
	v1 =	vadd.f32 v1, v4;
	v4 =	vld [tilespmem:s18+$0x6F80]  }
0x15e: {  	[tilespmem:s18+$0x15F40] =	vst v3;
	v3 =	vld [tilespmem:s18+$0xE780]  }
0x15f: {  	v1 =	vmax.f32 v1, $0.0e+00;
	v2 =	vadd.f32 v2, v5;
	v5 =	vld [tilespmem:s18+$0x6F90]  }
0x160: {  	[tilespmem:s18+$0x15F50] =	vst v1;
	v1 =	vld [tilespmem:s18+$0xE790]  }
0x161: {  	v2 =	vmax.f32 v2, $0.0e+00;
	v0 =	vadd.f32 v0, v6;
	v6 =	vld [tilespmem:s18+$0x6FA0]  }
0x162: {  	[tilespmem:s18+$0x15F60] =	vst v2;
	v2 =	vld [tilespmem:s18+$0xE7A0]  }
0x163: {  	v0 =	vmax.f32 v0, $0.0e+00;
	v3 =	vadd.f32 v3, v4;
	v4 =	vld [tilespmem:s18+$0x6FB0]  }
0x164: {  	[tilespmem:s18+$0x15F70] =	vst v0;
	v0 =	vld [tilespmem:s18+$0xE7B0]  }
0x165: {  	v3 =	vmax.f32 v3, $0.0e+00;
	v1 =	vadd.f32 v1, v5;
	v5 =	vld [tilespmem:s18+$0x6FC0]  }
0x166: {  	[tilespmem:s18+$0x15F80] =	vst v3;
	v7 =	vld [tilespmem:s18+$0xE7C0]  }
0x167: {  	v1 =	vmax.f32 v1, $0.0e+00;
	v2 =	vadd.f32 v2, v6;
	v8 =	vld [tilespmem:s18+$0x6FD0]  }
0x168: {  	[tilespmem:s18+$0x15F90] =	vst v1;
	v9 =	vld [tilespmem:s18+$0xE7D0]  }
.Ltmp8:
0x169: {  	v1 =	vmax.f32 v2, $0.0e+00;
	v2 =	vadd.f32 v0, v4;
	v0 =	vld [tilespmem:s18+$0x6FE0];
	(pc) =	sbr.rel @p0 .LBB2_9-.Ltmp8, $4  }
0x16a: {  	[tilespmem:s18+$0x15FA0] =	vst v1;
	v3 =	vld [tilespmem:s18+$0xE7E0]  }
0x16b: {  	v2 =	vmax.f32 v2, $0.0e+00;
	v5 =	vadd.f32 v7, v5;
	v1 =	vld [tilespmem:s18+$0x6FF0]  }
0x16c: {  	s13 =	sshra.s32 s7, $0x2;
	[tilespmem:s18+$0x15FB0] =	vst v2;
	v4 =	vld [tilespmem:s18+$0xE7F0]  }
0x16d: {  	s7 =	sadd.s32 $0x400, s7;
	v2 =	vld [tilespmem:s13+$0x7000];
	v6 =	vmax.f32 v5, $0.0e+00;
	v5 =	vadd.f32 v9, v8  }
0x16e: {  	v7 =	vld [tilespmem:s13+$0xE800];
	[tilespmem:s18+$0x15FC0] =	vst v6  }
0x16f: {  	v6 =	vld [tilespmem:s13+$0x6F10];
	v5 =	vmax.f32 v5, $0.0e+00;
	v0 =	vadd.f32 v3, v0  }
0x170: {  	v8 =	vld [tilespmem:s13+$0xE710];
	[tilespmem:s18+$0x15FD0] =	vst v5  }
0x171: {  	v36 =	vld [tilespmem:s13+$0x6F20];
	v0 =	vmax.f32 v0, $0.0e+00;
	v1 =	vadd.f32 v4, v1  }
0x172: {  	v5 =	vld [tilespmem:s13+$0xE720];
	[tilespmem:s18+$0x15FE0] =	vst v0  }
0x173: {  	v0 =	vld [tilespmem:s13+$0x6F30];
	v1 =	vmax.f32 v1, $0.0e+00  }
0x174: {  	v37 =	vld [tilespmem:s13+$0xE730];
	[tilespmem:s18+$0x15FF0] =	vst v1  }
0x175: {  	v1 =	vld [tilespmem:s13+$0x6F40]  }
0x176: {  	v38 =	vld [tilespmem:s13+$0xE740]  }
0x177: {  	v40 =	vld [tilespmem:s13+$0x6F50]  }
0x178: {  	v41 =	vld [tilespmem:s13+$0xE750]  }
0x179: {  	v42 =	vld [tilespmem:s13+$0x6F60]  }
0x17a: {  	v43 =	vld [tilespmem:s13+$0xE760]  }
0x17b: {  	v44 =	vld [tilespmem:s13+$0x6F70]  }
0x17c: {  	v45 =	vld [tilespmem:s13+$0xE770]  }
0x17d: {  	v46 =	vld [tilespmem:s13+$0x6F80]  }
0x17e: {  	v47 =	vld [tilespmem:s13+$0xE780]  }
0x17f: {  	v48 =	vld [tilespmem:s13+$0x6F90]  }
0x180: {  	v49 =	vld [tilespmem:s13+$0xE790]  }
0x181: {  	v50 =	vld [tilespmem:s13+$0x6FA0]  }
0x182: {  	v2 =	vadd.f32 v7, v2;
	v51 =	vld [tilespmem:s13+$0xE7A0]  }
0x183: {  	v6 =	vadd.f32 v8, v6;
	v52 =	vld [tilespmem:s13+$0x6FB0]  }
0x184: {  	v2 =	vmax.f32 v2, $0.0e+00;
	v53 =	vld [tilespmem:s13+$0xE7B0];
	v3 =	vadd.f32 v5, v36  }
0x185: {  	v54 =	vld [tilespmem:s13+$0x6FC0];
	[tilespmem:s13+$0x16000] =	vst v2;
	v39 =	vmax.f32 v6, $0.0e+00;
	v0 =	vadd.f32 v37, v0  }
0x186: {  	v55 =	vld [tilespmem:s13+$0xE7C0];
	[tilespmem:s13+$0x15F10] =	vst v39;
	v3 =	vmax.f32 v3, $0.0e+00;
	v1 =	vadd.f32 v38, v1  }
0x187: {  	v56 =	vld [tilespmem:s13+$0x6FD0];
	[tilespmem:s13+$0x15F20] =	vst v3;
	v0 =	vmax.f32 v0, $0.0e+00;
	v2 =	vadd.f32 v41, v40  }
0x188: {  	v57 =	vld [tilespmem:s13+$0xE7D0];
	v3 =	vadd.f32 v43, v42;
	[tilespmem:s13+$0x15F30] =	vst v0;
	v1 =	vmax.f32 v1, $0.0e+00  }
0x189: {  	v58 =	vld [tilespmem:s13+$0x6FE0];
	v0 =	vadd.f32 v45, v44;
	v2 =	vmax.f32 v2, $0.0e+00;
	[tilespmem:s13+$0x15F40] =	vst v1  }
0x18a: {  	v59 =	vld [tilespmem:s13+$0xE7E0];
	v3 =	vmax.f32 v3, $0.0e+00;
	[tilespmem:s13+$0x15F50] =	vst v2;
	v1 =	vadd.f32 v47, v46  }
0x18b: {  	v60 =	vld [tilespmem:s13+$0x6FF0];
	[tilespmem:s13+$0x15F60] =	vst v3;
	v0 =	vmax.f32 v0, $0.0e+00;
	v2 =	vadd.f32 v49, v48  }
0x18c: {  	v61 =	vld [tilespmem:s13+$0xE7F0];
	v3 =	vadd.f32 v51, v50;
	[tilespmem:s13+$0x15F70] =	vst v0;
	v1 =	vmax.f32 v1, $0.0e+00  }
0x18d: {  	v0 =	vadd.f32 v53, v52;
	v2 =	vmax.f32 v2, $0.0e+00;
	[tilespmem:s13+$0x15F80] =	vst v1  }
0x18e: {  	v3 =	vmax.f32 v3, $0.0e+00;
	[tilespmem:s13+$0x15F90] =	vst v2;
	v1 =	vadd.f32 v55, v54  }
0x18f: {  	[tilespmem:s13+$0x15FA0] =	vst v3;
	v0 =	vmax.f32 v0, $0.0e+00;
	v2 =	vadd.f32 v57, v56  }
0x190: {  	v3 =	vadd.f32 v59, v58;
	[tilespmem:s13+$0x15FB0] =	vst v0;
	v1 =	vmax.f32 v1, $0.0e+00  }
.Ltmp9:
0x191: {  	v0 =	vadd.f32 v61, v60;
	v62 =	vmax.f32 v2, $0.0e+00;
	[tilespmem:s13+$0x15FC0] =	vst v1;
	(pc) =	sbr.rel .LBB2_11-.Ltmp9, $4  }
0x192: {  	s7 =	sadd.s32 s16, s10;
	v63 =	vmax.f32 v3, $0.0e+00;
	[tilespmem:s13+$0x15FD0] =	vst v62  }
0x193: {  	s7 =	sshll.u32 s7, $0x4;
	[tilespmem:s13+$0x15FE0] =	vst v63;
	v0 =	vmax.f32 v0, $0.0e+00  }
0x194: {  	s7 =	sadd.s32 s6, s7;
	[tilespmem:s13+$0x15FF0] =	vst v0  }
0x195: {  	[hbm4b:s7+s3] =	stream.linear.scatter [tilespmem:s2], [sflag:$0x9], $0x2800, $0x38;
	[tilespmem:$0x18800] =	vst v63  }
.LBB2_13:
0x196: {  	_ =	sfence.sel $0x180000  }
0x197: {  	[bflag:$0x0] =	sbarrier.arrive $0xFFFF  }
0x198: {  	_ =	strace $0x90000047  }
0x199: {  	s0 =	stileid.u32;
	[bflag:$0x2] =	sbarrier.arrive $0xFFFF  }
0x19a: {  	p0 =	sne.s32 s0, $0x0;
	s0 =	rddreg [dreg:$0x4]  }
0x19b: {  	s0 =	sadd.s32 @!p0 $0x100000, s0  }
0x19c: {  	[sflag:s0] =	ssyncadd.tile.s32 @!p0 $0x1;
	_ =	shalt  }
.Lfunc_end2:
_tile_overlayer_lowered:
.L_overlay_start_2:
0x19d: {  	(tag) =	ssettag $0x2  }
0x19e: {  	s0 =	rddreg [dreg:$0x0];
	s2 =	stileid.u32  }
0x19f: {  	s1 =	rddreg [dreg:$0x1];
	p0 =	sne.s32 s2, $0x0  }
0x1a0: {  	s3 =	rddreg [dreg:$0x2];
	[bflag:$0x3] =	sbarrier.arrive $0xFFFF;
	s2 =	simm.s32 @!p0 $0x1C0A  }
0x1a1: {  	[timem:s3], [sflag:s2] =	dma.local @!p0 [hbm:s0], s1  }
0x1a2: {  	s0 =	simm.s32 @!p0 $0xA  }
0x1a3: {  	_ =	swait.ge @!p0 [sflag:s0], s1  }
0x1a4: {  	s1 =	ssub.s32 @!p0 $0x0, s1;
	[sflag:s0] =	ssyncset.done @!p0 $0x0  }
0x1a5: {  	[sflag:s0] =	ssyncadd.s32 @!p0 s1  }
0x1a6: {  	[bflag:$0x3] =	sbarrier.arrive $0xFFFF  }
0x1a7: {  	_ =	shalt  }

// kernel: kernel.21.cloned.1.call-start
scs
__scs_entry_jumppad:
0x0: {  	(pc) =	sbr.rel $0x88, $3  }
0x1: {  	(tag) =	ssettag $0x0;
	lr =	simm.s32 $0x1  }
0x2: {  	[smem:$0x3F92] =	sst lr;
	_ =	strace $0xD0000000  }
0x3: {  	_ = 	snop  }
0x4: {  	_ = 	snop  }
0x5: {  	_ = 	snop  }
0x6: {  	_ = 	snop  }
0x7: {  	_ = 	snop  }
__scs_overlays_trampoline_lowered:
0x8: {  	[smem:$0x3FA1] =	sst s0  }
0x9: {  	[smem:$0x3FA2] =	sst s1  }
0xa: {  	[smem:$0x3FA3] =	sst s2  }
0xb: {  	[smem:$0x3FA4] =	sst s3  }
0xc: {  	[smem:$0x3FA5] =	sst s4  }
0xd: {  	[smem:$0x3FA6] =	sst s5  }
0xe: {  	[smem:$0x3FA7] =	sst s6  }
0xf: {  	[smem:$0x3FA8] =	sst s7  }
0x10: {  	[smem:$0x3FA9] =	sst s8  }
0x11: {  	[smem:$0x3FAA] =	sst s9;
	s0 =	simm.s32 @!p0 $0x0  }
0x12: {  	s1 =	sld [smem:$0x3F90];
	s0 =	simm.s32 @p0 $0x1  }
0x13: {  	[smem:$0x3FAB] =	sst s0;
	s0 =	simm.s32 @!p1 $0x0  }
0x14: {  	s2 =	sld [smem:$0x3F8F];
	s0 =	simm.s32 @p1 $0x1  }
0x15: {  	[smem:$0x3FAC] =	sst s0;
	s0 =	simm.s32 @!p2 $0x0  }
0x16: {  	s3 =	sld [smem:$0x3FDB];
	s0 =	simm.s32 @p2 $0x1  }
0x17: {  	s4 =	simm.s32 $0x1BF5;
	[smem:$0x3FAE] =	sst s0  }
0x18: {  	s0 =	sld [smem:$0x3F91];
	_ =	swait.ge [sflag:s4], $0x0  }
0x19: {  	s7 =	sld [smem:$0x3F92]  }
0x1a: {  	s8 =	sadd.s32 $0xFFFFE003, lr  }
0x1b: {  	s9 =	sadd.s32 $0xFFFFFEF7, lr;
	s5 =	simm.s32 $0xFFFFFFFF;
	p2 =	slt.u32 s8, $0xFFFFF086  }
0x1c: {  	p1 =	slt.u32 s9, $0xF7A;
	s5 =	simm.s32 @!p2 $0x0  }
0x1d: {  	s5 =	simm.s32 @p1 $0x1;
	p0 =	seq.s32 s7, s2  }
0x1e: {  	s7 =	smul.u32 @!p0 $0xF7A, s2;
	p2 =	seq.s32 @!p0 s5, $0x0  }
0x1f: {  	s9 =	smul.u32 $0xF7A, s1;
	s8 =	simm.s32 @!p0 $0x1BF5;
	p2 =	por !p2, p0  }
0x20: {  	[sflag:s8] =	ssyncset.s32 @!p0 $0xFFFFF086;
	s6 =	sadd.s32 @!p0 s3, s7;
	s7 =	simm.s32 @!p0 $0x108  }
0x21: {  	s3 =	sadd.s32 s3, s9;
	s6 =	sadd.s32 @!p0 $0x88, s6;
	s7 =	simm.s32 @p2 $0x1082  }
0x22: {  	[simem:s7], [sflag:s8] =	dma.local @!p0 [hbm:s6], $0xF7A  }
0x23: {  	s9 =	sor.u32 $0xD0000000, s2;
	s6 =	simm.s32 $0x108;
	_ =	swait.ge @!p0 [sflag:s8], $0x0  }
0x24: {  	s3 =	sadd.s32 $0x88, s3;
	s6 =	simm.s32 @!p1 $0x1082;
	[sflag:s4] =	ssyncset.s32 $0xFFFFF086  }
0x25: {  	[simem:s6], [sflag:s4] =	dma.local [hbm:s3], $0xF7A  }
0x26: {  	[smem:$0x3F92] =	sst s1;
	(tag) =	ssettag s2;
	_ =	strace s9  }
0x27: {  	s1 =	sld [smem:$0x3FA2]  }
0x28: {  	s2 =	sld [smem:$0x3FA3]  }
0x29: {  	s4 =	sld [smem:$0x3FA5]  }
0x2a: {  	p0 =	seq.s32 s5, $0x0;
	s5 =	sld [smem:$0x3FA6]  }
0x2b: {  	s6 =	sld [smem:$0x3FA7]  }
0x2c: {  	s7 =	sld [smem:$0x3FA8]  }
0x2d: {  	s3 =	simm.s32 $0x108;
	s8 =	sld [smem:$0x3FA9]  }
0x2e: {  	s3 =	simm.s32 @!p0 $0x1082;
	s9 =	sld [smem:$0x3FAA]  }
0x2f: {  	lr =	sadd.s32 s0, s3;
	s0 =	sld [smem:$0x3FA1]  }
0x30: {  	s3 =	sld [smem:$0x3FA4]  }
0x31: {  	[smem:$0x3FAD] =	sst s10  }
0x32: {  	s10 =	sld [smem:$0x3FAB];
	_ =	sdelay $0x3  }
0x33: {  	p0 =	seq.s32 s10, $0x1;
	s10 =	sld [smem:$0x3FAD];
	_ =	sdelay $0x3  }
0x34: {  	[smem:$0x3FAD] =	sst s10  }
0x35: {  	s10 =	sld [smem:$0x3FAC];
	_ =	sdelay $0x3  }
0x36: {  	p1 =	seq.s32 s10, $0x1;
	s10 =	sld [smem:$0x3FAD];
	_ =	sdelay $0x3  }
0x37: {  	[smem:$0x3FAD] =	sst s10  }
0x38: {  	s10 =	sld [smem:$0x3FAE]  }
0x39: {  	_ = 	snop;
	(pc) =	sbr.ind lr, $3  }
0x3a: {  	_ = 	snop  }
0x3b: {  	_ = 	snop  }
0x3c: {  	p2 =	seq.s32 s10, $0x1;
	s10 =	sld [smem:$0x3FAD]  }
0x3d: {  	_ =	shalt  }
0x3e: {  	_ =	shalt  }
0x3f: {  	_ =	shalt  }
0x40: {  	_ =	shalt  }
0x41: {  	_ =	shalt  }
0x42: {  	_ =	shalt  }
0x43: {  	_ =	shalt  }
0x44: {  	_ =	shalt  }
0x45: {  	_ =	shalt  }
0x46: {  	_ =	shalt  }
0x47: {  	_ =	shalt  }
0x48: {  	_ =	shalt  }
0x49: {  	_ =	shalt  }
0x4a: {  	_ =	shalt  }
0x4b: {  	_ =	shalt  }
0x4c: {  	_ =	shalt  }
0x4d: {  	_ =	shalt  }
0x4e: {  	_ =	shalt  }
0x4f: {  	_ =	shalt  }
0x50: {  	_ =	shalt  }
0x51: {  	_ =	shalt  }
0x52: {  	_ =	shalt  }
0x53: {  	_ =	shalt  }
0x54: {  	_ =	shalt  }
0x55: {  	_ =	shalt  }
0x56: {  	_ =	shalt  }
0x57: {  	_ =	shalt  }
0x58: {  	_ =	shalt  }
0x59: {  	_ =	shalt  }
0x5a: {  	_ =	shalt  }
0x5b: {  	_ =	shalt  }
0x5c: {  	_ =	shalt  }
0x5d: {  	_ =	shalt  }
0x5e: {  	_ =	shalt  }
0x5f: {  	_ =	shalt  }
0x60: {  	_ =	shalt  }
0x61: {  	_ =	shalt  }
0x62: {  	_ =	shalt  }
0x63: {  	_ =	shalt  }
0x64: {  	_ =	shalt  }
0x65: {  	_ =	shalt  }
0x66: {  	_ =	shalt  }
0x67: {  	_ =	shalt  }
0x68: {  	_ =	shalt  }
0x69: {  	_ =	shalt  }
0x6a: {  	_ =	shalt  }
0x6b: {  	_ =	shalt  }
0x6c: {  	_ =	shalt  }
0x6d: {  	_ =	shalt  }
0x6e: {  	_ =	shalt  }
0x6f: {  	_ =	shalt  }
0x70: {  	_ =	shalt  }
0x71: {  	_ =	shalt  }
0x72: {  	_ =	shalt  }
0x73: {  	_ =	shalt  }
0x74: {  	_ =	shalt  }
0x75: {  	_ =	shalt  }
0x76: {  	_ =	shalt  }
0x77: {  	_ =	shalt  }
0x78: {  	_ =	shalt  }
0x79: {  	_ =	shalt  }
0x7a: {  	_ =	shalt  }
0x7b: {  	_ =	shalt  }
0x7c: {  	_ =	shalt  }
0x7d: {  	_ =	shalt  }
0x7e: {  	_ =	shalt  }
0x7f: {  	_ =	shalt  }
0x80: {  	_ =	shalt  }
0x81: {  	_ =	shalt  }
0x82: {  	_ =	shalt  }
0x83: {  	_ =	shalt  }
0x84: {  	_ =	shalt  }
0x85: {  	_ =	shalt  }
0x86: {  	_ =	shalt  }
0x87: {  	_ =	shalt  }
.Lfunc_end0:
.L_simem_size_0:
called_computation.3_lowered:
.L_overlay_start_0:
0x88: {  	s2 =	sld [smem:$0x3FD9]  }
0x89: {  	s3 =	sld [smem:$0x3FFE];
	_ =	sdelay $0x1  }
0x8a: {  	s1 =	srdreg.scid  }
0x8b: {  	s0 =	sand.u32 $0x1, s1  }
0x8c: {  	s17 =	sshll.u32 s0, $0xA;
	s2 =	sadd.s32 s3, s2  }
0x8d: {  	s2 =	sadd.s32 s2, s17  }
0x8e: {  	[smem:$0x3FB9] =	sst s2  }
0x8f: {  	_ = 	snop  }
0x90: {  	s18 =	sld [smem:$0x3FC7];
	(tm) =	ssettm $0x1  }
0x91: {  	s19 =	sld [smem:$0x3FFB];
	_ =	sdelay $0x3  }
0x92: {  	_ =	strace s19  }
0x93: {  	s2 =	sld [smem:$0x3FFC];
	_ =	sdelay $0x3  }
0x94: {  	_ =	strace s2  }
0x95: {  	s2 =	sld [smem:$0x3FFD];
	_ =	sdelay $0x3  }
0x96: {  	_ =	strace s2  }
0x97: {  	_ =	strace $0x8FFFFFFF  }
0x98: {  	s20 =	sld [smem:$0x3FDB];
	_ =	sdelay $0x1  }
0x99: {  	s4 =	simm.s32 $_scs_section_size  }
0x9a: {  	s5 =	simm.s32 $_size__tile_overlayer_lowered;
	s6 =	simm.s32 $_tile_overlayer_lowered  }
0x9b: {  	s7 =	simm.s32 $0x1BFF;
	s21 =	sshll.u32 s6, $0x1;
	s4 =	sadd.s32 s4, s20  }
0x9c: {  	s22 =	simm.s32 $0x0;
	s5 =	sshll.u32 s5, $0x1;
	s6 =	sadd.s32 s21, s4  }
0x9d: {  	[timem:s22], [sflag:s7] =	dma.local [hbm:s6], s5  }
0x9e: {  	_ =	swait.ge [sflag:s7], s5  }
0x9f: {  	s5 =	ssub.s32 $0x0, s5;
	[sflag:s7] =	ssyncset.done $0x0  }
0xa0: {  	[sflag:s7] =	ssyncadd.s32 s5;
	_ =	sdelay $0x1  }
0xa1: {  	s23 =	simm.s32 $0x1B8B  }
0xa2: {  	_ =	swait.ge [sflag:s23], $0x1  }
0xa3: {  	[sflag:s23] =	ssyncset.done $0x0  }
0xa4: {  	[sflag:s23] =	ssyncadd.s32 $0xFFFFFFFF  }
0xa5: {  	s5 =	sld [smem:$0x0]  }
0xa6: {  	s6 =	sand.u32 $0xFFFFFFFE, s1  }
0xa7: {  	p0 =	sne.s32 s1, s6  }
0xa8: {  	s6 =	sshll.u32 @p0 s6, $0xE  }
0xa9: {  	s6 =	sadd.s32 @p0 $0x11B8D, s6;
	s7 =	sshll.u32 @p0 s5, $0x11  }
0xaa: {  	s6 =	sor.u32 @p0 s7, s6  }
0xab: {  	[sflag:s6] =	ssyncadd.remote.s32 @p0 $0x1;
	_ =	sdelay $0x1  }
0xac: {  	s6 =	simm.s32 @p0 $0x1B8D  }
0xad: {  	_ =	swait.eq @p0 [sflag:s6], $0x1  }
0xae: {  	[sflag:s6] =	ssyncadd.s32 @p0 $0xFFFFFFFF  }
0xaf: {  	s7 =	sshll.u32 @!p0 s1, $0xE  }
0xb0: {  	s7 =	sor.u32 @!p0 $0x4000, s7;
	s6 =	simm.s32 @!p0 $0x1B8D  }
0xb1: {  	s5 =	sshll.u32 @!p0 s5, $0x11;
	s7 =	sadd.s32 @!p0 $0x11B8D, s7;
	_ =	swait.eq @!p0 [sflag:s6], $0x1  }
0xb2: {  	s5 =	sor.u32 @!p0 s5, s7;
	[sflag:s6] =	ssyncadd.s32 @!p0 $0xFFFFFFFF  }
0xb3: {  	s25 =	simm.s32 $0x1B8E;
	s24 =	sld [smem:$0x3FFE];
	[sflag:s5] =	ssyncadd.remote.s32 @!p0 $0x1  }
0xb4: {  	s26 =	simm.s32 $execute0_lowered;
	[smem:$0x3FD2] =	sst s25  }
0xb5: {  	s6 =	sshll.u32 s26, $0x1;
	_ =	strace $0x8000004C;
	[dreg:$0x1] =	wrdreg $0xFFFFFFFF  }
0xb6: {  	s28 =	simm.s32 $_size_execute0_lowered;
	s4 =	sadd.s32 s4, s6;
	[dreg:$0x0] =	wrdreg $0x0  }
0xb7: {  	s6 =	sshll.u32 s28, $0x1;
	[dreg:$0x2] =	wrdreg s4  }
0xb8: {  	[dreg:$0x3] =	wrdreg s6  }
0xb9: {  	[dreg:$0x4] =	wrdreg $0xC0  }
0xba: {  	_ =	task [dreg:s22], $0x5FFFF  }
0xbb: {  	[dreg:$0x1] =	wrdreg $0xFFFFFFFF  }
0xbc: {  	[dreg:$0x0] =	wrdreg $0x60  }
0xbd: {  	[dreg:$0x2] =	wrdreg s24  }
0xbe: {  	[dreg:$0x3] =	wrdreg s18  }
0xbf: {  	[dreg:$0x4] =	wrdreg $0x0  }
0xc0: {  	[dreg:$0x5] =	wrdreg $0xA  }
0xc1: {  	_ =	task.clear_ibuf [dreg:s22], $0x6FFFF;
	_ =	strace $0x9000004C  }
0xc2: {  	s29 =	simm.s32 $0xA;
	_ =	strace $0x8000004E  }
0xc3: {  	_ =	swait.ge [sflag:s29], $0x1  }
0xc4: {  	[sflag:s29] =	ssyncadd.s32 $0xFFFFFFFF  }
0xc5: {  	_ =	strace $0x9000004E  }
0xc6: {  	_ =	sfence  }
0xc7: {  	s30 =	sld [smem:$0x0];
	_ =	sdelay $0x2  }
0xc8: {  	s31 =	sshll.u32 s1, $0xD;
	s1 =	sshrl.u32 s1, $0x2  }
0xc9: {  	s4 =	sand.u32 $0x4000, s31;
	s1 =	sadd.s32 s1, s30  }
0xca: {  	s0 =	sor.u32 s4, s0;
	s1 =	sshll.u32 s1, $0x11  }
0xcb: {  	s0 =	sor.u32 s1, s0  }
0xcc: {  	s0 =	sadd.s32 $0x8F2B, s0  }
0xcd: {  	[sflag:s0] =	ssyncadd.remote.s32 $0x1  }
0xce: {  	_ =	sfence.sel $0xFFFF  }
0xcf: {  	[dreg:$0x0] =	wrdreg $0xFFFFFFFF;
	(pc) =	sbr.abs _section_cstart, $3  }
0xd0: {  	[dreg:$0x1] =	wrdreg $0xFFFFFFFF  }
0xd1: {  	_ =	task.clear_ibuf [dreg:s22], $0x2FFFF;
	_ =	strace $0x9FFFFFFF  }
0xd2: {  	(tm) =	ssettm $0x7FFFFFFF  }
0xd3: {  	_ =	shalt  }
tec
execute0_lowered:
.L_overlay_start_1:
0x0: {  	(tag) =	ssettag $0x1  }
0x1: {  	s0 =	srdreg.scid;
	s4 =	rddreg [dreg:$0x0]  }
0x2: {  	s20 =	stileid.u32;
	s6 =	rddreg [dreg:$0x1]  }
0x3: {  	s0 =	sand.u32 $0x1, s0;
	s1 =	sshll.u32 s20, $0x1;
	s5 =	smul.u32 $0x14000, s20  }
0x4: {  	s7 =	sadd.s32 $0x2B200, s4;
	s1 =	sor.u32 s0, s1;
	s3 =	smul.u32 $0x140000, s0  }
0x5: {  	s26 =	sadd.s32 $0x50D200, s4;
	s8 =	ssub.s32 $0x2, s0;
	s2 =	smul.u32 $0xFA0, s1  }
0x6: {  	s9 =	sshrl.u32 s8, $0x1;
	s13 =	sadd.s32 $0x6000, s5;
	s1 =	smul.u32 $0xFA00, s1  }
0x7: {  	s11 =	sadd.s32 s3, s5;
	s8 =	ssub.s32 s8, s9;
	s10 =	sshrl.u32 s2, $0x3  }
0x8: {  	s14 =	sshrl.u32 s11, $0x3;
	s1 =	sadd.s32 s26, s1;
	s6 =	sadd.s32 s6, s10  }
0x9: {  	s9 =	sadd.s32 s7, s14;
	s10 =	sadd.s32 $0x4000, s5;
	s14 =	sadd.s32 s3, s13  }
0xa: {  	[dreg:$0x4] =	wrdreg s9;
	s9 =	sor.u32 $0x2000, s5;
	s12 =	sadd.s32 s3, s10  }
0xb: {  	[dreg:$0xe] =	wrdreg s1;
	s15 =	sadd.s32 s3, s9;
	s12 =	sshrl.u32 s12, $0x3  }
0xc: {  	s17 =	sshrl.u32 s14, $0x3;
	s11 =	sshrl.u32 s15, $0x3;
	s16 =	sadd.s32 s7, s12  }
0xd: {  	s12 =	sadd.s32 $0x8000, s5;
	s11 =	sadd.s32 s7, s11;
	[dreg:$0x6] =	wrdreg s16  }
0xe: {  	s16 =	sadd.s32 $0xA000, s5;
	s18 =	sadd.s32 s3, s12;
	[dreg:$0x5] =	wrdreg s11  }
0xf: {  	s11 =	sadd.s32 s7, s17;
	s19 =	sadd.s32 s3, s16;
	s17 =	sadd.s32 $0xC000, s5  }
0x10: {  	[dreg:$0x7] =	wrdreg s11;
	s11 =	sshrl.u32 s18, $0x3;
	s14 =	sshrl.u32 s19, $0x3  }
0x11: {  	s15 =	sadd.s32 s3, s17;
	s18 =	sadd.s32 $0xE000, s5;
	s19 =	sadd.s32 $0x10000, s5  }
0x12: {  	s5 =	sadd.s32 $0x12000, s5;
	s11 =	sadd.s32 s7, s11;
	s21 =	sadd.s32 s7, s14  }
0x13: {  	s22 =	sshrl.u32 s15, $0x3;
	s23 =	sadd.s32 s3, s18;
	[dreg:$0x8] =	wrdreg s11  }
0x14: {  	s24 =	sadd.s32 s3, s19;
	[dreg:$0x9] =	wrdreg s21;
	s11 =	sadd.s32 s7, s22  }
0x15: {  	s3 =	sadd.s32 s3, s5;
	s14 =	sshrl.u32 s24, $0x3;
	[dreg:$0xa] =	wrdreg s11  }
0x16: {  	s3 =	sshrl.u32 s3, $0x3;
	s25 =	sadd.s32 s7, s14;
	s14 =	rddreg [dreg:$0x2]  }
0x17: {  	s11 =	sshrl.u32 s23, $0x3;
	s3 =	sadd.s32 s7, s3;
	[dreg:$0xc] =	wrdreg s25  }
0x18: {  	s28 =	smul.u32 $0x50000, s20;
	s11 =	sadd.s32 s7, s11;
	[dreg:$0xd] =	wrdreg s3  }
0x19: {  	s29 =	sshll.u32 s2, $0x4;
	[dreg:$0xb] =	wrdreg s11;
	s11 =	simm.s32 $0x0  }
0x1a: {  	s1 =	sadd.s32 s26, s29;
	s4 =	sadd.s32 $0x5DC0, s6;
	[smem:$0x7FF] =	sst s11  }
0x1b: {  	s6 =	smax.u32 s8, $0x1;
	_ =	strace $0x8000004D;
	[dreg:$0xf] =	wrdreg s4  }
0x1c: {  	s30 =	smul.u32 $0x1F400, s20;
	s7 =	sadd.s32 $0x500, s1;
	[dreg:$0x10] =	wrdreg s6  }
0x1d: {  	s0 =	smul.u32 $0xFA00, s0;
	s8 =	sadd.s32 $0xA00, s1;
	[dreg:$0x11] =	wrdreg s7  }
0x1e: {  	s31 =	sshrl.u32 s28, $0x2;
	s1 =	sadd.s32 $0xF00, s1;
	[dreg:$0x12] =	wrdreg s8  }
0x1f: {  	s2 =	sadd.s32 s30, s26;
	s20 =	sadd.s32 s9, s14;
	[dreg:$0x13] =	wrdreg s1  }
0x20: {  	s0 =	sadd.s32 s0, s2;
	s21 =	sadd.s32 s10, s14;
	[dreg:$0x14] =	wrdreg s20  }
0x21: {  	s0 =	sadd.s32 $0x1E00, s0;
	s22 =	sadd.s32 s13, s14;
	[dreg:$0x15] =	wrdreg s21  }
0x22: {  	s15 =	sadd.s32 s31, s14;
	s23 =	sadd.s32 s12, s14;
	[dreg:$0x16] =	wrdreg s22  }
0x23: {  	s24 =	sadd.s32 s16, s14;
	s25 =	sadd.s32 s17, s14;
	[dreg:$0x17] =	wrdreg s23  }
0x24: {  	s26 =	sadd.s32 s18, s14;
	s28 =	sadd.s32 s19, s14;
	[dreg:$0x18] =	wrdreg s24  }
0x25: {  	s29 =	sadd.s32 s5, s14;
	s9 =	simm.s32 $0x7;
	[dreg:$0x19] =	wrdreg s25  }
0x26: {  	s10 =	simm.s32 $0x14000;
	s12 =	simm.s32 $0x15000;
	[dreg:$0x1a] =	wrdreg s26  }
0x27: {  	s16 =	simm.s32 $0x50;
	s17 =	simm.s32 $0x17800;
	[dreg:$0x1b] =	wrdreg s28  }
0x28: {  	s18 =	simm.s32 $0x2;
	s19 =	simm.s32 $0x1A000;
	[dreg:$0x1c] =	wrdreg s29  }
0x29: {  	s30 =	sadd.s32 $0x2000, s15;
	s31 =	sadd.s32 $0x4000, s15;
	[dreg:$0x1d] =	wrdreg s0  }
0x2a: {  	s2 =	sadd.s32 $0x8000, s15;
	s3 =	sadd.s32 $0xA000, s15;
	[dreg:$0x1e] =	wrdreg s30  }
0x2b: {  	s5 =	sadd.s32 $0xE000, s15;
	[dreg:$0x1f] =	wrdreg s31;
	s1 =	sadd.s32 $0x6000, s15  }
0x2c: {  	s4 =	sadd.s32 $0xC000, s15;
	s6 =	sadd.s32 $0x10000, s15;
	s7 =	sadd.s32 $0x12000, s15  }
0x2d: {  	s8 =	simm.s32 $0x1C800;
	s20 =	simm.s32 $0x3;
	s21 =	simm.s32 $0x4  }
0x2e: {  	v0 =	vimm.f32 $0.0e+00;
	s22 =	simm.s32 $0x6;
	s23 =	simm.s32 $0x5;
	s24 =	simm.s32 $0x0  }
.LBB2_1:
0x2f: {  	s25 =	simm.s32 $0x0;
	s26 =	simm.s32 $0x200  }
.LBB2_2:
0x30: {  	p0 =	sne.s32 s26, $0x7E00;
	[tilespmem:s25+$0x1C870] =	vst v0  }
0x31: {  	[tilespmem:s25+$0x1C800] =	vst v0  }
0x32: {  	[tilespmem:s25+$0x1C810] =	vst v0  }
.Ltmp0:
0x33: {  	[tilespmem:s25+$0x1C820] =	vst v0;
	(pc) =	sbr.rel @p0 .LBB2_2-.Ltmp0, $4  }
0x34: {  	[tilespmem:s25+$0x1C830] =	vst v0  }
0x35: {  	[tilespmem:s25+$0x1C840] =	vst v0  }
0x36: {  	[tilespmem:s25+$0x1C850] =	vst v0  }
0x37: {  	[tilespmem:s25+$0x1C860] =	vst v0;
	s25 =	sshra.s32 s26, $0x2;
	s26 =	sadd.s32 $0x200, s26  }
0x38: {  	[tilespmem:s25+$0x1C870] =	vst v0  }
0x39: {  	[tilespmem:s25+$0x1C800] =	vst v0  }
0x3a: {  	[tilespmem:s25+$0x1C810] =	vst v0  }
0x3b: {  	[tilespmem:s25+$0x1C820] =	vst v0  }
0x3c: {  	[tilespmem:s25+$0x1C830] =	vst v0  }
0x3d: {  	[tilespmem:s25+$0x1C840] =	vst v0  }
0x3e: {  	[tilespmem:s25+$0x1C850] =	vst v0  }
0x3f: {  	[tilespmem:s25+$0x1C860] =	vst v0  }
0x40: {  	[spmem:s15] =	stream.linear.scatter [tilespmem:s8], [sflag:$0x7], $0x2000, $0x38;
	[tilespmem:$0x1E800] =	vst v63  }
0x41: {  	_ =	swait.ge [sflag:s9], $0x2000  }
0x42: {  	[sflag:s9] =	ssyncset.done $0x0  }
0x43: {  	s0 =	rddreg [dreg:$0x1e];
	[sflag:s9] =	ssyncadd.s32 $0xFFFFE000  }
0x44: {  	[spmem:s0] =	stream.linear.scatter [tilespmem:s8], [sflag:$0x7], $0x2000, $0x38;
	[tilespmem:$0x1E800] =	vst v63  }
0x45: {  	_ =	swait.ge [sflag:s9], $0x2000  }
0x46: {  	[sflag:s9] =	ssyncset.done $0x0  }
0x47: {  	s26 =	rddreg [dreg:$0x1f];
	[sflag:s9] =	ssyncadd.s32 $0xFFFFE000  }
0x48: {  	[spmem:s26] =	stream.linear.scatter [tilespmem:s8], [sflag:$0x7], $0x2000, $0x38;
	[tilespmem:$0x1E800] =	vst v63  }
0x49: {  	_ =	swait.ge [sflag:s9], $0x2000  }
0x4a: {  	[sflag:s9] =	ssyncset.done $0x0  }
0x4b: {  	[sflag:s9] =	ssyncadd.s32 $0xFFFFE000  }
0x4c: {  	[spmem:s1] =	stream.linear.scatter [tilespmem:s8], [sflag:$0x7], $0x2000, $0x38;
	[tilespmem:$0x1E800] =	vst v63  }
0x4d: {  	_ =	swait.ge [sflag:s9], $0x2000  }
0x4e: {  	[sflag:s9] =	ssyncset.done $0x0  }
0x4f: {  	[sflag:s9] =	ssyncadd.s32 $0xFFFFE000  }
0x50: {  	[spmem:s2] =	stream.linear.scatter [tilespmem:s8], [sflag:$0x7], $0x2000, $0x38;
	[tilespmem:$0x1E800] =	vst v63  }
0x51: {  	_ =	swait.ge [sflag:s9], $0x2000  }
0x52: {  	[sflag:s9] =	ssyncset.done $0x0  }
0x53: {  	[sflag:s9] =	ssyncadd.s32 $0xFFFFE000  }
0x54: {  	[spmem:s3] =	stream.linear.scatter [tilespmem:s8], [sflag:$0x7], $0x2000, $0x38;
	[tilespmem:$0x1E800] =	vst v63  }
0x55: {  	_ =	swait.ge [sflag:s9], $0x2000  }
0x56: {  	[sflag:s9] =	ssyncset.done $0x0  }
0x57: {  	[sflag:s9] =	ssyncadd.s32 $0xFFFFE000  }
0x58: {  	[spmem:s4] =	stream.linear.scatter [tilespmem:s8], [sflag:$0x7], $0x2000, $0x38;
	[tilespmem:$0x1E800] =	vst v63  }
0x59: {  	_ =	swait.ge [sflag:s9], $0x2000  }
0x5a: {  	[sflag:s9] =	ssyncset.done $0x0  }
0x5b: {  	[sflag:s9] =	ssyncadd.s32 $0xFFFFE000  }
0x5c: {  	[spmem:s5] =	stream.linear.scatter [tilespmem:s8], [sflag:$0x7], $0x2000, $0x38;
	[tilespmem:$0x1E800] =	vst v63  }
0x5d: {  	_ =	swait.ge [sflag:s9], $0x2000  }
0x5e: {  	[sflag:s9] =	ssyncset.done $0x0  }
0x5f: {  	[sflag:s9] =	ssyncadd.s32 $0xFFFFE000  }
0x60: {  	[spmem:s6] =	stream.linear.scatter [tilespmem:s8], [sflag:$0x7], $0x2000, $0x38;
	[tilespmem:$0x1E800] =	vst v63  }
0x61: {  	_ =	swait.ge [sflag:s9], $0x2000  }
0x62: {  	[sflag:s9] =	ssyncset.done $0x0  }
0x63: {  	[sflag:s9] =	ssyncadd.s32 $0xFFFFE000  }
0x64: {  	[spmem:s7] =	stream.linear.scatter [tilespmem:s8], [sflag:$0x7], $0x2000, $0x38;
	[tilespmem:$0x1E800] =	vst v63  }
0x65: {  	_ =	swait.ge [sflag:s9], $0x2000  }
0x66: {  	[sflag:s9] =	ssyncset.done $0x0  }
0x67: {  	s25 =	simm.s32 $0x0;
	s28 =	rddreg [dreg:$0xf];
	[sflag:s9] =	ssyncadd.s32 $0xFFFFE000  }
0x68: {  	[tilespmem:s10], [sflag:$0x7] =	stream.linear.gather [hbm4b:s28+s25], $0xFA0, $0x38;
	[tilespmem:$0x1E800] =	vst v63  }
0x69: {  	_ =	swait.ge [sflag:s9], $0xFA0  }
0x6a: {  	[sflag:s9] =	ssyncset.done $0x0  }
0x6b: {  	[sflag:s9] =	ssyncadd.s32 $0xFFFFF060  }
0x6c: {  	[bflag:$0x0] =	sbarrier.arrive $0xFFFF  }
0x6d: {  	s26 =	simm.s32 $0x1;
	s29 =	rddreg [dreg:$0xe]  }
0x6e: {  	[tilespmem:s12], [sflag:$0x1] =	stream.linear.gather [hbm4b:s29+s25], $0x2800, $0x38;
	[tilespmem:$0x1E800] =	vst v63  }
0x6f: {  	_ =	swait.ge [sflag:s26], $0x2800  }
0x70: {  	[sflag:s26] =	ssyncset.done $0x0  }
0x71: {  	[sflag:s26] =	ssyncadd.s32 $0xFFFFD800  }
0x72: {  	[spmem:s14] =	stream.indirect.scatter.add.f32 [tilespmem:s12], [sflag:$0x4], $0x80, s10, s16, $0xb8;
	[tilespmem:$0x1E800] =	vst v63  }
0x73: {  	s30 =	rddreg [dreg:$0x11]  }
0x74: {  	[tilespmem:s17], [sflag:$0x2] =	stream.linear.gather [hbm4b:s30+s25], $0x2800, $0x38;
	[tilespmem:$0x1E800] =	vst v63  }
0x75: {  	_ =	swait.ge [sflag:s18], $0x2800  }
0x76: {  	[sflag:s18] =	ssyncset.done $0x0  }
0x77: {  	s13 =	simm.s32 $0x14050;
	[sflag:s18] =	ssyncadd.s32 $0xFFFFD800  }
0x78: {  	[spmem:s14] =	stream.indirect.scatter.add.f32 [tilespmem:s17], [sflag:$0x5], $0x80, s13, s16, $0xb8;
	[tilespmem:$0x1E800] =	vst v63  }
0x79: {  	s28 =	rddreg [dreg:$0x12]  }
0x7a: {  	[tilespmem:s19], [sflag:$0x3] =	stream.linear.gather [hbm4b:s28+s25], $0x2800, $0x38;
	[tilespmem:$0x1E800] =	vst v63  }
0x7b: {  	_ =	swait.ge [sflag:s20], $0x2800  }
0x7c: {  	[sflag:s20] =	ssyncset.done $0x0  }
0x7d: {  	s29 =	simm.s32 $0x140A0;
	[sflag:s20] =	ssyncadd.s32 $0xFFFFD800  }
0x7e: {  	[spmem:s14] =	stream.indirect.scatter.add.f32 [tilespmem:s19], [sflag:$0x6], $0x80, s29, s16, $0xb8;
	[tilespmem:$0x1E800] =	vst v63  }
0x7f: {  	_ =	swait.ge [sflag:s21], $0x2800  }
0x80: {  	[sflag:s21] =	ssyncset.done $0x0;
	s30 =	rddreg [dreg:$0x13]  }
0x81: {  	s31 =	rddreg [dreg:$0x1d];
	[sflag:s21] =	ssyncadd.s32 $0xFFFFD800  }
0x82: {  	[tilespmem:s12], [sflag:$0x1] =	stream.linear.gather [hbm4b:s30+s25], $0x2800, $0x38;
	[tilespmem:$0x1E800] =	vst v63  }
.LBB2_4:
0x83: {  	p0 =	seq.s32 s25, $0x3C00  }
0x84: {  	s29 =	simm.s32 @!p0 $0x1  }
0x85: {  	_ =	swait.ge @!p0 [sflag:s29], $0x2800  }
0x86: {  	[sflag:s29] =	ssyncset.done @!p0 $0x0  }
0x87: {  	[sflag:s29] =	ssyncadd.s32 @!p0 $0xFFFFD800;
	s29 =	sshra.s32 @!p0 s25, $0x2  }
0x88: {  	s13 =	simm.s32 @!p0 $0x50;
	s0 =	simm.s32 @!p0 $0x15000;
	s30 =	sadd.s32 @!p0 $0x140F0, s29  }
0x89: {  	[spmem:s14] =	stream.indirect.scatter.add.f32 @!p0 [tilespmem:s0], [sflag:$0x4], $0x80, s30, s13, $0xb8;
	[tilespmem:$0x1E800] =	vst v63  }
0x8a: {  	s0 =	simm.s32 @!p0 $0x5  }
0x8b: {  	_ =	swait.ge @!p0 [sflag:s0], $0x2800  }
0x8c: {  	s28 =	simm.s32 @!p0 $0x17800;
	[sflag:s0] =	ssyncset.done @!p0 $0x0  }
0x8d: {  	s30 =	simm.s32 @!p0 $0x0;
	[sflag:s0] =	ssyncadd.s32 @!p0 $0xFFFFD800;
	s0 =	sadd.s32 @!p0 $0xFFFFF600, s31  }
0x8e: {  	[tilespmem:s28], [sflag:$0x2] =	stream.linear.gather @!p0 [hbm4b:s0+s30], $0x2800, $0x38;
	[tilespmem:$0x1E800] =	vst v63  }
0x8f: {  	s0 =	simm.s32 @!p0 $0x2  }
0x90: {  	_ =	swait.ge @!p0 [sflag:s0], $0x2800  }
0x91: {  	p1 =	sgt.u32 @!p0 s26, $0xF;
	[sflag:s0] =	ssyncset.done @!p0 $0x0  }
0x92: {  	p1 =	por p1, p0;
	[sflag:s0] =	ssyncadd.s32 @!p0 $0xFFFFD800;
	s0 =	sadd.s32 @!p0 $0x14140, s29  }
0x93: {  	[spmem:s14] =	stream.indirect.scatter.add.f32 @!p0 [tilespmem:s28], [sflag:$0x5], $0x80, s0, s13, $0xb8;
	[tilespmem:$0x1E800] =	vst v63  }
0x94: {  	s0 =	simm.s32 @!p1 $0x6  }
0x95: {  	_ =	swait.ge @!p1 [sflag:s0], $0x2800  }
0x96: {  	s13 =	simm.s32 @!p1 $0x0;
	[sflag:s0] =	ssyncset.done @!p1 $0x0  }
0x97: {  	s28 =	simm.s32 @!p1 $0x1A000;
	[sflag:s0] =	ssyncadd.s32 @!p1 $0xFFFFD800;
	s0 =	sadd.s32 @!p1 $0xFFFFFB00, s31  }
0x98: {  	[tilespmem:s28], [sflag:$0x3] =	stream.linear.gather @!p1 [hbm4b:s0+s13], $0x2800, $0x38;
	[tilespmem:$0x1E800] =	vst v63  }
0x99: {  	s0 =	simm.s32 @!p1 $0x3  }
0x9a: {  	_ =	swait.ge @!p1 [sflag:s0], $0x2800  }
0x9b: {  	s29 =	sshra.s32 @!p1 s25, $0x2;
	[sflag:s0] =	ssyncset.done @!p1 $0x0  }
0x9c: {  	[sflag:s0] =	ssyncadd.s32 @!p1 $0xFFFFD800;
	s0 =	sadd.s32 @!p1 $0x14190, s29;
	s29 =	simm.s32 @!p1 $0x50  }
0x9d: {  	[spmem:s14] =	stream.indirect.scatter.add.f32 @!p1 [tilespmem:s28], [sflag:$0x6], $0x80, s0, s29, $0xb8;
	[tilespmem:$0x1E800] =	vst v63  }
0x9e: {  	s0 =	simm.s32 @!p1 $0x4  }
0x9f: {  	_ =	swait.ge @!p1 [sflag:s0], $0x2800  }
0xa0: {  	[sflag:s0] =	ssyncset.done @!p1 $0x0  }
0xa1: {  	s25 =	sadd.s32 @!p0 $0x3C0, s25;
	[sflag:s0] =	ssyncadd.s32 @!p1 $0xFFFFD800;
	s0 =	simm.s32 @!p1 $0x15000  }
0xa2: {  	[tilespmem:s0], [sflag:$0x1] =	stream.linear.gather @!p1 [hbm4b:s31+s13], $0x2800, $0x38;
	[tilespmem:$0x1E800] =	vst v63  }
0xa3: {  	p1 =	sne.s32 @!p0 s25, $0x3FC0  }
0xa4: {  	p1 =	por p0, !p1  }
.Ltmp1:
0xa5: {  	_ = 	snop;
	(pc) =	sbr.rel @!p1 .LBB2_4-.Ltmp1, $2  }
0xa6: {  	_ =	sdelay $0x2  }
0xa7: {  	s26 =	sadd.s32 @!p0 $0x1, s26;
	s31 =	sadd.s32 @!p0 $0xF00, s31  }
0xa8: {  	_ =	swait.ge [sflag:s22], $0x2800  }
0xa9: {  	[sflag:s22] =	ssyncset.done $0x0  }
0xaa: {  	[sflag:s22] =	ssyncadd.s32 $0xFFFFD800  }
0xab: {  	_ =	swait.ge [sflag:s21], $0x2800  }
0xac: {  	[sflag:s21] =	ssyncset.done $0x0  }
0xad: {  	[sflag:s21] =	ssyncadd.s32 $0xFFFFD800  }
0xae: {  	_ =	swait.ge [sflag:s23], $0x2800  }
0xaf: {  	[sflag:s23] =	ssyncset.done $0x0  }
0xb0: {  	[sflag:s23] =	ssyncadd.s32 $0xFFFFD800  }
0xb1: {  	[bflag:$0x0] =	sbarrier.arrive $0xFFFF  }
0xb2: {  	[tilespmem:s8], [sflag:$0x7] =	stream.linear.gather [spmem:s15], $0x2000, $0x38;
	[tilespmem:$0x1E800] =	vst v63  }
0xb3: {  	_ =	swait.ge [sflag:s9], $0x2000  }
0xb4: {  	[sflag:s9] =	ssyncset.done $0x0  }
0xb5: {  	s0 =	rddreg [dreg:$0x4];
	[sflag:s9] =	ssyncadd.s32 $0xFFFFE000  }
0xb6: {  	[hbm4b:s0+s11] =	stream.linear.scatter [tilespmem:s8], [sflag:$0x7], $0x2000, $0x38;
	[tilespmem:$0x1E800] =	vst v63  }
0xb7: {  	_ =	swait.ge [sflag:s9], $0x2000  }
0xb8: {  	[sflag:s9] =	ssyncset.done $0x0  }
0xb9: {  	s26 =	rddreg [dreg:$0x14];
	[sflag:s9] =	ssyncadd.s32 $0xFFFFE000  }
0xba: {  	[tilespmem:s8], [sflag:$0x7] =	stream.linear.gather [spmem:s26], $0x2000, $0x38;
	[tilespmem:$0x1E800] =	vst v63  }
0xbb: {  	_ =	swait.ge [sflag:s9], $0x2000  }
0xbc: {  	[sflag:s9] =	ssyncset.done $0x0  }
0xbd: {  	s28 =	rddreg [dreg:$0x5];
	[sflag:s9] =	ssyncadd.s32 $0xFFFFE000  }
0xbe: {  	[hbm4b:s28+s11] =	stream.linear.scatter [tilespmem:s8], [sflag:$0x7], $0x2000, $0x38;
	[tilespmem:$0x1E800] =	vst v63  }
0xbf: {  	_ =	swait.ge [sflag:s9], $0x2000  }
0xc0: {  	[sflag:s9] =	ssyncset.done $0x0  }
0xc1: {  	s29 =	rddreg [dreg:$0x15];
	[sflag:s9] =	ssyncadd.s32 $0xFFFFE000  }
0xc2: {  	[tilespmem:s8], [sflag:$0x7] =	stream.linear.gather [spmem:s29], $0x2000, $0x38;
	[tilespmem:$0x1E800] =	vst v63  }
0xc3: {  	_ =	swait.ge [sflag:s9], $0x2000  }
0xc4: {  	[sflag:s9] =	ssyncset.done $0x0  }
0xc5: {  	s30 =	rddreg [dreg:$0x6];
	[sflag:s9] =	ssyncadd.s32 $0xFFFFE000  }
0xc6: {  	[hbm4b:s30+s11] =	stream.linear.scatter [tilespmem:s8], [sflag:$0x7], $0x2000, $0x38;
	[tilespmem:$0x1E800] =	vst v63  }
0xc7: {  	_ =	swait.ge [sflag:s9], $0x2000  }
0xc8: {  	[sflag:s9] =	ssyncset.done $0x0  }
0xc9: {  	s31 =	rddreg [dreg:$0x16];
	[sflag:s9] =	ssyncadd.s32 $0xFFFFE000  }
0xca: {  	[tilespmem:s8], [sflag:$0x7] =	stream.linear.gather [spmem:s31], $0x2000, $0x38;
	[tilespmem:$0x1E800] =	vst v63  }
0xcb: {  	_ =	swait.ge [sflag:s9], $0x2000  }
0xcc: {  	[sflag:s9] =	ssyncset.done $0x0  }
0xcd: {  	s13 =	rddreg [dreg:$0x7];
	[sflag:s9] =	ssyncadd.s32 $0xFFFFE000  }
0xce: {  	[hbm4b:s13+s11] =	stream.linear.scatter [tilespmem:s8], [sflag:$0x7], $0x2000, $0x38;
	[tilespmem:$0x1E800] =	vst v63  }
0xcf: {  	_ =	swait.ge [sflag:s9], $0x2000  }
0xd0: {  	[sflag:s9] =	ssyncset.done $0x0  }
0xd1: {  	s25 =	rddreg [dreg:$0x17];
	[sflag:s9] =	ssyncadd.s32 $0xFFFFE000  }
0xd2: {  	[tilespmem:s8], [sflag:$0x7] =	stream.linear.gather [spmem:s25], $0x2000, $0x38;
	[tilespmem:$0x1E800] =	vst v63  }
0xd3: {  	_ =	swait.ge [sflag:s9], $0x2000  }
0xd4: {  	[sflag:s9] =	ssyncset.done $0x0  }
0xd5: {  	s26 =	rddreg [dreg:$0x8];
	[sflag:s9] =	ssyncadd.s32 $0xFFFFE000  }
0xd6: {  	[hbm4b:s26+s11] =	stream.linear.scatter [tilespmem:s8], [sflag:$0x7], $0x2000, $0x38;
	[tilespmem:$0x1E800] =	vst v63  }
0xd7: {  	_ =	swait.ge [sflag:s9], $0x2000  }
0xd8: {  	[sflag:s9] =	ssyncset.done $0x0  }
0xd9: {  	s28 =	rddreg [dreg:$0x18];
	[sflag:s9] =	ssyncadd.s32 $0xFFFFE000  }
0xda: {  	[tilespmem:s8], [sflag:$0x7] =	stream.linear.gather [spmem:s28], $0x2000, $0x38;
	[tilespmem:$0x1E800] =	vst v63  }
0xdb: {  	_ =	swait.ge [sflag:s9], $0x2000  }
0xdc: {  	[sflag:s9] =	ssyncset.done $0x0  }
0xdd: {  	s29 =	rddreg [dreg:$0x9];
	[sflag:s9] =	ssyncadd.s32 $0xFFFFE000  }
0xde: {  	[hbm4b:s29+s11] =	stream.linear.scatter [tilespmem:s8], [sflag:$0x7], $0x2000, $0x38;
	[tilespmem:$0x1E800] =	vst v63  }
0xdf: {  	_ =	swait.ge [sflag:s9], $0x2000  }
0xe0: {  	[sflag:s9] =	ssyncset.done $0x0  }
0xe1: {  	s30 =	rddreg [dreg:$0x19];
	[sflag:s9] =	ssyncadd.s32 $0xFFFFE000  }
0xe2: {  	[tilespmem:s8], [sflag:$0x7] =	stream.linear.gather [spmem:s30], $0x2000, $0x38;
	[tilespmem:$0x1E800] =	vst v63  }
0xe3: {  	_ =	swait.ge [sflag:s9], $0x2000  }
0xe4: {  	[sflag:s9] =	ssyncset.done $0x0  }
0xe5: {  	s31 =	rddreg [dreg:$0xa];
	[sflag:s9] =	ssyncadd.s32 $0xFFFFE000  }
0xe6: {  	[hbm4b:s31+s11] =	stream.linear.scatter [tilespmem:s8], [sflag:$0x7], $0x2000, $0x38;
	[tilespmem:$0x1E800] =	vst v63  }
0xe7: {  	_ =	swait.ge [sflag:s9], $0x2000  }
0xe8: {  	[sflag:s9] =	ssyncset.done $0x0  }
0xe9: {  	s13 =	rddreg [dreg:$0x1a];
	[sflag:s9] =	ssyncadd.s32 $0xFFFFE000  }
0xea: {  	[tilespmem:s8], [sflag:$0x7] =	stream.linear.gather [spmem:s13], $0x2000, $0x38;
	[tilespmem:$0x1E800] =	vst v63  }
0xeb: {  	_ =	swait.ge [sflag:s9], $0x2000  }
0xec: {  	[sflag:s9] =	ssyncset.done $0x0  }
0xed: {  	s25 =	rddreg [dreg:$0xb];
	[sflag:s9] =	ssyncadd.s32 $0xFFFFE000  }
0xee: {  	[hbm4b:s25+s11] =	stream.linear.scatter [tilespmem:s8], [sflag:$0x7], $0x2000, $0x38;
	[tilespmem:$0x1E800] =	vst v63  }
0xef: {  	_ =	swait.ge [sflag:s9], $0x2000  }
0xf0: {  	[sflag:s9] =	ssyncset.done $0x0  }
0xf1: {  	s26 =	rddreg [dreg:$0x1b];
	[sflag:s9] =	ssyncadd.s32 $0xFFFFE000  }
0xf2: {  	[tilespmem:s8], [sflag:$0x7] =	stream.linear.gather [spmem:s26], $0x2000, $0x38;
	[tilespmem:$0x1E800] =	vst v63  }
0xf3: {  	_ =	swait.ge [sflag:s9], $0x2000  }
0xf4: {  	[sflag:s9] =	ssyncset.done $0x0  }
0xf5: {  	s28 =	rddreg [dreg:$0xc];
	[sflag:s9] =	ssyncadd.s32 $0xFFFFE000  }
0xf6: {  	[hbm4b:s28+s11] =	stream.linear.scatter [tilespmem:s8], [sflag:$0x7], $0x2000, $0x38;
	[tilespmem:$0x1E800] =	vst v63  }
0xf7: {  	_ =	swait.ge [sflag:s9], $0x2000  }
0xf8: {  	[sflag:s9] =	ssyncset.done $0x0  }
0xf9: {  	s29 =	rddreg [dreg:$0x1c];
	[sflag:s9] =	ssyncadd.s32 $0xFFFFE000  }
0xfa: {  	[tilespmem:s8], [sflag:$0x7] =	stream.linear.gather [spmem:s29], $0x2000, $0x38;
	[tilespmem:$0x1E800] =	vst v63  }
0xfb: {  	_ =	swait.ge [sflag:s9], $0x2000  }
0xfc: {  	[sflag:s9] =	ssyncset.done $0x0  }
0xfd: {  	s30 =	rddreg [dreg:$0xd];
	[sflag:s9] =	ssyncadd.s32 $0xFFFFE000  }
0xfe: {  	[hbm4b:s30+s11] =	stream.linear.scatter [tilespmem:s8], [sflag:$0x7], $0x2000, $0x38;
	[tilespmem:$0x1E800] =	vst v63  }
0xff: {  	_ =	swait.ge [sflag:s9], $0x2000  }
0x100: {  	s24 =	sadd.s32 $0x1, s24;
	s31 =	rddreg [dreg:$0x10]  }
0x101: {  	p0 =	sne.s32 s24, s31  }
.Ltmp2:
0x102: {  	_ = 	snop;
	(pc) =	sbr.rel @p0 .LBB2_1-.Ltmp2, $3  }
0x103: {  	_ =	sdelay $0x1  }
0x104: {  	[sflag:s9] =	ssyncset.done $0x0  }
0x105: {  	[sflag:s9] =	ssyncadd.s32 $0xFFFFE000  }
0x106: {  	_ =	sfence.sel $0x180000  }
0x107: {  	[bflag:$0x0] =	sbarrier.arrive $0xFFFF  }
0x108: {  	_ =	strace $0x9000004D  }
0x109: {  	s0 =	stileid.u32;
	[bflag:$0x2] =	sbarrier.arrive $0xFFFF  }
0x10a: {  	p0 =	sne.s32 s0, $0x0;
	s0 =	rddreg [dreg:$0x3]  }
0x10b: {  	s0 =	sadd.s32 @!p0 $0x100000, s0  }
0x10c: {  	[sflag:s0] =	ssyncadd.tile.s32 @!p0 $0x1;
	_ =	shalt  }
.Lfunc_end2:
_tile_overlayer_lowered:
.L_overlay_start_2:
0x10d: {  	(tag) =	ssettag $0x2  }
0x10e: {  	s0 =	rddreg [dreg:$0x0];
	s2 =	stileid.u32  }
0x10f: {  	s1 =	rddreg [dreg:$0x1];
	p0 =	sne.s32 s2, $0x0  }
0x110: {  	s3 =	rddreg [dreg:$0x2];
	[bflag:$0x3] =	sbarrier.arrive $0xFFFF;
	s2 =	simm.s32 @!p0 $0x1C07  }
0x111: {  	[timem:s3], [sflag:s2] =	dma.local @!p0 [hbm:s0], s1  }
0x112: {  	s0 =	simm.s32 @!p0 $0x7  }
0x113: {  	_ =	swait.ge @!p0 [sflag:s0], s1  }
0x114: {  	s1 =	ssub.s32 @!p0 $0x0, s1;
	[sflag:s0] =	ssyncset.done @!p0 $0x0  }
0x115: {  	[sflag:s0] =	ssyncadd.s32 @!p0 s1  }
0x116: {  	[bflag:$0x3] =	sbarrier.arrive $0xFFFF  }
0x117: {  	_ =	shalt  }

</sc_bundles>
